<compile_context>
chip_gen: v7x
topology: tpu7x:2x2x1
jax: 0.10.2.dev20260603
libtpu: 0.0.44.dev20260713+nightly
codegen_flags: <defaults>
</compile_context>

<pallas_src>
import functools
import math

import jax
import jax.numpy as jnp
from jax import lax
from jax.experimental import pallas as pl
from jax.experimental.pallas import tpu as pltpu
from jax.experimental.pallas import tpu_sc as plsc

_NC = 2
_NS = 16

_EDGE_SCALAR_DIM = 16
_HIDDEN = 64
_NUM_NEIGHBORS = 32.0


def _sigma_perm(d):
    sigma = [0] * d
    for m in range(d // 32):
        for j in range(16):
            sigma[32 * m + j] = 32 * m + 2 * j
            sigma[32 * m + 16 + j] = 32 * m + 2 * j + 1
    return jnp.asarray(sigma)


def _tau_perm(d):
    d2 = d // 2
    tau = [0] * d
    for c in range(d2):
        tau[c] = 2 * c
        tau[d2 + c] = 2 * c + 1
    return jnp.asarray(tau)



def _edge_w_body(ea_ref, esa_ref, w1_ref, w2_ref, out_ref):
    x = jnp.dot(esa_ref[...], w1_ref[...])
    u = (x * x * x) * 0.044715 + x
    h = x / (1.0 + jnp.exp(u * (-2.0 * 0.7978845608028654)))
    w = jnp.dot(h, w2_ref[...],
                preferred_element_type=jnp.float32) * ea_ref[...]
    d2 = w.shape[1] // 2
    lo = (jax.lax.bitcast_convert_type(w[:, :d2], jnp.uint32)
          + jnp.uint32(0x8000)) >> 16
    hi = ((jax.lax.bitcast_convert_type(w[:, d2:], jnp.uint32)
           + jnp.uint32(0x8000)) & jnp.uint32(0xFFFF0000))
    out_ref[...] = jax.lax.bitcast_convert_type(lo | hi, jnp.int32)


def _node_f_body(x_ref, wl1_ref, out_ref):
    d = x_ref.shape[1]
    out_ref[...] = jnp.dot(x_ref[...], wl1_ref[...]) * (1.0 / math.sqrt(float(d)))


def _make_combine_body(nslab):
    def body(*refs):
        s2s = refs[:nslab]
        x_ref, wsc_ref, wl2_ref, wa_ref, out_ref = refs[nslab:]
        d = x_ref.shape[1]
        invd = 1.0 / math.sqrt(float(d))
        s = s2s[0][0] + s2s[0][1]
        for r in s2s[1:]:
            s = s + (r[0] + r[1])
        conv = jnp.dot(s, wl2_ref[...]) * invd
        alpha = jnp.sum(s * wa_ref[...], axis=1, keepdims=True) * invd
        sc = jnp.dot(x_ref[...], wsc_ref[...]) * invd
        out_ref[...] = sc + alpha * conv
    return body



def _make_sc_scatter(n_nodes, slab_off, slab_edges, d, ch):
    epw = slab_edges // (_NC * _NS)
    nch = epw // ch
    assert epw * _NC * _NS == slab_edges and nch * ch == epw and nch >= 3
    assert ch % 8 == 0 and slab_off % 8 == 0

    rpt = ((n_nodes // _NS) + 15) & ~15
    nfull = n_nodes // rpt
    rem = n_nodes - nfull * rpt
    assert rem % 16 == 0
    mesh = plsc.VectorSubcoreMesh(core_axis_name="c", subcore_axis_name="s")

    @functools.partial(
        pl.kernel,
        out_type=jax.ShapeDtypeStruct((_NC, n_nodes, d), jnp.float32),
        mesh=mesh,
        compiler_params=pltpu.CompilerParams(needs_layout_passes=False),
        scratch_types=[
            pltpu.VMEM_SHARED((n_nodes, d), jnp.float32),
            pltpu.VMEM((3, 2, ch), jnp.int32),
            pltpu.VMEM((2, ch, d // 2), jnp.int32),
            pltpu.VMEM((2, ch, d), jnp.float32),
            pltpu.SemaphoreType.DMA((3,)),
            pltpu.SemaphoreType.DMA((2,)),
            pltpu.SemaphoreType.DMA((2,)),
            pltpu.SemaphoreType.DMA((2,)),
        ],
    )
    def sc_scatter(nf_hbm, w_hbm, src_hbm, dst_hbm, zero_hbm, out_hbm,
                   acc_sp, idx_v, w_v, rows_v,
                   sem_i, sem_w, sem_g, sem_s):
        c = lax.axis_index("c")
        s = lax.axis_index("s")

        row0 = s * rpt

        @pl.when(s < nfull)
        def _():
            pltpu.sync_copy(zero_hbm.at[pl.ds(row0, rpt)],
                            acc_sp.at[pl.ds(row0, rpt)])
        if rem > 0:
            @pl.when(s == nfull)
            def _():
                pltpu.sync_copy(zero_hbm.at[pl.ds(nfull * rpt, rem)],
                                acc_sp.at[pl.ds(nfull * rpt, rem)])

        plsc.subcore_barrier()

        ebase = slab_off + (c * _NS + s) * epw
        nsl = d // 16

        def issue_idx(i, j):
            off = ebase + i * ch
            pltpu.async_copy(src_hbm.at[pl.ds(off, ch)], idx_v.at[j, 0],
                             sem_i.at[j])
            pltpu.async_copy(dst_hbm.at[pl.ds(off, ch)], idx_v.at[j, 1],
                             sem_i.at[j])

        def wait_idx(j):
            pltpu.make_async_copy(src_hbm.at[pl.ds(ebase, ch)],
                                  idx_v.at[j, 0], sem_i.at[j]).wait()
            pltpu.make_async_copy(dst_hbm.at[pl.ds(ebase, ch)],
                                  idx_v.at[j, 1], sem_i.at[j]).wait()

        wbase = (c * _NS + s) * epw

        def issue_w(i, b):
            pltpu.async_copy(w_hbm.at[pl.ds(wbase + i * ch, ch)],
                             w_v.at[b], sem_w.at[b])

        def wait_w(b):
            pltpu.make_async_copy(w_hbm.at[pl.ds(wbase, ch)],
                                  w_v.at[b], sem_w.at[b]).wait()

        def issue_gather(j, b):
            pltpu.async_copy(nf_hbm.at[idx_v.at[j, 0]], rows_v.at[b],
                             sem_g.at[b])

        def wait_gather(b):
            pltpu.make_async_copy(nf_hbm.at[idx_v.at[0, 0]], rows_v.at[b],
                                  sem_g.at[b]).wait()

        def issue_scatter(j, b):
            pltpu.async_copy(rows_v.at[b], acc_sp.at[idx_v.at[j, 1]],
                             sem_s.at[b], add=True)

        def wait_scatter(b):
            pltpu.make_async_copy(rows_v.at[b], acc_sp.at[idx_v.at[0, 1]],
                                  sem_s.at[b]).wait()

        issue_idx(0, 0)
        issue_w(0, 0)
        issue_idx(1, 1)
        issue_w(1, 1)
        wait_idx(0)
        issue_gather(0, 0)

        def chunk_body(i, carry):
            b = lax.rem(i, 2)
            o = lax.rem(i + 1, 2)
            j = lax.rem(i, 3)
            jn = lax.rem(i + 1, 3)
            j2 = lax.rem(i + 2, 3)

            @pl.when(i >= 1)
            def _():
                wait_scatter(o)

            @pl.when(i + 1 < nch)
            def _():
                wait_idx(jn)
                issue_gather(jn, o)

            wait_gather(b)
            wait_w(b)

            def mul_body(r, carry2):
                for k in range(nsl // 2):
                    v = w_v[b, r, pl.ds(16 * k, 16)]
                    wlo = plsc.bitcast(v << 16, jnp.float32)
                    whi = plsc.bitcast(v & jnp.int32(-65536), jnp.float32)
                    sla = pl.ds(32 * k, 16)
                    slb = pl.ds(32 * k + 16, 16)
                    rows_v[b, r, sla] = rows_v[b, r, sla] * wlo
                    rows_v[b, r, slb] = rows_v[b, r, slb] * whi
                return carry2

            lax.fori_loop(0, ch, mul_body, 0, unroll=2)
            issue_scatter(j, b)

            @pl.when(i + 2 < nch)
            def _():
                issue_idx(i + 2, j2)
                issue_w(i + 2, b)

            return carry

        lax.fori_loop(0, nch, chunk_body, 0)
        wait_scatter((nch - 1) % 2)
        plsc.subcore_barrier()

        @pl.when(s < nfull)
        def _():
            pltpu.sync_copy(acc_sp.at[pl.ds(row0, rpt)],
                            out_hbm.at[c, pl.ds(row0, rpt)])
        if rem > 0:
            @pl.when(s == nfull)
            def _():
                pltpu.sync_copy(acc_sp.at[pl.ds(nfull * rpt, rem)],
                                out_hbm.at[c, pl.ds(nfull * rpt, rem)])

    return sc_scatter



def kernel(node_input, node_attr, edge_src, edge_dst, edge_attr,
           edge_scalar_attr, W_sc, W_l1, W_l2, W_a, fc_W1, fc_W2):
    del node_attr
    n, d = node_input.shape
    e = edge_src.shape[0]
    assert d == 128

    sigma = _sigma_perm(d)
    tau = _tau_perm(d)
    wl1p = W_l1[:, sigma]
    wl2p = W_l2[sigma, :]
    wap = W_a[sigma, :]
    c1 = 1.0 / math.sqrt(float(_EDGE_SCALAR_DIM))
    c2 = 1.0 / (math.sqrt(float(_HIDDEN)) * math.sqrt(_NUM_NEIGHBORS))
    fcw1c = fc_W1 * c1
    fcw2p = fc_W2[:, tau] * c2

    grain = _NC * _NS * 80
    ngrain = e // grain
    assert ngrain * grain == e
    parts = [25, 55, 45]
    sizes = [round(ngrain * q / sum(parts)) * grain for q in parts[:-1]]
    sizes.append(e - sum(sizes))
    offs = [sum(sizes[:k]) for k in range(len(sizes))]

    bn = 2000
    nf = pl.pallas_call(
        _node_f_body,
        grid=(n // bn,),
        in_specs=[
            pl.BlockSpec((bn, d), lambda i: (i, 0)),
            pl.BlockSpec((d, d), lambda i: (0, 0)),
        ],
        out_specs=pl.BlockSpec((bn, d), lambda i: (i, 0)),
        out_shape=jax.ShapeDtypeStruct((n, d), jnp.float32),
    )(node_input, wl1p)

    zeros = jnp.zeros((n, d), dtype=jnp.float32)

    def edge_w_slab(off, es):
        be = es // 32
        return pl.pallas_call(
            _edge_w_body,
            grid=(32,),
            in_specs=[
                pl.BlockSpec((be, 1), lambda i: (i, 0)),
                pl.BlockSpec((be, _EDGE_SCALAR_DIM), lambda i: (i, 0)),
                pl.BlockSpec((_EDGE_SCALAR_DIM, _HIDDEN), lambda i: (0, 0)),
                pl.BlockSpec((_HIDDEN, d), lambda i: (0, 0)),
            ],
            out_specs=pl.BlockSpec((be, d // 2), lambda i: (i, 0)),
            out_shape=jax.ShapeDtypeStruct((es, d // 2), jnp.int32),
        )(edge_attr[off:off + es], edge_scalar_attr[off:off + es],
          fcw1c, fcw2p)

    s2s = []
    for off, es in zip(offs, sizes):
        w2k = edge_w_slab(off, es)
        sck = _make_sc_scatter(n, off, es, d, ch=80)
        s2s.append(sck(nf, w2k, edge_src, edge_dst, zeros))

    nslab = len(sizes)
    out = pl.pallas_call(
        _make_combine_body(nslab),
        grid=(n // bn,),
        in_specs=(
            [pl.BlockSpec((2, bn, d), lambda i: (0, i, 0))] * nslab + [
                pl.BlockSpec((bn, d), lambda i: (i, 0)),
                pl.BlockSpec((d, d), lambda i: (0, 0)),
                pl.BlockSpec((d, d), lambda i: (0, 0)),
                pl.BlockSpec((1, d), lambda i: (0, 0)),
            ]
        ),
        out_specs=pl.BlockSpec((bn, d), lambda i: (i, 0)),
        out_shape=jax.ShapeDtypeStruct((n, d), jnp.float32),
    )(*s2s, node_input, W_sc, wl2p, wap.reshape(1, d))
    return out

# --- scband reference (transcript-rebuilt; emitter-appended) ---
"""Pipeline reference for scband-convolution-14173392077319 (READ-ONLY COPY).

The authoritative reference and input builder live on the scoring server;
editing this copy changes nothing except your own understanding.
"""

import jax, jax.numpy as jnp
import numpy as np

N = 10000
E = 320000
D = 128
ATTR_DIM = 1
EDGE_SCALAR_DIM = 16
HIDDEN = 64
NUM_NEIGHBORS = 32.0


def _fctp(x1, x2, W):
    # FullyConnectedTensorProduct specialized to scalar (0e) irreps:
    # out = bilinear(x1, x2) with e3nn path normalization 1/sqrt(fan_in)
    fan_in = x1.shape[1] * x2.shape[1]
    return ((x1 * x2) @ W) / jnp.sqrt(float(fan_in))


def setup_inputs(seed: int = 0) -> dict:
    key = jax.random.key(seed)
    ks = jax.random.split(key, 12)
    node_input = jax.random.normal(ks[0], (N, D), dtype=jnp.float32)
    node_attr = jnp.ones((N, ATTR_DIM), dtype=jnp.float32)
    edge_src = jax.random.randint(ks[1], (E,), 0, N, dtype=jnp.int32)
    edge_dst = jax.random.randint(ks[2], (E,), 0, N, dtype=jnp.int32)
    edge_attr = jax.random.normal(ks[3], (E, 1), dtype=jnp.float32)
    edge_scalar_attr = jax.random.normal(ks[4], (E, EDGE_SCALAR_DIM), dtype=jnp.float32)
    # learned parameters
    W_sc = jax.random.normal(ks[5], (D, D), dtype=jnp.float32)   # self_con FCTP weights
    W_l1 = jax.random.normal(ks[6], (D, D), dtype=jnp.float32)   # lin1 FCTP weights
    W_l2 = jax.random.normal(ks[7], (D, D), dtype=jnp.float32)   # lin2 FCTP weights
    W_a = jax.random.normal(ks[8], (D, 1), dtype=jnp.float32)    # alpha FCTP weights
    fc_W1 = jax.random.normal(ks[9], (EDGE_SCALAR_DIM, HIDDEN), dtype=jnp.float32)
    fc_W2 = jax.random.normal(ks[10], (HIDDEN, D), dtype=jnp.float32)  # tp.weight_numel = D (uvu, 128 paths)
    return {
        "node_input": node_input,
        "node_attr": node_attr,
        "edge_src": edge_src,
        "edge_dst": edge_dst,
        "edge_attr": edge_attr,
        "edge_scalar_attr": edge_scalar_attr,
        "W_sc": W_sc,
        "W_l1": W_l1,
        "W_l2": W_l2,
        "W_a": W_a,
        "fc_W1": fc_W1,
        "fc_W2": fc_W2,
    }


def reference(node_input, node_attr, edge_src, edge_dst, edge_attr, edge_scalar_attr,
              W_sc, W_l1, W_l2, W_a, fc_W1, fc_W2):
    # fc = MLP(fc_neurons, gelu): edge_scalar_attr -> tp weights (e3nn MLP norm 1/sqrt(fan_in))
    h = jax.nn.gelu((edge_scalar_attr @ fc_W1) / jnp.sqrt(float(EDGE_SCALAR_DIM)))
    weight = (h @ fc_W2) / jnp.sqrt(float(HIDDEN))  # [E, D]
    # lin1
    node_features = _fctp(node_input, node_attr, W_l1)  # [N, D]
    # tp with 'uvu' instructions on scalar irreps: per-edge, per-channel weighted product
    edge_features = node_features[edge_src] * edge_attr * weight  # [E, D]
    # scatter-add into destination nodes (jax.ops.index_add equivalent)
    node_features = jnp.zeros((node_input.shape[0], edge_features.shape[1]), dtype=jnp.float32).at[edge_dst].add(edge_features)
    node_features = node_features / (NUM_NEIGHBORS ** 0.5)
    # lin2 and alpha
    node_conv_out = _fctp(node_features, node_attr, W_l2)  # [N, D]
    alpha = _fctp(node_features, node_attr, W_a)           # [N, 1]
    # self_con output mask: all-scalar output irreps are fully generated -> ones
    m = jnp.ones((D,), dtype=jnp.float32)
    alpha = 1.0 - m + alpha * m  # broadcasts [N,1] against [D] -> [N, D]
    self_con_out = _fctp(node_input, node_attr, W_sc)
    return self_con_out + alpha * node_conv_out

if __name__ == "__main__":
    import jax
    _d = setup_inputs()
    print(jax.jit(kernel)(*tuple(_d.values())))

</pallas_src>

<mosaic_0001>
#map = affine_map<(d0, d1) -> (0, 0)>
#map1 = affine_map<(d0, d1) -> (0)>
#map2 = affine_map<(d0, d1) -> (0, 0, 0)>
module attributes {stable_mosaic.version = 14 : i64} {
  func.func @sc_scatter(%arg0: i32, %arg1: i32, %arg2: memref<10000x128xf32, #tpu.memory_space<hbm>>, %arg3: memref<115200x64xi32, #tpu.memory_space<hbm>>, %arg4: memref<320000xi32, #tpu.memory_space<hbm>>, %arg5: memref<320000xi32, #tpu.memory_space<hbm>>, %arg6: memref<10000x128xf32, #tpu.memory_space<hbm>>, %arg7: memref<2x10000x128xf32, #tpu.memory_space<hbm>>, %arg8: memref<10000x128xf32, #tpu.memory_space<vmem_shared>>, %arg9: memref<3x2x80xi32, #tpu.memory_space<vmem>>, %arg10: memref<2x80x64xi32, #tpu.memory_space<vmem>>, %arg11: memref<2x80x128xf32, #tpu.memory_space<vmem>>, %arg12: memref<3x!tpu.dma_semaphore, #tpu.memory_space<semaphore_mem>>, %arg13: memref<2x!tpu.dma_semaphore, #tpu.memory_space<semaphore_mem>>, %arg14: memref<2x!tpu.dma_semaphore, #tpu.memory_space<semaphore_mem>>, %arg15: memref<2x!tpu.dma_semaphore, #tpu.memory_space<semaphore_mem>>) attributes {dimension_semantics = [#tpu.dimension_semantics<core_parallel>, #tpu.dimension_semantics<subcore_parallel>], iteration_bounds = array<i64: 2, 16>, scalar_prefetch = 0 : i64, scratch_operands = 8 : i64, tpu.core_type = #tpu.core_type<sc_vector_subcore>, window_params = [{transform_indices = #map}, {transform_indices = #map}, {transform_indices = #map1}, {transform_indices = #map1}, {transform_indices = #map}, {transform_indices = #map2}]} {
    %mul3A = arith.constant 640 : i32
    %mul3A_0 = arith.muli %arg1, %mul3A : i32
    %lt3A = arith.constant 15 : i32
    %lt3A_1 = arith.cmpi slt, %arg1, %lt3A : i32
    %convert_element_type3A = arith.extui %lt3A_1 : i1 to i32
    %cond3A = arith.constant 0 : i32
    %cond3A_2 = arith.cmpi ne, %convert_element_type3A, %cond3A : i32
    scf.if %cond3A_2 {
      "tpu.region"() ({
        %run_scoped3A = tpu.sem_alloc : memref<!tpu.dma_semaphore, #tpu.memory_space<semaphore_mem>>
        %dma_start3A_182 = arith.constant 0 : i32
        %dma_start3A_183 = tpu.memref_slice %arg8[%mul3A_0, %dma_start3A_182] : memref<10000x128xf32, #tpu.memory_space<vmem_shared>> -> memref<640x128xf32, #tpu.memory_space<vmem_shared>>
        %dma_start3A_184 = arith.constant 0 : i32
        %dma_start3A_185 = tpu.memref_slice %arg6[%mul3A_0, %dma_start3A_184] : memref<10000x128xf32, #tpu.memory_space<hbm>> -> memref<640x128xf32, #tpu.memory_space<hbm>>
        tpu.enqueue_dma source(%dma_start3A_185 : memref<640x128xf32, #tpu.memory_space<hbm>>) target(%dma_start3A_183 : memref<640x128xf32, #tpu.memory_space<vmem_shared>>) target_semaphore(%run_scoped3A : memref<!tpu.dma_semaphore, #tpu.memory_space<semaphore_mem>>)
        %dma_wait3A_186 = arith.constant 0 : i32
        %dma_wait3A_187 = tpu.memref_slice %arg8[%mul3A_0, %dma_wait3A_186] : memref<10000x128xf32, #tpu.memory_space<vmem_shared>> -> memref<640x128xf32, #tpu.memory_space<vmem_shared>>
        %dma_wait3A_188 = arith.constant 0 : i32
        %dma_wait3A_189 = tpu.memref_slice %arg6[%mul3A_0, %dma_wait3A_188] : memref<10000x128xf32, #tpu.memory_space<hbm>> -> memref<640x128xf32, #tpu.memory_space<hbm>>
        tpu.wait_dma2 semaphore(%run_scoped3A : memref<!tpu.dma_semaphore, #tpu.memory_space<semaphore_mem>>) src(%dma_wait3A_189 : memref<640x128xf32, #tpu.memory_space<hbm>>) dst(%dma_wait3A_187 : memref<640x128xf32, #tpu.memory_space<vmem_shared>>)
        tpu.yield
      }) : () -> ()
    } else {
    }
    %eq3A = arith.constant 15 : i32
    %eq3A_3 = arith.cmpi eq, %arg1, %eq3A : i32
    %convert_element_type3A_4 = arith.extui %eq3A_3 : i1 to i32
    %cond3A_5 = arith.constant 0 : i32
    %cond3A_6 = arith.cmpi ne, %convert_element_type3A_4, %cond3A_5 : i32
    scf.if %cond3A_6 {
      "tpu.region"() ({
        %run_scoped3A = tpu.sem_alloc : memref<!tpu.dma_semaphore, #tpu.memory_space<semaphore_mem>>
        %dma_start3A_182 = arith.constant 9600 : i32
        %dma_start3A_183 = arith.constant 0 : i32
        %dma_start3A_184 = tpu.memref_slice %arg8[%dma_start3A_182, %dma_start3A_183] : memref<10000x128xf32, #tpu.memory_space<vmem_shared>> -> memref<400x128xf32, #tpu.memory_space<vmem_shared>>
        %dma_start3A_185 = arith.constant 9600 : i32
        %dma_start3A_186 = arith.constant 0 : i32
        %dma_start3A_187 = tpu.memref_slice %arg6[%dma_start3A_185, %dma_start3A_186] : memref<10000x128xf32, #tpu.memory_space<hbm>> -> memref<400x128xf32, #tpu.memory_space<hbm>>
        tpu.enqueue_dma source(%dma_start3A_187 : memref<400x128xf32, #tpu.memory_space<hbm>>) target(%dma_start3A_184 : memref<400x128xf32, #tpu.memory_space<vmem_shared>>) target_semaphore(%run_scoped3A : memref<!tpu.dma_semaphore, #tpu.memory_space<semaphore_mem>>)
        %dma_wait3A_188 = arith.constant 9600 : i32
        %dma_wait3A_189 = arith.constant 0 : i32
        %dma_wait3A_190 = tpu.memref_slice %arg8[%dma_wait3A_188, %dma_wait3A_189] : memref<10000x128xf32, #tpu.memory_space<vmem_shared>> -> memref<400x128xf32, #tpu.memory_space<vmem_shared>>
        %dma_wait3A_191 = arith.constant 9600 : i32
        %dma_wait3A_192 = arith.constant 0 : i32
        %dma_wait3A_193 = tpu.memref_slice %arg6[%dma_wait3A_191, %dma_wait3A_192] : memref<10000x128xf32, #tpu.memory_space<hbm>> -> memref<400x128xf32, #tpu.memory_space<hbm>>
        tpu.wait_dma2 semaphore(%run_scoped3A : memref<!tpu.dma_semaphore, #tpu.memory_space<semaphore_mem>>) src(%dma_wait3A_193 : memref<400x128xf32, #tpu.memory_space<hbm>>) dst(%dma_wait3A_190 : memref<400x128xf32, #tpu.memory_space<vmem_shared>>)
        tpu.yield
      }) : () -> ()
    } else {
    }
    %barrier3A = arith.constant 0 : index
    tpu.barrier barrier_id(%barrier3A)
    %mul3A_7 = arith.constant 16 : i32
    %mul3A_8 = arith.muli %arg0, %mul3A_7 : i32
    %add3A = arith.addi %mul3A_8, %arg1 : i32
    %mul3A_9 = arith.constant 3600 : i32
    %mul3A_10 = arith.muli %add3A, %mul3A_9 : i32
    %add3A_11 = arith.constant 204800 : i32
    %add3A_12 = arith.addi %add3A_11, %mul3A_10 : i32
    %mul3A_13 = arith.constant 16 : i32
    %mul3A_14 = arith.muli %arg0, %mul3A_13 : i32
    %add3A_15 = arith.addi %mul3A_14, %arg1 : i32
    %mul3A_16 = arith.constant 3600 : i32
    %mul3A_17 = arith.muli %add3A_15, %mul3A_16 : i32
    %add3A_18 = arith.constant 0 : i32
    %add3A_19 = arith.addi %add3A_12, %add3A_18 : i32
    %dma_start3A = arith.constant 0 : i32
    %dma_start3A_20 = arith.constant 0 : i32
    %dma_start3A_21 = arith.constant 0 : i32
    %dma_start3A_22 = arith.constant 0 : i32
    %dma_start3A_23 = tpu.memref_slice %arg9[%dma_start3A, %dma_start3A_20, %dma_start3A_22] : memref<3x2x80xi32, #tpu.memory_space<vmem>> -> memref<1x1x80xi32, #tpu.memory_space<vmem>>
    %dma_start3A_24 = tpu.memref_squeeze %dma_start3A_23 : memref<1x1x80xi32, #tpu.memory_space<vmem>> -> memref<80xi32, #tpu.memory_space<vmem>>
    %dma_start3A_25 = tpu.memref_slice %arg4[%add3A_19] : memref<320000xi32, #tpu.memory_space<hbm>> -> memref<80xi32, #tpu.memory_space<hbm>>
    %dma_start3A_26 = tpu.memref_slice %arg12[%dma_start3A_21] : memref<3x!tpu.dma_semaphore, #tpu.memory_space<semaphore_mem>> -> memref<1x!tpu.dma_semaphore, #tpu.memory_space<semaphore_mem>>
    %dma_start3A_27 = tpu.memref_squeeze %dma_start3A_26 : memref<1x!tpu.dma_semaphore, #tpu.memory_space<semaphore_mem>> -> memref<!tpu.dma_semaphore, #tpu.memory_space<semaphore_mem>>
    %dma_start3A_28 = arith.constant 0 : i32
    %dma_start3A_29 = tpu.memref_slice %arg9[%dma_start3A, %dma_start3A_20, %dma_start3A_28] : memref<3x2x80xi32, #tpu.memory_space<vmem>> -> memref<1x1x80xi32, #tpu.memory_space<vmem>>
    %dma_start3A_30 = tpu.memref_squeeze %dma_start3A_29 : memref<1x1x80xi32, #tpu.memory_space<vmem>> -> memref<80xi32, #tpu.memory_space<vmem>>
    %dma_start3A_31 = tpu.memref_slice %arg4[%add3A_19] : memref<320000xi32, #tpu.memory_space<hbm>> -> memref<80xi32, #tpu.memory_space<hbm>>
    tpu.enqueue_dma source(%dma_start3A_31 : memref<80xi32, #tpu.memory_space<hbm>>) target(%dma_start3A_30 : memref<80xi32, #tpu.memory_space<vmem>>) target_semaphore(%dma_start3A_27 : memref<!tpu.dma_semaphore, #tpu.memory_space<semaphore_mem>>)
    %dma_start3A_32 = arith.constant 0 : i32
    %dma_start3A_33 = arith.constant 1 : i32
    %dma_start3A_34 = arith.constant 0 : i32
    %dma_start3A_35 = arith.constant 0 : i32
    %dma_start3A_36 = tpu.memref_slice %arg9[%dma_start3A_32, %dma_start3A_33, %dma_start3A_35] : memref<3x2x80xi32, #tpu.memory_space<vmem>> -> memref<1x1x80xi32, #tpu.memory_space<vmem>>
    %dma_start3A_37 = tpu.memref_squeeze %dma_start3A_36 : memref<1x1x80xi32, #tpu.memory_space<vmem>> -> memref<80xi32, #tpu.memory_space<vmem>>
    %dma_start3A_38 = tpu.memref_slice %arg5[%add3A_19] : memref<320000xi32, #tpu.memory_space<hbm>> -> memref<80xi32, #tpu.memory_space<hbm>>
    %dma_start3A_39 = tpu.memref_slice %arg12[%dma_start3A_34] : memref<3x!tpu.dma_semaphore, #tpu.memory_space<semaphore_mem>> -> memref<1x!tpu.dma_semaphore, #tpu.memory_space<semaphore_mem>>
    %dma_start3A_40 = tpu.memref_squeeze %dma_start3A_39 : memref<1x!tpu.dma_semaphore, #tpu.memory_space<semaphore_mem>> -> memref<!tpu.dma_semaphore, #tpu.memory_space<semaphore_mem>>
    %dma_start3A_41 = arith.constant 0 : i32
    %dma_start3A_42 = tpu.memref_slice %arg9[%dma_start3A_32, %dma_start3A_33, %dma_start3A_41] : memref<3x2x80xi32, #tpu.memory_space<vmem>> -> memref<1x1x80xi32, #tpu.memory_space<vmem>>
    %dma_start3A_43 = tpu.memref_squeeze %dma_start3A_42 : memref<1x1x80xi32, #tpu.memory_space<vmem>> -> memref<80xi32, #tpu.memory_space<vmem>>
    %dma_start3A_44 = tpu.memref_slice %arg5[%add3A_19] : memref<320000xi32, #tpu.memory_space<hbm>> -> memref<80xi32, #tpu.memory_space<hbm>>
    tpu.enqueue_dma source(%dma_start3A_44 : memref<80xi32, #tpu.memory_space<hbm>>) target(%dma_start3A_43 : memref<80xi32, #tpu.memory_space<vmem>>) target_semaphore(%dma_start3A_40 : memref<!tpu.dma_semaphore, #tpu.memory_space<semaphore_mem>>)
    %add3A_45 = arith.constant 0 : i32
    %add3A_46 = arith.addi %mul3A_17, %add3A_45 : i32
    %dma_start3A_47 = arith.constant 0 : i32
    %dma_start3A_48 = arith.constant 0 : i32
    %dma_start3A_49 = arith.constant 0 : i32
    %dma_start3A_50 = arith.constant 0 : i32
    %dma_start3A_51 = tpu.memref_slice %arg10[%dma_start3A_47, %dma_start3A_49, %dma_start3A_50] : memref<2x80x64xi32, #tpu.memory_space<vmem>> -> memref<1x80x64xi32, #tpu.memory_space<vmem>>
    %dma_start3A_52 = tpu.memref_squeeze %dma_start3A_51 : memref<1x80x64xi32, #tpu.memory_space<vmem>> -> memref<80x64xi32, #tpu.memory_space<vmem>>
    %dma_start3A_53 = arith.constant 0 : i32
    %dma_start3A_54 = tpu.memref_slice %arg3[%add3A_46, %dma_start3A_53] : memref<115200x64xi32, #tpu.memory_space<hbm>> -> memref<80x64xi32, #tpu.memory_space<hbm>>
    %dma_start3A_55 = tpu.memref_slice %arg13[%dma_start3A_48] : memref<2x!tpu.dma_semaphore, #tpu.memory_space<semaphore_mem>> -> memref<1x!tpu.dma_semaphore, #tpu.memory_space<semaphore_mem>>
    %dma_start3A_56 = tpu.memref_squeeze %dma_start3A_55 : memref<1x!tpu.dma_semaphore, #tpu.memory_space<semaphore_mem>> -> memref<!tpu.dma_semaphore, #tpu.memory_space<semaphore_mem>>
    %dma_start3A_57 = arith.constant 0 : i32
    %dma_start3A_58 = arith.constant 0 : i32
    %dma_start3A_59 = tpu.memref_slice %arg10[%dma_start3A_47, %dma_start3A_57, %dma_start3A_58] : memref<2x80x64xi32, #tpu.memory_space<vmem>> -> memref<1x80x64xi32, #tpu.memory_space<vmem>>
    %dma_start3A_60 = tpu.memref_squeeze %dma_start3A_59 : memref<1x80x64xi32, #tpu.memory_space<vmem>> -> memref<80x64xi32, #tpu.memory_space<vmem>>
    %dma_start3A_61 = arith.constant 0 : i32
    %dma_start3A_62 = tpu.memref_slice %arg3[%add3A_46, %dma_start3A_61] : memref<115200x64xi32, #tpu.memory_space<hbm>> -> memref<80x64xi32, #tpu.memory_space<hbm>>
    tpu.enqueue_dma source(%dma_start3A_62 : memref<80x64xi32, #tpu.memory_space<hbm>>) target(%dma_start3A_60 : memref<80x64xi32, #tpu.memory_space<vmem>>) target_semaphore(%dma_start3A_56 : memref<!tpu.dma_semaphore, #tpu.memory_space<semaphore_mem>>)
    %add3A_63 = arith.constant 80 : i32
    %add3A_64 = arith.addi %add3A_12, %add3A_63 : i32
    %dma_start3A_65 = arith.constant 1 : i32
    %dma_start3A_66 = arith.constant 0 : i32
    %dma_start3A_67 = arith.constant 1 : i32
    %dma_start3A_68 = arith.constant 0 : i32
    %dma_start3A_69 = tpu.memref_slice %arg9[%dma_start3A_65, %dma_start3A_66, %dma_start3A_68] : memref<3x2x80xi32, #tpu.memory_space<vmem>> -> memref<1x1x80xi32, #tpu.memory_space<vmem>>
    %dma_start3A_70 = tpu.memref_squeeze %dma_start3A_69 : memref<1x1x80xi32, #tpu.memory_space<vmem>> -> memref<80xi32, #tpu.memory_space<vmem>>
    %dma_start3A_71 = tpu.memref_slice %arg4[%add3A_64] : memref<320000xi32, #tpu.memory_space<hbm>> -> memref<80xi32, #tpu.memory_space<hbm>>
    %dma_start3A_72 = tpu.memref_slice %arg12[%dma_start3A_67] : memref<3x!tpu.dma_semaphore, #tpu.memory_space<semaphore_mem>> -> memref<1x!tpu.dma_semaphore, #tpu.memory_space<semaphore_mem>>
    %dma_start3A_73 = tpu.memref_squeeze %dma_start3A_72 : memref<1x!tpu.dma_semaphore, #tpu.memory_space<semaphore_mem>> -> memref<!tpu.dma_semaphore, #tpu.memory_space<semaphore_mem>>
    %dma_start3A_74 = arith.constant 0 : i32
    %dma_start3A_75 = tpu.memref_slice %arg9[%dma_start3A_65, %dma_start3A_66, %dma_start3A_74] : memref<3x2x80xi32, #tpu.memory_space<vmem>> -> memref<1x1x80xi32, #tpu.memory_space<vmem>>
    %dma_start3A_76 = tpu.memref_squeeze %dma_start3A_75 : memref<1x1x80xi32, #tpu.memory_space<vmem>> -> memref<80xi32, #tpu.memory_space<vmem>>
    %dma_start3A_77 = tpu.memref_slice %arg4[%add3A_64] : memref<320000xi32, #tpu.memory_space<hbm>> -> memref<80xi32, #tpu.memory_space<hbm>>
    tpu.enqueue_dma source(%dma_start3A_77 : memref<80xi32, #tpu.memory_space<hbm>>) target(%dma_start3A_76 : memref<80xi32, #tpu.memory_space<vmem>>) target_semaphore(%dma_start3A_73 : memref<!tpu.dma_semaphore, #tpu.memory_space<semaphore_mem>>)
    %dma_start3A_78 = arith.constant 1 : i32
    %dma_start3A_79 = arith.constant 1 : i32
    %dma_start3A_80 = arith.constant 1 : i32
    %dma_start3A_81 = arith.constant 0 : i32
    %dma_start3A_82 = tpu.memref_slice %arg9[%dma_start3A_78, %dma_start3A_79, %dma_start3A_81] : memref<3x2x80xi32, #tpu.memory_space<vmem>> -> memref<1x1x80xi32, #tpu.memory_space<vmem>>
    %dma_start3A_83 = tpu.memref_squeeze %dma_start3A_82 : memref<1x1x80xi32, #tpu.memory_space<vmem>> -> memref<80xi32, #tpu.memory_space<vmem>>
    %dma_start3A_84 = tpu.memref_slice %arg5[%add3A_64] : memref<320000xi32, #tpu.memory_space<hbm>> -> memref<80xi32, #tpu.memory_space<hbm>>
    %dma_start3A_85 = tpu.memref_slice %arg12[%dma_start3A_80] : memref<3x!tpu.dma_semaphore, #tpu.memory_space<semaphore_mem>> -> memref<1x!tpu.dma_semaphore, #tpu.memory_space<semaphore_mem>>
    %dma_start3A_86 = tpu.memref_squeeze %dma_start3A_85 : memref<1x!tpu.dma_semaphore, #tpu.memory_space<semaphore_mem>> -> memref<!tpu.dma_semaphore, #tpu.memory_space<semaphore_mem>>
    %dma_start3A_87 = arith.constant 0 : i32
    %dma_start3A_88 = tpu.memref_slice %arg9[%dma_start3A_78, %dma_start3A_79, %dma_start3A_87] : memref<3x2x80xi32, #tpu.memory_space<vmem>> -> memref<1x1x80xi32, #tpu.memory_space<vmem>>
    %dma_start3A_89 = tpu.memref_squeeze %dma_start3A_88 : memref<1x1x80xi32, #tpu.memory_space<vmem>> -> memref<80xi32, #tpu.memory_space<vmem>>
    %dma_start3A_90 = tpu.memref_slice %arg5[%add3A_64] : memref<320000xi32, #tpu.memory_space<hbm>> -> memref<80xi32, #tpu.memory_space<hbm>>
    tpu.enqueue_dma source(%dma_start3A_90 : memref<80xi32, #tpu.memory_space<hbm>>) target(%dma_start3A_89 : memref<80xi32, #tpu.memory_space<vmem>>) target_semaphore(%dma_start3A_86 : memref<!tpu.dma_semaphore, #tpu.memory_space<semaphore_mem>>)
    %add3A_91 = arith.constant 80 : i32
    %add3A_92 = arith.addi %mul3A_17, %add3A_91 : i32
    %dma_start3A_93 = arith.constant 1 : i32
    %dma_start3A_94 = arith.constant 1 : i32
    %dma_start3A_95 = arith.constant 0 : i32
    %dma_start3A_96 = arith.constant 0 : i32
    %dma_start3A_97 = tpu.memref_slice %arg10[%dma_start3A_93, %dma_start3A_95, %dma_start3A_96] : memref<2x80x64xi32, #tpu.memory_space<vmem>> -> memref<1x80x64xi32, #tpu.memory_space<vmem>>
    %dma_start3A_98 = tpu.memref_squeeze %dma_start3A_97 : memref<1x80x64xi32, #tpu.memory_space<vmem>> -> memref<80x64xi32, #tpu.memory_space<vmem>>
    %dma_start3A_99 = arith.constant 0 : i32
    %dma_start3A_100 = tpu.memref_slice %arg3[%add3A_92, %dma_start3A_99] : memref<115200x64xi32, #tpu.memory_space<hbm>> -> memref<80x64xi32, #tpu.memory_space<hbm>>
    %dma_start3A_101 = tpu.memref_slice %arg13[%dma_start3A_94] : memref<2x!tpu.dma_semaphore, #tpu.memory_space<semaphore_mem>> -> memref<1x!tpu.dma_semaphore, #tpu.memory_space<semaphore_mem>>
    %dma_start3A_102 = tpu.memref_squeeze %dma_start3A_101 : memref<1x!tpu.dma_semaphore, #tpu.memory_space<semaphore_mem>> -> memref<!tpu.dma_semaphore, #tpu.memory_space<semaphore_mem>>
    %dma_start3A_103 = arith.constant 0 : i32
    %dma_start3A_104 = arith.constant 0 : i32
    %dma_start3A_105 = tpu.memref_slice %arg10[%dma_start3A_93, %dma_start3A_103, %dma_start3A_104] : memref<2x80x64xi32, #tpu.memory_space<vmem>> -> memref<1x80x64xi32, #tpu.memory_space<vmem>>
    %dma_start3A_106 = tpu.memref_squeeze %dma_start3A_105 : memref<1x80x64xi32, #tpu.memory_space<vmem>> -> memref<80x64xi32, #tpu.memory_space<vmem>>
    %dma_start3A_107 = arith.constant 0 : i32
    %dma_start3A_108 = tpu.memref_slice %arg3[%add3A_92, %dma_start3A_107] : memref<115200x64xi32, #tpu.memory_space<hbm>> -> memref<80x64xi32, #tpu.memory_space<hbm>>
    tpu.enqueue_dma source(%dma_start3A_108 : memref<80x64xi32, #tpu.memory_space<hbm>>) target(%dma_start3A_106 : memref<80x64xi32, #tpu.memory_space<vmem>>) target_semaphore(%dma_start3A_102 : memref<!tpu.dma_semaphore, #tpu.memory_space<semaphore_mem>>)
    %dma_wait3A = arith.constant 0 : i32
    %dma_wait3A_109 = arith.constant 0 : i32
    %dma_wait3A_110 = arith.constant 0 : i32
    %dma_wait3A_111 = arith.constant 0 : i32
    %dma_wait3A_112 = tpu.memref_slice %arg9[%dma_wait3A, %dma_wait3A_109, %dma_wait3A_111] : memref<3x2x80xi32, #tpu.memory_space<vmem>> -> memref<1x1x80xi32, #tpu.memory_space<vmem>>
    %dma_wait3A_113 = tpu.memref_squeeze %dma_wait3A_112 : memref<1x1x80xi32, #tpu.memory_space<vmem>> -> memref<80xi32, #tpu.memory_space<vmem>>
    %dma_wait3A_114 = tpu.memref_slice %arg4[%add3A_12] : memref<320000xi32, #tpu.memory_space<hbm>> -> memref<80xi32, #tpu.memory_space<hbm>>
    %dma_wait3A_115 = tpu.memref_slice %arg12[%dma_wait3A_110] : memref<3x!tpu.dma_semaphore, #tpu.memory_space<semaphore_mem>> -> memref<1x!tpu.dma_semaphore, #tpu.memory_space<semaphore_mem>>
    %dma_wait3A_116 = tpu.memref_squeeze %dma_wait3A_115 : memref<1x!tpu.dma_semaphore, #tpu.memory_space<semaphore_mem>> -> memref<!tpu.dma_semaphore, #tpu.memory_space<semaphore_mem>>
    %dma_wait3A_117 = arith.constant 0 : i32
    %dma_wait3A_118 = tpu.memref_slice %arg9[%dma_wait3A, %dma_wait3A_109, %dma_wait3A_117] : memref<3x2x80xi32, #tpu.memory_space<vmem>> -> memref<1x1x80xi32, #tpu.memory_space<vmem>>
    %dma_wait3A_119 = tpu.memref_squeeze %dma_wait3A_118 : memref<1x1x80xi32, #tpu.memory_space<vmem>> -> memref<80xi32, #tpu.memory_space<vmem>>
    %dma_wait3A_120 = tpu.memref_slice %arg4[%add3A_12] : memref<320000xi32, #tpu.memory_space<hbm>> -> memref<80xi32, #tpu.memory_space<hbm>>
    tpu.wait_dma2 semaphore(%dma_wait3A_116 : memref<!tpu.dma_semaphore, #tpu.memory_space<semaphore_mem>>) src(%dma_wait3A_120 : memref<80xi32, #tpu.memory_space<hbm>>) dst(%dma_wait3A_119 : memref<80xi32, #tpu.memory_space<vmem>>)
    %dma_wait3A_121 = arith.constant 0 : i32
    %dma_wait3A_122 = arith.constant 1 : i32
    %dma_wait3A_123 = arith.constant 0 : i32
    %dma_wait3A_124 = arith.constant 0 : i32
    %dma_wait3A_125 = tpu.memref_slice %arg9[%dma_wait3A_121, %dma_wait3A_122, %dma_wait3A_124] : memref<3x2x80xi32, #tpu.memory_space<vmem>> -> memref<1x1x80xi32, #tpu.memory_space<vmem>>
    %dma_wait3A_126 = tpu.memref_squeeze %dma_wait3A_125 : memref<1x1x80xi32, #tpu.memory_space<vmem>> -> memref<80xi32, #tpu.memory_space<vmem>>
    %dma_wait3A_127 = tpu.memref_slice %arg5[%add3A_12] : memref<320000xi32, #tpu.memory_space<hbm>> -> memref<80xi32, #tpu.memory_space<hbm>>
    %dma_wait3A_128 = tpu.memref_slice %arg12[%dma_wait3A_123] : memref<3x!tpu.dma_semaphore, #tpu.memory_space<semaphore_mem>> -> memref<1x!tpu.dma_semaphore, #tpu.memory_space<semaphore_mem>>
    %dma_wait3A_129 = tpu.memref_squeeze %dma_wait3A_128 : memref<1x!tpu.dma_semaphore, #tpu.memory_space<semaphore_mem>> -> memref<!tpu.dma_semaphore, #tpu.memory_space<semaphore_mem>>
    %dma_wait3A_130 = arith.constant 0 : i32
    %dma_wait3A_131 = tpu.memref_slice %arg9[%dma_wait3A_121, %dma_wait3A_122, %dma_wait3A_130] : memref<3x2x80xi32, #tpu.memory_space<vmem>> -> memref<1x1x80xi32, #tpu.memory_space<vmem>>
    %dma_wait3A_132 = tpu.memref_squeeze %dma_wait3A_131 : memref<1x1x80xi32, #tpu.memory_space<vmem>> -> memref<80xi32, #tpu.memory_space<vmem>>
    %dma_wait3A_133 = tpu.memref_slice %arg5[%add3A_12] : memref<320000xi32, #tpu.memory_space<hbm>> -> memref<80xi32, #tpu.memory_space<hbm>>
    tpu.wait_dma2 semaphore(%dma_wait3A_129 : memref<!tpu.dma_semaphore, #tpu.memory_space<semaphore_mem>>) src(%dma_wait3A_133 : memref<80xi32, #tpu.memory_space<hbm>>) dst(%dma_wait3A_132 : memref<80xi32, #tpu.memory_space<vmem>>)
    %dma_start3A_134 = arith.constant 0 : i32
    %dma_start3A_135 = arith.constant 0 : i32
    %dma_start3A_136 = arith.constant 0 : i32
    %dma_start3A_137 = arith.constant 0 : i32
    %dma_start3A_138 = arith.constant 0 : i32
    %dma_start3A_139 = arith.constant 0 : i32
    %dma_start3A_140 = tpu.memref_slice %arg11[%dma_start3A_136, %dma_start3A_138, %dma_start3A_139] : memref<2x80x128xf32, #tpu.memory_space<vmem>> -> memref<1x80x128xf32, #tpu.memory_space<vmem>>
    %dma_start3A_141 = tpu.memref_squeeze %dma_start3A_140 : memref<1x80x128xf32, #tpu.memory_space<vmem>> -> memref<80x128xf32, #tpu.memory_space<vmem>>
    %dma_start3A_142 = arith.constant 0 : i32
    %dma_start3A_143 = tpu.memref_slice %arg9[%dma_start3A_134, %dma_start3A_135, %dma_start3A_142] : memref<3x2x80xi32, #tpu.memory_space<vmem>> -> memref<1x1x80xi32, #tpu.memory_space<vmem>>
    %dma_start3A_144 = tpu.memref_squeeze %dma_start3A_143 : memref<1x1x80xi32, #tpu.memory_space<vmem>> -> memref<80xi32, #tpu.memory_space<vmem>>
    %dma_start3A_145 = arith.constant 0 : i32
    %dma_start3A_146 = arith.constant 0 : i32
    %dma_start3A_147 = tpu.memref_slice %arg2[%dma_start3A_145, %dma_start3A_146] : memref<10000x128xf32, #tpu.memory_space<hbm>> -> memref<10000x128xf32, #tpu.memory_space<hbm>>
    %dma_start3A_148 = tpu.memref_slice %arg14[%dma_start3A_137] : memref<2x!tpu.dma_semaphore, #tpu.memory_space<semaphore_mem>> -> memref<1x!tpu.dma_semaphore, #tpu.memory_space<semaphore_mem>>
    %dma_start3A_149 = tpu.memref_squeeze %dma_start3A_148 : memref<1x!tpu.dma_semaphore, #tpu.memory_space<semaphore_mem>> -> memref<!tpu.dma_semaphore, #tpu.memory_space<semaphore_mem>>
    tpu.enqueue_indirect_dma source(%dma_start3A_147 : memref<10000x128xf32, #tpu.memory_space<hbm>>) target(%dma_start3A_141 : memref<80x128xf32, #tpu.memory_space<vmem>>) offsets(%dma_start3A_144 : memref<80xi32, #tpu.memory_space<vmem>>) semaphore(%dma_start3A_149 : memref<!tpu.dma_semaphore, #tpu.memory_space<semaphore_mem>>)
    %scan3A = arith.constant 0 : i32
    %scan3A_150 = arith.constant 0 : i32
    %scan3A_151 = arith.constant 45 : i32
    %scan3A_152 = arith.addi %scan3A_150, %scan3A_151 : i32
    %scan3A_153 = arith.constant 1 : i32
    scf.for %scan3A_182 = %scan3A_150 to %scan3A_152 step %scan3A_153  : i32 {
      %rem3A = arith.constant 2 : i32
      %rem3A_183 = arith.remsi %scan3A_182, %rem3A : i32
      %add3A_184 = arith.constant 1 : i32
      %add3A_185 = arith.addi %scan3A_182, %add3A_184 : i32
      %rem3A_186 = arith.constant 2 : i32
      %rem3A_187 = arith.remsi %add3A_185, %rem3A_186 : i32
      %rem3A_188 = arith.constant 3 : i32
      %rem3A_189 = arith.remsi %scan3A_182, %rem3A_188 : i32
      %add3A_190 = arith.constant 1 : i32
      %add3A_191 = arith.addi %scan3A_182, %add3A_190 : i32
      %rem3A_192 = arith.constant 3 : i32
      %rem3A_193 = arith.remsi %add3A_191, %rem3A_192 : i32
      %add3A_194 = arith.constant 2 : i32
      %add3A_195 = arith.addi %scan3A_182, %add3A_194 : i32
      %rem3A_196 = arith.constant 3 : i32
      %rem3A_197 = arith.remsi %add3A_195, %rem3A_196 : i32
      %ge3A = arith.constant 1 : i32
      %ge3A_198 = arith.cmpi sge, %scan3A_182, %ge3A : i32
      %convert_element_type3A_199 = arith.extui %ge3A_198 : i1 to i32
      %cond3A_200 = arith.constant 0 : i32
      %cond3A_201 = arith.cmpi ne, %convert_element_type3A_199, %cond3A_200 : i32
      scf.if %cond3A_201 {
        %dma_wait3A_263 = arith.constant 0 : i32
        %dma_wait3A_264 = arith.constant 1 : i32
        %dma_wait3A_265 = arith.constant 0 : i32
        %dma_wait3A_266 = arith.constant 0 : i32
        %dma_wait3A_267 = tpu.memref_slice %arg11[%rem3A_187, %dma_wait3A_265, %dma_wait3A_266] : memref<2x80x128xf32, #tpu.memory_space<vmem>> -> memref<1x80x128xf32, #tpu.memory_space<vmem>>
        %dma_wait3A_268 = tpu.memref_squeeze %dma_wait3A_267 : memref<1x80x128xf32, #tpu.memory_space<vmem>> -> memref<80x128xf32, #tpu.memory_space<vmem>>
        %dma_wait3A_269 = arith.constant 0 : i32
        %dma_wait3A_270 = tpu.memref_slice %arg9[%dma_wait3A_263, %dma_wait3A_264, %dma_wait3A_269] : memref<3x2x80xi32, #tpu.memory_space<vmem>> -> memref<1x1x80xi32, #tpu.memory_space<vmem>>
        %dma_wait3A_271 = tpu.memref_squeeze %dma_wait3A_270 : memref<1x1x80xi32, #tpu.memory_space<vmem>> -> memref<80xi32, #tpu.memory_space<vmem>>
        %dma_wait3A_272 = arith.constant 0 : i32
        %dma_wait3A_273 = arith.constant 0 : i32
        %dma_wait3A_274 = tpu.memref_slice %arg8[%dma_wait3A_272, %dma_wait3A_273] : memref<10000x128xf32, #tpu.memory_space<vmem_shared>> -> memref<10000x128xf32, #tpu.memory_space<vmem_shared>>
        %dma_wait3A_275 = tpu.memref_slice %arg15[%rem3A_187] : memref<2x!tpu.dma_semaphore, #tpu.memory_space<semaphore_mem>> -> memref<1x!tpu.dma_semaphore, #tpu.memory_space<semaphore_mem>>
        %dma_wait3A_276 = tpu.memref_squeeze %dma_wait3A_275 : memref<1x!tpu.dma_semaphore, #tpu.memory_space<semaphore_mem>> -> memref<!tpu.dma_semaphore, #tpu.memory_space<semaphore_mem>>
        tpu.wait_indirect_dma semaphore(%dma_wait3A_276 : memref<!tpu.dma_semaphore, #tpu.memory_space<semaphore_mem>>) src(%dma_wait3A_268 : memref<80x128xf32, #tpu.memory_space<vmem>>) dst(%dma_wait3A_274 : memref<10000x128xf32, #tpu.memory_space<vmem_shared>>)
      } else {
      }
      %add3A_202 = arith.constant 1 : i32
      %add3A_203 = arith.addi %scan3A_182, %add3A_202 : i32
      %lt3A_204 = arith.constant 45 : i32
      %lt3A_205 = arith.cmpi slt, %add3A_203, %lt3A_204 : i32
      %convert_element_type3A_206 = arith.extui %lt3A_205 : i1 to i32
      %cond3A_207 = arith.constant 0 : i32
      %cond3A_208 = arith.cmpi ne, %convert_element_type3A_206, %cond3A_207 : i32
      scf.if %cond3A_208 {
        %dma_wait3A_263 = arith.constant 0 : i32
        %dma_wait3A_264 = arith.constant 0 : i32
        %dma_wait3A_265 = tpu.memref_slice %arg9[%rem3A_193, %dma_wait3A_263, %dma_wait3A_264] : memref<3x2x80xi32, #tpu.memory_space<vmem>> -> memref<1x1x80xi32, #tpu.memory_space<vmem>>
        %dma_wait3A_266 = tpu.memref_squeeze %dma_wait3A_265 : memref<1x1x80xi32, #tpu.memory_space<vmem>> -> memref<80xi32, #tpu.memory_space<vmem>>
        %dma_wait3A_267 = tpu.memref_slice %arg4[%add3A_12] : memref<320000xi32, #tpu.memory_space<hbm>> -> memref<80xi32, #tpu.memory_space<hbm>>
        %dma_wait3A_268 = tpu.memref_slice %arg12[%rem3A_193] : memref<3x!tpu.dma_semaphore, #tpu.memory_space<semaphore_mem>> -> memref<1x!tpu.dma_semaphore, #tpu.memory_space<semaphore_mem>>
        %dma_wait3A_269 = tpu.memref_squeeze %dma_wait3A_268 : memref<1x!tpu.dma_semaphore, #tpu.memory_space<semaphore_mem>> -> memref<!tpu.dma_semaphore, #tpu.memory_space<semaphore_mem>>
        %dma_wait3A_270 = arith.constant 0 : i32
        %dma_wait3A_271 = tpu.memref_slice %arg9[%rem3A_193, %dma_wait3A_263, %dma_wait3A_270] : memref<3x2x80xi32, #tpu.memory_space<vmem>> -> memref<1x1x80xi32, #tpu.memory_space<vmem>>
        %dma_wait3A_272 = tpu.memref_squeeze %dma_wait3A_271 : memref<1x1x80xi32, #tpu.memory_space<vmem>> -> memref<80xi32, #tpu.memory_space<vmem>>
        %dma_wait3A_273 = tpu.memref_slice %arg4[%add3A_12] : memref<320000xi32, #tpu.memory_space<hbm>> -> memref<80xi32, #tpu.memory_space<hbm>>
        tpu.wait_dma2 semaphore(%dma_wait3A_269 : memref<!tpu.dma_semaphore, #tpu.memory_space<semaphore_mem>>) src(%dma_wait3A_273 : memref<80xi32, #tpu.memory_space<hbm>>) dst(%dma_wait3A_272 : memref<80xi32, #tpu.memory_space<vmem>>)
        %dma_wait3A_274 = arith.constant 1 : i32
        %dma_wait3A_275 = arith.constant 0 : i32
        %dma_wait3A_276 = tpu.memref_slice %arg9[%rem3A_193, %dma_wait3A_274, %dma_wait3A_275] : memref<3x2x80xi32, #tpu.memory_space<vmem>> -> memref<1x1x80xi32, #tpu.memory_space<vmem>>
        %dma_wait3A_277 = tpu.memref_squeeze %dma_wait3A_276 : memref<1x1x80xi32, #tpu.memory_space<vmem>> -> memref<80xi32, #tpu.memory_space<vmem>>
        %dma_wait3A_278 = tpu.memref_slice %arg5[%add3A_12] : memref<320000xi32, #tpu.memory_space<hbm>> -> memref<80xi32, #tpu.memory_space<hbm>>
        %dma_wait3A_279 = tpu.memref_slice %arg12[%rem3A_193] : memref<3x!tpu.dma_semaphore, #tpu.memory_space<semaphore_mem>> -> memref<1x!tpu.dma_semaphore, #tpu.memory_space<semaphore_mem>>
        %dma_wait3A_280 = tpu.memref_squeeze %dma_wait3A_279 : memref<1x!tpu.dma_semaphore, #tpu.memory_space<semaphore_mem>> -> memref<!tpu.dma_semaphore, #tpu.memory_space<semaphore_mem>>
        %dma_wait3A_281 = arith.constant 0 : i32
        %dma_wait3A_282 = tpu.memref_slice %arg9[%rem3A_193, %dma_wait3A_274, %dma_wait3A_281] : memref<3x2x80xi32, #tpu.memory_space<vmem>> -> memref<1x1x80xi32, #tpu.memory_space<vmem>>
        %dma_wait3A_283 = tpu.memref_squeeze %dma_wait3A_282 : memref<1x1x80xi32, #tpu.memory_space<vmem>> -> memref<80xi32, #tpu.memory_space<vmem>>
        %dma_wait3A_284 = tpu.memref_slice %arg5[%add3A_12] : memref<320000xi32, #tpu.memory_space<hbm>> -> memref<80xi32, #tpu.memory_space<hbm>>
        tpu.wait_dma2 semaphore(%dma_wait3A_280 : memref<!tpu.dma_semaphore, #tpu.memory_space<semaphore_mem>>) src(%dma_wait3A_284 : memref<80xi32, #tpu.memory_space<hbm>>) dst(%dma_wait3A_283 : memref<80xi32, #tpu.memory_space<vmem>>)
        %dma_start3A_285 = arith.constant 0 : i32
        %dma_start3A_286 = arith.constant 0 : i32
        %dma_start3A_287 = arith.constant 0 : i32
        %dma_start3A_288 = tpu.memref_slice %arg11[%rem3A_187, %dma_start3A_286, %dma_start3A_287] : memref<2x80x128xf32, #tpu.memory_space<vmem>> -> memref<1x80x128xf32, #tpu.memory_space<vmem>>
        %dma_start3A_289 = tpu.memref_squeeze %dma_start3A_288 : memref<1x80x128xf32, #tpu.memory_space<vmem>> -> memref<80x128xf32, #tpu.memory_space<vmem>>
        %dma_start3A_290 = arith.constant 0 : i32
        %dma_start3A_291 = tpu.memref_slice %arg9[%rem3A_193, %dma_start3A_285, %dma_start3A_290] : memref<3x2x80xi32, #tpu.memory_space<vmem>> -> memref<1x1x80xi32, #tpu.memory_space<vmem>>
        %dma_start3A_292 = tpu.memref_squeeze %dma_start3A_291 : memref<1x1x80xi32, #tpu.memory_space<vmem>> -> memref<80xi32, #tpu.memory_space<vmem>>
        %dma_start3A_293 = arith.constant 0 : i32
        %dma_start3A_294 = arith.constant 0 : i32
        %dma_start3A_295 = tpu.memref_slice %arg2[%dma_start3A_293, %dma_start3A_294] : memref<10000x128xf32, #tpu.memory_space<hbm>> -> memref<10000x128xf32, #tpu.memory_space<hbm>>
        %dma_start3A_296 = tpu.memref_slice %arg14[%rem3A_187] : memref<2x!tpu.dma_semaphore, #tpu.memory_space<semaphore_mem>> -> memref<1x!tpu.dma_semaphore, #tpu.memory_space<semaphore_mem>>
        %dma_start3A_297 = tpu.memref_squeeze %dma_start3A_296 : memref<1x!tpu.dma_semaphore, #tpu.memory_space<semaphore_mem>> -> memref<!tpu.dma_semaphore, #tpu.memory_space<semaphore_mem>>
        tpu.enqueue_indirect_dma source(%dma_start3A_295 : memref<10000x128xf32, #tpu.memory_space<hbm>>) target(%dma_start3A_289 : memref<80x128xf32, #tpu.memory_space<vmem>>) offsets(%dma_start3A_292 : memref<80xi32, #tpu.memory_space<vmem>>) semaphore(%dma_start3A_297 : memref<!tpu.dma_semaphore, #tpu.memory_space<semaphore_mem>>)
      } else {
      }
      %dma_wait3A_209 = arith.constant 0 : i32
      %dma_wait3A_210 = arith.constant 0 : i32
      %dma_wait3A_211 = arith.constant 0 : i32
      %dma_wait3A_212 = arith.constant 0 : i32
      %dma_wait3A_213 = tpu.memref_slice %arg11[%rem3A_183, %dma_wait3A_211, %dma_wait3A_212] : memref<2x80x128xf32, #tpu.memory_space<vmem>> -> memref<1x80x128xf32, #tpu.memory_space<vmem>>
      %dma_wait3A_214 = tpu.memref_squeeze %dma_wait3A_213 : memref<1x80x128xf32, #tpu.memory_space<vmem>> -> memref<80x128xf32, #tpu.memory_space<vmem>>
      %dma_wait3A_215 = arith.constant 0 : i32
      %dma_wait3A_216 = tpu.memref_slice %arg9[%dma_wait3A_209, %dma_wait3A_210, %dma_wait3A_215] : memref<3x2x80xi32, #tpu.memory_space<vmem>> -> memref<1x1x80xi32, #tpu.memory_space<vmem>>
      %dma_wait3A_217 = tpu.memref_squeeze %dma_wait3A_216 : memref<1x1x80xi32, #tpu.memory_space<vmem>> -> memref<80xi32, #tpu.memory_space<vmem>>
      %dma_wait3A_218 = arith.constant 0 : i32
      %dma_wait3A_219 = arith.constant 0 : i32
      %dma_wait3A_220 = tpu.memref_slice %arg2[%dma_wait3A_218, %dma_wait3A_219] : memref<10000x128xf32, #tpu.memory_space<hbm>> -> memref<10000x128xf32, #tpu.memory_space<hbm>>
      %dma_wait3A_221 = tpu.memref_slice %arg14[%rem3A_183] : memref<2x!tpu.dma_semaphore, #tpu.memory_space<semaphore_mem>> -> memref<1x!tpu.dma_semaphore, #tpu.memory_space<semaphore_mem>>
      %dma_wait3A_222 = tpu.memref_squeeze %dma_wait3A_221 : memref<1x!tpu.dma_semaphore, #tpu.memory_space<semaphore_mem>> -> memref<!tpu.dma_semaphore, #tpu.memory_space<semaphore_mem>>
      tpu.wait_indirect_dma semaphore(%dma_wait3A_222 : memref<!tpu.dma_semaphore, #tpu.memory_space<semaphore_mem>>) src(%dma_wait3A_220 : memref<10000x128xf32, #tpu.memory_space<hbm>>) dst(%dma_wait3A_214 : memref<80x128xf32, #tpu.memory_space<vmem>>)
      %dma_wait3A_223 = arith.constant 0 : i32
      %dma_wait3A_224 = arith.constant 0 : i32
      %dma_wait3A_225 = tpu.memref_slice %arg10[%rem3A_183, %dma_wait3A_223, %dma_wait3A_224] : memref<2x80x64xi32, #tpu.memory_space<vmem>> -> memref<1x80x64xi32, #tpu.memory_space<vmem>>
      %dma_wait3A_226 = tpu.memref_squeeze %dma_wait3A_225 : memref<1x80x64xi32, #tpu.memory_space<vmem>> -> memref<80x64xi32, #tpu.memory_space<vmem>>
      %dma_wait3A_227 = arith.constant 0 : i32
      %dma_wait3A_228 = tpu.memref_slice %arg3[%mul3A_17, %dma_wait3A_227] : memref<115200x64xi32, #tpu.memory_space<hbm>> -> memref<80x64xi32, #tpu.memory_space<hbm>>
      %dma_wait3A_229 = tpu.memref_slice %arg13[%rem3A_183] : memref<2x!tpu.dma_semaphore, #tpu.memory_space<semaphore_mem>> -> memref<1x!tpu.dma_semaphore, #tpu.memory_space<semaphore_mem>>
      %dma_wait3A_230 = tpu.memref_squeeze %dma_wait3A_229 : memref<1x!tpu.dma_semaphore, #tpu.memory_space<semaphore_mem>> -> memref<!tpu.dma_semaphore, #tpu.memory_space<semaphore_mem>>
      %dma_wait3A_231 = arith.constant 0 : i32
      %dma_wait3A_232 = arith.constant 0 : i32
      %dma_wait3A_233 = tpu.memref_slice %arg10[%rem3A_183, %dma_wait3A_231, %dma_wait3A_232] : memref<2x80x64xi32, #tpu.memory_space<vmem>> -> memref<1x80x64xi32, #tpu.memory_space<vmem>>
      %dma_wait3A_234 = tpu.memref_squeeze %dma_wait3A_233 : memref<1x80x64xi32, #tpu.memory_space<vmem>> -> memref<80x64xi32, #tpu.memory_space<vmem>>
      %dma_wait3A_235 = arith.constant 0 : i32
      %dma_wait3A_236 = tpu.memref_slice %arg3[%mul3A_17, %dma_wait3A_235] : memref<115200x64xi32, #tpu.memory_space<hbm>> -> memref<80x64xi32, #tpu.memory_space<hbm>>
      tpu.wait_dma2 semaphore(%dma_wait3A_230 : memref<!tpu.dma_semaphore, #tpu.memory_space<semaphore_mem>>) src(%dma_wait3A_236 : memref<80x64xi32, #tpu.memory_space<hbm>>) dst(%dma_wait3A_234 : memref<80x64xi32, #tpu.memory_space<vmem>>)
      %scan3A_237 = arith.constant 0 : i32
      %scan3A_238 = arith.constant 0 : i32
      %scan3A_239 = arith.constant 80 : i32
      %scan3A_240 = arith.addi %scan3A_238, %scan3A_239 : i32
      %scan3A_241 = arith.constant 2 : i32
      scf.for %scan3A_263 = %scan3A_238 to %scan3A_240 step %scan3A_241  : i32 {
        %get3A = arith.index_cast %rem3A_183 : i32 to index
        %get3A_264 = arith.index_cast %scan3A_263 : i32 to index
        %get3A_265 = arith.constant 0 : index
        %get3A_266 = tpu.vector_load %arg10[%get3A, %get3A_264, %get3A_265] {strides = array<i32>} : memref<2x80x64xi32, #tpu.memory_space<vmem>>, vector<16xi32>,
        %shift_left3A = arith.constant 16 : i32
        %shift_left3A_267 = vector.broadcast %shift_left3A : i32 to vector<16xi32>
        %shift_left3A_268 = arith.shli %get3A_266, %shift_left3A_267 : vector<16xi32>
        %bitcast3A = vector.bitcast %shift_left3A_268 : vector<16xi32> to vector<16xf32>
        %and3A = arith.constant -65536 : i32
        %and3A_269 = vector.broadcast %and3A : i32 to vector<16xi32>
        %and3A_270 = arith.andi %get3A_266, %and3A_269 : vector<16xi32>
        %bitcast3A_271 = vector.bitcast %and3A_270 : vector<16xi32> to vector<16xf32>
        %get3A_272 = arith.index_cast %rem3A_183 : i32 to index
        %get3A_273 = arith.index_cast %scan3A_263 : i32 to index
        %get3A_274 = arith.constant 0 : index
        %get3A_275 = tpu.vector_load %arg11[%get3A_272, %get3A_273, %get3A_274] {strides = array<i32>} : memref<2x80x128xf32, #tpu.memory_space<vmem>>, vector<16xf32>,
        %mul3A_276 = arith.mulf %get3A_275, %bitcast3A : vector<16xf32>
        %swap3A = arith.index_cast %rem3A_183 : i32 to index
        %swap3A_277 = arith.index_cast %scan3A_263 : i32 to index
        %swap3A_278 = arith.constant 0 : index
        %swap3A_279 = tpu.vector_load %arg11[%swap3A, %swap3A_277, %swap3A_278] {strides = array<i32>} : memref<2x80x128xf32, #tpu.memory_space<vmem>>, vector<16xf32>,
        tpu.vector_store %arg11[%swap3A, %swap3A_277, %swap3A_278], %mul3A_276 {strides = array<i32>} : memref<2x80x128xf32, #tpu.memory_space<vmem>>, vector<16xf32>,
        %get3A_280 = arith.index_cast %rem3A_183 : i32 to index
        %get3A_281 = arith.index_cast %scan3A_263 : i32 to index
        %get3A_282 = arith.constant 16 : index
        %get3A_283 = tpu.vector_load %arg11[%get3A_280, %get3A_281, %get3A_282] {strides = array<i32>} : memref<2x80x128xf32, #tpu.memory_space<vmem>>, vector<16xf32>,
        %mul3A_284 = arith.mulf %get3A_283, %bitcast3A_271 : vector<16xf32>
        %swap3A_285 = arith.index_cast %rem3A_183 : i32 to index
        %swap3A_286 = arith.index_cast %scan3A_263 : i32 to index
        %swap3A_287 = arith.constant 16 : index
        %swap3A_288 = tpu.vector_load %arg11[%swap3A_285, %swap3A_286, %swap3A_287] {strides = array<i32>} : memref<2x80x128xf32, #tpu.memory_space<vmem>>, vector<16xf32>,
        tpu.vector_store %arg11[%swap3A_285, %swap3A_286, %swap3A_287], %mul3A_284 {strides = array<i32>} : memref<2x80x128xf32, #tpu.memory_space<vmem>>, vector<16xf32>,
        %get3A_289 = arith.index_cast %rem3A_183 : i32 to index
        %get3A_290 = arith.index_cast %scan3A_263 : i32 to index
        %get3A_291 = arith.constant 16 : index
        %get3A_292 = tpu.vector_load %arg10[%get3A_289, %get3A_290, %get3A_291] {strides = array<i32>} : memref<2x80x64xi32, #tpu.memory_space<vmem>>, vector<16xi32>,
        %shift_left3A_293 = arith.constant 16 : i32
        %shift_left3A_294 = vector.broadcast %shift_left3A_293 : i32 to vector<16xi32>
        %shift_left3A_295 = arith.shli %get3A_292, %shift_left3A_294 : vector<16xi32>
        %bitcast3A_296 = vector.bitcast %shift_left3A_295 : vector<16xi32> to vector<16xf32>
        %and3A_297 = arith.constant -65536 : i32
        %and3A_298 = vector.broadcast %and3A_297 : i32 to vector<16xi32>
        %and3A_299 = arith.andi %get3A_292, %and3A_298 : vector<16xi32>
        %bitcast3A_300 = vector.bitcast %and3A_299 : vector<16xi32> to vector<16xf32>
        %get3A_301 = arith.index_cast %rem3A_183 : i32 to index
        %get3A_302 = arith.index_cast %scan3A_263 : i32 to index
        %get3A_303 = arith.constant 32 : index
        %get3A_304 = tpu.vector_load %arg11[%get3A_301, %get3A_302, %get3A_303] {strides = array<i32>} : memref<2x80x128xf32, #tpu.memory_space<vmem>>, vector<16xf32>,
        %mul3A_305 = arith.mulf %get3A_304, %bitcast3A_296 : vector<16xf32>
        %swap3A_306 = arith.index_cast %rem3A_183 : i32 to index
        %swap3A_307 = arith.index_cast %scan3A_263 : i32 to index
        %swap3A_308 = arith.constant 32 : index
        %swap3A_309 = tpu.vector_load %arg11[%swap3A_306, %swap3A_307, %swap3A_308] {strides = array<i32>} : memref<2x80x128xf32, #tpu.memory_space<vmem>>, vector<16xf32>,
        tpu.vector_store %arg11[%swap3A_306, %swap3A_307, %swap3A_308], %mul3A_305 {strides = array<i32>} : memref<2x80x128xf32, #tpu.memory_space<vmem>>, vector<16xf32>,
        %get3A_310 = arith.index_cast %rem3A_183 : i32 to index
        %get3A_311 = arith.index_cast %scan3A_263 : i32 to index
        %get3A_312 = arith.constant 48 : index
        %get3A_313 = tpu.vector_load %arg11[%get3A_310, %get3A_311, %get3A_312] {strides = array<i32>} : memref<2x80x128xf32, #tpu.memory_space<vmem>>, vector<16xf32>,
        %mul3A_314 = arith.mulf %get3A_313, %bitcast3A_300 : vector<16xf32>
        %swap3A_315 = arith.index_cast %rem3A_183 : i32 to index
        %swap3A_316 = arith.index_cast %scan3A_263 : i32 to index
        %swap3A_317 = arith.constant 48 : index
        %swap3A_318 = tpu.vector_load %arg11[%swap3A_315, %swap3A_316, %swap3A_317] {strides = array<i32>} : memref<2x80x128xf32, #tpu.memory_space<vmem>>, vector<16xf32>,
        tpu.vector_store %arg11[%swap3A_315, %swap3A_316, %swap3A_317], %mul3A_314 {strides = array<i32>} : memref<2x80x128xf32, #tpu.memory_space<vmem>>, vector<16xf32>,
        %get3A_319 = arith.index_cast %rem3A_183 : i32 to index
        %get3A_320 = arith.index_cast %scan3A_263 : i32 to index
        %get3A_321 = arith.constant 32 : index
        %get3A_322 = tpu.vector_load %arg10[%get3A_319, %get3A_320, %get3A_321] {strides = array<i32>} : memref<2x80x64xi32, #tpu.memory_space<vmem>>, vector<16xi32>,
        %shift_left3A_323 = arith.constant 16 : i32
        %shift_left3A_324 = vector.broadcast %shift_left3A_323 : i32 to vector<16xi32>
        %shift_left3A_325 = arith.shli %get3A_322, %shift_left3A_324 : vector<16xi32>
        %bitcast3A_326 = vector.bitcast %shift_left3A_325 : vector<16xi32> to vector<16xf32>
        %and3A_327 = arith.constant -65536 : i32
        %and3A_328 = vector.broadcast %and3A_327 : i32 to vector<16xi32>
        %and3A_329 = arith.andi %get3A_322, %and3A_328 : vector<16xi32>
        %bitcast3A_330 = vector.bitcast %and3A_329 : vector<16xi32> to vector<16xf32>
        %get3A_331 = arith.index_cast %rem3A_183 : i32 to index
        %get3A_332 = arith.index_cast %scan3A_263 : i32 to index
        %get3A_333 = arith.constant 64 : index
        %get3A_334 = tpu.vector_load %arg11[%get3A_331, %get3A_332, %get3A_333] {strides = array<i32>} : memref<2x80x128xf32, #tpu.memory_space<vmem>>, vector<16xf32>,
        %mul3A_335 = arith.mulf %get3A_334, %bitcast3A_326 : vector<16xf32>
        %swap3A_336 = arith.index_cast %rem3A_183 : i32 to index
        %swap3A_337 = arith.index_cast %scan3A_263 : i32 to index
        %swap3A_338 = arith.constant 64 : index
        %swap3A_339 = tpu.vector_load %arg11[%swap3A_336, %swap3A_337, %swap3A_338] {strides = array<i32>} : memref<2x80x128xf32, #tpu.memory_space<vmem>>, vector<16xf32>,
        tpu.vector_store %arg11[%swap3A_336, %swap3A_337, %swap3A_338], %mul3A_335 {strides = array<i32>} : memref<2x80x128xf32, #tpu.memory_space<vmem>>, vector<16xf32>,
        %get3A_340 = arith.index_cast %rem3A_183 : i32 to index
        %get3A_341 = arith.index_cast %scan3A_263 : i32 to index
        %get3A_342 = arith.constant 80 : index
        %get3A_343 = tpu.vector_load %arg11[%get3A_340, %get3A_341, %get3A_342] {strides = array<i32>} : memref<2x80x128xf32, #tpu.memory_space<vmem>>, vector<16xf32>,
        %mul3A_344 = arith.mulf %get3A_343, %bitcast3A_330 : vector<16xf32>
        %swap3A_345 = arith.index_cast %rem3A_183 : i32 to index
        %swap3A_346 = arith.index_cast %scan3A_263 : i32 to index
        %swap3A_347 = arith.constant 80 : index
        %swap3A_348 = tpu.vector_load %arg11[%swap3A_345, %swap3A_346, %swap3A_347] {strides = array<i32>} : memref<2x80x128xf32, #tpu.memory_space<vmem>>, vector<16xf32>,
        tpu.vector_store %arg11[%swap3A_345, %swap3A_346, %swap3A_347], %mul3A_344 {strides = array<i32>} : memref<2x80x128xf32, #tpu.memory_space<vmem>>, vector<16xf32>,
        %get3A_349 = arith.index_cast %rem3A_183 : i32 to index
        %get3A_350 = arith.index_cast %scan3A_263 : i32 to index
        %get3A_351 = arith.constant 48 : index
        %get3A_352 = tpu.vector_load %arg10[%get3A_349, %get3A_350, %get3A_351] {strides = array<i32>} : memref<2x80x64xi32, #tpu.memory_space<vmem>>, vector<16xi32>,
        %shift_left3A_353 = arith.constant 16 : i32
        %shift_left3A_354 = vector.broadcast %shift_left3A_353 : i32 to vector<16xi32>
        %shift_left3A_355 = arith.shli %get3A_352, %shift_left3A_354 : vector<16xi32>
        %bitcast3A_356 = vector.bitcast %shift_left3A_355 : vector<16xi32> to vector<16xf32>
        %and3A_357 = arith.constant -65536 : i32
        %and3A_358 = vector.broadcast %and3A_357 : i32 to vector<16xi32>
        %and3A_359 = arith.andi %get3A_352, %and3A_358 : vector<16xi32>
        %bitcast3A_360 = vector.bitcast %and3A_359 : vector<16xi32> to vector<16xf32>
        %get3A_361 = arith.index_cast %rem3A_183 : i32 to index
        %get3A_362 = arith.index_cast %scan3A_263 : i32 to index
        %get3A_363 = arith.constant 96 : index
        %get3A_364 = tpu.vector_load %arg11[%get3A_361, %get3A_362, %get3A_363] {strides = array<i32>} : memref<2x80x128xf32, #tpu.memory_space<vmem>>, vector<16xf32>,
        %mul3A_365 = arith.mulf %get3A_364, %bitcast3A_356 : vector<16xf32>
        %swap3A_366 = arith.index_cast %rem3A_183 : i32 to index
        %swap3A_367 = arith.index_cast %scan3A_263 : i32 to index
        %swap3A_368 = arith.constant 96 : index
        %swap3A_369 = tpu.vector_load %arg11[%swap3A_366, %swap3A_367, %swap3A_368] {strides = array<i32>} : memref<2x80x128xf32, #tpu.memory_space<vmem>>, vector<16xf32>,
        tpu.vector_store %arg11[%swap3A_366, %swap3A_367, %swap3A_368], %mul3A_365 {strides = array<i32>} : memref<2x80x128xf32, #tpu.memory_space<vmem>>, vector<16xf32>,
        %get3A_370 = arith.index_cast %rem3A_183 : i32 to index
        %get3A_371 = arith.index_cast %scan3A_263 : i32 to index
        %get3A_372 = arith.constant 112 : index
        %get3A_373 = tpu.vector_load %arg11[%get3A_370, %get3A_371, %get3A_372] {strides = array<i32>} : memref<2x80x128xf32, #tpu.memory_space<vmem>>, vector<16xf32>,
        %mul3A_374 = arith.mulf %get3A_373, %bitcast3A_360 : vector<16xf32>
        %swap3A_375 = arith.index_cast %rem3A_183 : i32 to index
        %swap3A_376 = arith.index_cast %scan3A_263 : i32 to index
        %swap3A_377 = arith.constant 112 : index
        %swap3A_378 = tpu.vector_load %arg11[%swap3A_375, %swap3A_376, %swap3A_377] {strides = array<i32>} : memref<2x80x128xf32, #tpu.memory_space<vmem>>, vector<16xf32>,
        tpu.vector_store %arg11[%swap3A_375, %swap3A_376, %swap3A_377], %mul3A_374 {strides = array<i32>} : memref<2x80x128xf32, #tpu.memory_space<vmem>>, vector<16xf32>,
        %scan3A_379 = arith.constant 1 : i32
        %scan3A_380 = arith.addi %scan3A_263, %scan3A_379 : i32
        %get3A_381 = arith.index_cast %rem3A_183 : i32 to index
        %get3A_382 = arith.index_cast %scan3A_380 : i32 to index
        %get3A_383 = arith.constant 0 : index
        %get3A_384 = tpu.vector_load %arg10[%get3A_381, %get3A_382, %get3A_383] {strides = array<i32>} : memref<2x80x64xi32, #tpu.memory_space<vmem>>, vector<16xi32>,
        %shift_left3A_385 = arith.constant 16 : i32
        %shift_left3A_386 = vector.broadcast %shift_left3A_385 : i32 to vector<16xi32>
        %shift_left3A_387 = arith.shli %get3A_384, %shift_left3A_386 : vector<16xi32>
        %bitcast3A_388 = vector.bitcast %shift_left3A_387 : vector<16xi32> to vector<16xf32>
        %and3A_389 = arith.constant -65536 : i32
        %and3A_390 = vector.broadcast %and3A_389 : i32 to vector<16xi32>
        %and3A_391 = arith.andi %get3A_384, %and3A_390 : vector<16xi32>
        %bitcast3A_392 = vector.bitcast %and3A_391 : vector<16xi32> to vector<16xf32>
        %get3A_393 = arith.index_cast %rem3A_183 : i32 to index
        %get3A_394 = arith.index_cast %scan3A_380 : i32 to index
        %get3A_395 = arith.constant 0 : index
        %get3A_396 = tpu.vector_load %arg11[%get3A_393, %get3A_394, %get3A_395] {strides = array<i32>} : memref<2x80x128xf32, #tpu.memory_space<vmem>>, vector<16xf32>,
        %mul3A_397 = arith.mulf %get3A_396, %bitcast3A_388 : vector<16xf32>
        %swap3A_398 = arith.index_cast %rem3A_183 : i32 to index
        %swap3A_399 = arith.index_cast %scan3A_380 : i32 to index
        %swap3A_400 = arith.constant 0 : index
        %swap3A_401 = tpu.vector_load %arg11[%swap3A_398, %swap3A_399, %swap3A_400] {strides = array<i32>} : memref<2x80x128xf32, #tpu.memory_space<vmem>>, vector<16xf32>,
        tpu.vector_store %arg11[%swap3A_398, %swap3A_399, %swap3A_400], %mul3A_397 {strides = array<i32>} : memref<2x80x128xf32, #tpu.memory_space<vmem>>, vector<16xf32>,
        %get3A_402 = arith.index_cast %rem3A_183 : i32 to index
        %get3A_403 = arith.index_cast %scan3A_380 : i32 to index
        %get3A_404 = arith.constant 16 : index
        %get3A_405 = tpu.vector_load %arg11[%get3A_402, %get3A_403, %get3A_404] {strides = array<i32>} : memref<2x80x128xf32, #tpu.memory_space<vmem>>, vector<16xf32>,
        %mul3A_406 = arith.mulf %get3A_405, %bitcast3A_392 : vector<16xf32>
        %swap3A_407 = arith.index_cast %rem3A_183 : i32 to index
        %swap3A_408 = arith.index_cast %scan3A_380 : i32 to index
        %swap3A_409 = arith.constant 16 : index
        %swap3A_410 = tpu.vector_load %arg11[%swap3A_407, %swap3A_408, %swap3A_409] {strides = array<i32>} : memref<2x80x128xf32, #tpu.memory_space<vmem>>, vector<16xf32>,
        tpu.vector_store %arg11[%swap3A_407, %swap3A_408, %swap3A_409], %mul3A_406 {strides = array<i32>} : memref<2x80x128xf32, #tpu.memory_space<vmem>>, vector<16xf32>,
        %get3A_411 = arith.index_cast %rem3A_183 : i32 to index
        %get3A_412 = arith.index_cast %scan3A_380 : i32 to index
        %get3A_413 = arith.constant 16 : index
        %get3A_414 = tpu.vector_load %arg10[%get3A_411, %get3A_412, %get3A_413] {strides = array<i32>} : memref<2x80x64xi32, #tpu.memory_space<vmem>>, vector<16xi32>,
        %shift_left3A_415 = arith.constant 16 : i32
        %shift_left3A_416 = vector.broadcast %shift_left3A_415 : i32 to vector<16xi32>
        %shift_left3A_417 = arith.shli %get3A_414, %shift_left3A_416 : vector<16xi32>
        %bitcast3A_418 = vector.bitcast %shift_left3A_417 : vector<16xi32> to vector<16xf32>
        %and3A_419 = arith.constant -65536 : i32
        %and3A_420 = vector.broadcast %and3A_419 : i32 to vector<16xi32>
        %and3A_421 = arith.andi %get3A_414, %and3A_420 : vector<16xi32>
        %bitcast3A_422 = vector.bitcast %and3A_421 : vector<16xi32> to vector<16xf32>
        %get3A_423 = arith.index_cast %rem3A_183 : i32 to index
        %get3A_424 = arith.index_cast %scan3A_380 : i32 to index
        %get3A_425 = arith.constant 32 : index
        %get3A_426 = tpu.vector_load %arg11[%get3A_423, %get3A_424, %get3A_425] {strides = array<i32>} : memref<2x80x128xf32, #tpu.memory_space<vmem>>, vector<16xf32>,
        %mul3A_427 = arith.mulf %get3A_426, %bitcast3A_418 : vector<16xf32>
        %swap3A_428 = arith.index_cast %rem3A_183 : i32 to index
        %swap3A_429 = arith.index_cast %scan3A_380 : i32 to index
        %swap3A_430 = arith.constant 32 : index
        %swap3A_431 = tpu.vector_load %arg11[%swap3A_428, %swap3A_429, %swap3A_430] {strides = array<i32>} : memref<2x80x128xf32, #tpu.memory_space<vmem>>, vector<16xf32>,
        tpu.vector_store %arg11[%swap3A_428, %swap3A_429, %swap3A_430], %mul3A_427 {strides = array<i32>} : memref<2x80x128xf32, #tpu.memory_space<vmem>>, vector<16xf32>,
        %get3A_432 = arith.index_cast %rem3A_183 : i32 to index
        %get3A_433 = arith.index_cast %scan3A_380 : i32 to index
        %get3A_434 = arith.constant 48 : index
        %get3A_435 = tpu.vector_load %arg11[%get3A_432, %get3A_433, %get3A_434] {strides = array<i32>} : memref<2x80x128xf32, #tpu.memory_space<vmem>>, vector<16xf32>,
        %mul3A_436 = arith.mulf %get3A_435, %bitcast3A_422 : vector<16xf32>
        %swap3A_437 = arith.index_cast %rem3A_183 : i32 to index
        %swap3A_438 = arith.index_cast %scan3A_380 : i32 to index
        %swap3A_439 = arith.constant 48 : index
        %swap3A_440 = tpu.vector_load %arg11[%swap3A_437, %swap3A_438, %swap3A_439] {strides = array<i32>} : memref<2x80x128xf32, #tpu.memory_space<vmem>>, vector<16xf32>,
        tpu.vector_store %arg11[%swap3A_437, %swap3A_438, %swap3A_439], %mul3A_436 {strides = array<i32>} : memref<2x80x128xf32, #tpu.memory_space<vmem>>, vector<16xf32>,
        %get3A_441 = arith.index_cast %rem3A_183 : i32 to index
        %get3A_442 = arith.index_cast %scan3A_380 : i32 to index
        %get3A_443 = arith.constant 32 : index
        %get3A_444 = tpu.vector_load %arg10[%get3A_441, %get3A_442, %get3A_443] {strides = array<i32>} : memref<2x80x64xi32, #tpu.memory_space<vmem>>, vector<16xi32>,
        %shift_left3A_445 = arith.constant 16 : i32
        %shift_left3A_446 = vector.broadcast %shift_left3A_445 : i32 to vector<16xi32>
        %shift_left3A_447 = arith.shli %get3A_444, %shift_left3A_446 : vector<16xi32>
        %bitcast3A_448 = vector.bitcast %shift_left3A_447 : vector<16xi32> to vector<16xf32>
        %and3A_449 = arith.constant -65536 : i32
        %and3A_450 = vector.broadcast %and3A_449 : i32 to vector<16xi32>
        %and3A_451 = arith.andi %get3A_444, %and3A_450 : vector<16xi32>
        %bitcast3A_452 = vector.bitcast %and3A_451 : vector<16xi32> to vector<16xf32>
        %get3A_453 = arith.index_cast %rem3A_183 : i32 to index
        %get3A_454 = arith.index_cast %scan3A_380 : i32 to index
        %get3A_455 = arith.constant 64 : index
        %get3A_456 = tpu.vector_load %arg11[%get3A_453, %get3A_454, %get3A_455] {strides = array<i32>} : memref<2x80x128xf32, #tpu.memory_space<vmem>>, vector<16xf32>,
        %mul3A_457 = arith.mulf %get3A_456, %bitcast3A_448 : vector<16xf32>
        %swap3A_458 = arith.index_cast %rem3A_183 : i32 to index
        %swap3A_459 = arith.index_cast %scan3A_380 : i32 to index
        %swap3A_460 = arith.constant 64 : index
        %swap3A_461 = tpu.vector_load %arg11[%swap3A_458, %swap3A_459, %swap3A_460] {strides = array<i32>} : memref<2x80x128xf32, #tpu.memory_space<vmem>>, vector<16xf32>,
        tpu.vector_store %arg11[%swap3A_458, %swap3A_459, %swap3A_460], %mul3A_457 {strides = array<i32>} : memref<2x80x128xf32, #tpu.memory_space<vmem>>, vector<16xf32>,
        %get3A_462 = arith.index_cast %rem3A_183 : i32 to index
        %get3A_463 = arith.index_cast %scan3A_380 : i32 to index
        %get3A_464 = arith.constant 80 : index
        %get3A_465 = tpu.vector_load %arg11[%get3A_462, %get3A_463, %get3A_464] {strides = array<i32>} : memref<2x80x128xf32, #tpu.memory_space<vmem>>, vector<16xf32>,
        %mul3A_466 = arith.mulf %get3A_465, %bitcast3A_452 : vector<16xf32>
        %swap3A_467 = arith.index_cast %rem3A_183 : i32 to index
        %swap3A_468 = arith.index_cast %scan3A_380 : i32 to index
        %swap3A_469 = arith.constant 80 : index
        %swap3A_470 = tpu.vector_load %arg11[%swap3A_467, %swap3A_468, %swap3A_469] {strides = array<i32>} : memref<2x80x128xf32, #tpu.memory_space<vmem>>, vector<16xf32>,
        tpu.vector_store %arg11[%swap3A_467, %swap3A_468, %swap3A_469], %mul3A_466 {strides = array<i32>} : memref<2x80x128xf32, #tpu.memory_space<vmem>>, vector<16xf32>,
        %get3A_471 = arith.index_cast %rem3A_183 : i32 to index
        %get3A_472 = arith.index_cast %scan3A_380 : i32 to index
        %get3A_473 = arith.constant 48 : index
        %get3A_474 = tpu.vector_load %arg10[%get3A_471, %get3A_472, %get3A_473] {strides = array<i32>} : memref<2x80x64xi32, #tpu.memory_space<vmem>>, vector<16xi32>,
        %shift_left3A_475 = arith.constant 16 : i32
        %shift_left3A_476 = vector.broadcast %shift_left3A_475 : i32 to vector<16xi32>
        %shift_left3A_477 = arith.shli %get3A_474, %shift_left3A_476 : vector<16xi32>
        %bitcast3A_478 = vector.bitcast %shift_left3A_477 : vector<16xi32> to vector<16xf32>
        %and3A_479 = arith.constant -65536 : i32
        %and3A_480 = vector.broadcast %and3A_479 : i32 to vector<16xi32>
        %and3A_481 = arith.andi %get3A_474, %and3A_480 : vector<16xi32>
        %bitcast3A_482 = vector.bitcast %and3A_481 : vector<16xi32> to vector<16xf32>
        %get3A_483 = arith.index_cast %rem3A_183 : i32 to index
        %get3A_484 = arith.index_cast %scan3A_380 : i32 to index
        %get3A_485 = arith.constant 96 : index
        %get3A_486 = tpu.vector_load %arg11[%get3A_483, %get3A_484, %get3A_485] {strides = array<i32>} : memref<2x80x128xf32, #tpu.memory_space<vmem>>, vector<16xf32>,
        %mul3A_487 = arith.mulf %get3A_486, %bitcast3A_478 : vector<16xf32>
        %swap3A_488 = arith.index_cast %rem3A_183 : i32 to index
        %swap3A_489 = arith.index_cast %scan3A_380 : i32 to index
        %swap3A_490 = arith.constant 96 : index
        %swap3A_491 = tpu.vector_load %arg11[%swap3A_488, %swap3A_489, %swap3A_490] {strides = array<i32>} : memref<2x80x128xf32, #tpu.memory_space<vmem>>, vector<16xf32>,
        tpu.vector_store %arg11[%swap3A_488, %swap3A_489, %swap3A_490], %mul3A_487 {strides = array<i32>} : memref<2x80x128xf32, #tpu.memory_space<vmem>>, vector<16xf32>,
        %get3A_492 = arith.index_cast %rem3A_183 : i32 to index
        %get3A_493 = arith.index_cast %scan3A_380 : i32 to index
        %get3A_494 = arith.constant 112 : index
        %get3A_495 = tpu.vector_load %arg11[%get3A_492, %get3A_493, %get3A_494] {strides = array<i32>} : memref<2x80x128xf32, #tpu.memory_space<vmem>>, vector<16xf32>,
        %mul3A_496 = arith.mulf %get3A_495, %bitcast3A_482 : vector<16xf32>
        %swap3A_497 = arith.index_cast %rem3A_183 : i32 to index
        %swap3A_498 = arith.index_cast %scan3A_380 : i32 to index
        %swap3A_499 = arith.constant 112 : index
        %swap3A_500 = tpu.vector_load %arg11[%swap3A_497, %swap3A_498, %swap3A_499] {strides = array<i32>} : memref<2x80x128xf32, #tpu.memory_space<vmem>>, vector<16xf32>,
        tpu.vector_store %arg11[%swap3A_497, %swap3A_498, %swap3A_499], %mul3A_496 {strides = array<i32>} : memref<2x80x128xf32, #tpu.memory_space<vmem>>, vector<16xf32>,
      }
      %scan3A_242 = arith.constant 80 : i32
      %dma_start3A_243 = arith.constant 1 : i32
      %dma_start3A_244 = arith.constant 0 : i32
      %dma_start3A_245 = arith.constant 0 : i32
      %dma_start3A_246 = tpu.memref_slice %arg11[%rem3A_183, %dma_start3A_244, %dma_start3A_245] : memref<2x80x128xf32, #tpu.memory_space<vmem>> -> memref<1x80x128xf32, #tpu.memory_space<vmem>>
      %dma_start3A_247 = tpu.memref_squeeze %dma_start3A_246 : memref<1x80x128xf32, #tpu.memory_space<vmem>> -> memref<80x128xf32, #tpu.memory_space<vmem>>
      %dma_start3A_248 = arith.constant 0 : i32
      %dma_start3A_249 = tpu.memref_slice %arg9[%rem3A_189, %dma_start3A_243, %dma_start3A_248] : memref<3x2x80xi32, #tpu.memory_space<vmem>> -> memref<1x1x80xi32, #tpu.memory_space<vmem>>
      %dma_start3A_250 = tpu.memref_squeeze %dma_start3A_249 : memref<1x1x80xi32, #tpu.memory_space<vmem>> -> memref<80xi32, #tpu.memory_space<vmem>>
      %dma_start3A_251 = arith.constant 0 : i32
      %dma_start3A_252 = arith.constant 0 : i32
      %dma_start3A_253 = tpu.memref_slice %arg8[%dma_start3A_251, %dma_start3A_252] : memref<10000x128xf32, #tpu.memory_space<vmem_shared>> -> memref<10000x128xf32, #tpu.memory_space<vmem_shared>>
      %dma_start3A_254 = tpu.memref_slice %arg15[%rem3A_183] : memref<2x!tpu.dma_semaphore, #tpu.memory_space<semaphore_mem>> -> memref<1x!tpu.dma_semaphore, #tpu.memory_space<semaphore_mem>>
      %dma_start3A_255 = tpu.memref_squeeze %dma_start3A_254 : memref<1x!tpu.dma_semaphore, #tpu.memory_space<semaphore_mem>> -> memref<!tpu.dma_semaphore, #tpu.memory_space<semaphore_mem>>
      tpu.enqueue_indirect_dma source(%dma_start3A_247 : memref<80x128xf32, #tpu.memory_space<vmem>>) target(%dma_start3A_253 : memref<10000x128xf32, #tpu.memory_space<vmem_shared>>) offsets(%dma_start3A_250 : memref<80xi32, #tpu.memory_space<vmem>>) semaphore(%dma_start3A_255 : memref<!tpu.dma_semaphore, #tpu.memory_space<semaphore_mem>>) {add = true}
      %add3A_256 = arith.constant 2 : i32
      %add3A_257 = arith.addi %scan3A_182, %add3A_256 : i32
      %lt3A_258 = arith.constant 45 : i32
      %lt3A_259 = arith.cmpi slt, %add3A_257, %lt3A_258 : i32
      %convert_element_type3A_260 = arith.extui %lt3A_259 : i1 to i32
      %cond3A_261 = arith.constant 0 : i32
      %cond3A_262 = arith.cmpi ne, %convert_element_type3A_260, %cond3A_261 : i32
      scf.if %cond3A_262 {
        %add3A_263 = arith.constant 2 : i32
        %add3A_264 = arith.addi %scan3A_182, %add3A_263 : i32
        %mul3A_265 = arith.constant 80 : i32
        %mul3A_266 = arith.muli %add3A_264, %mul3A_265 : i32
        %add3A_267 = arith.addi %add3A_12, %mul3A_266 : i32
        %dma_start3A_268 = arith.constant 0 : i32
        %dma_start3A_269 = arith.constant 0 : i32
        %dma_start3A_270 = tpu.memref_slice %arg9[%rem3A_197, %dma_start3A_268, %dma_start3A_269] : memref<3x2x80xi32, #tpu.memory_space<vmem>> -> memref<1x1x80xi32, #tpu.memory_space<vmem>>
        %dma_start3A_271 = tpu.memref_squeeze %dma_start3A_270 : memref<1x1x80xi32, #tpu.memory_space<vmem>> -> memref<80xi32, #tpu.memory_space<vmem>>
        %dma_start3A_272 = tpu.memref_slice %arg4[%add3A_267] : memref<320000xi32, #tpu.memory_space<hbm>> -> memref<80xi32, #tpu.memory_space<hbm>>
        %dma_start3A_273 = tpu.memref_slice %arg12[%rem3A_197] : memref<3x!tpu.dma_semaphore, #tpu.memory_space<semaphore_mem>> -> memref<1x!tpu.dma_semaphore, #tpu.memory_space<semaphore_mem>>
        %dma_start3A_274 = tpu.memref_squeeze %dma_start3A_273 : memref<1x!tpu.dma_semaphore, #tpu.memory_space<semaphore_mem>> -> memref<!tpu.dma_semaphore, #tpu.memory_space<semaphore_mem>>
        %dma_start3A_275 = arith.constant 0 : i32
        %dma_start3A_276 = tpu.memref_slice %arg9[%rem3A_197, %dma_start3A_268, %dma_start3A_275] : memref<3x2x80xi32, #tpu.memory_space<vmem>> -> memref<1x1x80xi32, #tpu.memory_space<vmem>>
        %dma_start3A_277 = tpu.memref_squeeze %dma_start3A_276 : memref<1x1x80xi32, #tpu.memory_space<vmem>> -> memref<80xi32, #tpu.memory_space<vmem>>
        %dma_start3A_278 = tpu.memref_slice %arg4[%add3A_267] : memref<320000xi32, #tpu.memory_space<hbm>> -> memref<80xi32, #tpu.memory_space<hbm>>
        tpu.enqueue_dma source(%dma_start3A_278 : memref<80xi32, #tpu.memory_space<hbm>>) target(%dma_start3A_277 : memref<80xi32, #tpu.memory_space<vmem>>) target_semaphore(%dma_start3A_274 : memref<!tpu.dma_semaphore, #tpu.memory_space<semaphore_mem>>)
        %dma_start3A_279 = arith.constant 1 : i32
        %dma_start3A_280 = arith.constant 0 : i32
        %dma_start3A_281 = tpu.memref_slice %arg9[%rem3A_197, %dma_start3A_279, %dma_start3A_280] : memref<3x2x80xi32, #tpu.memory_space<vmem>> -> memref<1x1x80xi32, #tpu.memory_space<vmem>>
        %dma_start3A_282 = tpu.memref_squeeze %dma_start3A_281 : memref<1x1x80xi32, #tpu.memory_space<vmem>> -> memref<80xi32, #tpu.memory_space<vmem>>
        %dma_start3A_283 = tpu.memref_slice %arg5[%add3A_267] : memref<320000xi32, #tpu.memory_space<hbm>> -> memref<80xi32, #tpu.memory_space<hbm>>
        %dma_start3A_284 = tpu.memref_slice %arg12[%rem3A_197] : memref<3x!tpu.dma_semaphore, #tpu.memory_space<semaphore_mem>> -> memref<1x!tpu.dma_semaphore, #tpu.memory_space<semaphore_mem>>
        %dma_start3A_285 = tpu.memref_squeeze %dma_start3A_284 : memref<1x!tpu.dma_semaphore, #tpu.memory_space<semaphore_mem>> -> memref<!tpu.dma_semaphore, #tpu.memory_space<semaphore_mem>>
        %dma_start3A_286 = arith.constant 0 : i32
        %dma_start3A_287 = tpu.memref_slice %arg9[%rem3A_197, %dma_start3A_279, %dma_start3A_286] : memref<3x2x80xi32, #tpu.memory_space<vmem>> -> memref<1x1x80xi32, #tpu.memory_space<vmem>>
        %dma_start3A_288 = tpu.memref_squeeze %dma_start3A_287 : memref<1x1x80xi32, #tpu.memory_space<vmem>> -> memref<80xi32, #tpu.memory_space<vmem>>
        %dma_start3A_289 = tpu.memref_slice %arg5[%add3A_267] : memref<320000xi32, #tpu.memory_space<hbm>> -> memref<80xi32, #tpu.memory_space<hbm>>
        tpu.enqueue_dma source(%dma_start3A_289 : memref<80xi32, #tpu.memory_space<hbm>>) target(%dma_start3A_288 : memref<80xi32, #tpu.memory_space<vmem>>) target_semaphore(%dma_start3A_285 : memref<!tpu.dma_semaphore, #tpu.memory_space<semaphore_mem>>)
        %add3A_290 = arith.constant 2 : i32
        %add3A_291 = arith.addi %scan3A_182, %add3A_290 : i32
        %mul3A_292 = arith.constant 80 : i32
        %mul3A_293 = arith.muli %add3A_291, %mul3A_292 : i32
        %add3A_294 = arith.addi %mul3A_17, %mul3A_293 : i32
        %dma_start3A_295 = arith.constant 0 : i32
        %dma_start3A_296 = arith.constant 0 : i32
        %dma_start3A_297 = tpu.memref_slice %arg10[%rem3A_183, %dma_start3A_295, %dma_start3A_296] : memref<2x80x64xi32, #tpu.memory_space<vmem>> -> memref<1x80x64xi32, #tpu.memory_space<vmem>>
        %dma_start3A_298 = tpu.memref_squeeze %dma_start3A_297 : memref<1x80x64xi32, #tpu.memory_space<vmem>> -> memref<80x64xi32, #tpu.memory_space<vmem>>
        %dma_start3A_299 = arith.constant 0 : i32
        %dma_start3A_300 = tpu.memref_slice %arg3[%add3A_294, %dma_start3A_299] : memref<115200x64xi32, #tpu.memory_space<hbm>> -> memref<80x64xi32, #tpu.memory_space<hbm>>
        %dma_start3A_301 = tpu.memref_slice %arg13[%rem3A_183] : memref<2x!tpu.dma_semaphore, #tpu.memory_space<semaphore_mem>> -> memref<1x!tpu.dma_semaphore, #tpu.memory_space<semaphore_mem>>
        %dma_start3A_302 = tpu.memref_squeeze %dma_start3A_301 : memref<1x!tpu.dma_semaphore, #tpu.memory_space<semaphore_mem>> -> memref<!tpu.dma_semaphore, #tpu.memory_space<semaphore_mem>>
        %dma_start3A_303 = arith.constant 0 : i32
        %dma_start3A_304 = arith.constant 0 : i32
        %dma_start3A_305 = tpu.memref_slice %arg10[%rem3A_183, %dma_start3A_303, %dma_start3A_304] : memref<2x80x64xi32, #tpu.memory_space<vmem>> -> memref<1x80x64xi32, #tpu.memory_space<vmem>>
        %dma_start3A_306 = tpu.memref_squeeze %dma_start3A_305 : memref<1x80x64xi32, #tpu.memory_space<vmem>> -> memref<80x64xi32, #tpu.memory_space<vmem>>
        %dma_start3A_307 = arith.constant 0 : i32
        %dma_start3A_308 = tpu.memref_slice %arg3[%add3A_294, %dma_start3A_307] : memref<115200x64xi32, #tpu.memory_space<hbm>> -> memref<80x64xi32, #tpu.memory_space<hbm>>
        tpu.enqueue_dma source(%dma_start3A_308 : memref<80x64xi32, #tpu.memory_space<hbm>>) target(%dma_start3A_306 : memref<80x64xi32, #tpu.memory_space<vmem>>) target_semaphore(%dma_start3A_302 : memref<!tpu.dma_semaphore, #tpu.memory_space<semaphore_mem>>)
      } else {
      }
    }
    %scan3A_154 = arith.constant 45 : i32
    %dma_wait3A_155 = arith.constant 0 : i32
    %dma_wait3A_156 = arith.constant 0 : i32
    %dma_wait3A_157 = arith.constant 1 : i32
    %dma_wait3A_158 = arith.constant 0 : i32
    %dma_wait3A_159 = arith.constant 0 : i32
    %dma_wait3A_160 = arith.constant 0 : i32
    %dma_wait3A_161 = tpu.memref_slice %arg11[%dma_wait3A_155, %dma_wait3A_159, %dma_wait3A_160] : memref<2x80x128xf32, #tpu.memory_space<vmem>> -> memref<1x80x128xf32, #tpu.memory_space<vmem>>
    %dma_wait3A_162 = tpu.memref_squeeze %dma_wait3A_161 : memref<1x80x128xf32, #tpu.memory_space<vmem>> -> memref<80x128xf32, #tpu.memory_space<vmem>>
    %dma_wait3A_163 = arith.constant 0 : i32
    %dma_wait3A_164 = tpu.memref_slice %arg9[%dma_wait3A_156, %dma_wait3A_157, %dma_wait3A_163] : memref<3x2x80xi32, #tpu.memory_space<vmem>> -> memref<1x1x80xi32, #tpu.memory_space<vmem>>
    %dma_wait3A_165 = tpu.memref_squeeze %dma_wait3A_164 : memref<1x1x80xi32, #tpu.memory_space<vmem>> -> memref<80xi32, #tpu.memory_space<vmem>>
    %dma_wait3A_166 = arith.constant 0 : i32
    %dma_wait3A_167 = arith.constant 0 : i32
    %dma_wait3A_168 = tpu.memref_slice %arg8[%dma_wait3A_166, %dma_wait3A_167] : memref<10000x128xf32, #tpu.memory_space<vmem_shared>> -> memref<10000x128xf32, #tpu.memory_space<vmem_shared>>
    %dma_wait3A_169 = tpu.memref_slice %arg15[%dma_wait3A_158] : memref<2x!tpu.dma_semaphore, #tpu.memory_space<semaphore_mem>> -> memref<1x!tpu.dma_semaphore, #tpu.memory_space<semaphore_mem>>
    %dma_wait3A_170 = tpu.memref_squeeze %dma_wait3A_169 : memref<1x!tpu.dma_semaphore, #tpu.memory_space<semaphore_mem>> -> memref<!tpu.dma_semaphore, #tpu.memory_space<semaphore_mem>>
    tpu.wait_indirect_dma semaphore(%dma_wait3A_170 : memref<!tpu.dma_semaphore, #tpu.memory_space<semaphore_mem>>) src(%dma_wait3A_162 : memref<80x128xf32, #tpu.memory_space<vmem>>) dst(%dma_wait3A_168 : memref<10000x128xf32, #tpu.memory_space<vmem_shared>>)
    %barrier3A_171 = arith.constant 0 : index
    tpu.barrier barrier_id(%barrier3A_171)
    %lt3A_172 = arith.constant 15 : i32
    %lt3A_173 = arith.cmpi slt, %arg1, %lt3A_172 : i32
    %convert_element_type3A_174 = arith.extui %lt3A_173 : i1 to i32
    %cond3A_175 = arith.constant 0 : i32
    %cond3A_176 = arith.cmpi ne, %convert_element_type3A_174, %cond3A_175 : i32
    scf.if %cond3A_176 {
      "tpu.region"() ({
        %run_scoped3A = tpu.sem_alloc : memref<!tpu.dma_semaphore, #tpu.memory_space<semaphore_mem>>
        %dma_start3A_182 = arith.constant 0 : i32
        %dma_start3A_183 = tpu.memref_slice %arg7[%arg0, %mul3A_0, %dma_start3A_182] : memref<2x10000x128xf32, #tpu.memory_space<hbm>> -> memref<1x640x128xf32, #tpu.memory_space<hbm>>
        %dma_start3A_184 = tpu.memref_squeeze %dma_start3A_183 : memref<1x640x128xf32, #tpu.memory_space<hbm>> -> memref<640x128xf32, #tpu.memory_space<hbm>>
        %dma_start3A_185 = arith.constant 0 : i32
        %dma_start3A_186 = tpu.memref_slice %arg8[%mul3A_0, %dma_start3A_185] : memref<10000x128xf32, #tpu.memory_space<vmem_shared>> -> memref<640x128xf32, #tpu.memory_space<vmem_shared>>
        tpu.enqueue_dma source(%dma_start3A_186 : memref<640x128xf32, #tpu.memory_space<vmem_shared>>) target(%dma_start3A_184 : memref<640x128xf32, #tpu.memory_space<hbm>>) target_semaphore(%run_scoped3A : memref<!tpu.dma_semaphore, #tpu.memory_space<semaphore_mem>>)
        %dma_wait3A_187 = arith.constant 0 : i32
        %dma_wait3A_188 = tpu.memref_slice %arg7[%arg0, %mul3A_0, %dma_wait3A_187] : memref<2x10000x128xf32, #tpu.memory_space<hbm>> -> memref<1x640x128xf32, #tpu.memory_space<hbm>>
        %dma_wait3A_189 = tpu.memref_squeeze %dma_wait3A_188 : memref<1x640x128xf32, #tpu.memory_space<hbm>> -> memref<640x128xf32, #tpu.memory_space<hbm>>
        %dma_wait3A_190 = arith.constant 0 : i32
        %dma_wait3A_191 = tpu.memref_slice %arg8[%mul3A_0, %dma_wait3A_190] : memref<10000x128xf32, #tpu.memory_space<vmem_shared>> -> memref<640x128xf32, #tpu.memory_space<vmem_shared>>
        tpu.wait_dma2 semaphore(%run_scoped3A : memref<!tpu.dma_semaphore, #tpu.memory_space<semaphore_mem>>) src(%dma_wait3A_191 : memref<640x128xf32, #tpu.memory_space<vmem_shared>>) dst(%dma_wait3A_189 : memref<640x128xf32, #tpu.memory_space<hbm>>)
        tpu.yield
      }) : () -> ()
    } else {
    }
    %eq3A_177 = arith.constant 15 : i32
    %eq3A_178 = arith.cmpi eq, %arg1, %eq3A_177 : i32
    %convert_element_type3A_179 = arith.extui %eq3A_178 : i1 to i32
    %cond3A_180 = arith.constant 0 : i32
    %cond3A_181 = arith.cmpi ne, %convert_element_type3A_179, %cond3A_180 : i32
    scf.if %cond3A_181 {
      "tpu.region"() ({
        %run_scoped3A = tpu.sem_alloc : memref<!tpu.dma_semaphore, #tpu.memory_space<semaphore_mem>>
        %dma_start3A_182 = arith.constant 9600 : i32
        %dma_start3A_183 = arith.constant 0 : i32
        %dma_start3A_184 = tpu.memref_slice %arg7[%arg0, %dma_start3A_182, %dma_start3A_183] : memref<2x10000x128xf32, #tpu.memory_space<hbm>> -> memref<1x400x128xf32, #tpu.memory_space<hbm>>
        %dma_start3A_185 = tpu.memref_squeeze %dma_start3A_184 : memref<1x400x128xf32, #tpu.memory_space<hbm>> -> memref<400x128xf32, #tpu.memory_space<hbm>>
        %dma_start3A_186 = arith.constant 9600 : i32
        %dma_start3A_187 = arith.constant 0 : i32
        %dma_start3A_188 = tpu.memref_slice %arg8[%dma_start3A_186, %dma_start3A_187] : memref<10000x128xf32, #tpu.memory_space<vmem_shared>> -> memref<400x128xf32, #tpu.memory_space<vmem_shared>>
        tpu.enqueue_dma source(%dma_start3A_188 : memref<400x128xf32, #tpu.memory_space<vmem_shared>>) target(%dma_start3A_185 : memref<400x128xf32, #tpu.memory_space<hbm>>) target_semaphore(%run_scoped3A : memref<!tpu.dma_semaphore, #tpu.memory_space<semaphore_mem>>)
        %dma_wait3A_189 = arith.constant 9600 : i32
        %dma_wait3A_190 = arith.constant 0 : i32
        %dma_wait3A_191 = tpu.memref_slice %arg7[%arg0, %dma_wait3A_189, %dma_wait3A_190] : memref<2x10000x128xf32, #tpu.memory_space<hbm>> -> memref<1x400x128xf32, #tpu.memory_space<hbm>>
        %dma_wait3A_192 = tpu.memref_squeeze %dma_wait3A_191 : memref<1x400x128xf32, #tpu.memory_space<hbm>> -> memref<400x128xf32, #tpu.memory_space<hbm>>
        %dma_wait3A_193 = arith.constant 9600 : i32
        %dma_wait3A_194 = arith.constant 0 : i32
        %dma_wait3A_195 = tpu.memref_slice %arg8[%dma_wait3A_193, %dma_wait3A_194] : memref<10000x128xf32, #tpu.memory_space<vmem_shared>> -> memref<400x128xf32, #tpu.memory_space<vmem_shared>>
        tpu.wait_dma2 semaphore(%run_scoped3A : memref<!tpu.dma_semaphore, #tpu.memory_space<semaphore_mem>>) src(%dma_wait3A_195 : memref<400x128xf32, #tpu.memory_space<vmem_shared>>) dst(%dma_wait3A_192 : memref<400x128xf32, #tpu.memory_space<hbm>>)
        tpu.yield
      }) : () -> ()
    } else {
    }
    return
  }
}

#map = affine_map<(d0, d1) -> (0, 0)>
#map1 = affine_map<(d0, d1) -> (0)>
#map2 = affine_map<(d0, d1) -> (0, 0, 0)>
module attributes {stable_mosaic.version = 14 : i64} {
  func.func @sc_scatter(%arg0: i32, %arg1: i32, %arg2: memref<10000x128xf32, #tpu.memory_space<hbm>>, %arg3: memref<140800x64xi32, #tpu.memory_space<hbm>>, %arg4: memref<320000xi32, #tpu.memory_space<hbm>>, %arg5: memref<320000xi32, #tpu.memory_space<hbm>>, %arg6: memref<10000x128xf32, #tpu.memory_space<hbm>>, %arg7: memref<2x10000x128xf32, #tpu.memory_space<hbm>>, %arg8: memref<10000x128xf32, #tpu.memory_space<vmem_shared>>, %arg9: memref<3x2x80xi32, #tpu.memory_space<vmem>>, %arg10: memref<2x80x64xi32, #tpu.memory_space<vmem>>, %arg11: memref<2x80x128xf32, #tpu.memory_space<vmem>>, %arg12: memref<3x!tpu.dma_semaphore, #tpu.memory_space<semaphore_mem>>, %arg13: memref<2x!tpu.dma_semaphore, #tpu.memory_space<semaphore_mem>>, %arg14: memref<2x!tpu.dma_semaphore, #tpu.memory_space<semaphore_mem>>, %arg15: memref<2x!tpu.dma_semaphore, #tpu.memory_space<semaphore_mem>>) attributes {dimension_semantics = [#tpu.dimension_semantics<core_parallel>, #tpu.dimension_semantics<subcore_parallel>], iteration_bounds = array<i64: 2, 16>, scalar_prefetch = 0 : i64, scratch_operands = 8 : i64, tpu.core_type = #tpu.core_type<sc_vector_subcore>, window_params = [{transform_indices = #map}, {transform_indices = #map}, {transform_indices = #map1}, {transform_indices = #map1}, {transform_indices = #map}, {transform_indices = #map2}]} {
    %mul3A = arith.constant 640 : i32
    %mul3A_0 = arith.muli %arg1, %mul3A : i32
    %lt3A = arith.constant 15 : i32
    %lt3A_1 = arith.cmpi slt, %arg1, %lt3A : i32
    %convert_element_type3A = arith.extui %lt3A_1 : i1 to i32
    %cond3A = arith.constant 0 : i32
    %cond3A_2 = arith.cmpi ne, %convert_element_type3A, %cond3A : i32
    scf.if %cond3A_2 {
      "tpu.region"() ({
        %run_scoped3A = tpu.sem_alloc : memref<!tpu.dma_semaphore, #tpu.memory_space<semaphore_mem>>
        %dma_start3A_182 = arith.constant 0 : i32
        %dma_start3A_183 = tpu.memref_slice %arg8[%mul3A_0, %dma_start3A_182] : memref<10000x128xf32, #tpu.memory_space<vmem_shared>> -> memref<640x128xf32, #tpu.memory_space<vmem_shared>>
        %dma_start3A_184 = arith.constant 0 : i32
        %dma_start3A_185 = tpu.memref_slice %arg6[%mul3A_0, %dma_start3A_184] : memref<10000x128xf32, #tpu.memory_space<hbm>> -> memref<640x128xf32, #tpu.memory_space<hbm>>
        tpu.enqueue_dma source(%dma_start3A_185 : memref<640x128xf32, #tpu.memory_space<hbm>>) target(%dma_start3A_183 : memref<640x128xf32, #tpu.memory_space<vmem_shared>>) target_semaphore(%run_scoped3A : memref<!tpu.dma_semaphore, #tpu.memory_space<semaphore_mem>>)
        %dma_wait3A_186 = arith.constant 0 : i32
        %dma_wait3A_187 = tpu.memref_slice %arg8[%mul3A_0, %dma_wait3A_186] : memref<10000x128xf32, #tpu.memory_space<vmem_shared>> -> memref<640x128xf32, #tpu.memory_space<vmem_shared>>
        %dma_wait3A_188 = arith.constant 0 : i32
        %dma_wait3A_189 = tpu.memref_slice %arg6[%mul3A_0, %dma_wait3A_188] : memref<10000x128xf32, #tpu.memory_space<hbm>> -> memref<640x128xf32, #tpu.memory_space<hbm>>
        tpu.wait_dma2 semaphore(%run_scoped3A : memref<!tpu.dma_semaphore, #tpu.memory_space<semaphore_mem>>) src(%dma_wait3A_189 : memref<640x128xf32, #tpu.memory_space<hbm>>) dst(%dma_wait3A_187 : memref<640x128xf32, #tpu.memory_space<vmem_shared>>)
        tpu.yield
      }) : () -> ()
    } else {
    }
    %eq3A = arith.constant 15 : i32
    %eq3A_3 = arith.cmpi eq, %arg1, %eq3A : i32
    %convert_element_type3A_4 = arith.extui %eq3A_3 : i1 to i32
    %cond3A_5 = arith.constant 0 : i32
    %cond3A_6 = arith.cmpi ne, %convert_element_type3A_4, %cond3A_5 : i32
    scf.if %cond3A_6 {
      "tpu.region"() ({
        %run_scoped3A = tpu.sem_alloc : memref<!tpu.dma_semaphore, #tpu.memory_space<semaphore_mem>>
        %dma_start3A_182 = arith.constant 9600 : i32
        %dma_start3A_183 = arith.constant 0 : i32
        %dma_start3A_184 = tpu.memref_slice %arg8[%dma_start3A_182, %dma_start3A_183] : memref<10000x128xf32, #tpu.memory_space<vmem_shared>> -> memref<400x128xf32, #tpu.memory_space<vmem_shared>>
        %dma_start3A_185 = arith.constant 9600 : i32
        %dma_start3A_186 = arith.constant 0 : i32
        %dma_start3A_187 = tpu.memref_slice %arg6[%dma_start3A_185, %dma_start3A_186] : memref<10000x128xf32, #tpu.memory_space<hbm>> -> memref<400x128xf32, #tpu.memory_space<hbm>>
        tpu.enqueue_dma source(%dma_start3A_187 : memref<400x128xf32, #tpu.memory_space<hbm>>) target(%dma_start3A_184 : memref<400x128xf32, #tpu.memory_space<vmem_shared>>) target_semaphore(%run_scoped3A : memref<!tpu.dma_semaphore, #tpu.memory_space<semaphore_mem>>)
        %dma_wait3A_188 = arith.constant 9600 : i32
        %dma_wait3A_189 = arith.constant 0 : i32
        %dma_wait3A_190 = tpu.memref_slice %arg8[%dma_wait3A_188, %dma_wait3A_189] : memref<10000x128xf32, #tpu.memory_space<vmem_shared>> -> memref<400x128xf32, #tpu.memory_space<vmem_shared>>
        %dma_wait3A_191 = arith.constant 9600 : i32
        %dma_wait3A_192 = arith.constant 0 : i32
        %dma_wait3A_193 = tpu.memref_slice %arg6[%dma_wait3A_191, %dma_wait3A_192] : memref<10000x128xf32, #tpu.memory_space<hbm>> -> memref<400x128xf32, #tpu.memory_space<hbm>>
        tpu.wait_dma2 semaphore(%run_scoped3A : memref<!tpu.dma_semaphore, #tpu.memory_space<semaphore_mem>>) src(%dma_wait3A_193 : memref<400x128xf32, #tpu.memory_space<hbm>>) dst(%dma_wait3A_190 : memref<400x128xf32, #tpu.memory_space<vmem_shared>>)
        tpu.yield
      }) : () -> ()
    } else {
    }
    %barrier3A = arith.constant 0 : index
    tpu.barrier barrier_id(%barrier3A)
    %mul3A_7 = arith.constant 16 : i32
    %mul3A_8 = arith.muli %arg0, %mul3A_7 : i32
    %add3A = arith.addi %mul3A_8, %arg1 : i32
    %mul3A_9 = arith.constant 4400 : i32
    %mul3A_10 = arith.muli %add3A, %mul3A_9 : i32
    %add3A_11 = arith.constant 64000 : i32
    %add3A_12 = arith.addi %add3A_11, %mul3A_10 : i32
    %mul3A_13 = arith.constant 16 : i32
    %mul3A_14 = arith.muli %arg0, %mul3A_13 : i32
    %add3A_15 = arith.addi %mul3A_14, %arg1 : i32
    %mul3A_16 = arith.constant 4400 : i32
    %mul3A_17 = arith.muli %add3A_15, %mul3A_16 : i32
    %add3A_18 = arith.constant 0 : i32
    %add3A_19 = arith.addi %add3A_12, %add3A_18 : i32
    %dma_start3A = arith.constant 0 : i32
    %dma_start3A_20 = arith.constant 0 : i32
    %dma_start3A_21 = arith.constant 0 : i32
    %dma_start3A_22 = arith.constant 0 : i32
    %dma_start3A_23 = tpu.memref_slice %arg9[%dma_start3A, %dma_start3A_20, %dma_start3A_22] : memref<3x2x80xi32, #tpu.memory_space<vmem>> -> memref<1x1x80xi32, #tpu.memory_space<vmem>>
    %dma_start3A_24 = tpu.memref_squeeze %dma_start3A_23 : memref<1x1x80xi32, #tpu.memory_space<vmem>> -> memref<80xi32, #tpu.memory_space<vmem>>
    %dma_start3A_25 = tpu.memref_slice %arg4[%add3A_19] : memref<320000xi32, #tpu.memory_space<hbm>> -> memref<80xi32, #tpu.memory_space<hbm>>
    %dma_start3A_26 = tpu.memref_slice %arg12[%dma_start3A_21] : memref<3x!tpu.dma_semaphore, #tpu.memory_space<semaphore_mem>> -> memref<1x!tpu.dma_semaphore, #tpu.memory_space<semaphore_mem>>
    %dma_start3A_27 = tpu.memref_squeeze %dma_start3A_26 : memref<1x!tpu.dma_semaphore, #tpu.memory_space<semaphore_mem>> -> memref<!tpu.dma_semaphore, #tpu.memory_space<semaphore_mem>>
    %dma_start3A_28 = arith.constant 0 : i32
    %dma_start3A_29 = tpu.memref_slice %arg9[%dma_start3A, %dma_start3A_20, %dma_start3A_28] : memref<3x2x80xi32, #tpu.memory_space<vmem>> -> memref<1x1x80xi32, #tpu.memory_space<vmem>>
    %dma_start3A_30 = tpu.memref_squeeze %dma_start3A_29 : memref<1x1x80xi32, #tpu.memory_space<vmem>> -> memref<80xi32, #tpu.memory_space<vmem>>
    %dma_start3A_31 = tpu.memref_slice %arg4[%add3A_19] : memref<320000xi32, #tpu.memory_space<hbm>> -> memref<80xi32, #tpu.memory_space<hbm>>
    tpu.enqueue_dma source(%dma_start3A_31 : memref<80xi32, #tpu.memory_space<hbm>>) target(%dma_start3A_30 : memref<80xi32, #tpu.memory_space<vmem>>) target_semaphore(%dma_start3A_27 : memref<!tpu.dma_semaphore, #tpu.memory_space<semaphore_mem>>)
    %dma_start3A_32 = arith.constant 0 : i32
    %dma_start3A_33 = arith.constant 1 : i32
    %dma_start3A_34 = arith.constant 0 : i32
    %dma_start3A_35 = arith.constant 0 : i32
    %dma_start3A_36 = tpu.memref_slice %arg9[%dma_start3A_32, %dma_start3A_33, %dma_start3A_35] : memref<3x2x80xi32, #tpu.memory_space<vmem>> -> memref<1x1x80xi32, #tpu.memory_space<vmem>>
    %dma_start3A_37 = tpu.memref_squeeze %dma_start3A_36 : memref<1x1x80xi32, #tpu.memory_space<vmem>> -> memref<80xi32, #tpu.memory_space<vmem>>
    %dma_start3A_38 = tpu.memref_slice %arg5[%add3A_19] : memref<320000xi32, #tpu.memory_space<hbm>> -> memref<80xi32, #tpu.memory_space<hbm>>
    %dma_start3A_39 = tpu.memref_slice %arg12[%dma_start3A_34] : memref<3x!tpu.dma_semaphore, #tpu.memory_space<semaphore_mem>> -> memref<1x!tpu.dma_semaphore, #tpu.memory_space<semaphore_mem>>
    %dma_start3A_40 = tpu.memref_squeeze %dma_start3A_39 : memref<1x!tpu.dma_semaphore, #tpu.memory_space<semaphore_mem>> -> memref<!tpu.dma_semaphore, #tpu.memory_space<semaphore_mem>>
    %dma_start3A_41 = arith.constant 0 : i32
    %dma_start3A_42 = tpu.memref_slice %arg9[%dma_start3A_32, %dma_start3A_33, %dma_start3A_41] : memref<3x2x80xi32, #tpu.memory_space<vmem>> -> memref<1x1x80xi32, #tpu.memory_space<vmem>>
    %dma_start3A_43 = tpu.memref_squeeze %dma_start3A_42 : memref<1x1x80xi32, #tpu.memory_space<vmem>> -> memref<80xi32, #tpu.memory_space<vmem>>
    %dma_start3A_44 = tpu.memref_slice %arg5[%add3A_19] : memref<320000xi32, #tpu.memory_space<hbm>> -> memref<80xi32, #tpu.memory_space<hbm>>
    tpu.enqueue_dma source(%dma_start3A_44 : memref<80xi32, #tpu.memory_space<hbm>>) target(%dma_start3A_43 : memref<80xi32, #tpu.memory_space<vmem>>) target_semaphore(%dma_start3A_40 : memref<!tpu.dma_semaphore, #tpu.memory_space<semaphore_mem>>)
    %add3A_45 = arith.constant 0 : i32
    %add3A_46 = arith.addi %mul3A_17, %add3A_45 : i32
    %dma_start3A_47 = arith.constant 0 : i32
    %dma_start3A_48 = arith.constant 0 : i32
    %dma_start3A_49 = arith.constant 0 : i32
    %dma_start3A_50 = arith.constant 0 : i32
    %dma_start3A_51 = tpu.memref_slice %arg10[%dma_start3A_47, %dma_start3A_49, %dma_start3A_50] : memref<2x80x64xi32, #tpu.memory_space<vmem>> -> memref<1x80x64xi32, #tpu.memory_space<vmem>>
    %dma_start3A_52 = tpu.memref_squeeze %dma_start3A_51 : memref<1x80x64xi32, #tpu.memory_space<vmem>> -> memref<80x64xi32, #tpu.memory_space<vmem>>
    %dma_start3A_53 = arith.constant 0 : i32
    %dma_start3A_54 = tpu.memref_slice %arg3[%add3A_46, %dma_start3A_53] : memref<140800x64xi32, #tpu.memory_space<hbm>> -> memref<80x64xi32, #tpu.memory_space<hbm>>
    %dma_start3A_55 = tpu.memref_slice %arg13[%dma_start3A_48] : memref<2x!tpu.dma_semaphore, #tpu.memory_space<semaphore_mem>> -> memref<1x!tpu.dma_semaphore, #tpu.memory_space<semaphore_mem>>
    %dma_start3A_56 = tpu.memref_squeeze %dma_start3A_55 : memref<1x!tpu.dma_semaphore, #tpu.memory_space<semaphore_mem>> -> memref<!tpu.dma_semaphore, #tpu.memory_space<semaphore_mem>>
    %dma_start3A_57 = arith.constant 0 : i32
    %dma_start3A_58 = arith.constant 0 : i32
    %dma_start3A_59 = tpu.memref_slice %arg10[%dma_start3A_47, %dma_start3A_57, %dma_start3A_58] : memref<2x80x64xi32, #tpu.memory_space<vmem>> -> memref<1x80x64xi32, #tpu.memory_space<vmem>>
    %dma_start3A_60 = tpu.memref_squeeze %dma_start3A_59 : memref<1x80x64xi32, #tpu.memory_space<vmem>> -> memref<80x64xi32, #tpu.memory_space<vmem>>
    %dma_start3A_61 = arith.constant 0 : i32
    %dma_start3A_62 = tpu.memref_slice %arg3[%add3A_46, %dma_start3A_61] : memref<140800x64xi32, #tpu.memory_space<hbm>> -> memref<80x64xi32, #tpu.memory_space<hbm>>
    tpu.enqueue_dma source(%dma_start3A_62 : memref<80x64xi32, #tpu.memory_space<hbm>>) target(%dma_start3A_60 : memref<80x64xi32, #tpu.memory_space<vmem>>) target_semaphore(%dma_start3A_56 : memref<!tpu.dma_semaphore, #tpu.memory_space<semaphore_mem>>)
    %add3A_63 = arith.constant 80 : i32
    %add3A_64 = arith.addi %add3A_12, %add3A_63 : i32
    %dma_start3A_65 = arith.constant 1 : i32
    %dma_start3A_66 = arith.constant 0 : i32
    %dma_start3A_67 = arith.constant 1 : i32
    %dma_start3A_68 = arith.constant 0 : i32
    %dma_start3A_69 = tpu.memref_slice %arg9[%dma_start3A_65, %dma_start3A_66, %dma_start3A_68] : memref<3x2x80xi32, #tpu.memory_space<vmem>> -> memref<1x1x80xi32, #tpu.memory_space<vmem>>
    %dma_start3A_70 = tpu.memref_squeeze %dma_start3A_69 : memref<1x1x80xi32, #tpu.memory_space<vmem>> -> memref<80xi32, #tpu.memory_space<vmem>>
    %dma_start3A_71 = tpu.memref_slice %arg4[%add3A_64] : memref<320000xi32, #tpu.memory_space<hbm>> -> memref<80xi32, #tpu.memory_space<hbm>>
    %dma_start3A_72 = tpu.memref_slice %arg12[%dma_start3A_67] : memref<3x!tpu.dma_semaphore, #tpu.memory_space<semaphore_mem>> -> memref<1x!tpu.dma_semaphore, #tpu.memory_space<semaphore_mem>>
    %dma_start3A_73 = tpu.memref_squeeze %dma_start3A_72 : memref<1x!tpu.dma_semaphore, #tpu.memory_space<semaphore_mem>> -> memref<!tpu.dma_semaphore, #tpu.memory_space<semaphore_mem>>
    %dma_start3A_74 = arith.constant 0 : i32
    %dma_start3A_75 = tpu.memref_slice %arg9[%dma_start3A_65, %dma_start3A_66, %dma_start3A_74] : memref<3x2x80xi32, #tpu.memory_space<vmem>> -> memref<1x1x80xi32, #tpu.memory_space<vmem>>
    %dma_start3A_76 = tpu.memref_squeeze %dma_start3A_75 : memref<1x1x80xi32, #tpu.memory_space<vmem>> -> memref<80xi32, #tpu.memory_space<vmem>>
    %dma_start3A_77 = tpu.memref_slice %arg4[%add3A_64] : memref<320000xi32, #tpu.memory_space<hbm>> -> memref<80xi32, #tpu.memory_space<hbm>>
    tpu.enqueue_dma source(%dma_start3A_77 : memref<80xi32, #tpu.memory_space<hbm>>) target(%dma_start3A_76 : memref<80xi32, #tpu.memory_space<vmem>>) target_semaphore(%dma_start3A_73 : memref<!tpu.dma_semaphore, #tpu.memory_space<semaphore_mem>>)
    %dma_start3A_78 = arith.constant 1 : i32
    %dma_start3A_79 = arith.constant 1 : i32
    %dma_start3A_80 = arith.constant 1 : i32
    %dma_start3A_81 = arith.constant 0 : i32
    %dma_start3A_82 = tpu.memref_slice %arg9[%dma_start3A_78, %dma_start3A_79, %dma_start3A_81] : memref<3x2x80xi32, #tpu.memory_space<vmem>> -> memref<1x1x80xi32, #tpu.memory_space<vmem>>
    %dma_start3A_83 = tpu.memref_squeeze %dma_start3A_82 : memref<1x1x80xi32, #tpu.memory_space<vmem>> -> memref<80xi32, #tpu.memory_space<vmem>>
    %dma_start3A_84 = tpu.memref_slice %arg5[%add3A_64] : memref<320000xi32, #tpu.memory_space<hbm>> -> memref<80xi32, #tpu.memory_space<hbm>>
    %dma_start3A_85 = tpu.memref_slice %arg12[%dma_start3A_80] : memref<3x!tpu.dma_semaphore, #tpu.memory_space<semaphore_mem>> -> memref<1x!tpu.dma_semaphore, #tpu.memory_space<semaphore_mem>>
    %dma_start3A_86 = tpu.memref_squeeze %dma_start3A_85 : memref<1x!tpu.dma_semaphore, #tpu.memory_space<semaphore_mem>> -> memref<!tpu.dma_semaphore, #tpu.memory_space<semaphore_mem>>
    %dma_start3A_87 = arith.constant 0 : i32
    %dma_start3A_88 = tpu.memref_slice %arg9[%dma_start3A_78, %dma_start3A_79, %dma_start3A_87] : memref<3x2x80xi32, #tpu.memory_space<vmem>> -> memref<1x1x80xi32, #tpu.memory_space<vmem>>
    %dma_start3A_89 = tpu.memref_squeeze %dma_start3A_88 : memref<1x1x80xi32, #tpu.memory_space<vmem>> -> memref<80xi32, #tpu.memory_space<vmem>>
    %dma_start3A_90 = tpu.memref_slice %arg5[%add3A_64] : memref<320000xi32, #tpu.memory_space<hbm>> -> memref<80xi32, #tpu.memory_space<hbm>>
    tpu.enqueue_dma source(%dma_start3A_90 : memref<80xi32, #tpu.memory_space<hbm>>) target(%dma_start3A_89 : memref<80xi32, #tpu.memory_space<vmem>>) target_semaphore(%dma_start3A_86 : memref<!tpu.dma_semaphore, #tpu.memory_space<semaphore_mem>>)
    %add3A_91 = arith.constant 80 : i32
    %add3A_92 = arith.addi %mul3A_17, %add3A_91 : i32
    %dma_start3A_93 = arith.constant 1 : i32
    %dma_start3A_94 = arith.constant 1 : i32
    %dma_start3A_95 = arith.constant 0 : i32
    %dma_start3A_96 = arith.constant 0 : i32
    %dma_start3A_97 = tpu.memref_slice %arg10[%dma_start3A_93, %dma_start3A_95, %dma_start3A_96] : memref<2x80x64xi32, #tpu.memory_space<vmem>> -> memref<1x80x64xi32, #tpu.memory_space<vmem>>
    %dma_start3A_98 = tpu.memref_squeeze %dma_start3A_97 : memref<1x80x64xi32, #tpu.memory_space<vmem>> -> memref<80x64xi32, #tpu.memory_space<vmem>>
    %dma_start3A_99 = arith.constant 0 : i32
    %dma_start3A_100 = tpu.memref_slice %arg3[%add3A_92, %dma_start3A_99] : memref<140800x64xi32, #tpu.memory_space<hbm>> -> memref<80x64xi32, #tpu.memory_space<hbm>>
    %dma_start3A_101 = tpu.memref_slice %arg13[%dma_start3A_94] : memref<2x!tpu.dma_semaphore, #tpu.memory_space<semaphore_mem>> -> memref<1x!tpu.dma_semaphore, #tpu.memory_space<semaphore_mem>>
    %dma_start3A_102 = tpu.memref_squeeze %dma_start3A_101 : memref<1x!tpu.dma_semaphore, #tpu.memory_space<semaphore_mem>> -> memref<!tpu.dma_semaphore, #tpu.memory_space<semaphore_mem>>
    %dma_start3A_103 = arith.constant 0 : i32
    %dma_start3A_104 = arith.constant 0 : i32
    %dma_start3A_105 = tpu.memref_slice %arg10[%dma_start3A_93, %dma_start3A_103, %dma_start3A_104] : memref<2x80x64xi32, #tpu.memory_space<vmem>> -> memref<1x80x64xi32, #tpu.memory_space<vmem>>
    %dma_start3A_106 = tpu.memref_squeeze %dma_start3A_105 : memref<1x80x64xi32, #tpu.memory_space<vmem>> -> memref<80x64xi32, #tpu.memory_space<vmem>>
    %dma_start3A_107 = arith.constant 0 : i32
    %dma_start3A_108 = tpu.memref_slice %arg3[%add3A_92, %dma_start3A_107] : memref<140800x64xi32, #tpu.memory_space<hbm>> -> memref<80x64xi32, #tpu.memory_space<hbm>>
    tpu.enqueue_dma source(%dma_start3A_108 : memref<80x64xi32, #tpu.memory_space<hbm>>) target(%dma_start3A_106 : memref<80x64xi32, #tpu.memory_space<vmem>>) target_semaphore(%dma_start3A_102 : memref<!tpu.dma_semaphore, #tpu.memory_space<semaphore_mem>>)
    %dma_wait3A = arith.constant 0 : i32
    %dma_wait3A_109 = arith.constant 0 : i32
    %dma_wait3A_110 = arith.constant 0 : i32
    %dma_wait3A_111 = arith.constant 0 : i32
    %dma_wait3A_112 = tpu.memref_slice %arg9[%dma_wait3A, %dma_wait3A_109, %dma_wait3A_111] : memref<3x2x80xi32, #tpu.memory_space<vmem>> -> memref<1x1x80xi32, #tpu.memory_space<vmem>>
    %dma_wait3A_113 = tpu.memref_squeeze %dma_wait3A_112 : memref<1x1x80xi32, #tpu.memory_space<vmem>> -> memref<80xi32, #tpu.memory_space<vmem>>
    %dma_wait3A_114 = tpu.memref_slice %arg4[%add3A_12] : memref<320000xi32, #tpu.memory_space<hbm>> -> memref<80xi32, #tpu.memory_space<hbm>>
    %dma_wait3A_115 = tpu.memref_slice %arg12[%dma_wait3A_110] : memref<3x!tpu.dma_semaphore, #tpu.memory_space<semaphore_mem>> -> memref<1x!tpu.dma_semaphore, #tpu.memory_space<semaphore_mem>>
    %dma_wait3A_116 = tpu.memref_squeeze %dma_wait3A_115 : memref<1x!tpu.dma_semaphore, #tpu.memory_space<semaphore_mem>> -> memref<!tpu.dma_semaphore, #tpu.memory_space<semaphore_mem>>
    %dma_wait3A_117 = arith.constant 0 : i32
    %dma_wait3A_118 = tpu.memref_slice %arg9[%dma_wait3A, %dma_wait3A_109, %dma_wait3A_117] : memref<3x2x80xi32, #tpu.memory_space<vmem>> -> memref<1x1x80xi32, #tpu.memory_space<vmem>>
    %dma_wait3A_119 = tpu.memref_squeeze %dma_wait3A_118 : memref<1x1x80xi32, #tpu.memory_space<vmem>> -> memref<80xi32, #tpu.memory_space<vmem>>
    %dma_wait3A_120 = tpu.memref_slice %arg4[%add3A_12] : memref<320000xi32, #tpu.memory_space<hbm>> -> memref<80xi32, #tpu.memory_space<hbm>>
    tpu.wait_dma2 semaphore(%dma_wait3A_116 : memref<!tpu.dma_semaphore, #tpu.memory_space<semaphore_mem>>) src(%dma_wait3A_120 : memref<80xi32, #tpu.memory_space<hbm>>) dst(%dma_wait3A_119 : memref<80xi32, #tpu.memory_space<vmem>>)
    %dma_wait3A_121 = arith.constant 0 : i32
    %dma_wait3A_122 = arith.constant 1 : i32
    %dma_wait3A_123 = arith.constant 0 : i32
    %dma_wait3A_124 = arith.constant 0 : i32
    %dma_wait3A_125 = tpu.memref_slice %arg9[%dma_wait3A_121, %dma_wait3A_122, %dma_wait3A_124] : memref<3x2x80xi32, #tpu.memory_space<vmem>> -> memref<1x1x80xi32, #tpu.memory_space<vmem>>
    %dma_wait3A_126 = tpu.memref_squeeze %dma_wait3A_125 : memref<1x1x80xi32, #tpu.memory_space<vmem>> -> memref<80xi32, #tpu.memory_space<vmem>>
    %dma_wait3A_127 = tpu.memref_slice %arg5[%add3A_12] : memref<320000xi32, #tpu.memory_space<hbm>> -> memref<80xi32, #tpu.memory_space<hbm>>
    %dma_wait3A_128 = tpu.memref_slice %arg12[%dma_wait3A_123] : memref<3x!tpu.dma_semaphore, #tpu.memory_space<semaphore_mem>> -> memref<1x!tpu.dma_semaphore, #tpu.memory_space<semaphore_mem>>
    %dma_wait3A_129 = tpu.memref_squeeze %dma_wait3A_128 : memref<1x!tpu.dma_semaphore, #tpu.memory_space<semaphore_mem>> -> memref<!tpu.dma_semaphore, #tpu.memory_space<semaphore_mem>>
    %dma_wait3A_130 = arith.constant 0 : i32
    %dma_wait3A_131 = tpu.memref_slice %arg9[%dma_wait3A_121, %dma_wait3A_122, %dma_wait3A_130] : memref<3x2x80xi32, #tpu.memory_space<vmem>> -> memref<1x1x80xi32, #tpu.memory_space<vmem>>
    %dma_wait3A_132 = tpu.memref_squeeze %dma_wait3A_131 : memref<1x1x80xi32, #tpu.memory_space<vmem>> -> memref<80xi32, #tpu.memory_space<vmem>>
    %dma_wait3A_133 = tpu.memref_slice %arg5[%add3A_12] : memref<320000xi32, #tpu.memory_space<hbm>> -> memref<80xi32, #tpu.memory_space<hbm>>
    tpu.wait_dma2 semaphore(%dma_wait3A_129 : memref<!tpu.dma_semaphore, #tpu.memory_space<semaphore_mem>>) src(%dma_wait3A_133 : memref<80xi32, #tpu.memory_space<hbm>>) dst(%dma_wait3A_132 : memref<80xi32, #tpu.memory_space<vmem>>)
    %dma_start3A_134 = arith.constant 0 : i32
    %dma_start3A_135 = arith.constant 0 : i32
    %dma_start3A_136 = arith.constant 0 : i32
    %dma_start3A_137 = arith.constant 0 : i32
    %dma_start3A_138 = arith.constant 0 : i32
    %dma_start3A_139 = arith.constant 0 : i32
    %dma_start3A_140 = tpu.memref_slice %arg11[%dma_start3A_136, %dma_start3A_138, %dma_start3A_139] : memref<2x80x128xf32, #tpu.memory_space<vmem>> -> memref<1x80x128xf32, #tpu.memory_space<vmem>>
    %dma_start3A_141 = tpu.memref_squeeze %dma_start3A_140 : memref<1x80x128xf32, #tpu.memory_space<vmem>> -> memref<80x128xf32, #tpu.memory_space<vmem>>
    %dma_start3A_142 = arith.constant 0 : i32
    %dma_start3A_143 = tpu.memref_slice %arg9[%dma_start3A_134, %dma_start3A_135, %dma_start3A_142] : memref<3x2x80xi32, #tpu.memory_space<vmem>> -> memref<1x1x80xi32, #tpu.memory_space<vmem>>
    %dma_start3A_144 = tpu.memref_squeeze %dma_start3A_143 : memref<1x1x80xi32, #tpu.memory_space<vmem>> -> memref<80xi32, #tpu.memory_space<vmem>>
    %dma_start3A_145 = arith.constant 0 : i32
    %dma_start3A_146 = arith.constant 0 : i32
    %dma_start3A_147 = tpu.memref_slice %arg2[%dma_start3A_145, %dma_start3A_146] : memref<10000x128xf32, #tpu.memory_space<hbm>> -> memref<10000x128xf32, #tpu.memory_space<hbm>>
    %dma_start3A_148 = tpu.memref_slice %arg14[%dma_start3A_137] : memref<2x!tpu.dma_semaphore, #tpu.memory_space<semaphore_mem>> -> memref<1x!tpu.dma_semaphore, #tpu.memory_space<semaphore_mem>>
    %dma_start3A_149 = tpu.memref_squeeze %dma_start3A_148 : memref<1x!tpu.dma_semaphore, #tpu.memory_space<semaphore_mem>> -> memref<!tpu.dma_semaphore, #tpu.memory_space<semaphore_mem>>
    tpu.enqueue_indirect_dma source(%dma_start3A_147 : memref<10000x128xf32, #tpu.memory_space<hbm>>) target(%dma_start3A_141 : memref<80x128xf32, #tpu.memory_space<vmem>>) offsets(%dma_start3A_144 : memref<80xi32, #tpu.memory_space<vmem>>) semaphore(%dma_start3A_149 : memref<!tpu.dma_semaphore, #tpu.memory_space<semaphore_mem>>)
    %scan3A = arith.constant 0 : i32
    %scan3A_150 = arith.constant 0 : i32
    %scan3A_151 = arith.constant 55 : i32
    %scan3A_152 = arith.addi %scan3A_150, %scan3A_151 : i32
    %scan3A_153 = arith.constant 1 : i32
    scf.for %scan3A_182 = %scan3A_150 to %scan3A_152 step %scan3A_153  : i32 {
      %rem3A = arith.constant 2 : i32
      %rem3A_183 = arith.remsi %scan3A_182, %rem3A : i32
      %add3A_184 = arith.constant 1 : i32
      %add3A_185 = arith.addi %scan3A_182, %add3A_184 : i32
      %rem3A_186 = arith.constant 2 : i32
      %rem3A_187 = arith.remsi %add3A_185, %rem3A_186 : i32
      %rem3A_188 = arith.constant 3 : i32
      %rem3A_189 = arith.remsi %scan3A_182, %rem3A_188 : i32
      %add3A_190 = arith.constant 1 : i32
      %add3A_191 = arith.addi %scan3A_182, %add3A_190 : i32
      %rem3A_192 = arith.constant 3 : i32
      %rem3A_193 = arith.remsi %add3A_191, %rem3A_192 : i32
      %add3A_194 = arith.constant 2 : i32
      %add3A_195 = arith.addi %scan3A_182, %add3A_194 : i32
      %rem3A_196 = arith.constant 3 : i32
      %rem3A_197 = arith.remsi %add3A_195, %rem3A_196 : i32
      %ge3A = arith.constant 1 : i32
      %ge3A_198 = arith.cmpi sge, %scan3A_182, %ge3A : i32
      %convert_element_type3A_199 = arith.extui %ge3A_198 : i1 to i32
      %cond3A_200 = arith.constant 0 : i32
      %cond3A_201 = arith.cmpi ne, %convert_element_type3A_199, %cond3A_200 : i32
      scf.if %cond3A_201 {
        %dma_wait3A_263 = arith.constant 0 : i32
        %dma_wait3A_264 = arith.constant 1 : i32
        %dma_wait3A_265 = arith.constant 0 : i32
        %dma_wait3A_266 = arith.constant 0 : i32
        %dma_wait3A_267 = tpu.memref_slice %arg11[%rem3A_187, %dma_wait3A_265, %dma_wait3A_266] : memref<2x80x128xf32, #tpu.memory_space<vmem>> -> memref<1x80x128xf32, #tpu.memory_space<vmem>>
        %dma_wait3A_268 = tpu.memref_squeeze %dma_wait3A_267 : memref<1x80x128xf32, #tpu.memory_space<vmem>> -> memref<80x128xf32, #tpu.memory_space<vmem>>
        %dma_wait3A_269 = arith.constant 0 : i32
        %dma_wait3A_270 = tpu.memref_slice %arg9[%dma_wait3A_263, %dma_wait3A_264, %dma_wait3A_269] : memref<3x2x80xi32, #tpu.memory_space<vmem>> -> memref<1x1x80xi32, #tpu.memory_space<vmem>>
        %dma_wait3A_271 = tpu.memref_squeeze %dma_wait3A_270 : memref<1x1x80xi32, #tpu.memory_space<vmem>> -> memref<80xi32, #tpu.memory_space<vmem>>
        %dma_wait3A_272 = arith.constant 0 : i32
        %dma_wait3A_273 = arith.constant 0 : i32
        %dma_wait3A_274 = tpu.memref_slice %arg8[%dma_wait3A_272, %dma_wait3A_273] : memref<10000x128xf32, #tpu.memory_space<vmem_shared>> -> memref<10000x128xf32, #tpu.memory_space<vmem_shared>>
        %dma_wait3A_275 = tpu.memref_slice %arg15[%rem3A_187] : memref<2x!tpu.dma_semaphore, #tpu.memory_space<semaphore_mem>> -> memref<1x!tpu.dma_semaphore, #tpu.memory_space<semaphore_mem>>
        %dma_wait3A_276 = tpu.memref_squeeze %dma_wait3A_275 : memref<1x!tpu.dma_semaphore, #tpu.memory_space<semaphore_mem>> -> memref<!tpu.dma_semaphore, #tpu.memory_space<semaphore_mem>>
        tpu.wait_indirect_dma semaphore(%dma_wait3A_276 : memref<!tpu.dma_semaphore, #tpu.memory_space<semaphore_mem>>) src(%dma_wait3A_268 : memref<80x128xf32, #tpu.memory_space<vmem>>) dst(%dma_wait3A_274 : memref<10000x128xf32, #tpu.memory_space<vmem_shared>>)
      } else {
      }
      %add3A_202 = arith.constant 1 : i32
      %add3A_203 = arith.addi %scan3A_182, %add3A_202 : i32
      %lt3A_204 = arith.constant 55 : i32
      %lt3A_205 = arith.cmpi slt, %add3A_203, %lt3A_204 : i32
      %convert_element_type3A_206 = arith.extui %lt3A_205 : i1 to i32
      %cond3A_207 = arith.constant 0 : i32
      %cond3A_208 = arith.cmpi ne, %convert_element_type3A_206, %cond3A_207 : i32
      scf.if %cond3A_208 {
        %dma_wait3A_263 = arith.constant 0 : i32
        %dma_wait3A_264 = arith.constant 0 : i32
        %dma_wait3A_265 = tpu.memref_slice %arg9[%rem3A_193, %dma_wait3A_263, %dma_wait3A_264] : memref<3x2x80xi32, #tpu.memory_space<vmem>> -> memref<1x1x80xi32, #tpu.memory_space<vmem>>
        %dma_wait3A_266 = tpu.memref_squeeze %dma_wait3A_265 : memref<1x1x80xi32, #tpu.memory_space<vmem>> -> memref<80xi32, #tpu.memory_space<vmem>>
        %dma_wait3A_267 = tpu.memref_slice %arg4[%add3A_12] : memref<320000xi32, #tpu.memory_space<hbm>> -> memref<80xi32, #tpu.memory_space<hbm>>
        %dma_wait3A_268 = tpu.memref_slice %arg12[%rem3A_193] : memref<3x!tpu.dma_semaphore, #tpu.memory_space<semaphore_mem>> -> memref<1x!tpu.dma_semaphore, #tpu.memory_space<semaphore_mem>>
        %dma_wait3A_269 = tpu.memref_squeeze %dma_wait3A_268 : memref<1x!tpu.dma_semaphore, #tpu.memory_space<semaphore_mem>> -> memref<!tpu.dma_semaphore, #tpu.memory_space<semaphore_mem>>
        %dma_wait3A_270 = arith.constant 0 : i32
        %dma_wait3A_271 = tpu.memref_slice %arg9[%rem3A_193, %dma_wait3A_263, %dma_wait3A_270] : memref<3x2x80xi32, #tpu.memory_space<vmem>> -> memref<1x1x80xi32, #tpu.memory_space<vmem>>
        %dma_wait3A_272 = tpu.memref_squeeze %dma_wait3A_271 : memref<1x1x80xi32, #tpu.memory_space<vmem>> -> memref<80xi32, #tpu.memory_space<vmem>>
        %dma_wait3A_273 = tpu.memref_slice %arg4[%add3A_12] : memref<320000xi32, #tpu.memory_space<hbm>> -> memref<80xi32, #tpu.memory_space<hbm>>
        tpu.wait_dma2 semaphore(%dma_wait3A_269 : memref<!tpu.dma_semaphore, #tpu.memory_space<semaphore_mem>>) src(%dma_wait3A_273 : memref<80xi32, #tpu.memory_space<hbm>>) dst(%dma_wait3A_272 : memref<80xi32, #tpu.memory_space<vmem>>)
        %dma_wait3A_274 = arith.constant 1 : i32
        %dma_wait3A_275 = arith.constant 0 : i32
        %dma_wait3A_276 = tpu.memref_slice %arg9[%rem3A_193, %dma_wait3A_274, %dma_wait3A_275] : memref<3x2x80xi32, #tpu.memory_space<vmem>> -> memref<1x1x80xi32, #tpu.memory_space<vmem>>
        %dma_wait3A_277 = tpu.memref_squeeze %dma_wait3A_276 : memref<1x1x80xi32, #tpu.memory_space<vmem>> -> memref<80xi32, #tpu.memory_space<vmem>>
        %dma_wait3A_278 = tpu.memref_slice %arg5[%add3A_12] : memref<320000xi32, #tpu.memory_space<hbm>> -> memref<80xi32, #tpu.memory_space<hbm>>
        %dma_wait3A_279 = tpu.memref_slice %arg12[%rem3A_193] : memref<3x!tpu.dma_semaphore, #tpu.memory_space<semaphore_mem>> -> memref<1x!tpu.dma_semaphore, #tpu.memory_space<semaphore_mem>>
        %dma_wait3A_280 = tpu.memref_squeeze %dma_wait3A_279 : memref<1x!tpu.dma_semaphore, #tpu.memory_space<semaphore_mem>> -> memref<!tpu.dma_semaphore, #tpu.memory_space<semaphore_mem>>
        %dma_wait3A_281 = arith.constant 0 : i32
        %dma_wait3A_282 = tpu.memref_slice %arg9[%rem3A_193, %dma_wait3A_274, %dma_wait3A_281] : memref<3x2x80xi32, #tpu.memory_space<vmem>> -> memref<1x1x80xi32, #tpu.memory_space<vmem>>
        %dma_wait3A_283 = tpu.memref_squeeze %dma_wait3A_282 : memref<1x1x80xi32, #tpu.memory_space<vmem>> -> memref<80xi32, #tpu.memory_space<vmem>>
        %dma_wait3A_284 = tpu.memref_slice %arg5[%add3A_12] : memref<320000xi32, #tpu.memory_space<hbm>> -> memref<80xi32, #tpu.memory_space<hbm>>
        tpu.wait_dma2 semaphore(%dma_wait3A_280 : memref<!tpu.dma_semaphore, #tpu.memory_space<semaphore_mem>>) src(%dma_wait3A_284 : memref<80xi32, #tpu.memory_space<hbm>>) dst(%dma_wait3A_283 : memref<80xi32, #tpu.memory_space<vmem>>)
        %dma_start3A_285 = arith.constant 0 : i32
        %dma_start3A_286 = arith.constant 0 : i32
        %dma_start3A_287 = arith.constant 0 : i32
        %dma_start3A_288 = tpu.memref_slice %arg11[%rem3A_187, %dma_start3A_286, %dma_start3A_287] : memref<2x80x128xf32, #tpu.memory_space<vmem>> -> memref<1x80x128xf32, #tpu.memory_space<vmem>>
        %dma_start3A_289 = tpu.memref_squeeze %dma_start3A_288 : memref<1x80x128xf32, #tpu.memory_space<vmem>> -> memref<80x128xf32, #tpu.memory_space<vmem>>
        %dma_start3A_290 = arith.constant 0 : i32
        %dma_start3A_291 = tpu.memref_slice %arg9[%rem3A_193, %dma_start3A_285, %dma_start3A_290] : memref<3x2x80xi32, #tpu.memory_space<vmem>> -> memref<1x1x80xi32, #tpu.memory_space<vmem>>
        %dma_start3A_292 = tpu.memref_squeeze %dma_start3A_291 : memref<1x1x80xi32, #tpu.memory_space<vmem>> -> memref<80xi32, #tpu.memory_space<vmem>>
        %dma_start3A_293 = arith.constant 0 : i32
        %dma_start3A_294 = arith.constant 0 : i32
        %dma_start3A_295 = tpu.memref_slice %arg2[%dma_start3A_293, %dma_start3A_294] : memref<10000x128xf32, #tpu.memory_space<hbm>> -> memref<10000x128xf32, #tpu.memory_space<hbm>>
        %dma_start3A_296 = tpu.memref_slice %arg14[%rem3A_187] : memref<2x!tpu.dma_semaphore, #tpu.memory_space<semaphore_mem>> -> memref<1x!tpu.dma_semaphore, #tpu.memory_space<semaphore_mem>>
        %dma_start3A_297 = tpu.memref_squeeze %dma_start3A_296 : memref<1x!tpu.dma_semaphore, #tpu.memory_space<semaphore_mem>> -> memref<!tpu.dma_semaphore, #tpu.memory_space<semaphore_mem>>
        tpu.enqueue_indirect_dma source(%dma_start3A_295 : memref<10000x128xf32, #tpu.memory_space<hbm>>) target(%dma_start3A_289 : memref<80x128xf32, #tpu.memory_space<vmem>>) offsets(%dma_start3A_292 : memref<80xi32, #tpu.memory_space<vmem>>) semaphore(%dma_start3A_297 : memref<!tpu.dma_semaphore, #tpu.memory_space<semaphore_mem>>)
      } else {
      }
      %dma_wait3A_209 = arith.constant 0 : i32
      %dma_wait3A_210 = arith.constant 0 : i32
      %dma_wait3A_211 = arith.constant 0 : i32
      %dma_wait3A_212 = arith.constant 0 : i32
      %dma_wait3A_213 = tpu.memref_slice %arg11[%rem3A_183, %dma_wait3A_211, %dma_wait3A_212] : memref<2x80x128xf32, #tpu.memory_space<vmem>> -> memref<1x80x128xf32, #tpu.memory_space<vmem>>
      %dma_wait3A_214 = tpu.memref_squeeze %dma_wait3A_213 : memref<1x80x128xf32, #tpu.memory_space<vmem>> -> memref<80x128xf32, #tpu.memory_space<vmem>>
      %dma_wait3A_215 = arith.constant 0 : i32
      %dma_wait3A_216 = tpu.memref_slice %arg9[%dma_wait3A_209, %dma_wait3A_210, %dma_wait3A_215] : memref<3x2x80xi32, #tpu.memory_space<vmem>> -> memref<1x1x80xi32, #tpu.memory_space<vmem>>
      %dma_wait3A_217 = tpu.memref_squeeze %dma_wait3A_216 : memref<1x1x80xi32, #tpu.memory_space<vmem>> -> memref<80xi32, #tpu.memory_space<vmem>>
      %dma_wait3A_218 = arith.constant 0 : i32
      %dma_wait3A_219 = arith.constant 0 : i32
      %dma_wait3A_220 = tpu.memref_slice %arg2[%dma_wait3A_218, %dma_wait3A_219] : memref<10000x128xf32, #tpu.memory_space<hbm>> -> memref<10000x128xf32, #tpu.memory_space<hbm>>
      %dma_wait3A_221 = tpu.memref_slice %arg14[%rem3A_183] : memref<2x!tpu.dma_semaphore, #tpu.memory_space<semaphore_mem>> -> memref<1x!tpu.dma_semaphore, #tpu.memory_space<semaphore_mem>>
      %dma_wait3A_222 = tpu.memref_squeeze %dma_wait3A_221 : memref<1x!tpu.dma_semaphore, #tpu.memory_space<semaphore_mem>> -> memref<!tpu.dma_semaphore, #tpu.memory_space<semaphore_mem>>
      tpu.wait_indirect_dma semaphore(%dma_wait3A_222 : memref<!tpu.dma_semaphore, #tpu.memory_space<semaphore_mem>>) src(%dma_wait3A_220 : memref<10000x128xf32, #tpu.memory_space<hbm>>) dst(%dma_wait3A_214 : memref<80x128xf32, #tpu.memory_space<vmem>>)
      %dma_wait3A_223 = arith.constant 0 : i32
      %dma_wait3A_224 = arith.constant 0 : i32
      %dma_wait3A_225 = tpu.memref_slice %arg10[%rem3A_183, %dma_wait3A_223, %dma_wait3A_224] : memref<2x80x64xi32, #tpu.memory_space<vmem>> -> memref<1x80x64xi32, #tpu.memory_space<vmem>>
      %dma_wait3A_226 = tpu.memref_squeeze %dma_wait3A_225 : memref<1x80x64xi32, #tpu.memory_space<vmem>> -> memref<80x64xi32, #tpu.memory_space<vmem>>
      %dma_wait3A_227 = arith.constant 0 : i32
      %dma_wait3A_228 = tpu.memref_slice %arg3[%mul3A_17, %dma_wait3A_227] : memref<140800x64xi32, #tpu.memory_space<hbm>> -> memref<80x64xi32, #tpu.memory_space<hbm>>
      %dma_wait3A_229 = tpu.memref_slice %arg13[%rem3A_183] : memref<2x!tpu.dma_semaphore, #tpu.memory_space<semaphore_mem>> -> memref<1x!tpu.dma_semaphore, #tpu.memory_space<semaphore_mem>>
      %dma_wait3A_230 = tpu.memref_squeeze %dma_wait3A_229 : memref<1x!tpu.dma_semaphore, #tpu.memory_space<semaphore_mem>> -> memref<!tpu.dma_semaphore, #tpu.memory_space<semaphore_mem>>
      %dma_wait3A_231 = arith.constant 0 : i32
      %dma_wait3A_232 = arith.constant 0 : i32
      %dma_wait3A_233 = tpu.memref_slice %arg10[%rem3A_183, %dma_wait3A_231, %dma_wait3A_232] : memref<2x80x64xi32, #tpu.memory_space<vmem>> -> memref<1x80x64xi32, #tpu.memory_space<vmem>>
      %dma_wait3A_234 = tpu.memref_squeeze %dma_wait3A_233 : memref<1x80x64xi32, #tpu.memory_space<vmem>> -> memref<80x64xi32, #tpu.memory_space<vmem>>
      %dma_wait3A_235 = arith.constant 0 : i32
      %dma_wait3A_236 = tpu.memref_slice %arg3[%mul3A_17, %dma_wait3A_235] : memref<140800x64xi32, #tpu.memory_space<hbm>> -> memref<80x64xi32, #tpu.memory_space<hbm>>
      tpu.wait_dma2 semaphore(%dma_wait3A_230 : memref<!tpu.dma_semaphore, #tpu.memory_space<semaphore_mem>>) src(%dma_wait3A_236 : memref<80x64xi32, #tpu.memory_space<hbm>>) dst(%dma_wait3A_234 : memref<80x64xi32, #tpu.memory_space<vmem>>)
      %scan3A_237 = arith.constant 0 : i32
      %scan3A_238 = arith.constant 0 : i32
      %scan3A_239 = arith.constant 80 : i32
      %scan3A_240 = arith.addi %scan3A_238, %scan3A_239 : i32
      %scan3A_241 = arith.constant 2 : i32
      scf.for %scan3A_263 = %scan3A_238 to %scan3A_240 step %scan3A_241  : i32 {
        %get3A = arith.index_cast %rem3A_183 : i32 to index
        %get3A_264 = arith.index_cast %scan3A_263 : i32 to index
        %get3A_265 = arith.constant 0 : index
        %get3A_266 = tpu.vector_load %arg10[%get3A, %get3A_264, %get3A_265] {strides = array<i32>} : memref<2x80x64xi32, #tpu.memory_space<vmem>>, vector<16xi32>,
        %shift_left3A = arith.constant 16 : i32
        %shift_left3A_267 = vector.broadcast %shift_left3A : i32 to vector<16xi32>
        %shift_left3A_268 = arith.shli %get3A_266, %shift_left3A_267 : vector<16xi32>
        %bitcast3A = vector.bitcast %shift_left3A_268 : vector<16xi32> to vector<16xf32>
        %and3A = arith.constant -65536 : i32
        %and3A_269 = vector.broadcast %and3A : i32 to vector<16xi32>
        %and3A_270 = arith.andi %get3A_266, %and3A_269 : vector<16xi32>
        %bitcast3A_271 = vector.bitcast %and3A_270 : vector<16xi32> to vector<16xf32>
        %get3A_272 = arith.index_cast %rem3A_183 : i32 to index
        %get3A_273 = arith.index_cast %scan3A_263 : i32 to index
        %get3A_274 = arith.constant 0 : index
        %get3A_275 = tpu.vector_load %arg11[%get3A_272, %get3A_273, %get3A_274] {strides = array<i32>} : memref<2x80x128xf32, #tpu.memory_space<vmem>>, vector<16xf32>,
        %mul3A_276 = arith.mulf %get3A_275, %bitcast3A : vector<16xf32>
        %swap3A = arith.index_cast %rem3A_183 : i32 to index
        %swap3A_277 = arith.index_cast %scan3A_263 : i32 to index
        %swap3A_278 = arith.constant 0 : index
        %swap3A_279 = tpu.vector_load %arg11[%swap3A, %swap3A_277, %swap3A_278] {strides = array<i32>} : memref<2x80x128xf32, #tpu.memory_space<vmem>>, vector<16xf32>,
        tpu.vector_store %arg11[%swap3A, %swap3A_277, %swap3A_278], %mul3A_276 {strides = array<i32>} : memref<2x80x128xf32, #tpu.memory_space<vmem>>, vector<16xf32>,
        %get3A_280 = arith.index_cast %rem3A_183 : i32 to index
        %get3A_281 = arith.index_cast %scan3A_263 : i32 to index
        %get3A_282 = arith.constant 16 : index
        %get3A_283 = tpu.vector_load %arg11[%get3A_280, %get3A_281, %get3A_282] {strides = array<i32>} : memref<2x80x128xf32, #tpu.memory_space<vmem>>, vector<16xf32>,
        %mul3A_284 = arith.mulf %get3A_283, %bitcast3A_271 : vector<16xf32>
        %swap3A_285 = arith.index_cast %rem3A_183 : i32 to index
        %swap3A_286 = arith.index_cast %scan3A_263 : i32 to index
        %swap3A_287 = arith.constant 16 : index
        %swap3A_288 = tpu.vector_load %arg11[%swap3A_285, %swap3A_286, %swap3A_287] {strides = array<i32>} : memref<2x80x128xf32, #tpu.memory_space<vmem>>, vector<16xf32>,
        tpu.vector_store %arg11[%swap3A_285, %swap3A_286, %swap3A_287], %mul3A_284 {strides = array<i32>} : memref<2x80x128xf32, #tpu.memory_space<vmem>>, vector<16xf32>,
        %get3A_289 = arith.index_cast %rem3A_183 : i32 to index
        %get3A_290 = arith.index_cast %scan3A_263 : i32 to index
        %get3A_291 = arith.constant 16 : index
        %get3A_292 = tpu.vector_load %arg10[%get3A_289, %get3A_290, %get3A_291] {strides = array<i32>} : memref<2x80x64xi32, #tpu.memory_space<vmem>>, vector<16xi32>,
        %shift_left3A_293 = arith.constant 16 : i32
        %shift_left3A_294 = vector.broadcast %shift_left3A_293 : i32 to vector<16xi32>
        %shift_left3A_295 = arith.shli %get3A_292, %shift_left3A_294 : vector<16xi32>
        %bitcast3A_296 = vector.bitcast %shift_left3A_295 : vector<16xi32> to vector<16xf32>
        %and3A_297 = arith.constant -65536 : i32
        %and3A_298 = vector.broadcast %and3A_297 : i32 to vector<16xi32>
        %and3A_299 = arith.andi %get3A_292, %and3A_298 : vector<16xi32>
        %bitcast3A_300 = vector.bitcast %and3A_299 : vector<16xi32> to vector<16xf32>
        %get3A_301 = arith.index_cast %rem3A_183 : i32 to index
        %get3A_302 = arith.index_cast %scan3A_263 : i32 to index
        %get3A_303 = arith.constant 32 : index
        %get3A_304 = tpu.vector_load %arg11[%get3A_301, %get3A_302, %get3A_303] {strides = array<i32>} : memref<2x80x128xf32, #tpu.memory_space<vmem>>, vector<16xf32>,
        %mul3A_305 = arith.mulf %get3A_304, %bitcast3A_296 : vector<16xf32>
        %swap3A_306 = arith.index_cast %rem3A_183 : i32 to index
        %swap3A_307 = arith.index_cast %scan3A_263 : i32 to index
        %swap3A_308 = arith.constant 32 : index
        %swap3A_309 = tpu.vector_load %arg11[%swap3A_306, %swap3A_307, %swap3A_308] {strides = array<i32>} : memref<2x80x128xf32, #tpu.memory_space<vmem>>, vector<16xf32>,
        tpu.vector_store %arg11[%swap3A_306, %swap3A_307, %swap3A_308], %mul3A_305 {strides = array<i32>} : memref<2x80x128xf32, #tpu.memory_space<vmem>>, vector<16xf32>,
        %get3A_310 = arith.index_cast %rem3A_183 : i32 to index
        %get3A_311 = arith.index_cast %scan3A_263 : i32 to index
        %get3A_312 = arith.constant 48 : index
        %get3A_313 = tpu.vector_load %arg11[%get3A_310, %get3A_311, %get3A_312] {strides = array<i32>} : memref<2x80x128xf32, #tpu.memory_space<vmem>>, vector<16xf32>,
        %mul3A_314 = arith.mulf %get3A_313, %bitcast3A_300 : vector<16xf32>
        %swap3A_315 = arith.index_cast %rem3A_183 : i32 to index
        %swap3A_316 = arith.index_cast %scan3A_263 : i32 to index
        %swap3A_317 = arith.constant 48 : index
        %swap3A_318 = tpu.vector_load %arg11[%swap3A_315, %swap3A_316, %swap3A_317] {strides = array<i32>} : memref<2x80x128xf32, #tpu.memory_space<vmem>>, vector<16xf32>,
        tpu.vector_store %arg11[%swap3A_315, %swap3A_316, %swap3A_317], %mul3A_314 {strides = array<i32>} : memref<2x80x128xf32, #tpu.memory_space<vmem>>, vector<16xf32>,
        %get3A_319 = arith.index_cast %rem3A_183 : i32 to index
        %get3A_320 = arith.index_cast %scan3A_263 : i32 to index
        %get3A_321 = arith.constant 32 : index
        %get3A_322 = tpu.vector_load %arg10[%get3A_319, %get3A_320, %get3A_321] {strides = array<i32>} : memref<2x80x64xi32, #tpu.memory_space<vmem>>, vector<16xi32>,
        %shift_left3A_323 = arith.constant 16 : i32
        %shift_left3A_324 = vector.broadcast %shift_left3A_323 : i32 to vector<16xi32>
        %shift_left3A_325 = arith.shli %get3A_322, %shift_left3A_324 : vector<16xi32>
        %bitcast3A_326 = vector.bitcast %shift_left3A_325 : vector<16xi32> to vector<16xf32>
        %and3A_327 = arith.constant -65536 : i32
        %and3A_328 = vector.broadcast %and3A_327 : i32 to vector<16xi32>
        %and3A_329 = arith.andi %get3A_322, %and3A_328 : vector<16xi32>
        %bitcast3A_330 = vector.bitcast %and3A_329 : vector<16xi32> to vector<16xf32>
        %get3A_331 = arith.index_cast %rem3A_183 : i32 to index
        %get3A_332 = arith.index_cast %scan3A_263 : i32 to index
        %get3A_333 = arith.constant 64 : index
        %get3A_334 = tpu.vector_load %arg11[%get3A_331, %get3A_332, %get3A_333] {strides = array<i32>} : memref<2x80x128xf32, #tpu.memory_space<vmem>>, vector<16xf32>,
        %mul3A_335 = arith.mulf %get3A_334, %bitcast3A_326 : vector<16xf32>
        %swap3A_336 = arith.index_cast %rem3A_183 : i32 to index
        %swap3A_337 = arith.index_cast %scan3A_263 : i32 to index
        %swap3A_338 = arith.constant 64 : index
        %swap3A_339 = tpu.vector_load %arg11[%swap3A_336, %swap3A_337, %swap3A_338] {strides = array<i32>} : memref<2x80x128xf32, #tpu.memory_space<vmem>>, vector<16xf32>,
        tpu.vector_store %arg11[%swap3A_336, %swap3A_337, %swap3A_338], %mul3A_335 {strides = array<i32>} : memref<2x80x128xf32, #tpu.memory_space<vmem>>, vector<16xf32>,
        %get3A_340 = arith.index_cast %rem3A_183 : i32 to index
        %get3A_341 = arith.index_cast %scan3A_263 : i32 to index
        %get3A_342 = arith.constant 80 : index
        %get3A_343 = tpu.vector_load %arg11[%get3A_340, %get3A_341, %get3A_342] {strides = array<i32>} : memref<2x80x128xf32, #tpu.memory_space<vmem>>, vector<16xf32>,
        %mul3A_344 = arith.mulf %get3A_343, %bitcast3A_330 : vector<16xf32>
        %swap3A_345 = arith.index_cast %rem3A_183 : i32 to index
        %swap3A_346 = arith.index_cast %scan3A_263 : i32 to index
        %swap3A_347 = arith.constant 80 : index
        %swap3A_348 = tpu.vector_load %arg11[%swap3A_345, %swap3A_346, %swap3A_347] {strides = array<i32>} : memref<2x80x128xf32, #tpu.memory_space<vmem>>, vector<16xf32>,
        tpu.vector_store %arg11[%swap3A_345, %swap3A_346, %swap3A_347], %mul3A_344 {strides = array<i32>} : memref<2x80x128xf32, #tpu.memory_space<vmem>>, vector<16xf32>,
        %get3A_349 = arith.index_cast %rem3A_183 : i32 to index
        %get3A_350 = arith.index_cast %scan3A_263 : i32 to index
        %get3A_351 = arith.constant 48 : index
        %get3A_352 = tpu.vector_load %arg10[%get3A_349, %get3A_350, %get3A_351] {strides = array<i32>} : memref<2x80x64xi32, #tpu.memory_space<vmem>>, vector<16xi32>,
        %shift_left3A_353 = arith.constant 16 : i32
        %shift_left3A_354 = vector.broadcast %shift_left3A_353 : i32 to vector<16xi32>
        %shift_left3A_355 = arith.shli %get3A_352, %shift_left3A_354 : vector<16xi32>
        %bitcast3A_356 = vector.bitcast %shift_left3A_355 : vector<16xi32> to vector<16xf32>
        %and3A_357 = arith.constant -65536 : i32
        %and3A_358 = vector.broadcast %and3A_357 : i32 to vector<16xi32>
        %and3A_359 = arith.andi %get3A_352, %and3A_358 : vector<16xi32>
        %bitcast3A_360 = vector.bitcast %and3A_359 : vector<16xi32> to vector<16xf32>
        %get3A_361 = arith.index_cast %rem3A_183 : i32 to index
        %get3A_362 = arith.index_cast %scan3A_263 : i32 to index
        %get3A_363 = arith.constant 96 : index
        %get3A_364 = tpu.vector_load %arg11[%get3A_361, %get3A_362, %get3A_363] {strides = array<i32>} : memref<2x80x128xf32, #tpu.memory_space<vmem>>, vector<16xf32>,
        %mul3A_365 = arith.mulf %get3A_364, %bitcast3A_356 : vector<16xf32>
        %swap3A_366 = arith.index_cast %rem3A_183 : i32 to index
        %swap3A_367 = arith.index_cast %scan3A_263 : i32 to index
        %swap3A_368 = arith.constant 96 : index
        %swap3A_369 = tpu.vector_load %arg11[%swap3A_366, %swap3A_367, %swap3A_368] {strides = array<i32>} : memref<2x80x128xf32, #tpu.memory_space<vmem>>, vector<16xf32>,
        tpu.vector_store %arg11[%swap3A_366, %swap3A_367, %swap3A_368], %mul3A_365 {strides = array<i32>} : memref<2x80x128xf32, #tpu.memory_space<vmem>>, vector<16xf32>,
        %get3A_370 = arith.index_cast %rem3A_183 : i32 to index
        %get3A_371 = arith.index_cast %scan3A_263 : i32 to index
        %get3A_372 = arith.constant 112 : index
        %get3A_373 = tpu.vector_load %arg11[%get3A_370, %get3A_371, %get3A_372] {strides = array<i32>} : memref<2x80x128xf32, #tpu.memory_space<vmem>>, vector<16xf32>,
        %mul3A_374 = arith.mulf %get3A_373, %bitcast3A_360 : vector<16xf32>
        %swap3A_375 = arith.index_cast %rem3A_183 : i32 to index
        %swap3A_376 = arith.index_cast %scan3A_263 : i32 to index
        %swap3A_377 = arith.constant 112 : index
        %swap3A_378 = tpu.vector_load %arg11[%swap3A_375, %swap3A_376, %swap3A_377] {strides = array<i32>} : memref<2x80x128xf32, #tpu.memory_space<vmem>>, vector<16xf32>,
        tpu.vector_store %arg11[%swap3A_375, %swap3A_376, %swap3A_377], %mul3A_374 {strides = array<i32>} : memref<2x80x128xf32, #tpu.memory_space<vmem>>, vector<16xf32>,
        %scan3A_379 = arith.constant 1 : i32
        %scan3A_380 = arith.addi %scan3A_263, %scan3A_379 : i32
        %get3A_381 = arith.index_cast %rem3A_183 : i32 to index
        %get3A_382 = arith.index_cast %scan3A_380 : i32 to index
        %get3A_383 = arith.constant 0 : index
        %get3A_384 = tpu.vector_load %arg10[%get3A_381, %get3A_382, %get3A_383] {strides = array<i32>} : memref<2x80x64xi32, #tpu.memory_space<vmem>>, vector<16xi32>,
        %shift_left3A_385 = arith.constant 16 : i32
        %shift_left3A_386 = vector.broadcast %shift_left3A_385 : i32 to vector<16xi32>
        %shift_left3A_387 = arith.shli %get3A_384, %shift_left3A_386 : vector<16xi32>
        %bitcast3A_388 = vector.bitcast %shift_left3A_387 : vector<16xi32> to vector<16xf32>
        %and3A_389 = arith.constant -65536 : i32
        %and3A_390 = vector.broadcast %and3A_389 : i32 to vector<16xi32>
        %and3A_391 = arith.andi %get3A_384, %and3A_390 : vector<16xi32>
        %bitcast3A_392 = vector.bitcast %and3A_391 : vector<16xi32> to vector<16xf32>
        %get3A_393 = arith.index_cast %rem3A_183 : i32 to index
        %get3A_394 = arith.index_cast %scan3A_380 : i32 to index
        %get3A_395 = arith.constant 0 : index
        %get3A_396 = tpu.vector_load %arg11[%get3A_393, %get3A_394, %get3A_395] {strides = array<i32>} : memref<2x80x128xf32, #tpu.memory_space<vmem>>, vector<16xf32>,
        %mul3A_397 = arith.mulf %get3A_396, %bitcast3A_388 : vector<16xf32>
        %swap3A_398 = arith.index_cast %rem3A_183 : i32 to index
        %swap3A_399 = arith.index_cast %scan3A_380 : i32 to index
        %swap3A_400 = arith.constant 0 : index
        %swap3A_401 = tpu.vector_load %arg11[%swap3A_398, %swap3A_399, %swap3A_400] {strides = array<i32>} : memref<2x80x128xf32, #tpu.memory_space<vmem>>, vector<16xf32>,
        tpu.vector_store %arg11[%swap3A_398, %swap3A_399, %swap3A_400], %mul3A_397 {strides = array<i32>} : memref<2x80x128xf32, #tpu.memory_space<vmem>>, vector<16xf32>,
        %get3A_402 = arith.index_cast %rem3A_183 : i32 to index
        %get3A_403 = arith.index_cast %scan3A_380 : i32 to index
        %get3A_404 = arith.constant 16 : index
        %get3A_405 = tpu.vector_load %arg11[%get3A_402, %get3A_403, %get3A_404] {strides = array<i32>} : memref<2x80x128xf32, #tpu.memory_space<vmem>>, vector<16xf32>,
        %mul3A_406 = arith.mulf %get3A_405, %bitcast3A_392 : vector<16xf32>
        %swap3A_407 = arith.index_cast %rem3A_183 : i32 to index
        %swap3A_408 = arith.index_cast %scan3A_380 : i32 to index
        %swap3A_409 = arith.constant 16 : index
        %swap3A_410 = tpu.vector_load %arg11[%swap3A_407, %swap3A_408, %swap3A_409] {strides = array<i32>} : memref<2x80x128xf32, #tpu.memory_space<vmem>>, vector<16xf32>,
        tpu.vector_store %arg11[%swap3A_407, %swap3A_408, %swap3A_409], %mul3A_406 {strides = array<i32>} : memref<2x80x128xf32, #tpu.memory_space<vmem>>, vector<16xf32>,
        %get3A_411 = arith.index_cast %rem3A_183 : i32 to index
        %get3A_412 = arith.index_cast %scan3A_380 : i32 to index
        %get3A_413 = arith.constant 16 : index
        %get3A_414 = tpu.vector_load %arg10[%get3A_411, %get3A_412, %get3A_413] {strides = array<i32>} : memref<2x80x64xi32, #tpu.memory_space<vmem>>, vector<16xi32>,
        %shift_left3A_415 = arith.constant 16 : i32
        %shift_left3A_416 = vector.broadcast %shift_left3A_415 : i32 to vector<16xi32>
        %shift_left3A_417 = arith.shli %get3A_414, %shift_left3A_416 : vector<16xi32>
        %bitcast3A_418 = vector.bitcast %shift_left3A_417 : vector<16xi32> to vector<16xf32>
        %and3A_419 = arith.constant -65536 : i32
        %and3A_420 = vector.broadcast %and3A_419 : i32 to vector<16xi32>
        %and3A_421 = arith.andi %get3A_414, %and3A_420 : vector<16xi32>
        %bitcast3A_422 = vector.bitcast %and3A_421 : vector<16xi32> to vector<16xf32>
        %get3A_423 = arith.index_cast %rem3A_183 : i32 to index
        %get3A_424 = arith.index_cast %scan3A_380 : i32 to index
        %get3A_425 = arith.constant 32 : index
        %get3A_426 = tpu.vector_load %arg11[%get3A_423, %get3A_424, %get3A_425] {strides = array<i32>} : memref<2x80x128xf32, #tpu.memory_space<vmem>>, vector<16xf32>,
        %mul3A_427 = arith.mulf %get3A_426, %bitcast3A_418 : vector<16xf32>
        %swap3A_428 = arith.index_cast %rem3A_183 : i32 to index
        %swap3A_429 = arith.index_cast %scan3A_380 : i32 to index
        %swap3A_430 = arith.constant 32 : index
        %swap3A_431 = tpu.vector_load %arg11[%swap3A_428, %swap3A_429, %swap3A_430] {strides = array<i32>} : memref<2x80x128xf32, #tpu.memory_space<vmem>>, vector<16xf32>,
        tpu.vector_store %arg11[%swap3A_428, %swap3A_429, %swap3A_430], %mul3A_427 {strides = array<i32>} : memref<2x80x128xf32, #tpu.memory_space<vmem>>, vector<16xf32>,
        %get3A_432 = arith.index_cast %rem3A_183 : i32 to index
        %get3A_433 = arith.index_cast %scan3A_380 : i32 to index
        %get3A_434 = arith.constant 48 : index
        %get3A_435 = tpu.vector_load %arg11[%get3A_432, %get3A_433, %get3A_434] {strides = array<i32>} : memref<2x80x128xf32, #tpu.memory_space<vmem>>, vector<16xf32>,
        %mul3A_436 = arith.mulf %get3A_435, %bitcast3A_422 : vector<16xf32>
        %swap3A_437 = arith.index_cast %rem3A_183 : i32 to index
        %swap3A_438 = arith.index_cast %scan3A_380 : i32 to index
        %swap3A_439 = arith.constant 48 : index
        %swap3A_440 = tpu.vector_load %arg11[%swap3A_437, %swap3A_438, %swap3A_439] {strides = array<i32>} : memref<2x80x128xf32, #tpu.memory_space<vmem>>, vector<16xf32>,
        tpu.vector_store %arg11[%swap3A_437, %swap3A_438, %swap3A_439], %mul3A_436 {strides = array<i32>} : memref<2x80x128xf32, #tpu.memory_space<vmem>>, vector<16xf32>,
        %get3A_441 = arith.index_cast %rem3A_183 : i32 to index
        %get3A_442 = arith.index_cast %scan3A_380 : i32 to index
        %get3A_443 = arith.constant 32 : index
        %get3A_444 = tpu.vector_load %arg10[%get3A_441, %get3A_442, %get3A_443] {strides = array<i32>} : memref<2x80x64xi32, #tpu.memory_space<vmem>>, vector<16xi32>,
        %shift_left3A_445 = arith.constant 16 : i32
        %shift_left3A_446 = vector.broadcast %shift_left3A_445 : i32 to vector<16xi32>
        %shift_left3A_447 = arith.shli %get3A_444, %shift_left3A_446 : vector<16xi32>
        %bitcast3A_448 = vector.bitcast %shift_left3A_447 : vector<16xi32> to vector<16xf32>
        %and3A_449 = arith.constant -65536 : i32
        %and3A_450 = vector.broadcast %and3A_449 : i32 to vector<16xi32>
        %and3A_451 = arith.andi %get3A_444, %and3A_450 : vector<16xi32>
        %bitcast3A_452 = vector.bitcast %and3A_451 : vector<16xi32> to vector<16xf32>
        %get3A_453 = arith.index_cast %rem3A_183 : i32 to index
        %get3A_454 = arith.index_cast %scan3A_380 : i32 to index
        %get3A_455 = arith.constant 64 : index
        %get3A_456 = tpu.vector_load %arg11[%get3A_453, %get3A_454, %get3A_455] {strides = array<i32>} : memref<2x80x128xf32, #tpu.memory_space<vmem>>, vector<16xf32>,
        %mul3A_457 = arith.mulf %get3A_456, %bitcast3A_448 : vector<16xf32>
        %swap3A_458 = arith.index_cast %rem3A_183 : i32 to index
        %swap3A_459 = arith.index_cast %scan3A_380 : i32 to index
        %swap3A_460 = arith.constant 64 : index
        %swap3A_461 = tpu.vector_load %arg11[%swap3A_458, %swap3A_459, %swap3A_460] {strides = array<i32>} : memref<2x80x128xf32, #tpu.memory_space<vmem>>, vector<16xf32>,
        tpu.vector_store %arg11[%swap3A_458, %swap3A_459, %swap3A_460], %mul3A_457 {strides = array<i32>} : memref<2x80x128xf32, #tpu.memory_space<vmem>>, vector<16xf32>,
        %get3A_462 = arith.index_cast %rem3A_183 : i32 to index
        %get3A_463 = arith.index_cast %scan3A_380 : i32 to index
        %get3A_464 = arith.constant 80 : index
        %get3A_465 = tpu.vector_load %arg11[%get3A_462, %get3A_463, %get3A_464] {strides = array<i32>} : memref<2x80x128xf32, #tpu.memory_space<vmem>>, vector<16xf32>,
        %mul3A_466 = arith.mulf %get3A_465, %bitcast3A_452 : vector<16xf32>
        %swap3A_467 = arith.index_cast %rem3A_183 : i32 to index
        %swap3A_468 = arith.index_cast %scan3A_380 : i32 to index
        %swap3A_469 = arith.constant 80 : index
        %swap3A_470 = tpu.vector_load %arg11[%swap3A_467, %swap3A_468, %swap3A_469] {strides = array<i32>} : memref<2x80x128xf32, #tpu.memory_space<vmem>>, vector<16xf32>,
        tpu.vector_store %arg11[%swap3A_467, %swap3A_468, %swap3A_469], %mul3A_466 {strides = array<i32>} : memref<2x80x128xf32, #tpu.memory_space<vmem>>, vector<16xf32>,
        %get3A_471 = arith.index_cast %rem3A_183 : i32 to index
        %get3A_472 = arith.index_cast %scan3A_380 : i32 to index
        %get3A_473 = arith.constant 48 : index
        %get3A_474 = tpu.vector_load %arg10[%get3A_471, %get3A_472, %get3A_473] {strides = array<i32>} : memref<2x80x64xi32, #tpu.memory_space<vmem>>, vector<16xi32>,
        %shift_left3A_475 = arith.constant 16 : i32
        %shift_left3A_476 = vector.broadcast %shift_left3A_475 : i32 to vector<16xi32>
        %shift_left3A_477 = arith.shli %get3A_474, %shift_left3A_476 : vector<16xi32>
        %bitcast3A_478 = vector.bitcast %shift_left3A_477 : vector<16xi32> to vector<16xf32>
        %and3A_479 = arith.constant -65536 : i32
        %and3A_480 = vector.broadcast %and3A_479 : i32 to vector<16xi32>
        %and3A_481 = arith.andi %get3A_474, %and3A_480 : vector<16xi32>
        %bitcast3A_482 = vector.bitcast %and3A_481 : vector<16xi32> to vector<16xf32>
        %get3A_483 = arith.index_cast %rem3A_183 : i32 to index
        %get3A_484 = arith.index_cast %scan3A_380 : i32 to index
        %get3A_485 = arith.constant 96 : index
        %get3A_486 = tpu.vector_load %arg11[%get3A_483, %get3A_484, %get3A_485] {strides = array<i32>} : memref<2x80x128xf32, #tpu.memory_space<vmem>>, vector<16xf32>,
        %mul3A_487 = arith.mulf %get3A_486, %bitcast3A_478 : vector<16xf32>
        %swap3A_488 = arith.index_cast %rem3A_183 : i32 to index
        %swap3A_489 = arith.index_cast %scan3A_380 : i32 to index
        %swap3A_490 = arith.constant 96 : index
        %swap3A_491 = tpu.vector_load %arg11[%swap3A_488, %swap3A_489, %swap3A_490] {strides = array<i32>} : memref<2x80x128xf32, #tpu.memory_space<vmem>>, vector<16xf32>,
        tpu.vector_store %arg11[%swap3A_488, %swap3A_489, %swap3A_490], %mul3A_487 {strides = array<i32>} : memref<2x80x128xf32, #tpu.memory_space<vmem>>, vector<16xf32>,
        %get3A_492 = arith.index_cast %rem3A_183 : i32 to index
        %get3A_493 = arith.index_cast %scan3A_380 : i32 to index
        %get3A_494 = arith.constant 112 : index
        %get3A_495 = tpu.vector_load %arg11[%get3A_492, %get3A_493, %get3A_494] {strides = array<i32>} : memref<2x80x128xf32, #tpu.memory_space<vmem>>, vector<16xf32>,
        %mul3A_496 = arith.mulf %get3A_495, %bitcast3A_482 : vector<16xf32>
        %swap3A_497 = arith.index_cast %rem3A_183 : i32 to index
        %swap3A_498 = arith.index_cast %scan3A_380 : i32 to index
        %swap3A_499 = arith.constant 112 : index
        %swap3A_500 = tpu.vector_load %arg11[%swap3A_497, %swap3A_498, %swap3A_499] {strides = array<i32>} : memref<2x80x128xf32, #tpu.memory_space<vmem>>, vector<16xf32>,
        tpu.vector_store %arg11[%swap3A_497, %swap3A_498, %swap3A_499], %mul3A_496 {strides = array<i32>} : memref<2x80x128xf32, #tpu.memory_space<vmem>>, vector<16xf32>,
      }
      %scan3A_242 = arith.constant 80 : i32
      %dma_start3A_243 = arith.constant 1 : i32
      %dma_start3A_244 = arith.constant 0 : i32
      %dma_start3A_245 = arith.constant 0 : i32
      %dma_start3A_246 = tpu.memref_slice %arg11[%rem3A_183, %dma_start3A_244, %dma_start3A_245] : memref<2x80x128xf32, #tpu.memory_space<vmem>> -> memref<1x80x128xf32, #tpu.memory_space<vmem>>
      %dma_start3A_247 = tpu.memref_squeeze %dma_start3A_246 : memref<1x80x128xf32, #tpu.memory_space<vmem>> -> memref<80x128xf32, #tpu.memory_space<vmem>>
      %dma_start3A_248 = arith.constant 0 : i32
      %dma_start3A_249 = tpu.memref_slice %arg9[%rem3A_189, %dma_start3A_243, %dma_start3A_248] : memref<3x2x80xi32, #tpu.memory_space<vmem>> -> memref<1x1x80xi32, #tpu.memory_space<vmem>>
      %dma_start3A_250 = tpu.memref_squeeze %dma_start3A_249 : memref<1x1x80xi32, #tpu.memory_space<vmem>> -> memref<80xi32, #tpu.memory_space<vmem>>
      %dma_start3A_251 = arith.constant 0 : i32
      %dma_start3A_252 = arith.constant 0 : i32
      %dma_start3A_253 = tpu.memref_slice %arg8[%dma_start3A_251, %dma_start3A_252] : memref<10000x128xf32, #tpu.memory_space<vmem_shared>> -> memref<10000x128xf32, #tpu.memory_space<vmem_shared>>
      %dma_start3A_254 = tpu.memref_slice %arg15[%rem3A_183] : memref<2x!tpu.dma_semaphore, #tpu.memory_space<semaphore_mem>> -> memref<1x!tpu.dma_semaphore, #tpu.memory_space<semaphore_mem>>
      %dma_start3A_255 = tpu.memref_squeeze %dma_start3A_254 : memref<1x!tpu.dma_semaphore, #tpu.memory_space<semaphore_mem>> -> memref<!tpu.dma_semaphore, #tpu.memory_space<semaphore_mem>>
      tpu.enqueue_indirect_dma source(%dma_start3A_247 : memref<80x128xf32, #tpu.memory_space<vmem>>) target(%dma_start3A_253 : memref<10000x128xf32, #tpu.memory_space<vmem_shared>>) offsets(%dma_start3A_250 : memref<80xi32, #tpu.memory_space<vmem>>) semaphore(%dma_start3A_255 : memref<!tpu.dma_semaphore, #tpu.memory_space<semaphore_mem>>) {add = true}
      %add3A_256 = arith.constant 2 : i32
      %add3A_257 = arith.addi %scan3A_182, %add3A_256 : i32
      %lt3A_258 = arith.constant 55 : i32
      %lt3A_259 = arith.cmpi slt, %add3A_257, %lt3A_258 : i32
      %convert_element_type3A_260 = arith.extui %lt3A_259 : i1 to i32
      %cond3A_261 = arith.constant 0 : i32
      %cond3A_262 = arith.cmpi ne, %convert_element_type3A_260, %cond3A_261 : i32
      scf.if %cond3A_262 {
        %add3A_263 = arith.constant 2 : i32
        %add3A_264 = arith.addi %scan3A_182, %add3A_263 : i32
        %mul3A_265 = arith.constant 80 : i32
        %mul3A_266 = arith.muli %add3A_264, %mul3A_265 : i32
        %add3A_267 = arith.addi %add3A_12, %mul3A_266 : i32
        %dma_start3A_268 = arith.constant 0 : i32
        %dma_start3A_269 = arith.constant 0 : i32
        %dma_start3A_270 = tpu.memref_slice %arg9[%rem3A_197, %dma_start3A_268, %dma_start3A_269] : memref<3x2x80xi32, #tpu.memory_space<vmem>> -> memref<1x1x80xi32, #tpu.memory_space<vmem>>
        %dma_start3A_271 = tpu.memref_squeeze %dma_start3A_270 : memref<1x1x80xi32, #tpu.memory_space<vmem>> -> memref<80xi32, #tpu.memory_space<vmem>>
        %dma_start3A_272 = tpu.memref_slice %arg4[%add3A_267] : memref<320000xi32, #tpu.memory_space<hbm>> -> memref<80xi32, #tpu.memory_space<hbm>>
        %dma_start3A_273 = tpu.memref_slice %arg12[%rem3A_197] : memref<3x!tpu.dma_semaphore, #tpu.memory_space<semaphore_mem>> -> memref<1x!tpu.dma_semaphore, #tpu.memory_space<semaphore_mem>>
        %dma_start3A_274 = tpu.memref_squeeze %dma_start3A_273 : memref<1x!tpu.dma_semaphore, #tpu.memory_space<semaphore_mem>> -> memref<!tpu.dma_semaphore, #tpu.memory_space<semaphore_mem>>
        %dma_start3A_275 = arith.constant 0 : i32
        %dma_start3A_276 = tpu.memref_slice %arg9[%rem3A_197, %dma_start3A_268, %dma_start3A_275] : memref<3x2x80xi32, #tpu.memory_space<vmem>> -> memref<1x1x80xi32, #tpu.memory_space<vmem>>
        %dma_start3A_277 = tpu.memref_squeeze %dma_start3A_276 : memref<1x1x80xi32, #tpu.memory_space<vmem>> -> memref<80xi32, #tpu.memory_space<vmem>>
        %dma_start3A_278 = tpu.memref_slice %arg4[%add3A_267] : memref<320000xi32, #tpu.memory_space<hbm>> -> memref<80xi32, #tpu.memory_space<hbm>>
        tpu.enqueue_dma source(%dma_start3A_278 : memref<80xi32, #tpu.memory_space<hbm>>) target(%dma_start3A_277 : memref<80xi32, #tpu.memory_space<vmem>>) target_semaphore(%dma_start3A_274 : memref<!tpu.dma_semaphore, #tpu.memory_space<semaphore_mem>>)
        %dma_start3A_279 = arith.constant 1 : i32
        %dma_start3A_280 = arith.constant 0 : i32
        %dma_start3A_281 = tpu.memref_slice %arg9[%rem3A_197, %dma_start3A_279, %dma_start3A_280] : memref<3x2x80xi32, #tpu.memory_space<vmem>> -> memref<1x1x80xi32, #tpu.memory_space<vmem>>
        %dma_start3A_282 = tpu.memref_squeeze %dma_start3A_281 : memref<1x1x80xi32, #tpu.memory_space<vmem>> -> memref<80xi32, #tpu.memory_space<vmem>>
        %dma_start3A_283 = tpu.memref_slice %arg5[%add3A_267] : memref<320000xi32, #tpu.memory_space<hbm>> -> memref<80xi32, #tpu.memory_space<hbm>>
        %dma_start3A_284 = tpu.memref_slice %arg12[%rem3A_197] : memref<3x!tpu.dma_semaphore, #tpu.memory_space<semaphore_mem>> -> memref<1x!tpu.dma_semaphore, #tpu.memory_space<semaphore_mem>>
        %dma_start3A_285 = tpu.memref_squeeze %dma_start3A_284 : memref<1x!tpu.dma_semaphore, #tpu.memory_space<semaphore_mem>> -> memref<!tpu.dma_semaphore, #tpu.memory_space<semaphore_mem>>
        %dma_start3A_286 = arith.constant 0 : i32
        %dma_start3A_287 = tpu.memref_slice %arg9[%rem3A_197, %dma_start3A_279, %dma_start3A_286] : memref<3x2x80xi32, #tpu.memory_space<vmem>> -> memref<1x1x80xi32, #tpu.memory_space<vmem>>
        %dma_start3A_288 = tpu.memref_squeeze %dma_start3A_287 : memref<1x1x80xi32, #tpu.memory_space<vmem>> -> memref<80xi32, #tpu.memory_space<vmem>>
        %dma_start3A_289 = tpu.memref_slice %arg5[%add3A_267] : memref<320000xi32, #tpu.memory_space<hbm>> -> memref<80xi32, #tpu.memory_space<hbm>>
        tpu.enqueue_dma source(%dma_start3A_289 : memref<80xi32, #tpu.memory_space<hbm>>) target(%dma_start3A_288 : memref<80xi32, #tpu.memory_space<vmem>>) target_semaphore(%dma_start3A_285 : memref<!tpu.dma_semaphore, #tpu.memory_space<semaphore_mem>>)
        %add3A_290 = arith.constant 2 : i32
        %add3A_291 = arith.addi %scan3A_182, %add3A_290 : i32
        %mul3A_292 = arith.constant 80 : i32
        %mul3A_293 = arith.muli %add3A_291, %mul3A_292 : i32
        %add3A_294 = arith.addi %mul3A_17, %mul3A_293 : i32
        %dma_start3A_295 = arith.constant 0 : i32
        %dma_start3A_296 = arith.constant 0 : i32
        %dma_start3A_297 = tpu.memref_slice %arg10[%rem3A_183, %dma_start3A_295, %dma_start3A_296] : memref<2x80x64xi32, #tpu.memory_space<vmem>> -> memref<1x80x64xi32, #tpu.memory_space<vmem>>
        %dma_start3A_298 = tpu.memref_squeeze %dma_start3A_297 : memref<1x80x64xi32, #tpu.memory_space<vmem>> -> memref<80x64xi32, #tpu.memory_space<vmem>>
        %dma_start3A_299 = arith.constant 0 : i32
        %dma_start3A_300 = tpu.memref_slice %arg3[%add3A_294, %dma_start3A_299] : memref<140800x64xi32, #tpu.memory_space<hbm>> -> memref<80x64xi32, #tpu.memory_space<hbm>>
        %dma_start3A_301 = tpu.memref_slice %arg13[%rem3A_183] : memref<2x!tpu.dma_semaphore, #tpu.memory_space<semaphore_mem>> -> memref<1x!tpu.dma_semaphore, #tpu.memory_space<semaphore_mem>>
        %dma_start3A_302 = tpu.memref_squeeze %dma_start3A_301 : memref<1x!tpu.dma_semaphore, #tpu.memory_space<semaphore_mem>> -> memref<!tpu.dma_semaphore, #tpu.memory_space<semaphore_mem>>
        %dma_start3A_303 = arith.constant 0 : i32
        %dma_start3A_304 = arith.constant 0 : i32
        %dma_start3A_305 = tpu.memref_slice %arg10[%rem3A_183, %dma_start3A_303, %dma_start3A_304] : memref<2x80x64xi32, #tpu.memory_space<vmem>> -> memref<1x80x64xi32, #tpu.memory_space<vmem>>
        %dma_start3A_306 = tpu.memref_squeeze %dma_start3A_305 : memref<1x80x64xi32, #tpu.memory_space<vmem>> -> memref<80x64xi32, #tpu.memory_space<vmem>>
        %dma_start3A_307 = arith.constant 0 : i32
        %dma_start3A_308 = tpu.memref_slice %arg3[%add3A_294, %dma_start3A_307] : memref<140800x64xi32, #tpu.memory_space<hbm>> -> memref<80x64xi32, #tpu.memory_space<hbm>>
        tpu.enqueue_dma source(%dma_start3A_308 : memref<80x64xi32, #tpu.memory_space<hbm>>) target(%dma_start3A_306 : memref<80x64xi32, #tpu.memory_space<vmem>>) target_semaphore(%dma_start3A_302 : memref<!tpu.dma_semaphore, #tpu.memory_space<semaphore_mem>>)
      } else {
      }
    }
    %scan3A_154 = arith.constant 55 : i32
    %dma_wait3A_155 = arith.constant 0 : i32
    %dma_wait3A_156 = arith.constant 0 : i32
    %dma_wait3A_157 = arith.constant 1 : i32
    %dma_wait3A_158 = arith.constant 0 : i32
    %dma_wait3A_159 = arith.constant 0 : i32
    %dma_wait3A_160 = arith.constant 0 : i32
    %dma_wait3A_161 = tpu.memref_slice %arg11[%dma_wait3A_155, %dma_wait3A_159, %dma_wait3A_160] : memref<2x80x128xf32, #tpu.memory_space<vmem>> -> memref<1x80x128xf32, #tpu.memory_space<vmem>>
    %dma_wait3A_162 = tpu.memref_squeeze %dma_wait3A_161 : memref<1x80x128xf32, #tpu.memory_space<vmem>> -> memref<80x128xf32, #tpu.memory_space<vmem>>
    %dma_wait3A_163 = arith.constant 0 : i32
    %dma_wait3A_164 = tpu.memref_slice %arg9[%dma_wait3A_156, %dma_wait3A_157, %dma_wait3A_163] : memref<3x2x80xi32, #tpu.memory_space<vmem>> -> memref<1x1x80xi32, #tpu.memory_space<vmem>>
    %dma_wait3A_165 = tpu.memref_squeeze %dma_wait3A_164 : memref<1x1x80xi32, #tpu.memory_space<vmem>> -> memref<80xi32, #tpu.memory_space<vmem>>
    %dma_wait3A_166 = arith.constant 0 : i32
    %dma_wait3A_167 = arith.constant 0 : i32
    %dma_wait3A_168 = tpu.memref_slice %arg8[%dma_wait3A_166, %dma_wait3A_167] : memref<10000x128xf32, #tpu.memory_space<vmem_shared>> -> memref<10000x128xf32, #tpu.memory_space<vmem_shared>>
    %dma_wait3A_169 = tpu.memref_slice %arg15[%dma_wait3A_158] : memref<2x!tpu.dma_semaphore, #tpu.memory_space<semaphore_mem>> -> memref<1x!tpu.dma_semaphore, #tpu.memory_space<semaphore_mem>>
    %dma_wait3A_170 = tpu.memref_squeeze %dma_wait3A_169 : memref<1x!tpu.dma_semaphore, #tpu.memory_space<semaphore_mem>> -> memref<!tpu.dma_semaphore, #tpu.memory_space<semaphore_mem>>
    tpu.wait_indirect_dma semaphore(%dma_wait3A_170 : memref<!tpu.dma_semaphore, #tpu.memory_space<semaphore_mem>>) src(%dma_wait3A_162 : memref<80x128xf32, #tpu.memory_space<vmem>>) dst(%dma_wait3A_168 : memref<10000x128xf32, #tpu.memory_space<vmem_shared>>)
    %barrier3A_171 = arith.constant 0 : index
    tpu.barrier barrier_id(%barrier3A_171)
    %lt3A_172 = arith.constant 15 : i32
    %lt3A_173 = arith.cmpi slt, %arg1, %lt3A_172 : i32
    %convert_element_type3A_174 = arith.extui %lt3A_173 : i1 to i32
    %cond3A_175 = arith.constant 0 : i32
    %cond3A_176 = arith.cmpi ne, %convert_element_type3A_174, %cond3A_175 : i32
    scf.if %cond3A_176 {
      "tpu.region"() ({
        %run_scoped3A = tpu.sem_alloc : memref<!tpu.dma_semaphore, #tpu.memory_space<semaphore_mem>>
        %dma_start3A_182 = arith.constant 0 : i32
        %dma_start3A_183 = tpu.memref_slice %arg7[%arg0, %mul3A_0, %dma_start3A_182] : memref<2x10000x128xf32, #tpu.memory_space<hbm>> -> memref<1x640x128xf32, #tpu.memory_space<hbm>>
        %dma_start3A_184 = tpu.memref_squeeze %dma_start3A_183 : memref<1x640x128xf32, #tpu.memory_space<hbm>> -> memref<640x128xf32, #tpu.memory_space<hbm>>
        %dma_start3A_185 = arith.constant 0 : i32
        %dma_start3A_186 = tpu.memref_slice %arg8[%mul3A_0, %dma_start3A_185] : memref<10000x128xf32, #tpu.memory_space<vmem_shared>> -> memref<640x128xf32, #tpu.memory_space<vmem_shared>>
        tpu.enqueue_dma source(%dma_start3A_186 : memref<640x128xf32, #tpu.memory_space<vmem_shared>>) target(%dma_start3A_184 : memref<640x128xf32, #tpu.memory_space<hbm>>) target_semaphore(%run_scoped3A : memref<!tpu.dma_semaphore, #tpu.memory_space<semaphore_mem>>)
        %dma_wait3A_187 = arith.constant 0 : i32
        %dma_wait3A_188 = tpu.memref_slice %arg7[%arg0, %mul3A_0, %dma_wait3A_187] : memref<2x10000x128xf32, #tpu.memory_space<hbm>> -> memref<1x640x128xf32, #tpu.memory_space<hbm>>
        %dma_wait3A_189 = tpu.memref_squeeze %dma_wait3A_188 : memref<1x640x128xf32, #tpu.memory_space<hbm>> -> memref<640x128xf32, #tpu.memory_space<hbm>>
        %dma_wait3A_190 = arith.constant 0 : i32
        %dma_wait3A_191 = tpu.memref_slice %arg8[%mul3A_0, %dma_wait3A_190] : memref<10000x128xf32, #tpu.memory_space<vmem_shared>> -> memref<640x128xf32, #tpu.memory_space<vmem_shared>>
        tpu.wait_dma2 semaphore(%run_scoped3A : memref<!tpu.dma_semaphore, #tpu.memory_space<semaphore_mem>>) src(%dma_wait3A_191 : memref<640x128xf32, #tpu.memory_space<vmem_shared>>) dst(%dma_wait3A_189 : memref<640x128xf32, #tpu.memory_space<hbm>>)
        tpu.yield
      }) : () -> ()
    } else {
    }
    %eq3A_177 = arith.constant 15 : i32
    %eq3A_178 = arith.cmpi eq, %arg1, %eq3A_177 : i32
    %convert_element_type3A_179 = arith.extui %eq3A_178 : i1 to i32
    %cond3A_180 = arith.constant 0 : i32
    %cond3A_181 = arith.cmpi ne, %convert_element_type3A_179, %cond3A_180 : i32
    scf.if %cond3A_181 {
      "tpu.region"() ({
        %run_scoped3A = tpu.sem_alloc : memref<!tpu.dma_semaphore, #tpu.memory_space<semaphore_mem>>
        %dma_start3A_182 = arith.constant 9600 : i32
        %dma_start3A_183 = arith.constant 0 : i32
        %dma_start3A_184 = tpu.memref_slice %arg7[%arg0, %dma_start3A_182, %dma_start3A_183] : memref<2x10000x128xf32, #tpu.memory_space<hbm>> -> memref<1x400x128xf32, #tpu.memory_space<hbm>>
        %dma_start3A_185 = tpu.memref_squeeze %dma_start3A_184 : memref<1x400x128xf32, #tpu.memory_space<hbm>> -> memref<400x128xf32, #tpu.memory_space<hbm>>
        %dma_start3A_186 = arith.constant 9600 : i32
        %dma_start3A_187 = arith.constant 0 : i32
        %dma_start3A_188 = tpu.memref_slice %arg8[%dma_start3A_186, %dma_start3A_187] : memref<10000x128xf32, #tpu.memory_space<vmem_shared>> -> memref<400x128xf32, #tpu.memory_space<vmem_shared>>
        tpu.enqueue_dma source(%dma_start3A_188 : memref<400x128xf32, #tpu.memory_space<vmem_shared>>) target(%dma_start3A_185 : memref<400x128xf32, #tpu.memory_space<hbm>>) target_semaphore(%run_scoped3A : memref<!tpu.dma_semaphore, #tpu.memory_space<semaphore_mem>>)
        %dma_wait3A_189 = arith.constant 9600 : i32
        %dma_wait3A_190 = arith.constant 0 : i32
        %dma_wait3A_191 = tpu.memref_slice %arg7[%arg0, %dma_wait3A_189, %dma_wait3A_190] : memref<2x10000x128xf32, #tpu.memory_space<hbm>> -> memref<1x400x128xf32, #tpu.memory_space<hbm>>
        %dma_wait3A_192 = tpu.memref_squeeze %dma_wait3A_191 : memref<1x400x128xf32, #tpu.memory_space<hbm>> -> memref<400x128xf32, #tpu.memory_space<hbm>>
        %dma_wait3A_193 = arith.constant 9600 : i32
        %dma_wait3A_194 = arith.constant 0 : i32
        %dma_wait3A_195 = tpu.memref_slice %arg8[%dma_wait3A_193, %dma_wait3A_194] : memref<10000x128xf32, #tpu.memory_space<vmem_shared>> -> memref<400x128xf32, #tpu.memory_space<vmem_shared>>
        tpu.wait_dma2 semaphore(%run_scoped3A : memref<!tpu.dma_semaphore, #tpu.memory_space<semaphore_mem>>) src(%dma_wait3A_195 : memref<400x128xf32, #tpu.memory_space<vmem_shared>>) dst(%dma_wait3A_192 : memref<400x128xf32, #tpu.memory_space<hbm>>)
        tpu.yield
      }) : () -> ()
    } else {
    }
    return
  }
}

#map = affine_map<(d0, d1) -> (0, 0)>
#map1 = affine_map<(d0, d1) -> (0)>
#map2 = affine_map<(d0, d1) -> (0, 0, 0)>
module attributes {stable_mosaic.version = 14 : i64} {
  func.func @sc_scatter(%arg0: i32, %arg1: i32, %arg2: memref<10000x128xf32, #tpu.memory_space<hbm>>, %arg3: memref<64000x64xi32, #tpu.memory_space<hbm>>, %arg4: memref<320000xi32, #tpu.memory_space<hbm>>, %arg5: memref<320000xi32, #tpu.memory_space<hbm>>, %arg6: memref<10000x128xf32, #tpu.memory_space<hbm>>, %arg7: memref<2x10000x128xf32, #tpu.memory_space<hbm>>, %arg8: memref<10000x128xf32, #tpu.memory_space<vmem_shared>>, %arg9: memref<3x2x80xi32, #tpu.memory_space<vmem>>, %arg10: memref<2x80x64xi32, #tpu.memory_space<vmem>>, %arg11: memref<2x80x128xf32, #tpu.memory_space<vmem>>, %arg12: memref<3x!tpu.dma_semaphore, #tpu.memory_space<semaphore_mem>>, %arg13: memref<2x!tpu.dma_semaphore, #tpu.memory_space<semaphore_mem>>, %arg14: memref<2x!tpu.dma_semaphore, #tpu.memory_space<semaphore_mem>>, %arg15: memref<2x!tpu.dma_semaphore, #tpu.memory_space<semaphore_mem>>) attributes {dimension_semantics = [#tpu.dimension_semantics<core_parallel>, #tpu.dimension_semantics<subcore_parallel>], iteration_bounds = array<i64: 2, 16>, scalar_prefetch = 0 : i64, scratch_operands = 8 : i64, tpu.core_type = #tpu.core_type<sc_vector_subcore>, window_params = [{transform_indices = #map}, {transform_indices = #map}, {transform_indices = #map1}, {transform_indices = #map1}, {transform_indices = #map}, {transform_indices = #map2}]} {
    %mul3A = arith.constant 640 : i32
    %mul3A_0 = arith.muli %arg1, %mul3A : i32
    %lt3A = arith.constant 15 : i32
    %lt3A_1 = arith.cmpi slt, %arg1, %lt3A : i32
    %convert_element_type3A = arith.extui %lt3A_1 : i1 to i32
    %cond3A = arith.constant 0 : i32
    %cond3A_2 = arith.cmpi ne, %convert_element_type3A, %cond3A : i32
    scf.if %cond3A_2 {
      "tpu.region"() ({
        %run_scoped3A = tpu.sem_alloc : memref<!tpu.dma_semaphore, #tpu.memory_space<semaphore_mem>>
        %dma_start3A_182 = arith.constant 0 : i32
        %dma_start3A_183 = tpu.memref_slice %arg8[%mul3A_0, %dma_start3A_182] : memref<10000x128xf32, #tpu.memory_space<vmem_shared>> -> memref<640x128xf32, #tpu.memory_space<vmem_shared>>
        %dma_start3A_184 = arith.constant 0 : i32
        %dma_start3A_185 = tpu.memref_slice %arg6[%mul3A_0, %dma_start3A_184] : memref<10000x128xf32, #tpu.memory_space<hbm>> -> memref<640x128xf32, #tpu.memory_space<hbm>>
        tpu.enqueue_dma source(%dma_start3A_185 : memref<640x128xf32, #tpu.memory_space<hbm>>) target(%dma_start3A_183 : memref<640x128xf32, #tpu.memory_space<vmem_shared>>) target_semaphore(%run_scoped3A : memref<!tpu.dma_semaphore, #tpu.memory_space<semaphore_mem>>)
        %dma_wait3A_186 = arith.constant 0 : i32
        %dma_wait3A_187 = tpu.memref_slice %arg8[%mul3A_0, %dma_wait3A_186] : memref<10000x128xf32, #tpu.memory_space<vmem_shared>> -> memref<640x128xf32, #tpu.memory_space<vmem_shared>>
        %dma_wait3A_188 = arith.constant 0 : i32
        %dma_wait3A_189 = tpu.memref_slice %arg6[%mul3A_0, %dma_wait3A_188] : memref<10000x128xf32, #tpu.memory_space<hbm>> -> memref<640x128xf32, #tpu.memory_space<hbm>>
        tpu.wait_dma2 semaphore(%run_scoped3A : memref<!tpu.dma_semaphore, #tpu.memory_space<semaphore_mem>>) src(%dma_wait3A_189 : memref<640x128xf32, #tpu.memory_space<hbm>>) dst(%dma_wait3A_187 : memref<640x128xf32, #tpu.memory_space<vmem_shared>>)
        tpu.yield
      }) : () -> ()
    } else {
    }
    %eq3A = arith.constant 15 : i32
    %eq3A_3 = arith.cmpi eq, %arg1, %eq3A : i32
    %convert_element_type3A_4 = arith.extui %eq3A_3 : i1 to i32
    %cond3A_5 = arith.constant 0 : i32
    %cond3A_6 = arith.cmpi ne, %convert_element_type3A_4, %cond3A_5 : i32
    scf.if %cond3A_6 {
      "tpu.region"() ({
        %run_scoped3A = tpu.sem_alloc : memref<!tpu.dma_semaphore, #tpu.memory_space<semaphore_mem>>
        %dma_start3A_182 = arith.constant 9600 : i32
        %dma_start3A_183 = arith.constant 0 : i32
        %dma_start3A_184 = tpu.memref_slice %arg8[%dma_start3A_182, %dma_start3A_183] : memref<10000x128xf32, #tpu.memory_space<vmem_shared>> -> memref<400x128xf32, #tpu.memory_space<vmem_shared>>
        %dma_start3A_185 = arith.constant 9600 : i32
        %dma_start3A_186 = arith.constant 0 : i32
        %dma_start3A_187 = tpu.memref_slice %arg6[%dma_start3A_185, %dma_start3A_186] : memref<10000x128xf32, #tpu.memory_space<hbm>> -> memref<400x128xf32, #tpu.memory_space<hbm>>
        tpu.enqueue_dma source(%dma_start3A_187 : memref<400x128xf32, #tpu.memory_space<hbm>>) target(%dma_start3A_184 : memref<400x128xf32, #tpu.memory_space<vmem_shared>>) target_semaphore(%run_scoped3A : memref<!tpu.dma_semaphore, #tpu.memory_space<semaphore_mem>>)
        %dma_wait3A_188 = arith.constant 9600 : i32
        %dma_wait3A_189 = arith.constant 0 : i32
        %dma_wait3A_190 = tpu.memref_slice %arg8[%dma_wait3A_188, %dma_wait3A_189] : memref<10000x128xf32, #tpu.memory_space<vmem_shared>> -> memref<400x128xf32, #tpu.memory_space<vmem_shared>>
        %dma_wait3A_191 = arith.constant 9600 : i32
        %dma_wait3A_192 = arith.constant 0 : i32
        %dma_wait3A_193 = tpu.memref_slice %arg6[%dma_wait3A_191, %dma_wait3A_192] : memref<10000x128xf32, #tpu.memory_space<hbm>> -> memref<400x128xf32, #tpu.memory_space<hbm>>
        tpu.wait_dma2 semaphore(%run_scoped3A : memref<!tpu.dma_semaphore, #tpu.memory_space<semaphore_mem>>) src(%dma_wait3A_193 : memref<400x128xf32, #tpu.memory_space<hbm>>) dst(%dma_wait3A_190 : memref<400x128xf32, #tpu.memory_space<vmem_shared>>)
        tpu.yield
      }) : () -> ()
    } else {
    }
    %barrier3A = arith.constant 0 : index
    tpu.barrier barrier_id(%barrier3A)
    %mul3A_7 = arith.constant 16 : i32
    %mul3A_8 = arith.muli %arg0, %mul3A_7 : i32
    %add3A = arith.addi %mul3A_8, %arg1 : i32
    %mul3A_9 = arith.constant 2000 : i32
    %mul3A_10 = arith.muli %add3A, %mul3A_9 : i32
    %add3A_11 = arith.constant 0 : i32
    %add3A_12 = arith.addi %add3A_11, %mul3A_10 : i32
    %mul3A_13 = arith.constant 16 : i32
    %mul3A_14 = arith.muli %arg0, %mul3A_13 : i32
    %add3A_15 = arith.addi %mul3A_14, %arg1 : i32
    %mul3A_16 = arith.constant 2000 : i32
    %mul3A_17 = arith.muli %add3A_15, %mul3A_16 : i32
    %add3A_18 = arith.constant 0 : i32
    %add3A_19 = arith.addi %add3A_12, %add3A_18 : i32
    %dma_start3A = arith.constant 0 : i32
    %dma_start3A_20 = arith.constant 0 : i32
    %dma_start3A_21 = arith.constant 0 : i32
    %dma_start3A_22 = arith.constant 0 : i32
    %dma_start3A_23 = tpu.memref_slice %arg9[%dma_start3A, %dma_start3A_20, %dma_start3A_22] : memref<3x2x80xi32, #tpu.memory_space<vmem>> -> memref<1x1x80xi32, #tpu.memory_space<vmem>>
    %dma_start3A_24 = tpu.memref_squeeze %dma_start3A_23 : memref<1x1x80xi32, #tpu.memory_space<vmem>> -> memref<80xi32, #tpu.memory_space<vmem>>
    %dma_start3A_25 = tpu.memref_slice %arg4[%add3A_19] : memref<320000xi32, #tpu.memory_space<hbm>> -> memref<80xi32, #tpu.memory_space<hbm>>
    %dma_start3A_26 = tpu.memref_slice %arg12[%dma_start3A_21] : memref<3x!tpu.dma_semaphore, #tpu.memory_space<semaphore_mem>> -> memref<1x!tpu.dma_semaphore, #tpu.memory_space<semaphore_mem>>
    %dma_start3A_27 = tpu.memref_squeeze %dma_start3A_26 : memref<1x!tpu.dma_semaphore, #tpu.memory_space<semaphore_mem>> -> memref<!tpu.dma_semaphore, #tpu.memory_space<semaphore_mem>>
    %dma_start3A_28 = arith.constant 0 : i32
    %dma_start3A_29 = tpu.memref_slice %arg9[%dma_start3A, %dma_start3A_20, %dma_start3A_28] : memref<3x2x80xi32, #tpu.memory_space<vmem>> -> memref<1x1x80xi32, #tpu.memory_space<vmem>>
    %dma_start3A_30 = tpu.memref_squeeze %dma_start3A_29 : memref<1x1x80xi32, #tpu.memory_space<vmem>> -> memref<80xi32, #tpu.memory_space<vmem>>
    %dma_start3A_31 = tpu.memref_slice %arg4[%add3A_19] : memref<320000xi32, #tpu.memory_space<hbm>> -> memref<80xi32, #tpu.memory_space<hbm>>
    tpu.enqueue_dma source(%dma_start3A_31 : memref<80xi32, #tpu.memory_space<hbm>>) target(%dma_start3A_30 : memref<80xi32, #tpu.memory_space<vmem>>) target_semaphore(%dma_start3A_27 : memref<!tpu.dma_semaphore, #tpu.memory_space<semaphore_mem>>)
    %dma_start3A_32 = arith.constant 0 : i32
    %dma_start3A_33 = arith.constant 1 : i32
    %dma_start3A_34 = arith.constant 0 : i32
    %dma_start3A_35 = arith.constant 0 : i32
    %dma_start3A_36 = tpu.memref_slice %arg9[%dma_start3A_32, %dma_start3A_33, %dma_start3A_35] : memref<3x2x80xi32, #tpu.memory_space<vmem>> -> memref<1x1x80xi32, #tpu.memory_space<vmem>>
    %dma_start3A_37 = tpu.memref_squeeze %dma_start3A_36 : memref<1x1x80xi32, #tpu.memory_space<vmem>> -> memref<80xi32, #tpu.memory_space<vmem>>
    %dma_start3A_38 = tpu.memref_slice %arg5[%add3A_19] : memref<320000xi32, #tpu.memory_space<hbm>> -> memref<80xi32, #tpu.memory_space<hbm>>
    %dma_start3A_39 = tpu.memref_slice %arg12[%dma_start3A_34] : memref<3x!tpu.dma_semaphore, #tpu.memory_space<semaphore_mem>> -> memref<1x!tpu.dma_semaphore, #tpu.memory_space<semaphore_mem>>
    %dma_start3A_40 = tpu.memref_squeeze %dma_start3A_39 : memref<1x!tpu.dma_semaphore, #tpu.memory_space<semaphore_mem>> -> memref<!tpu.dma_semaphore, #tpu.memory_space<semaphore_mem>>
    %dma_start3A_41 = arith.constant 0 : i32
    %dma_start3A_42 = tpu.memref_slice %arg9[%dma_start3A_32, %dma_start3A_33, %dma_start3A_41] : memref<3x2x80xi32, #tpu.memory_space<vmem>> -> memref<1x1x80xi32, #tpu.memory_space<vmem>>
    %dma_start3A_43 = tpu.memref_squeeze %dma_start3A_42 : memref<1x1x80xi32, #tpu.memory_space<vmem>> -> memref<80xi32, #tpu.memory_space<vmem>>
    %dma_start3A_44 = tpu.memref_slice %arg5[%add3A_19] : memref<320000xi32, #tpu.memory_space<hbm>> -> memref<80xi32, #tpu.memory_space<hbm>>
    tpu.enqueue_dma source(%dma_start3A_44 : memref<80xi32, #tpu.memory_space<hbm>>) target(%dma_start3A_43 : memref<80xi32, #tpu.memory_space<vmem>>) target_semaphore(%dma_start3A_40 : memref<!tpu.dma_semaphore, #tpu.memory_space<semaphore_mem>>)
    %add3A_45 = arith.constant 0 : i32
    %add3A_46 = arith.addi %mul3A_17, %add3A_45 : i32
    %dma_start3A_47 = arith.constant 0 : i32
    %dma_start3A_48 = arith.constant 0 : i32
    %dma_start3A_49 = arith.constant 0 : i32
    %dma_start3A_50 = arith.constant 0 : i32
    %dma_start3A_51 = tpu.memref_slice %arg10[%dma_start3A_47, %dma_start3A_49, %dma_start3A_50] : memref<2x80x64xi32, #tpu.memory_space<vmem>> -> memref<1x80x64xi32, #tpu.memory_space<vmem>>
    %dma_start3A_52 = tpu.memref_squeeze %dma_start3A_51 : memref<1x80x64xi32, #tpu.memory_space<vmem>> -> memref<80x64xi32, #tpu.memory_space<vmem>>
    %dma_start3A_53 = arith.constant 0 : i32
    %dma_start3A_54 = tpu.memref_slice %arg3[%add3A_46, %dma_start3A_53] : memref<64000x64xi32, #tpu.memory_space<hbm>> -> memref<80x64xi32, #tpu.memory_space<hbm>>
    %dma_start3A_55 = tpu.memref_slice %arg13[%dma_start3A_48] : memref<2x!tpu.dma_semaphore, #tpu.memory_space<semaphore_mem>> -> memref<1x!tpu.dma_semaphore, #tpu.memory_space<semaphore_mem>>
    %dma_start3A_56 = tpu.memref_squeeze %dma_start3A_55 : memref<1x!tpu.dma_semaphore, #tpu.memory_space<semaphore_mem>> -> memref<!tpu.dma_semaphore, #tpu.memory_space<semaphore_mem>>
    %dma_start3A_57 = arith.constant 0 : i32
    %dma_start3A_58 = arith.constant 0 : i32
    %dma_start3A_59 = tpu.memref_slice %arg10[%dma_start3A_47, %dma_start3A_57, %dma_start3A_58] : memref<2x80x64xi32, #tpu.memory_space<vmem>> -> memref<1x80x64xi32, #tpu.memory_space<vmem>>
    %dma_start3A_60 = tpu.memref_squeeze %dma_start3A_59 : memref<1x80x64xi32, #tpu.memory_space<vmem>> -> memref<80x64xi32, #tpu.memory_space<vmem>>
    %dma_start3A_61 = arith.constant 0 : i32
    %dma_start3A_62 = tpu.memref_slice %arg3[%add3A_46, %dma_start3A_61] : memref<64000x64xi32, #tpu.memory_space<hbm>> -> memref<80x64xi32, #tpu.memory_space<hbm>>
    tpu.enqueue_dma source(%dma_start3A_62 : memref<80x64xi32, #tpu.memory_space<hbm>>) target(%dma_start3A_60 : memref<80x64xi32, #tpu.memory_space<vmem>>) target_semaphore(%dma_start3A_56 : memref<!tpu.dma_semaphore, #tpu.memory_space<semaphore_mem>>)
    %add3A_63 = arith.constant 80 : i32
    %add3A_64 = arith.addi %add3A_12, %add3A_63 : i32
    %dma_start3A_65 = arith.constant 1 : i32
    %dma_start3A_66 = arith.constant 0 : i32
    %dma_start3A_67 = arith.constant 1 : i32
    %dma_start3A_68 = arith.constant 0 : i32
    %dma_start3A_69 = tpu.memref_slice %arg9[%dma_start3A_65, %dma_start3A_66, %dma_start3A_68] : memref<3x2x80xi32, #tpu.memory_space<vmem>> -> memref<1x1x80xi32, #tpu.memory_space<vmem>>
    %dma_start3A_70 = tpu.memref_squeeze %dma_start3A_69 : memref<1x1x80xi32, #tpu.memory_space<vmem>> -> memref<80xi32, #tpu.memory_space<vmem>>
    %dma_start3A_71 = tpu.memref_slice %arg4[%add3A_64] : memref<320000xi32, #tpu.memory_space<hbm>> -> memref<80xi32, #tpu.memory_space<hbm>>
    %dma_start3A_72 = tpu.memref_slice %arg12[%dma_start3A_67] : memref<3x!tpu.dma_semaphore, #tpu.memory_space<semaphore_mem>> -> memref<1x!tpu.dma_semaphore, #tpu.memory_space<semaphore_mem>>
    %dma_start3A_73 = tpu.memref_squeeze %dma_start3A_72 : memref<1x!tpu.dma_semaphore, #tpu.memory_space<semaphore_mem>> -> memref<!tpu.dma_semaphore, #tpu.memory_space<semaphore_mem>>
    %dma_start3A_74 = arith.constant 0 : i32
    %dma_start3A_75 = tpu.memref_slice %arg9[%dma_start3A_65, %dma_start3A_66, %dma_start3A_74] : memref<3x2x80xi32, #tpu.memory_space<vmem>> -> memref<1x1x80xi32, #tpu.memory_space<vmem>>
    %dma_start3A_76 = tpu.memref_squeeze %dma_start3A_75 : memref<1x1x80xi32, #tpu.memory_space<vmem>> -> memref<80xi32, #tpu.memory_space<vmem>>
    %dma_start3A_77 = tpu.memref_slice %arg4[%add3A_64] : memref<320000xi32, #tpu.memory_space<hbm>> -> memref<80xi32, #tpu.memory_space<hbm>>
    tpu.enqueue_dma source(%dma_start3A_77 : memref<80xi32, #tpu.memory_space<hbm>>) target(%dma_start3A_76 : memref<80xi32, #tpu.memory_space<vmem>>) target_semaphore(%dma_start3A_73 : memref<!tpu.dma_semaphore, #tpu.memory_space<semaphore_mem>>)
    %dma_start3A_78 = arith.constant 1 : i32
    %dma_start3A_79 = arith.constant 1 : i32
    %dma_start3A_80 = arith.constant 1 : i32
    %dma_start3A_81 = arith.constant 0 : i32
    %dma_start3A_82 = tpu.memref_slice %arg9[%dma_start3A_78, %dma_start3A_79, %dma_start3A_81] : memref<3x2x80xi32, #tpu.memory_space<vmem>> -> memref<1x1x80xi32, #tpu.memory_space<vmem>>
    %dma_start3A_83 = tpu.memref_squeeze %dma_start3A_82 : memref<1x1x80xi32, #tpu.memory_space<vmem>> -> memref<80xi32, #tpu.memory_space<vmem>>
    %dma_start3A_84 = tpu.memref_slice %arg5[%add3A_64] : memref<320000xi32, #tpu.memory_space<hbm>> -> memref<80xi32, #tpu.memory_space<hbm>>
    %dma_start3A_85 = tpu.memref_slice %arg12[%dma_start3A_80] : memref<3x!tpu.dma_semaphore, #tpu.memory_space<semaphore_mem>> -> memref<1x!tpu.dma_semaphore, #tpu.memory_space<semaphore_mem>>
    %dma_start3A_86 = tpu.memref_squeeze %dma_start3A_85 : memref<1x!tpu.dma_semaphore, #tpu.memory_space<semaphore_mem>> -> memref<!tpu.dma_semaphore, #tpu.memory_space<semaphore_mem>>
    %dma_start3A_87 = arith.constant 0 : i32
    %dma_start3A_88 = tpu.memref_slice %arg9[%dma_start3A_78, %dma_start3A_79, %dma_start3A_87] : memref<3x2x80xi32, #tpu.memory_space<vmem>> -> memref<1x1x80xi32, #tpu.memory_space<vmem>>
    %dma_start3A_89 = tpu.memref_squeeze %dma_start3A_88 : memref<1x1x80xi32, #tpu.memory_space<vmem>> -> memref<80xi32, #tpu.memory_space<vmem>>
    %dma_start3A_90 = tpu.memref_slice %arg5[%add3A_64] : memref<320000xi32, #tpu.memory_space<hbm>> -> memref<80xi32, #tpu.memory_space<hbm>>
    tpu.enqueue_dma source(%dma_start3A_90 : memref<80xi32, #tpu.memory_space<hbm>>) target(%dma_start3A_89 : memref<80xi32, #tpu.memory_space<vmem>>) target_semaphore(%dma_start3A_86 : memref<!tpu.dma_semaphore, #tpu.memory_space<semaphore_mem>>)
    %add3A_91 = arith.constant 80 : i32
    %add3A_92 = arith.addi %mul3A_17, %add3A_91 : i32
    %dma_start3A_93 = arith.constant 1 : i32
    %dma_start3A_94 = arith.constant 1 : i32
    %dma_start3A_95 = arith.constant 0 : i32
    %dma_start3A_96 = arith.constant 0 : i32
    %dma_start3A_97 = tpu.memref_slice %arg10[%dma_start3A_93, %dma_start3A_95, %dma_start3A_96] : memref<2x80x64xi32, #tpu.memory_space<vmem>> -> memref<1x80x64xi32, #tpu.memory_space<vmem>>
    %dma_start3A_98 = tpu.memref_squeeze %dma_start3A_97 : memref<1x80x64xi32, #tpu.memory_space<vmem>> -> memref<80x64xi32, #tpu.memory_space<vmem>>
    %dma_start3A_99 = arith.constant 0 : i32
    %dma_start3A_100 = tpu.memref_slice %arg3[%add3A_92, %dma_start3A_99] : memref<64000x64xi32, #tpu.memory_space<hbm>> -> memref<80x64xi32, #tpu.memory_space<hbm>>
    %dma_start3A_101 = tpu.memref_slice %arg13[%dma_start3A_94] : memref<2x!tpu.dma_semaphore, #tpu.memory_space<semaphore_mem>> -> memref<1x!tpu.dma_semaphore, #tpu.memory_space<semaphore_mem>>
    %dma_start3A_102 = tpu.memref_squeeze %dma_start3A_101 : memref<1x!tpu.dma_semaphore, #tpu.memory_space<semaphore_mem>> -> memref<!tpu.dma_semaphore, #tpu.memory_space<semaphore_mem>>
    %dma_start3A_103 = arith.constant 0 : i32
    %dma_start3A_104 = arith.constant 0 : i32
    %dma_start3A_105 = tpu.memref_slice %arg10[%dma_start3A_93, %dma_start3A_103, %dma_start3A_104] : memref<2x80x64xi32, #tpu.memory_space<vmem>> -> memref<1x80x64xi32, #tpu.memory_space<vmem>>
    %dma_start3A_106 = tpu.memref_squeeze %dma_start3A_105 : memref<1x80x64xi32, #tpu.memory_space<vmem>> -> memref<80x64xi32, #tpu.memory_space<vmem>>
    %dma_start3A_107 = arith.constant 0 : i32
    %dma_start3A_108 = tpu.memref_slice %arg3[%add3A_92, %dma_start3A_107] : memref<64000x64xi32, #tpu.memory_space<hbm>> -> memref<80x64xi32, #tpu.memory_space<hbm>>
    tpu.enqueue_dma source(%dma_start3A_108 : memref<80x64xi32, #tpu.memory_space<hbm>>) target(%dma_start3A_106 : memref<80x64xi32, #tpu.memory_space<vmem>>) target_semaphore(%dma_start3A_102 : memref<!tpu.dma_semaphore, #tpu.memory_space<semaphore_mem>>)
    %dma_wait3A = arith.constant 0 : i32
    %dma_wait3A_109 = arith.constant 0 : i32
    %dma_wait3A_110 = arith.constant 0 : i32
    %dma_wait3A_111 = arith.constant 0 : i32
    %dma_wait3A_112 = tpu.memref_slice %arg9[%dma_wait3A, %dma_wait3A_109, %dma_wait3A_111] : memref<3x2x80xi32, #tpu.memory_space<vmem>> -> memref<1x1x80xi32, #tpu.memory_space<vmem>>
    %dma_wait3A_113 = tpu.memref_squeeze %dma_wait3A_112 : memref<1x1x80xi32, #tpu.memory_space<vmem>> -> memref<80xi32, #tpu.memory_space<vmem>>
    %dma_wait3A_114 = tpu.memref_slice %arg4[%add3A_12] : memref<320000xi32, #tpu.memory_space<hbm>> -> memref<80xi32, #tpu.memory_space<hbm>>
    %dma_wait3A_115 = tpu.memref_slice %arg12[%dma_wait3A_110] : memref<3x!tpu.dma_semaphore, #tpu.memory_space<semaphore_mem>> -> memref<1x!tpu.dma_semaphore, #tpu.memory_space<semaphore_mem>>
    %dma_wait3A_116 = tpu.memref_squeeze %dma_wait3A_115 : memref<1x!tpu.dma_semaphore, #tpu.memory_space<semaphore_mem>> -> memref<!tpu.dma_semaphore, #tpu.memory_space<semaphore_mem>>
    %dma_wait3A_117 = arith.constant 0 : i32
    %dma_wait3A_118 = tpu.memref_slice %arg9[%dma_wait3A, %dma_wait3A_109, %dma_wait3A_117] : memref<3x2x80xi32, #tpu.memory_space<vmem>> -> memref<1x1x80xi32, #tpu.memory_space<vmem>>
    %dma_wait3A_119 = tpu.memref_squeeze %dma_wait3A_118 : memref<1x1x80xi32, #tpu.memory_space<vmem>> -> memref<80xi32, #tpu.memory_space<vmem>>
    %dma_wait3A_120 = tpu.memref_slice %arg4[%add3A_12] : memref<320000xi32, #tpu.memory_space<hbm>> -> memref<80xi32, #tpu.memory_space<hbm>>
    tpu.wait_dma2 semaphore(%dma_wait3A_116 : memref<!tpu.dma_semaphore, #tpu.memory_space<semaphore_mem>>) src(%dma_wait3A_120 : memref<80xi32, #tpu.memory_space<hbm>>) dst(%dma_wait3A_119 : memref<80xi32, #tpu.memory_space<vmem>>)
    %dma_wait3A_121 = arith.constant 0 : i32
    %dma_wait3A_122 = arith.constant 1 : i32
    %dma_wait3A_123 = arith.constant 0 : i32
    %dma_wait3A_124 = arith.constant 0 : i32
    %dma_wait3A_125 = tpu.memref_slice %arg9[%dma_wait3A_121, %dma_wait3A_122, %dma_wait3A_124] : memref<3x2x80xi32, #tpu.memory_space<vmem>> -> memref<1x1x80xi32, #tpu.memory_space<vmem>>
    %dma_wait3A_126 = tpu.memref_squeeze %dma_wait3A_125 : memref<1x1x80xi32, #tpu.memory_space<vmem>> -> memref<80xi32, #tpu.memory_space<vmem>>
    %dma_wait3A_127 = tpu.memref_slice %arg5[%add3A_12] : memref<320000xi32, #tpu.memory_space<hbm>> -> memref<80xi32, #tpu.memory_space<hbm>>
    %dma_wait3A_128 = tpu.memref_slice %arg12[%dma_wait3A_123] : memref<3x!tpu.dma_semaphore, #tpu.memory_space<semaphore_mem>> -> memref<1x!tpu.dma_semaphore, #tpu.memory_space<semaphore_mem>>
    %dma_wait3A_129 = tpu.memref_squeeze %dma_wait3A_128 : memref<1x!tpu.dma_semaphore, #tpu.memory_space<semaphore_mem>> -> memref<!tpu.dma_semaphore, #tpu.memory_space<semaphore_mem>>
    %dma_wait3A_130 = arith.constant 0 : i32
    %dma_wait3A_131 = tpu.memref_slice %arg9[%dma_wait3A_121, %dma_wait3A_122, %dma_wait3A_130] : memref<3x2x80xi32, #tpu.memory_space<vmem>> -> memref<1x1x80xi32, #tpu.memory_space<vmem>>
    %dma_wait3A_132 = tpu.memref_squeeze %dma_wait3A_131 : memref<1x1x80xi32, #tpu.memory_space<vmem>> -> memref<80xi32, #tpu.memory_space<vmem>>
    %dma_wait3A_133 = tpu.memref_slice %arg5[%add3A_12] : memref<320000xi32, #tpu.memory_space<hbm>> -> memref<80xi32, #tpu.memory_space<hbm>>
    tpu.wait_dma2 semaphore(%dma_wait3A_129 : memref<!tpu.dma_semaphore, #tpu.memory_space<semaphore_mem>>) src(%dma_wait3A_133 : memref<80xi32, #tpu.memory_space<hbm>>) dst(%dma_wait3A_132 : memref<80xi32, #tpu.memory_space<vmem>>)
    %dma_start3A_134 = arith.constant 0 : i32
    %dma_start3A_135 = arith.constant 0 : i32
    %dma_start3A_136 = arith.constant 0 : i32
    %dma_start3A_137 = arith.constant 0 : i32
    %dma_start3A_138 = arith.constant 0 : i32
    %dma_start3A_139 = arith.constant 0 : i32
    %dma_start3A_140 = tpu.memref_slice %arg11[%dma_start3A_136, %dma_start3A_138, %dma_start3A_139] : memref<2x80x128xf32, #tpu.memory_space<vmem>> -> memref<1x80x128xf32, #tpu.memory_space<vmem>>
    %dma_start3A_141 = tpu.memref_squeeze %dma_start3A_140 : memref<1x80x128xf32, #tpu.memory_space<vmem>> -> memref<80x128xf32, #tpu.memory_space<vmem>>
    %dma_start3A_142 = arith.constant 0 : i32
    %dma_start3A_143 = tpu.memref_slice %arg9[%dma_start3A_134, %dma_start3A_135, %dma_start3A_142] : memref<3x2x80xi32, #tpu.memory_space<vmem>> -> memref<1x1x80xi32, #tpu.memory_space<vmem>>
    %dma_start3A_144 = tpu.memref_squeeze %dma_start3A_143 : memref<1x1x80xi32, #tpu.memory_space<vmem>> -> memref<80xi32, #tpu.memory_space<vmem>>
    %dma_start3A_145 = arith.constant 0 : i32
    %dma_start3A_146 = arith.constant 0 : i32
    %dma_start3A_147 = tpu.memref_slice %arg2[%dma_start3A_145, %dma_start3A_146] : memref<10000x128xf32, #tpu.memory_space<hbm>> -> memref<10000x128xf32, #tpu.memory_space<hbm>>
    %dma_start3A_148 = tpu.memref_slice %arg14[%dma_start3A_137] : memref<2x!tpu.dma_semaphore, #tpu.memory_space<semaphore_mem>> -> memref<1x!tpu.dma_semaphore, #tpu.memory_space<semaphore_mem>>
    %dma_start3A_149 = tpu.memref_squeeze %dma_start3A_148 : memref<1x!tpu.dma_semaphore, #tpu.memory_space<semaphore_mem>> -> memref<!tpu.dma_semaphore, #tpu.memory_space<semaphore_mem>>
    tpu.enqueue_indirect_dma source(%dma_start3A_147 : memref<10000x128xf32, #tpu.memory_space<hbm>>) target(%dma_start3A_141 : memref<80x128xf32, #tpu.memory_space<vmem>>) offsets(%dma_start3A_144 : memref<80xi32, #tpu.memory_space<vmem>>) semaphore(%dma_start3A_149 : memref<!tpu.dma_semaphore, #tpu.memory_space<semaphore_mem>>)
    %scan3A = arith.constant 0 : i32
    %scan3A_150 = arith.constant 0 : i32
    %scan3A_151 = arith.constant 25 : i32
    %scan3A_152 = arith.addi %scan3A_150, %scan3A_151 : i32
    %scan3A_153 = arith.constant 1 : i32
    scf.for %scan3A_182 = %scan3A_150 to %scan3A_152 step %scan3A_153  : i32 {
      %rem3A = arith.constant 2 : i32
      %rem3A_183 = arith.remsi %scan3A_182, %rem3A : i32
      %add3A_184 = arith.constant 1 : i32
      %add3A_185 = arith.addi %scan3A_182, %add3A_184 : i32
      %rem3A_186 = arith.constant 2 : i32
      %rem3A_187 = arith.remsi %add3A_185, %rem3A_186 : i32
      %rem3A_188 = arith.constant 3 : i32
      %rem3A_189 = arith.remsi %scan3A_182, %rem3A_188 : i32
      %add3A_190 = arith.constant 1 : i32
      %add3A_191 = arith.addi %scan3A_182, %add3A_190 : i32
      %rem3A_192 = arith.constant 3 : i32
      %rem3A_193 = arith.remsi %add3A_191, %rem3A_192 : i32
      %add3A_194 = arith.constant 2 : i32
      %add3A_195 = arith.addi %scan3A_182, %add3A_194 : i32
      %rem3A_196 = arith.constant 3 : i32
      %rem3A_197 = arith.remsi %add3A_195, %rem3A_196 : i32
      %ge3A = arith.constant 1 : i32
      %ge3A_198 = arith.cmpi sge, %scan3A_182, %ge3A : i32
      %convert_element_type3A_199 = arith.extui %ge3A_198 : i1 to i32
      %cond3A_200 = arith.constant 0 : i32
      %cond3A_201 = arith.cmpi ne, %convert_element_type3A_199, %cond3A_200 : i32
      scf.if %cond3A_201 {
        %dma_wait3A_263 = arith.constant 0 : i32
        %dma_wait3A_264 = arith.constant 1 : i32
        %dma_wait3A_265 = arith.constant 0 : i32
        %dma_wait3A_266 = arith.constant 0 : i32
        %dma_wait3A_267 = tpu.memref_slice %arg11[%rem3A_187, %dma_wait3A_265, %dma_wait3A_266] : memref<2x80x128xf32, #tpu.memory_space<vmem>> -> memref<1x80x128xf32, #tpu.memory_space<vmem>>
        %dma_wait3A_268 = tpu.memref_squeeze %dma_wait3A_267 : memref<1x80x128xf32, #tpu.memory_space<vmem>> -> memref<80x128xf32, #tpu.memory_space<vmem>>
        %dma_wait3A_269 = arith.constant 0 : i32
        %dma_wait3A_270 = tpu.memref_slice %arg9[%dma_wait3A_263, %dma_wait3A_264, %dma_wait3A_269] : memref<3x2x80xi32, #tpu.memory_space<vmem>> -> memref<1x1x80xi32, #tpu.memory_space<vmem>>
        %dma_wait3A_271 = tpu.memref_squeeze %dma_wait3A_270 : memref<1x1x80xi32, #tpu.memory_space<vmem>> -> memref<80xi32, #tpu.memory_space<vmem>>
        %dma_wait3A_272 = arith.constant 0 : i32
        %dma_wait3A_273 = arith.constant 0 : i32
        %dma_wait3A_274 = tpu.memref_slice %arg8[%dma_wait3A_272, %dma_wait3A_273] : memref<10000x128xf32, #tpu.memory_space<vmem_shared>> -> memref<10000x128xf32, #tpu.memory_space<vmem_shared>>
        %dma_wait3A_275 = tpu.memref_slice %arg15[%rem3A_187] : memref<2x!tpu.dma_semaphore, #tpu.memory_space<semaphore_mem>> -> memref<1x!tpu.dma_semaphore, #tpu.memory_space<semaphore_mem>>
        %dma_wait3A_276 = tpu.memref_squeeze %dma_wait3A_275 : memref<1x!tpu.dma_semaphore, #tpu.memory_space<semaphore_mem>> -> memref<!tpu.dma_semaphore, #tpu.memory_space<semaphore_mem>>
        tpu.wait_indirect_dma semaphore(%dma_wait3A_276 : memref<!tpu.dma_semaphore, #tpu.memory_space<semaphore_mem>>) src(%dma_wait3A_268 : memref<80x128xf32, #tpu.memory_space<vmem>>) dst(%dma_wait3A_274 : memref<10000x128xf32, #tpu.memory_space<vmem_shared>>)
      } else {
      }
      %add3A_202 = arith.constant 1 : i32
      %add3A_203 = arith.addi %scan3A_182, %add3A_202 : i32
      %lt3A_204 = arith.constant 25 : i32
      %lt3A_205 = arith.cmpi slt, %add3A_203, %lt3A_204 : i32
      %convert_element_type3A_206 = arith.extui %lt3A_205 : i1 to i32
      %cond3A_207 = arith.constant 0 : i32
      %cond3A_208 = arith.cmpi ne, %convert_element_type3A_206, %cond3A_207 : i32
      scf.if %cond3A_208 {
        %dma_wait3A_263 = arith.constant 0 : i32
        %dma_wait3A_264 = arith.constant 0 : i32
        %dma_wait3A_265 = tpu.memref_slice %arg9[%rem3A_193, %dma_wait3A_263, %dma_wait3A_264] : memref<3x2x80xi32, #tpu.memory_space<vmem>> -> memref<1x1x80xi32, #tpu.memory_space<vmem>>
        %dma_wait3A_266 = tpu.memref_squeeze %dma_wait3A_265 : memref<1x1x80xi32, #tpu.memory_space<vmem>> -> memref<80xi32, #tpu.memory_space<vmem>>
        %dma_wait3A_267 = tpu.memref_slice %arg4[%add3A_12] : memref<320000xi32, #tpu.memory_space<hbm>> -> memref<80xi32, #tpu.memory_space<hbm>>
        %dma_wait3A_268 = tpu.memref_slice %arg12[%rem3A_193] : memref<3x!tpu.dma_semaphore, #tpu.memory_space<semaphore_mem>> -> memref<1x!tpu.dma_semaphore, #tpu.memory_space<semaphore_mem>>
        %dma_wait3A_269 = tpu.memref_squeeze %dma_wait3A_268 : memref<1x!tpu.dma_semaphore, #tpu.memory_space<semaphore_mem>> -> memref<!tpu.dma_semaphore, #tpu.memory_space<semaphore_mem>>
        %dma_wait3A_270 = arith.constant 0 : i32
        %dma_wait3A_271 = tpu.memref_slice %arg9[%rem3A_193, %dma_wait3A_263, %dma_wait3A_270] : memref<3x2x80xi32, #tpu.memory_space<vmem>> -> memref<1x1x80xi32, #tpu.memory_space<vmem>>
        %dma_wait3A_272 = tpu.memref_squeeze %dma_wait3A_271 : memref<1x1x80xi32, #tpu.memory_space<vmem>> -> memref<80xi32, #tpu.memory_space<vmem>>
        %dma_wait3A_273 = tpu.memref_slice %arg4[%add3A_12] : memref<320000xi32, #tpu.memory_space<hbm>> -> memref<80xi32, #tpu.memory_space<hbm>>
        tpu.wait_dma2 semaphore(%dma_wait3A_269 : memref<!tpu.dma_semaphore, #tpu.memory_space<semaphore_mem>>) src(%dma_wait3A_273 : memref<80xi32, #tpu.memory_space<hbm>>) dst(%dma_wait3A_272 : memref<80xi32, #tpu.memory_space<vmem>>)
        %dma_wait3A_274 = arith.constant 1 : i32
        %dma_wait3A_275 = arith.constant 0 : i32
        %dma_wait3A_276 = tpu.memref_slice %arg9[%rem3A_193, %dma_wait3A_274, %dma_wait3A_275] : memref<3x2x80xi32, #tpu.memory_space<vmem>> -> memref<1x1x80xi32, #tpu.memory_space<vmem>>
        %dma_wait3A_277 = tpu.memref_squeeze %dma_wait3A_276 : memref<1x1x80xi32, #tpu.memory_space<vmem>> -> memref<80xi32, #tpu.memory_space<vmem>>
        %dma_wait3A_278 = tpu.memref_slice %arg5[%add3A_12] : memref<320000xi32, #tpu.memory_space<hbm>> -> memref<80xi32, #tpu.memory_space<hbm>>
        %dma_wait3A_279 = tpu.memref_slice %arg12[%rem3A_193] : memref<3x!tpu.dma_semaphore, #tpu.memory_space<semaphore_mem>> -> memref<1x!tpu.dma_semaphore, #tpu.memory_space<semaphore_mem>>
        %dma_wait3A_280 = tpu.memref_squeeze %dma_wait3A_279 : memref<1x!tpu.dma_semaphore, #tpu.memory_space<semaphore_mem>> -> memref<!tpu.dma_semaphore, #tpu.memory_space<semaphore_mem>>
        %dma_wait3A_281 = arith.constant 0 : i32
        %dma_wait3A_282 = tpu.memref_slice %arg9[%rem3A_193, %dma_wait3A_274, %dma_wait3A_281] : memref<3x2x80xi32, #tpu.memory_space<vmem>> -> memref<1x1x80xi32, #tpu.memory_space<vmem>>
        %dma_wait3A_283 = tpu.memref_squeeze %dma_wait3A_282 : memref<1x1x80xi32, #tpu.memory_space<vmem>> -> memref<80xi32, #tpu.memory_space<vmem>>
        %dma_wait3A_284 = tpu.memref_slice %arg5[%add3A_12] : memref<320000xi32, #tpu.memory_space<hbm>> -> memref<80xi32, #tpu.memory_space<hbm>>
        tpu.wait_dma2 semaphore(%dma_wait3A_280 : memref<!tpu.dma_semaphore, #tpu.memory_space<semaphore_mem>>) src(%dma_wait3A_284 : memref<80xi32, #tpu.memory_space<hbm>>) dst(%dma_wait3A_283 : memref<80xi32, #tpu.memory_space<vmem>>)
        %dma_start3A_285 = arith.constant 0 : i32
        %dma_start3A_286 = arith.constant 0 : i32
        %dma_start3A_287 = arith.constant 0 : i32
        %dma_start3A_288 = tpu.memref_slice %arg11[%rem3A_187, %dma_start3A_286, %dma_start3A_287] : memref<2x80x128xf32, #tpu.memory_space<vmem>> -> memref<1x80x128xf32, #tpu.memory_space<vmem>>
        %dma_start3A_289 = tpu.memref_squeeze %dma_start3A_288 : memref<1x80x128xf32, #tpu.memory_space<vmem>> -> memref<80x128xf32, #tpu.memory_space<vmem>>
        %dma_start3A_290 = arith.constant 0 : i32
        %dma_start3A_291 = tpu.memref_slice %arg9[%rem3A_193, %dma_start3A_285, %dma_start3A_290] : memref<3x2x80xi32, #tpu.memory_space<vmem>> -> memref<1x1x80xi32, #tpu.memory_space<vmem>>
        %dma_start3A_292 = tpu.memref_squeeze %dma_start3A_291 : memref<1x1x80xi32, #tpu.memory_space<vmem>> -> memref<80xi32, #tpu.memory_space<vmem>>
        %dma_start3A_293 = arith.constant 0 : i32
        %dma_start3A_294 = arith.constant 0 : i32
        %dma_start3A_295 = tpu.memref_slice %arg2[%dma_start3A_293, %dma_start3A_294] : memref<10000x128xf32, #tpu.memory_space<hbm>> -> memref<10000x128xf32, #tpu.memory_space<hbm>>
        %dma_start3A_296 = tpu.memref_slice %arg14[%rem3A_187] : memref<2x!tpu.dma_semaphore, #tpu.memory_space<semaphore_mem>> -> memref<1x!tpu.dma_semaphore, #tpu.memory_space<semaphore_mem>>
        %dma_start3A_297 = tpu.memref_squeeze %dma_start3A_296 : memref<1x!tpu.dma_semaphore, #tpu.memory_space<semaphore_mem>> -> memref<!tpu.dma_semaphore, #tpu.memory_space<semaphore_mem>>
        tpu.enqueue_indirect_dma source(%dma_start3A_295 : memref<10000x128xf32, #tpu.memory_space<hbm>>) target(%dma_start3A_289 : memref<80x128xf32, #tpu.memory_space<vmem>>) offsets(%dma_start3A_292 : memref<80xi32, #tpu.memory_space<vmem>>) semaphore(%dma_start3A_297 : memref<!tpu.dma_semaphore, #tpu.memory_space<semaphore_mem>>)
      } else {
      }
      %dma_wait3A_209 = arith.constant 0 : i32
      %dma_wait3A_210 = arith.constant 0 : i32
      %dma_wait3A_211 = arith.constant 0 : i32
      %dma_wait3A_212 = arith.constant 0 : i32
      %dma_wait3A_213 = tpu.memref_slice %arg11[%rem3A_183, %dma_wait3A_211, %dma_wait3A_212] : memref<2x80x128xf32, #tpu.memory_space<vmem>> -> memref<1x80x128xf32, #tpu.memory_space<vmem>>
      %dma_wait3A_214 = tpu.memref_squeeze %dma_wait3A_213 : memref<1x80x128xf32, #tpu.memory_space<vmem>> -> memref<80x128xf32, #tpu.memory_space<vmem>>
      %dma_wait3A_215 = arith.constant 0 : i32
      %dma_wait3A_216 = tpu.memref_slice %arg9[%dma_wait3A_209, %dma_wait3A_210, %dma_wait3A_215] : memref<3x2x80xi32, #tpu.memory_space<vmem>> -> memref<1x1x80xi32, #tpu.memory_space<vmem>>
      %dma_wait3A_217 = tpu.memref_squeeze %dma_wait3A_216 : memref<1x1x80xi32, #tpu.memory_space<vmem>> -> memref<80xi32, #tpu.memory_space<vmem>>
      %dma_wait3A_218 = arith.constant 0 : i32
      %dma_wait3A_219 = arith.constant 0 : i32
      %dma_wait3A_220 = tpu.memref_slice %arg2[%dma_wait3A_218, %dma_wait3A_219] : memref<10000x128xf32, #tpu.memory_space<hbm>> -> memref<10000x128xf32, #tpu.memory_space<hbm>>
      %dma_wait3A_221 = tpu.memref_slice %arg14[%rem3A_183] : memref<2x!tpu.dma_semaphore, #tpu.memory_space<semaphore_mem>> -> memref<1x!tpu.dma_semaphore, #tpu.memory_space<semaphore_mem>>
      %dma_wait3A_222 = tpu.memref_squeeze %dma_wait3A_221 : memref<1x!tpu.dma_semaphore, #tpu.memory_space<semaphore_mem>> -> memref<!tpu.dma_semaphore, #tpu.memory_space<semaphore_mem>>
      tpu.wait_indirect_dma semaphore(%dma_wait3A_222 : memref<!tpu.dma_semaphore, #tpu.memory_space<semaphore_mem>>) src(%dma_wait3A_220 : memref<10000x128xf32, #tpu.memory_space<hbm>>) dst(%dma_wait3A_214 : memref<80x128xf32, #tpu.memory_space<vmem>>)
      %dma_wait3A_223 = arith.constant 0 : i32
      %dma_wait3A_224 = arith.constant 0 : i32
      %dma_wait3A_225 = tpu.memref_slice %arg10[%rem3A_183, %dma_wait3A_223, %dma_wait3A_224] : memref<2x80x64xi32, #tpu.memory_space<vmem>> -> memref<1x80x64xi32, #tpu.memory_space<vmem>>
      %dma_wait3A_226 = tpu.memref_squeeze %dma_wait3A_225 : memref<1x80x64xi32, #tpu.memory_space<vmem>> -> memref<80x64xi32, #tpu.memory_space<vmem>>
      %dma_wait3A_227 = arith.constant 0 : i32
      %dma_wait3A_228 = tpu.memref_slice %arg3[%mul3A_17, %dma_wait3A_227] : memref<64000x64xi32, #tpu.memory_space<hbm>> -> memref<80x64xi32, #tpu.memory_space<hbm>>
      %dma_wait3A_229 = tpu.memref_slice %arg13[%rem3A_183] : memref<2x!tpu.dma_semaphore, #tpu.memory_space<semaphore_mem>> -> memref<1x!tpu.dma_semaphore, #tpu.memory_space<semaphore_mem>>
      %dma_wait3A_230 = tpu.memref_squeeze %dma_wait3A_229 : memref<1x!tpu.dma_semaphore, #tpu.memory_space<semaphore_mem>> -> memref<!tpu.dma_semaphore, #tpu.memory_space<semaphore_mem>>
      %dma_wait3A_231 = arith.constant 0 : i32
      %dma_wait3A_232 = arith.constant 0 : i32
      %dma_wait3A_233 = tpu.memref_slice %arg10[%rem3A_183, %dma_wait3A_231, %dma_wait3A_232] : memref<2x80x64xi32, #tpu.memory_space<vmem>> -> memref<1x80x64xi32, #tpu.memory_space<vmem>>
      %dma_wait3A_234 = tpu.memref_squeeze %dma_wait3A_233 : memref<1x80x64xi32, #tpu.memory_space<vmem>> -> memref<80x64xi32, #tpu.memory_space<vmem>>
      %dma_wait3A_235 = arith.constant 0 : i32
      %dma_wait3A_236 = tpu.memref_slice %arg3[%mul3A_17, %dma_wait3A_235] : memref<64000x64xi32, #tpu.memory_space<hbm>> -> memref<80x64xi32, #tpu.memory_space<hbm>>
      tpu.wait_dma2 semaphore(%dma_wait3A_230 : memref<!tpu.dma_semaphore, #tpu.memory_space<semaphore_mem>>) src(%dma_wait3A_236 : memref<80x64xi32, #tpu.memory_space<hbm>>) dst(%dma_wait3A_234 : memref<80x64xi32, #tpu.memory_space<vmem>>)
      %scan3A_237 = arith.constant 0 : i32
      %scan3A_238 = arith.constant 0 : i32
      %scan3A_239 = arith.constant 80 : i32
      %scan3A_240 = arith.addi %scan3A_238, %scan3A_239 : i32
      %scan3A_241 = arith.constant 2 : i32
      scf.for %scan3A_263 = %scan3A_238 to %scan3A_240 step %scan3A_241  : i32 {
        %get3A = arith.index_cast %rem3A_183 : i32 to index
        %get3A_264 = arith.index_cast %scan3A_263 : i32 to index
        %get3A_265 = arith.constant 0 : index
        %get3A_266 = tpu.vector_load %arg10[%get3A, %get3A_264, %get3A_265] {strides = array<i32>} : memref<2x80x64xi32, #tpu.memory_space<vmem>>, vector<16xi32>,
        %shift_left3A = arith.constant 16 : i32
        %shift_left3A_267 = vector.broadcast %shift_left3A : i32 to vector<16xi32>
        %shift_left3A_268 = arith.shli %get3A_266, %shift_left3A_267 : vector<16xi32>
        %bitcast3A = vector.bitcast %shift_left3A_268 : vector<16xi32> to vector<16xf32>
        %and3A = arith.constant -65536 : i32
        %and3A_269 = vector.broadcast %and3A : i32 to vector<16xi32>
        %and3A_270 = arith.andi %get3A_266, %and3A_269 : vector<16xi32>
        %bitcast3A_271 = vector.bitcast %and3A_270 : vector<16xi32> to vector<16xf32>
        %get3A_272 = arith.index_cast %rem3A_183 : i32 to index
        %get3A_273 = arith.index_cast %scan3A_263 : i32 to index
        %get3A_274 = arith.constant 0 : index
        %get3A_275 = tpu.vector_load %arg11[%get3A_272, %get3A_273, %get3A_274] {strides = array<i32>} : memref<2x80x128xf32, #tpu.memory_space<vmem>>, vector<16xf32>,
        %mul3A_276 = arith.mulf %get3A_275, %bitcast3A : vector<16xf32>
        %swap3A = arith.index_cast %rem3A_183 : i32 to index
        %swap3A_277 = arith.index_cast %scan3A_263 : i32 to index
        %swap3A_278 = arith.constant 0 : index
        %swap3A_279 = tpu.vector_load %arg11[%swap3A, %swap3A_277, %swap3A_278] {strides = array<i32>} : memref<2x80x128xf32, #tpu.memory_space<vmem>>, vector<16xf32>,
        tpu.vector_store %arg11[%swap3A, %swap3A_277, %swap3A_278], %mul3A_276 {strides = array<i32>} : memref<2x80x128xf32, #tpu.memory_space<vmem>>, vector<16xf32>,
        %get3A_280 = arith.index_cast %rem3A_183 : i32 to index
        %get3A_281 = arith.index_cast %scan3A_263 : i32 to index
        %get3A_282 = arith.constant 16 : index
        %get3A_283 = tpu.vector_load %arg11[%get3A_280, %get3A_281, %get3A_282] {strides = array<i32>} : memref<2x80x128xf32, #tpu.memory_space<vmem>>, vector<16xf32>,
        %mul3A_284 = arith.mulf %get3A_283, %bitcast3A_271 : vector<16xf32>
        %swap3A_285 = arith.index_cast %rem3A_183 : i32 to index
        %swap3A_286 = arith.index_cast %scan3A_263 : i32 to index
        %swap3A_287 = arith.constant 16 : index
        %swap3A_288 = tpu.vector_load %arg11[%swap3A_285, %swap3A_286, %swap3A_287] {strides = array<i32>} : memref<2x80x128xf32, #tpu.memory_space<vmem>>, vector<16xf32>,
        tpu.vector_store %arg11[%swap3A_285, %swap3A_286, %swap3A_287], %mul3A_284 {strides = array<i32>} : memref<2x80x128xf32, #tpu.memory_space<vmem>>, vector<16xf32>,
        %get3A_289 = arith.index_cast %rem3A_183 : i32 to index
        %get3A_290 = arith.index_cast %scan3A_263 : i32 to index
        %get3A_291 = arith.constant 16 : index
        %get3A_292 = tpu.vector_load %arg10[%get3A_289, %get3A_290, %get3A_291] {strides = array<i32>} : memref<2x80x64xi32, #tpu.memory_space<vmem>>, vector<16xi32>,
        %shift_left3A_293 = arith.constant 16 : i32
        %shift_left3A_294 = vector.broadcast %shift_left3A_293 : i32 to vector<16xi32>
        %shift_left3A_295 = arith.shli %get3A_292, %shift_left3A_294 : vector<16xi32>
        %bitcast3A_296 = vector.bitcast %shift_left3A_295 : vector<16xi32> to vector<16xf32>
        %and3A_297 = arith.constant -65536 : i32
        %and3A_298 = vector.broadcast %and3A_297 : i32 to vector<16xi32>
        %and3A_299 = arith.andi %get3A_292, %and3A_298 : vector<16xi32>
        %bitcast3A_300 = vector.bitcast %and3A_299 : vector<16xi32> to vector<16xf32>
        %get3A_301 = arith.index_cast %rem3A_183 : i32 to index
        %get3A_302 = arith.index_cast %scan3A_263 : i32 to index
        %get3A_303 = arith.constant 32 : index
        %get3A_304 = tpu.vector_load %arg11[%get3A_301, %get3A_302, %get3A_303] {strides = array<i32>} : memref<2x80x128xf32, #tpu.memory_space<vmem>>, vector<16xf32>,
        %mul3A_305 = arith.mulf %get3A_304, %bitcast3A_296 : vector<16xf32>
        %swap3A_306 = arith.index_cast %rem3A_183 : i32 to index
        %swap3A_307 = arith.index_cast %scan3A_263 : i32 to index
        %swap3A_308 = arith.constant 32 : index
        %swap3A_309 = tpu.vector_load %arg11[%swap3A_306, %swap3A_307, %swap3A_308] {strides = array<i32>} : memref<2x80x128xf32, #tpu.memory_space<vmem>>, vector<16xf32>,
        tpu.vector_store %arg11[%swap3A_306, %swap3A_307, %swap3A_308], %mul3A_305 {strides = array<i32>} : memref<2x80x128xf32, #tpu.memory_space<vmem>>, vector<16xf32>,
        %get3A_310 = arith.index_cast %rem3A_183 : i32 to index
        %get3A_311 = arith.index_cast %scan3A_263 : i32 to index
        %get3A_312 = arith.constant 48 : index
        %get3A_313 = tpu.vector_load %arg11[%get3A_310, %get3A_311, %get3A_312] {strides = array<i32>} : memref<2x80x128xf32, #tpu.memory_space<vmem>>, vector<16xf32>,
        %mul3A_314 = arith.mulf %get3A_313, %bitcast3A_300 : vector<16xf32>
        %swap3A_315 = arith.index_cast %rem3A_183 : i32 to index
        %swap3A_316 = arith.index_cast %scan3A_263 : i32 to index
        %swap3A_317 = arith.constant 48 : index
        %swap3A_318 = tpu.vector_load %arg11[%swap3A_315, %swap3A_316, %swap3A_317] {strides = array<i32>} : memref<2x80x128xf32, #tpu.memory_space<vmem>>, vector<16xf32>,
        tpu.vector_store %arg11[%swap3A_315, %swap3A_316, %swap3A_317], %mul3A_314 {strides = array<i32>} : memref<2x80x128xf32, #tpu.memory_space<vmem>>, vector<16xf32>,
        %get3A_319 = arith.index_cast %rem3A_183 : i32 to index
        %get3A_320 = arith.index_cast %scan3A_263 : i32 to index
        %get3A_321 = arith.constant 32 : index
        %get3A_322 = tpu.vector_load %arg10[%get3A_319, %get3A_320, %get3A_321] {strides = array<i32>} : memref<2x80x64xi32, #tpu.memory_space<vmem>>, vector<16xi32>,
        %shift_left3A_323 = arith.constant 16 : i32
        %shift_left3A_324 = vector.broadcast %shift_left3A_323 : i32 to vector<16xi32>
        %shift_left3A_325 = arith.shli %get3A_322, %shift_left3A_324 : vector<16xi32>
        %bitcast3A_326 = vector.bitcast %shift_left3A_325 : vector<16xi32> to vector<16xf32>
        %and3A_327 = arith.constant -65536 : i32
        %and3A_328 = vector.broadcast %and3A_327 : i32 to vector<16xi32>
        %and3A_329 = arith.andi %get3A_322, %and3A_328 : vector<16xi32>
        %bitcast3A_330 = vector.bitcast %and3A_329 : vector<16xi32> to vector<16xf32>
        %get3A_331 = arith.index_cast %rem3A_183 : i32 to index
        %get3A_332 = arith.index_cast %scan3A_263 : i32 to index
        %get3A_333 = arith.constant 64 : index
        %get3A_334 = tpu.vector_load %arg11[%get3A_331, %get3A_332, %get3A_333] {strides = array<i32>} : memref<2x80x128xf32, #tpu.memory_space<vmem>>, vector<16xf32>,
        %mul3A_335 = arith.mulf %get3A_334, %bitcast3A_326 : vector<16xf32>
        %swap3A_336 = arith.index_cast %rem3A_183 : i32 to index
        %swap3A_337 = arith.index_cast %scan3A_263 : i32 to index
        %swap3A_338 = arith.constant 64 : index
        %swap3A_339 = tpu.vector_load %arg11[%swap3A_336, %swap3A_337, %swap3A_338] {strides = array<i32>} : memref<2x80x128xf32, #tpu.memory_space<vmem>>, vector<16xf32>,
        tpu.vector_store %arg11[%swap3A_336, %swap3A_337, %swap3A_338], %mul3A_335 {strides = array<i32>} : memref<2x80x128xf32, #tpu.memory_space<vmem>>, vector<16xf32>,
        %get3A_340 = arith.index_cast %rem3A_183 : i32 to index
        %get3A_341 = arith.index_cast %scan3A_263 : i32 to index
        %get3A_342 = arith.constant 80 : index
        %get3A_343 = tpu.vector_load %arg11[%get3A_340, %get3A_341, %get3A_342] {strides = array<i32>} : memref<2x80x128xf32, #tpu.memory_space<vmem>>, vector<16xf32>,
        %mul3A_344 = arith.mulf %get3A_343, %bitcast3A_330 : vector<16xf32>
        %swap3A_345 = arith.index_cast %rem3A_183 : i32 to index
        %swap3A_346 = arith.index_cast %scan3A_263 : i32 to index
        %swap3A_347 = arith.constant 80 : index
        %swap3A_348 = tpu.vector_load %arg11[%swap3A_345, %swap3A_346, %swap3A_347] {strides = array<i32>} : memref<2x80x128xf32, #tpu.memory_space<vmem>>, vector<16xf32>,
        tpu.vector_store %arg11[%swap3A_345, %swap3A_346, %swap3A_347], %mul3A_344 {strides = array<i32>} : memref<2x80x128xf32, #tpu.memory_space<vmem>>, vector<16xf32>,
        %get3A_349 = arith.index_cast %rem3A_183 : i32 to index
        %get3A_350 = arith.index_cast %scan3A_263 : i32 to index
        %get3A_351 = arith.constant 48 : index
        %get3A_352 = tpu.vector_load %arg10[%get3A_349, %get3A_350, %get3A_351] {strides = array<i32>} : memref<2x80x64xi32, #tpu.memory_space<vmem>>, vector<16xi32>,
        %shift_left3A_353 = arith.constant 16 : i32
        %shift_left3A_354 = vector.broadcast %shift_left3A_353 : i32 to vector<16xi32>
        %shift_left3A_355 = arith.shli %get3A_352, %shift_left3A_354 : vector<16xi32>
        %bitcast3A_356 = vector.bitcast %shift_left3A_355 : vector<16xi32> to vector<16xf32>
        %and3A_357 = arith.constant -65536 : i32
        %and3A_358 = vector.broadcast %and3A_357 : i32 to vector<16xi32>
        %and3A_359 = arith.andi %get3A_352, %and3A_358 : vector<16xi32>
        %bitcast3A_360 = vector.bitcast %and3A_359 : vector<16xi32> to vector<16xf32>
        %get3A_361 = arith.index_cast %rem3A_183 : i32 to index
        %get3A_362 = arith.index_cast %scan3A_263 : i32 to index
        %get3A_363 = arith.constant 96 : index
        %get3A_364 = tpu.vector_load %arg11[%get3A_361, %get3A_362, %get3A_363] {strides = array<i32>} : memref<2x80x128xf32, #tpu.memory_space<vmem>>, vector<16xf32>,
        %mul3A_365 = arith.mulf %get3A_364, %bitcast3A_356 : vector<16xf32>
        %swap3A_366 = arith.index_cast %rem3A_183 : i32 to index
        %swap3A_367 = arith.index_cast %scan3A_263 : i32 to index
        %swap3A_368 = arith.constant 96 : index
        %swap3A_369 = tpu.vector_load %arg11[%swap3A_366, %swap3A_367, %swap3A_368] {strides = array<i32>} : memref<2x80x128xf32, #tpu.memory_space<vmem>>, vector<16xf32>,
        tpu.vector_store %arg11[%swap3A_366, %swap3A_367, %swap3A_368], %mul3A_365 {strides = array<i32>} : memref<2x80x128xf32, #tpu.memory_space<vmem>>, vector<16xf32>,
        %get3A_370 = arith.index_cast %rem3A_183 : i32 to index
        %get3A_371 = arith.index_cast %scan3A_263 : i32 to index
        %get3A_372 = arith.constant 112 : index
        %get3A_373 = tpu.vector_load %arg11[%get3A_370, %get3A_371, %get3A_372] {strides = array<i32>} : memref<2x80x128xf32, #tpu.memory_space<vmem>>, vector<16xf32>,
        %mul3A_374 = arith.mulf %get3A_373, %bitcast3A_360 : vector<16xf32>
        %swap3A_375 = arith.index_cast %rem3A_183 : i32 to index
        %swap3A_376 = arith.index_cast %scan3A_263 : i32 to index
        %swap3A_377 = arith.constant 112 : index
        %swap3A_378 = tpu.vector_load %arg11[%swap3A_375, %swap3A_376, %swap3A_377] {strides = array<i32>} : memref<2x80x128xf32, #tpu.memory_space<vmem>>, vector<16xf32>,
        tpu.vector_store %arg11[%swap3A_375, %swap3A_376, %swap3A_377], %mul3A_374 {strides = array<i32>} : memref<2x80x128xf32, #tpu.memory_space<vmem>>, vector<16xf32>,
        %scan3A_379 = arith.constant 1 : i32
        %scan3A_380 = arith.addi %scan3A_263, %scan3A_379 : i32
        %get3A_381 = arith.index_cast %rem3A_183 : i32 to index
        %get3A_382 = arith.index_cast %scan3A_380 : i32 to index
        %get3A_383 = arith.constant 0 : index
        %get3A_384 = tpu.vector_load %arg10[%get3A_381, %get3A_382, %get3A_383] {strides = array<i32>} : memref<2x80x64xi32, #tpu.memory_space<vmem>>, vector<16xi32>,
        %shift_left3A_385 = arith.constant 16 : i32
        %shift_left3A_386 = vector.broadcast %shift_left3A_385 : i32 to vector<16xi32>
        %shift_left3A_387 = arith.shli %get3A_384, %shift_left3A_386 : vector<16xi32>
        %bitcast3A_388 = vector.bitcast %shift_left3A_387 : vector<16xi32> to vector<16xf32>
        %and3A_389 = arith.constant -65536 : i32
        %and3A_390 = vector.broadcast %and3A_389 : i32 to vector<16xi32>
        %and3A_391 = arith.andi %get3A_384, %and3A_390 : vector<16xi32>
        %bitcast3A_392 = vector.bitcast %and3A_391 : vector<16xi32> to vector<16xf32>
        %get3A_393 = arith.index_cast %rem3A_183 : i32 to index
        %get3A_394 = arith.index_cast %scan3A_380 : i32 to index
        %get3A_395 = arith.constant 0 : index
        %get3A_396 = tpu.vector_load %arg11[%get3A_393, %get3A_394, %get3A_395] {strides = array<i32>} : memref<2x80x128xf32, #tpu.memory_space<vmem>>, vector<16xf32>,
        %mul3A_397 = arith.mulf %get3A_396, %bitcast3A_388 : vector<16xf32>
        %swap3A_398 = arith.index_cast %rem3A_183 : i32 to index
        %swap3A_399 = arith.index_cast %scan3A_380 : i32 to index
        %swap3A_400 = arith.constant 0 : index
        %swap3A_401 = tpu.vector_load %arg11[%swap3A_398, %swap3A_399, %swap3A_400] {strides = array<i32>} : memref<2x80x128xf32, #tpu.memory_space<vmem>>, vector<16xf32>,
        tpu.vector_store %arg11[%swap3A_398, %swap3A_399, %swap3A_400], %mul3A_397 {strides = array<i32>} : memref<2x80x128xf32, #tpu.memory_space<vmem>>, vector<16xf32>,
        %get3A_402 = arith.index_cast %rem3A_183 : i32 to index
        %get3A_403 = arith.index_cast %scan3A_380 : i32 to index
        %get3A_404 = arith.constant 16 : index
        %get3A_405 = tpu.vector_load %arg11[%get3A_402, %get3A_403, %get3A_404] {strides = array<i32>} : memref<2x80x128xf32, #tpu.memory_space<vmem>>, vector<16xf32>,
        %mul3A_406 = arith.mulf %get3A_405, %bitcast3A_392 : vector<16xf32>
        %swap3A_407 = arith.index_cast %rem3A_183 : i32 to index
        %swap3A_408 = arith.index_cast %scan3A_380 : i32 to index
        %swap3A_409 = arith.constant 16 : index
        %swap3A_410 = tpu.vector_load %arg11[%swap3A_407, %swap3A_408, %swap3A_409] {strides = array<i32>} : memref<2x80x128xf32, #tpu.memory_space<vmem>>, vector<16xf32>,
        tpu.vector_store %arg11[%swap3A_407, %swap3A_408, %swap3A_409], %mul3A_406 {strides = array<i32>} : memref<2x80x128xf32, #tpu.memory_space<vmem>>, vector<16xf32>,
        %get3A_411 = arith.index_cast %rem3A_183 : i32 to index
        %get3A_412 = arith.index_cast %scan3A_380 : i32 to index
        %get3A_413 = arith.constant 16 : index
        %get3A_414 = tpu.vector_load %arg10[%get3A_411, %get3A_412, %get3A_413] {strides = array<i32>} : memref<2x80x64xi32, #tpu.memory_space<vmem>>, vector<16xi32>,
        %shift_left3A_415 = arith.constant 16 : i32
        %shift_left3A_416 = vector.broadcast %shift_left3A_415 : i32 to vector<16xi32>
        %shift_left3A_417 = arith.shli %get3A_414, %shift_left3A_416 : vector<16xi32>
        %bitcast3A_418 = vector.bitcast %shift_left3A_417 : vector<16xi32> to vector<16xf32>
        %and3A_419 = arith.constant -65536 : i32
        %and3A_420 = vector.broadcast %and3A_419 : i32 to vector<16xi32>
        %and3A_421 = arith.andi %get3A_414, %and3A_420 : vector<16xi32>
        %bitcast3A_422 = vector.bitcast %and3A_421 : vector<16xi32> to vector<16xf32>
        %get3A_423 = arith.index_cast %rem3A_183 : i32 to index
        %get3A_424 = arith.index_cast %scan3A_380 : i32 to index
        %get3A_425 = arith.constant 32 : index
        %get3A_426 = tpu.vector_load %arg11[%get3A_423, %get3A_424, %get3A_425] {strides = array<i32>} : memref<2x80x128xf32, #tpu.memory_space<vmem>>, vector<16xf32>,
        %mul3A_427 = arith.mulf %get3A_426, %bitcast3A_418 : vector<16xf32>
        %swap3A_428 = arith.index_cast %rem3A_183 : i32 to index
        %swap3A_429 = arith.index_cast %scan3A_380 : i32 to index
        %swap3A_430 = arith.constant 32 : index
        %swap3A_431 = tpu.vector_load %arg11[%swap3A_428, %swap3A_429, %swap3A_430] {strides = array<i32>} : memref<2x80x128xf32, #tpu.memory_space<vmem>>, vector<16xf32>,
        tpu.vector_store %arg11[%swap3A_428, %swap3A_429, %swap3A_430], %mul3A_427 {strides = array<i32>} : memref<2x80x128xf32, #tpu.memory_space<vmem>>, vector<16xf32>,
        %get3A_432 = arith.index_cast %rem3A_183 : i32 to index
        %get3A_433 = arith.index_cast %scan3A_380 : i32 to index
        %get3A_434 = arith.constant 48 : index
        %get3A_435 = tpu.vector_load %arg11[%get3A_432, %get3A_433, %get3A_434] {strides = array<i32>} : memref<2x80x128xf32, #tpu.memory_space<vmem>>, vector<16xf32>,
        %mul3A_436 = arith.mulf %get3A_435, %bitcast3A_422 : vector<16xf32>
        %swap3A_437 = arith.index_cast %rem3A_183 : i32 to index
        %swap3A_438 = arith.index_cast %scan3A_380 : i32 to index
        %swap3A_439 = arith.constant 48 : index
        %swap3A_440 = tpu.vector_load %arg11[%swap3A_437, %swap3A_438, %swap3A_439] {strides = array<i32>} : memref<2x80x128xf32, #tpu.memory_space<vmem>>, vector<16xf32>,
        tpu.vector_store %arg11[%swap3A_437, %swap3A_438, %swap3A_439], %mul3A_436 {strides = array<i32>} : memref<2x80x128xf32, #tpu.memory_space<vmem>>, vector<16xf32>,
        %get3A_441 = arith.index_cast %rem3A_183 : i32 to index
        %get3A_442 = arith.index_cast %scan3A_380 : i32 to index
        %get3A_443 = arith.constant 32 : index
        %get3A_444 = tpu.vector_load %arg10[%get3A_441, %get3A_442, %get3A_443] {strides = array<i32>} : memref<2x80x64xi32, #tpu.memory_space<vmem>>, vector<16xi32>,
        %shift_left3A_445 = arith.constant 16 : i32
        %shift_left3A_446 = vector.broadcast %shift_left3A_445 : i32 to vector<16xi32>
        %shift_left3A_447 = arith.shli %get3A_444, %shift_left3A_446 : vector<16xi32>
        %bitcast3A_448 = vector.bitcast %shift_left3A_447 : vector<16xi32> to vector<16xf32>
        %and3A_449 = arith.constant -65536 : i32
        %and3A_450 = vector.broadcast %and3A_449 : i32 to vector<16xi32>
        %and3A_451 = arith.andi %get3A_444, %and3A_450 : vector<16xi32>
        %bitcast3A_452 = vector.bitcast %and3A_451 : vector<16xi32> to vector<16xf32>
        %get3A_453 = arith.index_cast %rem3A_183 : i32 to index
        %get3A_454 = arith.index_cast %scan3A_380 : i32 to index
        %get3A_455 = arith.constant 64 : index
        %get3A_456 = tpu.vector_load %arg11[%get3A_453, %get3A_454, %get3A_455] {strides = array<i32>} : memref<2x80x128xf32, #tpu.memory_space<vmem>>, vector<16xf32>,
        %mul3A_457 = arith.mulf %get3A_456, %bitcast3A_448 : vector<16xf32>
        %swap3A_458 = arith.index_cast %rem3A_183 : i32 to index
        %swap3A_459 = arith.index_cast %scan3A_380 : i32 to index
        %swap3A_460 = arith.constant 64 : index
        %swap3A_461 = tpu.vector_load %arg11[%swap3A_458, %swap3A_459, %swap3A_460] {strides = array<i32>} : memref<2x80x128xf32, #tpu.memory_space<vmem>>, vector<16xf32>,
        tpu.vector_store %arg11[%swap3A_458, %swap3A_459, %swap3A_460], %mul3A_457 {strides = array<i32>} : memref<2x80x128xf32, #tpu.memory_space<vmem>>, vector<16xf32>,
        %get3A_462 = arith.index_cast %rem3A_183 : i32 to index
        %get3A_463 = arith.index_cast %scan3A_380 : i32 to index
        %get3A_464 = arith.constant 80 : index
        %get3A_465 = tpu.vector_load %arg11[%get3A_462, %get3A_463, %get3A_464] {strides = array<i32>} : memref<2x80x128xf32, #tpu.memory_space<vmem>>, vector<16xf32>,
        %mul3A_466 = arith.mulf %get3A_465, %bitcast3A_452 : vector<16xf32>
        %swap3A_467 = arith.index_cast %rem3A_183 : i32 to index
        %swap3A_468 = arith.index_cast %scan3A_380 : i32 to index
        %swap3A_469 = arith.constant 80 : index
        %swap3A_470 = tpu.vector_load %arg11[%swap3A_467, %swap3A_468, %swap3A_469] {strides = array<i32>} : memref<2x80x128xf32, #tpu.memory_space<vmem>>, vector<16xf32>,
        tpu.vector_store %arg11[%swap3A_467, %swap3A_468, %swap3A_469], %mul3A_466 {strides = array<i32>} : memref<2x80x128xf32, #tpu.memory_space<vmem>>, vector<16xf32>,
        %get3A_471 = arith.index_cast %rem3A_183 : i32 to index
        %get3A_472 = arith.index_cast %scan3A_380 : i32 to index
        %get3A_473 = arith.constant 48 : index
        %get3A_474 = tpu.vector_load %arg10[%get3A_471, %get3A_472, %get3A_473] {strides = array<i32>} : memref<2x80x64xi32, #tpu.memory_space<vmem>>, vector<16xi32>,
        %shift_left3A_475 = arith.constant 16 : i32
        %shift_left3A_476 = vector.broadcast %shift_left3A_475 : i32 to vector<16xi32>
        %shift_left3A_477 = arith.shli %get3A_474, %shift_left3A_476 : vector<16xi32>
        %bitcast3A_478 = vector.bitcast %shift_left3A_477 : vector<16xi32> to vector<16xf32>
        %and3A_479 = arith.constant -65536 : i32
        %and3A_480 = vector.broadcast %and3A_479 : i32 to vector<16xi32>
        %and3A_481 = arith.andi %get3A_474, %and3A_480 : vector<16xi32>
        %bitcast3A_482 = vector.bitcast %and3A_481 : vector<16xi32> to vector<16xf32>
        %get3A_483 = arith.index_cast %rem3A_183 : i32 to index
        %get3A_484 = arith.index_cast %scan3A_380 : i32 to index
        %get3A_485 = arith.constant 96 : index
        %get3A_486 = tpu.vector_load %arg11[%get3A_483, %get3A_484, %get3A_485] {strides = array<i32>} : memref<2x80x128xf32, #tpu.memory_space<vmem>>, vector<16xf32>,
        %mul3A_487 = arith.mulf %get3A_486, %bitcast3A_478 : vector<16xf32>
        %swap3A_488 = arith.index_cast %rem3A_183 : i32 to index
        %swap3A_489 = arith.index_cast %scan3A_380 : i32 to index
        %swap3A_490 = arith.constant 96 : index
        %swap3A_491 = tpu.vector_load %arg11[%swap3A_488, %swap3A_489, %swap3A_490] {strides = array<i32>} : memref<2x80x128xf32, #tpu.memory_space<vmem>>, vector<16xf32>,
        tpu.vector_store %arg11[%swap3A_488, %swap3A_489, %swap3A_490], %mul3A_487 {strides = array<i32>} : memref<2x80x128xf32, #tpu.memory_space<vmem>>, vector<16xf32>,
        %get3A_492 = arith.index_cast %rem3A_183 : i32 to index
        %get3A_493 = arith.index_cast %scan3A_380 : i32 to index
        %get3A_494 = arith.constant 112 : index
        %get3A_495 = tpu.vector_load %arg11[%get3A_492, %get3A_493, %get3A_494] {strides = array<i32>} : memref<2x80x128xf32, #tpu.memory_space<vmem>>, vector<16xf32>,
        %mul3A_496 = arith.mulf %get3A_495, %bitcast3A_482 : vector<16xf32>
        %swap3A_497 = arith.index_cast %rem3A_183 : i32 to index
        %swap3A_498 = arith.index_cast %scan3A_380 : i32 to index
        %swap3A_499 = arith.constant 112 : index
        %swap3A_500 = tpu.vector_load %arg11[%swap3A_497, %swap3A_498, %swap3A_499] {strides = array<i32>} : memref<2x80x128xf32, #tpu.memory_space<vmem>>, vector<16xf32>,
        tpu.vector_store %arg11[%swap3A_497, %swap3A_498, %swap3A_499], %mul3A_496 {strides = array<i32>} : memref<2x80x128xf32, #tpu.memory_space<vmem>>, vector<16xf32>,
      }
      %scan3A_242 = arith.constant 80 : i32
      %dma_start3A_243 = arith.constant 1 : i32
      %dma_start3A_244 = arith.constant 0 : i32
      %dma_start3A_245 = arith.constant 0 : i32
      %dma_start3A_246 = tpu.memref_slice %arg11[%rem3A_183, %dma_start3A_244, %dma_start3A_245] : memref<2x80x128xf32, #tpu.memory_space<vmem>> -> memref<1x80x128xf32, #tpu.memory_space<vmem>>
      %dma_start3A_247 = tpu.memref_squeeze %dma_start3A_246 : memref<1x80x128xf32, #tpu.memory_space<vmem>> -> memref<80x128xf32, #tpu.memory_space<vmem>>
      %dma_start3A_248 = arith.constant 0 : i32
      %dma_start3A_249 = tpu.memref_slice %arg9[%rem3A_189, %dma_start3A_243, %dma_start3A_248] : memref<3x2x80xi32, #tpu.memory_space<vmem>> -> memref<1x1x80xi32, #tpu.memory_space<vmem>>
      %dma_start3A_250 = tpu.memref_squeeze %dma_start3A_249 : memref<1x1x80xi32, #tpu.memory_space<vmem>> -> memref<80xi32, #tpu.memory_space<vmem>>
      %dma_start3A_251 = arith.constant 0 : i32
      %dma_start3A_252 = arith.constant 0 : i32
      %dma_start3A_253 = tpu.memref_slice %arg8[%dma_start3A_251, %dma_start3A_252] : memref<10000x128xf32, #tpu.memory_space<vmem_shared>> -> memref<10000x128xf32, #tpu.memory_space<vmem_shared>>
      %dma_start3A_254 = tpu.memref_slice %arg15[%rem3A_183] : memref<2x!tpu.dma_semaphore, #tpu.memory_space<semaphore_mem>> -> memref<1x!tpu.dma_semaphore, #tpu.memory_space<semaphore_mem>>
      %dma_start3A_255 = tpu.memref_squeeze %dma_start3A_254 : memref<1x!tpu.dma_semaphore, #tpu.memory_space<semaphore_mem>> -> memref<!tpu.dma_semaphore, #tpu.memory_space<semaphore_mem>>
      tpu.enqueue_indirect_dma source(%dma_start3A_247 : memref<80x128xf32, #tpu.memory_space<vmem>>) target(%dma_start3A_253 : memref<10000x128xf32, #tpu.memory_space<vmem_shared>>) offsets(%dma_start3A_250 : memref<80xi32, #tpu.memory_space<vmem>>) semaphore(%dma_start3A_255 : memref<!tpu.dma_semaphore, #tpu.memory_space<semaphore_mem>>) {add = true}
      %add3A_256 = arith.constant 2 : i32
      %add3A_257 = arith.addi %scan3A_182, %add3A_256 : i32
      %lt3A_258 = arith.constant 25 : i32
      %lt3A_259 = arith.cmpi slt, %add3A_257, %lt3A_258 : i32
      %convert_element_type3A_260 = arith.extui %lt3A_259 : i1 to i32
      %cond3A_261 = arith.constant 0 : i32
      %cond3A_262 = arith.cmpi ne, %convert_element_type3A_260, %cond3A_261 : i32
      scf.if %cond3A_262 {
        %add3A_263 = arith.constant 2 : i32
        %add3A_264 = arith.addi %scan3A_182, %add3A_263 : i32
        %mul3A_265 = arith.constant 80 : i32
        %mul3A_266 = arith.muli %add3A_264, %mul3A_265 : i32
        %add3A_267 = arith.addi %add3A_12, %mul3A_266 : i32
        %dma_start3A_268 = arith.constant 0 : i32
        %dma_start3A_269 = arith.constant 0 : i32
        %dma_start3A_270 = tpu.memref_slice %arg9[%rem3A_197, %dma_start3A_268, %dma_start3A_269] : memref<3x2x80xi32, #tpu.memory_space<vmem>> -> memref<1x1x80xi32, #tpu.memory_space<vmem>>
        %dma_start3A_271 = tpu.memref_squeeze %dma_start3A_270 : memref<1x1x80xi32, #tpu.memory_space<vmem>> -> memref<80xi32, #tpu.memory_space<vmem>>
        %dma_start3A_272 = tpu.memref_slice %arg4[%add3A_267] : memref<320000xi32, #tpu.memory_space<hbm>> -> memref<80xi32, #tpu.memory_space<hbm>>
        %dma_start3A_273 = tpu.memref_slice %arg12[%rem3A_197] : memref<3x!tpu.dma_semaphore, #tpu.memory_space<semaphore_mem>> -> memref<1x!tpu.dma_semaphore, #tpu.memory_space<semaphore_mem>>
        %dma_start3A_274 = tpu.memref_squeeze %dma_start3A_273 : memref<1x!tpu.dma_semaphore, #tpu.memory_space<semaphore_mem>> -> memref<!tpu.dma_semaphore, #tpu.memory_space<semaphore_mem>>
        %dma_start3A_275 = arith.constant 0 : i32
        %dma_start3A_276 = tpu.memref_slice %arg9[%rem3A_197, %dma_start3A_268, %dma_start3A_275] : memref<3x2x80xi32, #tpu.memory_space<vmem>> -> memref<1x1x80xi32, #tpu.memory_space<vmem>>
        %dma_start3A_277 = tpu.memref_squeeze %dma_start3A_276 : memref<1x1x80xi32, #tpu.memory_space<vmem>> -> memref<80xi32, #tpu.memory_space<vmem>>
        %dma_start3A_278 = tpu.memref_slice %arg4[%add3A_267] : memref<320000xi32, #tpu.memory_space<hbm>> -> memref<80xi32, #tpu.memory_space<hbm>>
        tpu.enqueue_dma source(%dma_start3A_278 : memref<80xi32, #tpu.memory_space<hbm>>) target(%dma_start3A_277 : memref<80xi32, #tpu.memory_space<vmem>>) target_semaphore(%dma_start3A_274 : memref<!tpu.dma_semaphore, #tpu.memory_space<semaphore_mem>>)
        %dma_start3A_279 = arith.constant 1 : i32
        %dma_start3A_280 = arith.constant 0 : i32
        %dma_start3A_281 = tpu.memref_slice %arg9[%rem3A_197, %dma_start3A_279, %dma_start3A_280] : memref<3x2x80xi32, #tpu.memory_space<vmem>> -> memref<1x1x80xi32, #tpu.memory_space<vmem>>
        %dma_start3A_282 = tpu.memref_squeeze %dma_start3A_281 : memref<1x1x80xi32, #tpu.memory_space<vmem>> -> memref<80xi32, #tpu.memory_space<vmem>>
        %dma_start3A_283 = tpu.memref_slice %arg5[%add3A_267] : memref<320000xi32, #tpu.memory_space<hbm>> -> memref<80xi32, #tpu.memory_space<hbm>>
        %dma_start3A_284 = tpu.memref_slice %arg12[%rem3A_197] : memref<3x!tpu.dma_semaphore, #tpu.memory_space<semaphore_mem>> -> memref<1x!tpu.dma_semaphore, #tpu.memory_space<semaphore_mem>>
        %dma_start3A_285 = tpu.memref_squeeze %dma_start3A_284 : memref<1x!tpu.dma_semaphore, #tpu.memory_space<semaphore_mem>> -> memref<!tpu.dma_semaphore, #tpu.memory_space<semaphore_mem>>
        %dma_start3A_286 = arith.constant 0 : i32
        %dma_start3A_287 = tpu.memref_slice %arg9[%rem3A_197, %dma_start3A_279, %dma_start3A_286] : memref<3x2x80xi32, #tpu.memory_space<vmem>> -> memref<1x1x80xi32, #tpu.memory_space<vmem>>
        %dma_start3A_288 = tpu.memref_squeeze %dma_start3A_287 : memref<1x1x80xi32, #tpu.memory_space<vmem>> -> memref<80xi32, #tpu.memory_space<vmem>>
        %dma_start3A_289 = tpu.memref_slice %arg5[%add3A_267] : memref<320000xi32, #tpu.memory_space<hbm>> -> memref<80xi32, #tpu.memory_space<hbm>>
        tpu.enqueue_dma source(%dma_start3A_289 : memref<80xi32, #tpu.memory_space<hbm>>) target(%dma_start3A_288 : memref<80xi32, #tpu.memory_space<vmem>>) target_semaphore(%dma_start3A_285 : memref<!tpu.dma_semaphore, #tpu.memory_space<semaphore_mem>>)
        %add3A_290 = arith.constant 2 : i32
        %add3A_291 = arith.addi %scan3A_182, %add3A_290 : i32
        %mul3A_292 = arith.constant 80 : i32
        %mul3A_293 = arith.muli %add3A_291, %mul3A_292 : i32
        %add3A_294 = arith.addi %mul3A_17, %mul3A_293 : i32
        %dma_start3A_295 = arith.constant 0 : i32
        %dma_start3A_296 = arith.constant 0 : i32
        %dma_start3A_297 = tpu.memref_slice %arg10[%rem3A_183, %dma_start3A_295, %dma_start3A_296] : memref<2x80x64xi32, #tpu.memory_space<vmem>> -> memref<1x80x64xi32, #tpu.memory_space<vmem>>
        %dma_start3A_298 = tpu.memref_squeeze %dma_start3A_297 : memref<1x80x64xi32, #tpu.memory_space<vmem>> -> memref<80x64xi32, #tpu.memory_space<vmem>>
        %dma_start3A_299 = arith.constant 0 : i32
        %dma_start3A_300 = tpu.memref_slice %arg3[%add3A_294, %dma_start3A_299] : memref<64000x64xi32, #tpu.memory_space<hbm>> -> memref<80x64xi32, #tpu.memory_space<hbm>>
        %dma_start3A_301 = tpu.memref_slice %arg13[%rem3A_183] : memref<2x!tpu.dma_semaphore, #tpu.memory_space<semaphore_mem>> -> memref<1x!tpu.dma_semaphore, #tpu.memory_space<semaphore_mem>>
        %dma_start3A_302 = tpu.memref_squeeze %dma_start3A_301 : memref<1x!tpu.dma_semaphore, #tpu.memory_space<semaphore_mem>> -> memref<!tpu.dma_semaphore, #tpu.memory_space<semaphore_mem>>
        %dma_start3A_303 = arith.constant 0 : i32
        %dma_start3A_304 = arith.constant 0 : i32
        %dma_start3A_305 = tpu.memref_slice %arg10[%rem3A_183, %dma_start3A_303, %dma_start3A_304] : memref<2x80x64xi32, #tpu.memory_space<vmem>> -> memref<1x80x64xi32, #tpu.memory_space<vmem>>
        %dma_start3A_306 = tpu.memref_squeeze %dma_start3A_305 : memref<1x80x64xi32, #tpu.memory_space<vmem>> -> memref<80x64xi32, #tpu.memory_space<vmem>>
        %dma_start3A_307 = arith.constant 0 : i32
        %dma_start3A_308 = tpu.memref_slice %arg3[%add3A_294, %dma_start3A_307] : memref<64000x64xi32, #tpu.memory_space<hbm>> -> memref<80x64xi32, #tpu.memory_space<hbm>>
        tpu.enqueue_dma source(%dma_start3A_308 : memref<80x64xi32, #tpu.memory_space<hbm>>) target(%dma_start3A_306 : memref<80x64xi32, #tpu.memory_space<vmem>>) target_semaphore(%dma_start3A_302 : memref<!tpu.dma_semaphore, #tpu.memory_space<semaphore_mem>>)
      } else {
      }
    }
    %scan3A_154 = arith.constant 25 : i32
    %dma_wait3A_155 = arith.constant 0 : i32
    %dma_wait3A_156 = arith.constant 0 : i32
    %dma_wait3A_157 = arith.constant 1 : i32
    %dma_wait3A_158 = arith.constant 0 : i32
    %dma_wait3A_159 = arith.constant 0 : i32
    %dma_wait3A_160 = arith.constant 0 : i32
    %dma_wait3A_161 = tpu.memref_slice %arg11[%dma_wait3A_155, %dma_wait3A_159, %dma_wait3A_160] : memref<2x80x128xf32, #tpu.memory_space<vmem>> -> memref<1x80x128xf32, #tpu.memory_space<vmem>>
    %dma_wait3A_162 = tpu.memref_squeeze %dma_wait3A_161 : memref<1x80x128xf32, #tpu.memory_space<vmem>> -> memref<80x128xf32, #tpu.memory_space<vmem>>
    %dma_wait3A_163 = arith.constant 0 : i32
    %dma_wait3A_164 = tpu.memref_slice %arg9[%dma_wait3A_156, %dma_wait3A_157, %dma_wait3A_163] : memref<3x2x80xi32, #tpu.memory_space<vmem>> -> memref<1x1x80xi32, #tpu.memory_space<vmem>>
    %dma_wait3A_165 = tpu.memref_squeeze %dma_wait3A_164 : memref<1x1x80xi32, #tpu.memory_space<vmem>> -> memref<80xi32, #tpu.memory_space<vmem>>
    %dma_wait3A_166 = arith.constant 0 : i32
    %dma_wait3A_167 = arith.constant 0 : i32
    %dma_wait3A_168 = tpu.memref_slice %arg8[%dma_wait3A_166, %dma_wait3A_167] : memref<10000x128xf32, #tpu.memory_space<vmem_shared>> -> memref<10000x128xf32, #tpu.memory_space<vmem_shared>>
    %dma_wait3A_169 = tpu.memref_slice %arg15[%dma_wait3A_158] : memref<2x!tpu.dma_semaphore, #tpu.memory_space<semaphore_mem>> -> memref<1x!tpu.dma_semaphore, #tpu.memory_space<semaphore_mem>>
    %dma_wait3A_170 = tpu.memref_squeeze %dma_wait3A_169 : memref<1x!tpu.dma_semaphore, #tpu.memory_space<semaphore_mem>> -> memref<!tpu.dma_semaphore, #tpu.memory_space<semaphore_mem>>
    tpu.wait_indirect_dma semaphore(%dma_wait3A_170 : memref<!tpu.dma_semaphore, #tpu.memory_space<semaphore_mem>>) src(%dma_wait3A_162 : memref<80x128xf32, #tpu.memory_space<vmem>>) dst(%dma_wait3A_168 : memref<10000x128xf32, #tpu.memory_space<vmem_shared>>)
    %barrier3A_171 = arith.constant 0 : index
    tpu.barrier barrier_id(%barrier3A_171)
    %lt3A_172 = arith.constant 15 : i32
    %lt3A_173 = arith.cmpi slt, %arg1, %lt3A_172 : i32
    %convert_element_type3A_174 = arith.extui %lt3A_173 : i1 to i32
    %cond3A_175 = arith.constant 0 : i32
    %cond3A_176 = arith.cmpi ne, %convert_element_type3A_174, %cond3A_175 : i32
    scf.if %cond3A_176 {
      "tpu.region"() ({
        %run_scoped3A = tpu.sem_alloc : memref<!tpu.dma_semaphore, #tpu.memory_space<semaphore_mem>>
        %dma_start3A_182 = arith.constant 0 : i32
        %dma_start3A_183 = tpu.memref_slice %arg7[%arg0, %mul3A_0, %dma_start3A_182] : memref<2x10000x128xf32, #tpu.memory_space<hbm>> -> memref<1x640x128xf32, #tpu.memory_space<hbm>>
        %dma_start3A_184 = tpu.memref_squeeze %dma_start3A_183 : memref<1x640x128xf32, #tpu.memory_space<hbm>> -> memref<640x128xf32, #tpu.memory_space<hbm>>
        %dma_start3A_185 = arith.constant 0 : i32
        %dma_start3A_186 = tpu.memref_slice %arg8[%mul3A_0, %dma_start3A_185] : memref<10000x128xf32, #tpu.memory_space<vmem_shared>> -> memref<640x128xf32, #tpu.memory_space<vmem_shared>>
        tpu.enqueue_dma source(%dma_start3A_186 : memref<640x128xf32, #tpu.memory_space<vmem_shared>>) target(%dma_start3A_184 : memref<640x128xf32, #tpu.memory_space<hbm>>) target_semaphore(%run_scoped3A : memref<!tpu.dma_semaphore, #tpu.memory_space<semaphore_mem>>)
        %dma_wait3A_187 = arith.constant 0 : i32
        %dma_wait3A_188 = tpu.memref_slice %arg7[%arg0, %mul3A_0, %dma_wait3A_187] : memref<2x10000x128xf32, #tpu.memory_space<hbm>> -> memref<1x640x128xf32, #tpu.memory_space<hbm>>
        %dma_wait3A_189 = tpu.memref_squeeze %dma_wait3A_188 : memref<1x640x128xf32, #tpu.memory_space<hbm>> -> memref<640x128xf32, #tpu.memory_space<hbm>>
        %dma_wait3A_190 = arith.constant 0 : i32
        %dma_wait3A_191 = tpu.memref_slice %arg8[%mul3A_0, %dma_wait3A_190] : memref<10000x128xf32, #tpu.memory_space<vmem_shared>> -> memref<640x128xf32, #tpu.memory_space<vmem_shared>>
        tpu.wait_dma2 semaphore(%run_scoped3A : memref<!tpu.dma_semaphore, #tpu.memory_space<semaphore_mem>>) src(%dma_wait3A_191 : memref<640x128xf32, #tpu.memory_space<vmem_shared>>) dst(%dma_wait3A_189 : memref<640x128xf32, #tpu.memory_space<hbm>>)
        tpu.yield
      }) : () -> ()
    } else {
    }
    %eq3A_177 = arith.constant 15 : i32
    %eq3A_178 = arith.cmpi eq, %arg1, %eq3A_177 : i32
    %convert_element_type3A_179 = arith.extui %eq3A_178 : i1 to i32
    %cond3A_180 = arith.constant 0 : i32
    %cond3A_181 = arith.cmpi ne, %convert_element_type3A_179, %cond3A_180 : i32
    scf.if %cond3A_181 {
      "tpu.region"() ({
        %run_scoped3A = tpu.sem_alloc : memref<!tpu.dma_semaphore, #tpu.memory_space<semaphore_mem>>
        %dma_start3A_182 = arith.constant 9600 : i32
        %dma_start3A_183 = arith.constant 0 : i32
        %dma_start3A_184 = tpu.memref_slice %arg7[%arg0, %dma_start3A_182, %dma_start3A_183] : memref<2x10000x128xf32, #tpu.memory_space<hbm>> -> memref<1x400x128xf32, #tpu.memory_space<hbm>>
        %dma_start3A_185 = tpu.memref_squeeze %dma_start3A_184 : memref<1x400x128xf32, #tpu.memory_space<hbm>> -> memref<400x128xf32, #tpu.memory_space<hbm>>
        %dma_start3A_186 = arith.constant 9600 : i32
        %dma_start3A_187 = arith.constant 0 : i32
        %dma_start3A_188 = tpu.memref_slice %arg8[%dma_start3A_186, %dma_start3A_187] : memref<10000x128xf32, #tpu.memory_space<vmem_shared>> -> memref<400x128xf32, #tpu.memory_space<vmem_shared>>
        tpu.enqueue_dma source(%dma_start3A_188 : memref<400x128xf32, #tpu.memory_space<vmem_shared>>) target(%dma_start3A_185 : memref<400x128xf32, #tpu.memory_space<hbm>>) target_semaphore(%run_scoped3A : memref<!tpu.dma_semaphore, #tpu.memory_space<semaphore_mem>>)
        %dma_wait3A_189 = arith.constant 9600 : i32
        %dma_wait3A_190 = arith.constant 0 : i32
        %dma_wait3A_191 = tpu.memref_slice %arg7[%arg0, %dma_wait3A_189, %dma_wait3A_190] : memref<2x10000x128xf32, #tpu.memory_space<hbm>> -> memref<1x400x128xf32, #tpu.memory_space<hbm>>
        %dma_wait3A_192 = tpu.memref_squeeze %dma_wait3A_191 : memref<1x400x128xf32, #tpu.memory_space<hbm>> -> memref<400x128xf32, #tpu.memory_space<hbm>>
        %dma_wait3A_193 = arith.constant 9600 : i32
        %dma_wait3A_194 = arith.constant 0 : i32
        %dma_wait3A_195 = tpu.memref_slice %arg8[%dma_wait3A_193, %dma_wait3A_194] : memref<10000x128xf32, #tpu.memory_space<vmem_shared>> -> memref<400x128xf32, #tpu.memory_space<vmem_shared>>
        tpu.wait_dma2 semaphore(%run_scoped3A : memref<!tpu.dma_semaphore, #tpu.memory_space<semaphore_mem>>) src(%dma_wait3A_195 : memref<400x128xf32, #tpu.memory_space<vmem_shared>>) dst(%dma_wait3A_192 : memref<400x128xf32, #tpu.memory_space<hbm>>)
        tpu.yield
      }) : () -> ()
    } else {
    }
    return
  }
}

module attributes {stable_mosaic.version = 14 : i64} {
  func.func @_node_f_body(%arg0: i32, %arg1: memref<2000x128xf32, #tpu.memory_space<vmem>>, %arg2: memref<128x128xf32, #tpu.memory_space<vmem>>, %arg3: memref<2000x128xf32, #tpu.memory_space<vmem>>) attributes {dimension_semantics = [#tpu.dimension_semantics<arbitrary>], iteration_bounds = array<i64: 5>, scalar_prefetch = 0 : i64, scratch_operands = 0 : i64, tpu.core_type = #tpu.core_type<tc>, window_params = [{transform_indices = @transform_0, window_bounds = array<i64: 2000, 128>}, {pipeline_mode = #tpu.pipeline_mode<synchronous>, transform_indices = @transform_1, window_bounds = array<i64: 128, 128>}, {transform_indices = @transform_2, window_bounds = array<i64: 2000, 128>}]} {
    %get3A = arith.constant 0 : index
    %get3A_0 = arith.constant 0 : index
    %get3A_1 = vector.load %arg1[%get3A, %get3A_0] : memref<2000x128xf32, #tpu.memory_space<vmem>>, vector<2000x128xf32>
    %get3A_2 = arith.constant 0 : index
    %get3A_3 = arith.constant 0 : index
    %get3A_4 = vector.load %arg2[%get3A_2, %get3A_3] : memref<128x128xf32, #tpu.memory_space<vmem>>, vector<128x128xf32>
    %dot_general3A = arith.constant dense<0.000000e+00> : vector<2000x128xf32>
    %dot_general3A_5 = tpu.matmul %get3A_1, %get3A_4, %dot_general3A {dimension_numbers = #tpu.dot_dimension_numbers<[1], [0], [0], [1], [0, 0, 1, 1], [], []>, transpose_lhs_hint = false} : vector<2000x128xf32>, vector<128x128xf32>, vector<2000x128xf32> -> vector<2000x128xf32>
    %mul3A = arith.constant 0.0883883461 : f32
    %mul3A_6 = vector.broadcast %mul3A : f32 to vector<2000x128xf32>
    %mul3A_7 = arith.mulf %dot_general3A_5, %mul3A_6 : vector<2000x128xf32>
    %swap3A = arith.constant 0 : index
    %swap3A_8 = arith.constant 0 : index
    %swap3A_9 = vector.load %arg3[%swap3A, %swap3A_8] : memref<2000x128xf32, #tpu.memory_space<vmem>>, vector<2000x128xf32>
    tpu.vector_store %arg3[%swap3A, %swap3A_8], %mul3A_7 {strides = array<i32>} : memref<2000x128xf32, #tpu.memory_space<vmem>>, vector<2000x128xf32>,
    return
  }
  func.func @transform_0(%arg0: i32) -> (i32, i32) {
    %c0_i32 = arith.constant 0 : i32
    %c0_i32_0 = arith.constant 0 : i32
    return %arg0, %c0_i32 : i32, i32
  }
  func.func @transform_1(%arg0: i32) -> (i32, i32) {
    %c0_i32 = arith.constant 0 : i32
    %c0_i32_0 = arith.constant 0 : i32
    %c0_i32_1 = arith.constant 0 : i32
    return %c0_i32, %c0_i32_0 : i32, i32
  }
  func.func @transform_2(%arg0: i32) -> (i32, i32) {
    %c0_i32 = arith.constant 0 : i32
    %c0_i32_0 = arith.constant 0 : i32
    return %arg0, %c0_i32 : i32, i32
  }
}

module attributes {stable_mosaic.version = 14 : i64} {
  func.func @_edge_w_body(%arg0: i32, %arg1: memref<4400x1xf32, #tpu.memory_space<vmem>>, %arg2: memref<4400x16xf32, #tpu.memory_space<vmem>>, %arg3: memref<16x64xf32, #tpu.memory_space<vmem>>, %arg4: memref<64x128xf32, #tpu.memory_space<vmem>>, %arg5: memref<4400x64xi32, #tpu.memory_space<vmem>>) attributes {dimension_semantics = [#tpu.dimension_semantics<arbitrary>], iteration_bounds = array<i64: 32>, scalar_prefetch = 0 : i64, scratch_operands = 0 : i64, tpu.core_type = #tpu.core_type<tc>, window_params = [{transform_indices = @transform_0, window_bounds = array<i64: 4400, 1>}, {transform_indices = @transform_1, window_bounds = array<i64: 4400, 16>}, {pipeline_mode = #tpu.pipeline_mode<synchronous>, transform_indices = @transform_2, window_bounds = array<i64: 16, 64>}, {pipeline_mode = #tpu.pipeline_mode<synchronous>, transform_indices = @transform_3, window_bounds = array<i64: 64, 128>}, {transform_indices = @transform_4, window_bounds = array<i64: 4400, 64>}]} {
    %get3A = arith.constant 0 : index
    %get3A_0 = arith.constant 0 : index
    %get3A_1 = vector.load %arg2[%get3A, %get3A_0] : memref<4400x16xf32, #tpu.memory_space<vmem>>, vector<4400x16xf32>
    %get3A_2 = arith.constant 0 : index
    %get3A_3 = arith.constant 0 : index
    %get3A_4 = vector.load %arg3[%get3A_2, %get3A_3] : memref<16x64xf32, #tpu.memory_space<vmem>>, vector<16x64xf32>
    %dot_general3A = arith.constant dense<0.000000e+00> : vector<4400x64xf32>
    %dot_general3A_5 = tpu.matmul %get3A_1, %get3A_4, %dot_general3A {dimension_numbers = #tpu.dot_dimension_numbers<[1], [0], [0], [1], [0, 0, 1, 1], [], []>, transpose_lhs_hint = false} : vector<4400x16xf32>, vector<16x64xf32>, vector<4400x64xf32> -> vector<4400x64xf32>
    %mul3A = arith.mulf %dot_general3A_5, %dot_general3A_5 : vector<4400x64xf32>
    %mul3A_6 = arith.mulf %mul3A, %dot_general3A_5 : vector<4400x64xf32>
    %mul3A_7 = arith.constant 4.471500e-02 : f32
    %mul3A_8 = vector.broadcast %mul3A_7 : f32 to vector<4400x64xf32>
    %mul3A_9 = arith.mulf %mul3A_6, %mul3A_8 : vector<4400x64xf32>
    %add3A = arith.addf %mul3A_9, %dot_general3A_5 : vector<4400x64xf32>
    %mul3A_10 = arith.constant -1.59576917 : f32
    %mul3A_11 = vector.broadcast %mul3A_10 : f32 to vector<4400x64xf32>
    %mul3A_12 = arith.mulf %add3A, %mul3A_11 : vector<4400x64xf32>
    %exp3A = math.exp %mul3A_12 : vector<4400x64xf32>
    %add3A_13 = arith.constant 1.000000e+00 : f32
    %add3A_14 = vector.broadcast %add3A_13 : f32 to vector<4400x64xf32>
    %add3A_15 = arith.addf %add3A_14, %exp3A : vector<4400x64xf32>
    %div3A = arith.divf %dot_general3A_5, %add3A_15 : vector<4400x64xf32>
    %get3A_16 = arith.constant 0 : index
    %get3A_17 = arith.constant 0 : index
    %get3A_18 = vector.load %arg4[%get3A_16, %get3A_17] : memref<64x128xf32, #tpu.memory_space<vmem>>, vector<64x128xf32>
    %dot_general3A_19 = arith.constant dense<0.000000e+00> : vector<4400x128xf32>
    %dot_general3A_20 = tpu.matmul %div3A, %get3A_18, %dot_general3A_19 {dimension_numbers = #tpu.dot_dimension_numbers<[1], [0], [0], [1], [0, 0, 1, 1], [], []>, transpose_lhs_hint = false} : vector<4400x64xf32>, vector<64x128xf32>, vector<4400x128xf32> -> vector<4400x128xf32>
    %get3A_21 = arith.constant 0 : index
    %get3A_22 = arith.constant 0 : index
    %get3A_23 = vector.load %arg1[%get3A_21, %get3A_22] : memref<4400x1xf32, #tpu.memory_space<vmem>>, vector<4400x1xf32>
    %mul3A_24 = vector.broadcast %get3A_23 : vector<4400x1xf32> to vector<4400x128xf32>
    %mul3A_25 = arith.mulf %dot_general3A_20, %mul3A_24 : vector<4400x128xf32>
    %slice3A = vector.extract_strided_slice %mul3A_25 {offsets = [0, 0], sizes = [4400, 64], strides = [1, 1]} : vector<4400x128xf32> to vector<4400x64xf32>
    %bitcast_convert_type3A = tpu.bitcast %slice3A : vector<4400x64xf32> -> vector<4400x64xi32>
    %add3A_26 = arith.constant 32768 : i32
    %add3A_27 = vector.broadcast %add3A_26 : i32 to vector<4400x64xi32>
    %add3A_28 = arith.addi %bitcast_convert_type3A, %add3A_27 : vector<4400x64xi32>
    %shift_right_logical3A = arith.constant 16 : i32
    %shift_right_logical3A_29 = vector.broadcast %shift_right_logical3A : i32 to vector<4400x64xi32>
    %shift_right_logical3A_30 = arith.shrui %add3A_28, %shift_right_logical3A_29 : vector<4400x64xi32>
    %slice3A_31 = vector.extract_strided_slice %mul3A_25 {offsets = [0, 64], sizes = [4400, 64], strides = [1, 1]} : vector<4400x128xf32> to vector<4400x64xf32>
    %bitcast_convert_type3A_32 = tpu.bitcast %slice3A_31 : vector<4400x64xf32> -> vector<4400x64xi32>
    %add3A_33 = arith.constant 32768 : i32
    %add3A_34 = vector.broadcast %add3A_33 : i32 to vector<4400x64xi32>
    %add3A_35 = arith.addi %bitcast_convert_type3A_32, %add3A_34 : vector<4400x64xi32>
    %and3A = arith.constant -65536 : i32
    %and3A_36 = vector.broadcast %and3A : i32 to vector<4400x64xi32>
    %and3A_37 = arith.andi %add3A_35, %and3A_36 : vector<4400x64xi32>
    %or3A = arith.ori %shift_right_logical3A_30, %and3A_37 : vector<4400x64xi32>
    %bitcast_convert_type3A_38 = tpu.bitcast %or3A : vector<4400x64xi32> -> vector<4400x64xi32>
    %swap3A = arith.constant 0 : index
    %swap3A_39 = arith.constant 0 : index
    %swap3A_40 = vector.load %arg5[%swap3A, %swap3A_39] : memref<4400x64xi32, #tpu.memory_space<vmem>>, vector<4400x64xi32>
    tpu.vector_store %arg5[%swap3A, %swap3A_39], %bitcast_convert_type3A_38 {strides = array<i32>} : memref<4400x64xi32, #tpu.memory_space<vmem>>, vector<4400x64xi32>,
    return
  }
  func.func @transform_0(%arg0: i32) -> (i32, i32) {
    %c0_i32 = arith.constant 0 : i32
    %c0_i32_0 = arith.constant 0 : i32
    return %arg0, %c0_i32 : i32, i32
  }
  func.func @transform_1(%arg0: i32) -> (i32, i32) {
    %c0_i32 = arith.constant 0 : i32
    %c0_i32_0 = arith.constant 0 : i32
    return %arg0, %c0_i32 : i32, i32
  }
  func.func @transform_2(%arg0: i32) -> (i32, i32) {
    %c0_i32 = arith.constant 0 : i32
    %c0_i32_0 = arith.constant 0 : i32
    %c0_i32_1 = arith.constant 0 : i32
    return %c0_i32, %c0_i32_0 : i32, i32
  }
  func.func @transform_3(%arg0: i32) -> (i32, i32) {
    %c0_i32 = arith.constant 0 : i32
    %c0_i32_0 = arith.constant 0 : i32
    %c0_i32_1 = arith.constant 0 : i32
    return %c0_i32, %c0_i32_0 : i32, i32
  }
  func.func @transform_4(%arg0: i32) -> (i32, i32) {
    %c0_i32 = arith.constant 0 : i32
    %c0_i32_0 = arith.constant 0 : i32
    return %arg0, %c0_i32 : i32, i32
  }
}

module attributes {stable_mosaic.version = 14 : i64} {
  func.func @_edge_w_body(%arg0: i32, %arg1: memref<3600x1xf32, #tpu.memory_space<vmem>>, %arg2: memref<3600x16xf32, #tpu.memory_space<vmem>>, %arg3: memref<16x64xf32, #tpu.memory_space<vmem>>, %arg4: memref<64x128xf32, #tpu.memory_space<vmem>>, %arg5: memref<3600x64xi32, #tpu.memory_space<vmem>>) attributes {dimension_semantics = [#tpu.dimension_semantics<arbitrary>], iteration_bounds = array<i64: 32>, scalar_prefetch = 0 : i64, scratch_operands = 0 : i64, tpu.core_type = #tpu.core_type<tc>, window_params = [{transform_indices = @transform_0, window_bounds = array<i64: 3600, 1>}, {transform_indices = @transform_1, window_bounds = array<i64: 3600, 16>}, {pipeline_mode = #tpu.pipeline_mode<synchronous>, transform_indices = @transform_2, window_bounds = array<i64: 16, 64>}, {pipeline_mode = #tpu.pipeline_mode<synchronous>, transform_indices = @transform_3, window_bounds = array<i64: 64, 128>}, {transform_indices = @transform_4, window_bounds = array<i64: 3600, 64>}]} {
    %get3A = arith.constant 0 : index
    %get3A_0 = arith.constant 0 : index
    %get3A_1 = vector.load %arg2[%get3A, %get3A_0] : memref<3600x16xf32, #tpu.memory_space<vmem>>, vector<3600x16xf32>
    %get3A_2 = arith.constant 0 : index
    %get3A_3 = arith.constant 0 : index
    %get3A_4 = vector.load %arg3[%get3A_2, %get3A_3] : memref<16x64xf32, #tpu.memory_space<vmem>>, vector<16x64xf32>
    %dot_general3A = arith.constant dense<0.000000e+00> : vector<3600x64xf32>
    %dot_general3A_5 = tpu.matmul %get3A_1, %get3A_4, %dot_general3A {dimension_numbers = #tpu.dot_dimension_numbers<[1], [0], [0], [1], [0, 0, 1, 1], [], []>, transpose_lhs_hint = false} : vector<3600x16xf32>, vector<16x64xf32>, vector<3600x64xf32> -> vector<3600x64xf32>
    %mul3A = arith.mulf %dot_general3A_5, %dot_general3A_5 : vector<3600x64xf32>
    %mul3A_6 = arith.mulf %mul3A, %dot_general3A_5 : vector<3600x64xf32>
    %mul3A_7 = arith.constant 4.471500e-02 : f32
    %mul3A_8 = vector.broadcast %mul3A_7 : f32 to vector<3600x64xf32>
    %mul3A_9 = arith.mulf %mul3A_6, %mul3A_8 : vector<3600x64xf32>
    %add3A = arith.addf %mul3A_9, %dot_general3A_5 : vector<3600x64xf32>
    %mul3A_10 = arith.constant -1.59576917 : f32
    %mul3A_11 = vector.broadcast %mul3A_10 : f32 to vector<3600x64xf32>
    %mul3A_12 = arith.mulf %add3A, %mul3A_11 : vector<3600x64xf32>
    %exp3A = math.exp %mul3A_12 : vector<3600x64xf32>
    %add3A_13 = arith.constant 1.000000e+00 : f32
    %add3A_14 = vector.broadcast %add3A_13 : f32 to vector<3600x64xf32>
    %add3A_15 = arith.addf %add3A_14, %exp3A : vector<3600x64xf32>
    %div3A = arith.divf %dot_general3A_5, %add3A_15 : vector<3600x64xf32>
    %get3A_16 = arith.constant 0 : index
    %get3A_17 = arith.constant 0 : index
    %get3A_18 = vector.load %arg4[%get3A_16, %get3A_17] : memref<64x128xf32, #tpu.memory_space<vmem>>, vector<64x128xf32>
    %dot_general3A_19 = arith.constant dense<0.000000e+00> : vector<3600x128xf32>
    %dot_general3A_20 = tpu.matmul %div3A, %get3A_18, %dot_general3A_19 {dimension_numbers = #tpu.dot_dimension_numbers<[1], [0], [0], [1], [0, 0, 1, 1], [], []>, transpose_lhs_hint = false} : vector<3600x64xf32>, vector<64x128xf32>, vector<3600x128xf32> -> vector<3600x128xf32>
    %get3A_21 = arith.constant 0 : index
    %get3A_22 = arith.constant 0 : index
    %get3A_23 = vector.load %arg1[%get3A_21, %get3A_22] : memref<3600x1xf32, #tpu.memory_space<vmem>>, vector<3600x1xf32>
    %mul3A_24 = vector.broadcast %get3A_23 : vector<3600x1xf32> to vector<3600x128xf32>
    %mul3A_25 = arith.mulf %dot_general3A_20, %mul3A_24 : vector<3600x128xf32>
    %slice3A = vector.extract_strided_slice %mul3A_25 {offsets = [0, 0], sizes = [3600, 64], strides = [1, 1]} : vector<3600x128xf32> to vector<3600x64xf32>
    %bitcast_convert_type3A = tpu.bitcast %slice3A : vector<3600x64xf32> -> vector<3600x64xi32>
    %add3A_26 = arith.constant 32768 : i32
    %add3A_27 = vector.broadcast %add3A_26 : i32 to vector<3600x64xi32>
    %add3A_28 = arith.addi %bitcast_convert_type3A, %add3A_27 : vector<3600x64xi32>
    %shift_right_logical3A = arith.constant 16 : i32
    %shift_right_logical3A_29 = vector.broadcast %shift_right_logical3A : i32 to vector<3600x64xi32>
    %shift_right_logical3A_30 = arith.shrui %add3A_28, %shift_right_logical3A_29 : vector<3600x64xi32>
    %slice3A_31 = vector.extract_strided_slice %mul3A_25 {offsets = [0, 64], sizes = [3600, 64], strides = [1, 1]} : vector<3600x128xf32> to vector<3600x64xf32>
    %bitcast_convert_type3A_32 = tpu.bitcast %slice3A_31 : vector<3600x64xf32> -> vector<3600x64xi32>
    %add3A_33 = arith.constant 32768 : i32
    %add3A_34 = vector.broadcast %add3A_33 : i32 to vector<3600x64xi32>
    %add3A_35 = arith.addi %bitcast_convert_type3A_32, %add3A_34 : vector<3600x64xi32>
    %and3A = arith.constant -65536 : i32
    %and3A_36 = vector.broadcast %and3A : i32 to vector<3600x64xi32>
    %and3A_37 = arith.andi %add3A_35, %and3A_36 : vector<3600x64xi32>
    %or3A = arith.ori %shift_right_logical3A_30, %and3A_37 : vector<3600x64xi32>
    %bitcast_convert_type3A_38 = tpu.bitcast %or3A : vector<3600x64xi32> -> vector<3600x64xi32>
    %swap3A = arith.constant 0 : index
    %swap3A_39 = arith.constant 0 : index
    %swap3A_40 = vector.load %arg5[%swap3A, %swap3A_39] : memref<3600x64xi32, #tpu.memory_space<vmem>>, vector<3600x64xi32>
    tpu.vector_store %arg5[%swap3A, %swap3A_39], %bitcast_convert_type3A_38 {strides = array<i32>} : memref<3600x64xi32, #tpu.memory_space<vmem>>, vector<3600x64xi32>,
    return
  }
  func.func @transform_0(%arg0: i32) -> (i32, i32) {
    %c0_i32 = arith.constant 0 : i32
    %c0_i32_0 = arith.constant 0 : i32
    return %arg0, %c0_i32 : i32, i32
  }
  func.func @transform_1(%arg0: i32) -> (i32, i32) {
    %c0_i32 = arith.constant 0 : i32
    %c0_i32_0 = arith.constant 0 : i32
    return %arg0, %c0_i32 : i32, i32
  }
  func.func @transform_2(%arg0: i32) -> (i32, i32) {
    %c0_i32 = arith.constant 0 : i32
    %c0_i32_0 = arith.constant 0 : i32
    %c0_i32_1 = arith.constant 0 : i32
    return %c0_i32, %c0_i32_0 : i32, i32
  }
  func.func @transform_3(%arg0: i32) -> (i32, i32) {
    %c0_i32 = arith.constant 0 : i32
    %c0_i32_0 = arith.constant 0 : i32
    %c0_i32_1 = arith.constant 0 : i32
    return %c0_i32, %c0_i32_0 : i32, i32
  }
  func.func @transform_4(%arg0: i32) -> (i32, i32) {
    %c0_i32 = arith.constant 0 : i32
    %c0_i32_0 = arith.constant 0 : i32
    return %arg0, %c0_i32 : i32, i32
  }
}

module attributes {stable_mosaic.version = 14 : i64} {
  func.func @_edge_w_body(%arg0: i32, %arg1: memref<2000x1xf32, #tpu.memory_space<vmem>>, %arg2: memref<2000x16xf32, #tpu.memory_space<vmem>>, %arg3: memref<16x64xf32, #tpu.memory_space<vmem>>, %arg4: memref<64x128xf32, #tpu.memory_space<vmem>>, %arg5: memref<2000x64xi32, #tpu.memory_space<vmem>>) attributes {dimension_semantics = [#tpu.dimension_semantics<arbitrary>], iteration_bounds = array<i64: 32>, scalar_prefetch = 0 : i64, scratch_operands = 0 : i64, tpu.core_type = #tpu.core_type<tc>, window_params = [{transform_indices = @transform_0, window_bounds = array<i64: 2000, 1>}, {transform_indices = @transform_1, window_bounds = array<i64: 2000, 16>}, {pipeline_mode = #tpu.pipeline_mode<synchronous>, transform_indices = @transform_2, window_bounds = array<i64: 16, 64>}, {pipeline_mode = #tpu.pipeline_mode<synchronous>, transform_indices = @transform_3, window_bounds = array<i64: 64, 128>}, {transform_indices = @transform_4, window_bounds = array<i64: 2000, 64>}]} {
    %get3A = arith.constant 0 : index
    %get3A_0 = arith.constant 0 : index
    %get3A_1 = vector.load %arg2[%get3A, %get3A_0] : memref<2000x16xf32, #tpu.memory_space<vmem>>, vector<2000x16xf32>
    %get3A_2 = arith.constant 0 : index
    %get3A_3 = arith.constant 0 : index
    %get3A_4 = vector.load %arg3[%get3A_2, %get3A_3] : memref<16x64xf32, #tpu.memory_space<vmem>>, vector<16x64xf32>
    %dot_general3A = arith.constant dense<0.000000e+00> : vector<2000x64xf32>
    %dot_general3A_5 = tpu.matmul %get3A_1, %get3A_4, %dot_general3A {dimension_numbers = #tpu.dot_dimension_numbers<[1], [0], [0], [1], [0, 0, 1, 1], [], []>, transpose_lhs_hint = false} : vector<2000x16xf32>, vector<16x64xf32>, vector<2000x64xf32> -> vector<2000x64xf32>
    %mul3A = arith.mulf %dot_general3A_5, %dot_general3A_5 : vector<2000x64xf32>
    %mul3A_6 = arith.mulf %mul3A, %dot_general3A_5 : vector<2000x64xf32>
    %mul3A_7 = arith.constant 4.471500e-02 : f32
    %mul3A_8 = vector.broadcast %mul3A_7 : f32 to vector<2000x64xf32>
    %mul3A_9 = arith.mulf %mul3A_6, %mul3A_8 : vector<2000x64xf32>
    %add3A = arith.addf %mul3A_9, %dot_general3A_5 : vector<2000x64xf32>
    %mul3A_10 = arith.constant -1.59576917 : f32
    %mul3A_11 = vector.broadcast %mul3A_10 : f32 to vector<2000x64xf32>
    %mul3A_12 = arith.mulf %add3A, %mul3A_11 : vector<2000x64xf32>
    %exp3A = math.exp %mul3A_12 : vector<2000x64xf32>
    %add3A_13 = arith.constant 1.000000e+00 : f32
    %add3A_14 = vector.broadcast %add3A_13 : f32 to vector<2000x64xf32>
    %add3A_15 = arith.addf %add3A_14, %exp3A : vector<2000x64xf32>
    %div3A = arith.divf %dot_general3A_5, %add3A_15 : vector<2000x64xf32>
    %get3A_16 = arith.constant 0 : index
    %get3A_17 = arith.constant 0 : index
    %get3A_18 = vector.load %arg4[%get3A_16, %get3A_17] : memref<64x128xf32, #tpu.memory_space<vmem>>, vector<64x128xf32>
    %dot_general3A_19 = arith.constant dense<0.000000e+00> : vector<2000x128xf32>
    %dot_general3A_20 = tpu.matmul %div3A, %get3A_18, %dot_general3A_19 {dimension_numbers = #tpu.dot_dimension_numbers<[1], [0], [0], [1], [0, 0, 1, 1], [], []>, transpose_lhs_hint = false} : vector<2000x64xf32>, vector<64x128xf32>, vector<2000x128xf32> -> vector<2000x128xf32>
    %get3A_21 = arith.constant 0 : index
    %get3A_22 = arith.constant 0 : index
    %get3A_23 = vector.load %arg1[%get3A_21, %get3A_22] : memref<2000x1xf32, #tpu.memory_space<vmem>>, vector<2000x1xf32>
    %mul3A_24 = vector.broadcast %get3A_23 : vector<2000x1xf32> to vector<2000x128xf32>
    %mul3A_25 = arith.mulf %dot_general3A_20, %mul3A_24 : vector<2000x128xf32>
    %slice3A = vector.extract_strided_slice %mul3A_25 {offsets = [0, 0], sizes = [2000, 64], strides = [1, 1]} : vector<2000x128xf32> to vector<2000x64xf32>
    %bitcast_convert_type3A = tpu.bitcast %slice3A : vector<2000x64xf32> -> vector<2000x64xi32>
    %add3A_26 = arith.constant 32768 : i32
    %add3A_27 = vector.broadcast %add3A_26 : i32 to vector<2000x64xi32>
    %add3A_28 = arith.addi %bitcast_convert_type3A, %add3A_27 : vector<2000x64xi32>
    %shift_right_logical3A = arith.constant 16 : i32
    %shift_right_logical3A_29 = vector.broadcast %shift_right_logical3A : i32 to vector<2000x64xi32>
    %shift_right_logical3A_30 = arith.shrui %add3A_28, %shift_right_logical3A_29 : vector<2000x64xi32>
    %slice3A_31 = vector.extract_strided_slice %mul3A_25 {offsets = [0, 64], sizes = [2000, 64], strides = [1, 1]} : vector<2000x128xf32> to vector<2000x64xf32>
    %bitcast_convert_type3A_32 = tpu.bitcast %slice3A_31 : vector<2000x64xf32> -> vector<2000x64xi32>
    %add3A_33 = arith.constant 32768 : i32
    %add3A_34 = vector.broadcast %add3A_33 : i32 to vector<2000x64xi32>
    %add3A_35 = arith.addi %bitcast_convert_type3A_32, %add3A_34 : vector<2000x64xi32>
    %and3A = arith.constant -65536 : i32
    %and3A_36 = vector.broadcast %and3A : i32 to vector<2000x64xi32>
    %and3A_37 = arith.andi %add3A_35, %and3A_36 : vector<2000x64xi32>
    %or3A = arith.ori %shift_right_logical3A_30, %and3A_37 : vector<2000x64xi32>
    %bitcast_convert_type3A_38 = tpu.bitcast %or3A : vector<2000x64xi32> -> vector<2000x64xi32>
    %swap3A = arith.constant 0 : index
    %swap3A_39 = arith.constant 0 : index
    %swap3A_40 = vector.load %arg5[%swap3A, %swap3A_39] : memref<2000x64xi32, #tpu.memory_space<vmem>>, vector<2000x64xi32>
    tpu.vector_store %arg5[%swap3A, %swap3A_39], %bitcast_convert_type3A_38 {strides = array<i32>} : memref<2000x64xi32, #tpu.memory_space<vmem>>, vector<2000x64xi32>,
    return
  }
  func.func @transform_0(%arg0: i32) -> (i32, i32) {
    %c0_i32 = arith.constant 0 : i32
    %c0_i32_0 = arith.constant 0 : i32
    return %arg0, %c0_i32 : i32, i32
  }
  func.func @transform_1(%arg0: i32) -> (i32, i32) {
    %c0_i32 = arith.constant 0 : i32
    %c0_i32_0 = arith.constant 0 : i32
    return %arg0, %c0_i32 : i32, i32
  }
  func.func @transform_2(%arg0: i32) -> (i32, i32) {
    %c0_i32 = arith.constant 0 : i32
    %c0_i32_0 = arith.constant 0 : i32
    %c0_i32_1 = arith.constant 0 : i32
    return %c0_i32, %c0_i32_0 : i32, i32
  }
  func.func @transform_3(%arg0: i32) -> (i32, i32) {
    %c0_i32 = arith.constant 0 : i32
    %c0_i32_0 = arith.constant 0 : i32
    %c0_i32_1 = arith.constant 0 : i32
    return %c0_i32, %c0_i32_0 : i32, i32
  }
  func.func @transform_4(%arg0: i32) -> (i32, i32) {
    %c0_i32 = arith.constant 0 : i32
    %c0_i32_0 = arith.constant 0 : i32
    return %arg0, %c0_i32 : i32, i32
  }
}

module attributes {stable_mosaic.version = 14 : i64} {
  func.func @body(%arg0: i32, %arg1: memref<2x2000x128xf32, #tpu.memory_space<vmem>>, %arg2: memref<2x2000x128xf32, #tpu.memory_space<vmem>>, %arg3: memref<2x2000x128xf32, #tpu.memory_space<vmem>>, %arg4: memref<2000x128xf32, #tpu.memory_space<vmem>>, %arg5: memref<128x128xf32, #tpu.memory_space<vmem>>, %arg6: memref<128x128xf32, #tpu.memory_space<vmem>>, %arg7: memref<1x128xf32, #tpu.memory_space<vmem>>, %arg8: memref<2000x128xf32, #tpu.memory_space<vmem>>) attributes {dimension_semantics = [#tpu.dimension_semantics<arbitrary>], iteration_bounds = array<i64: 5>, scalar_prefetch = 0 : i64, scratch_operands = 0 : i64, tpu.core_type = #tpu.core_type<tc>, window_params = [{transform_indices = @transform_0, window_bounds = array<i64: 2, 2000, 128>}, {transform_indices = @transform_1, window_bounds = array<i64: 2, 2000, 128>}, {transform_indices = @transform_2, window_bounds = array<i64: 2, 2000, 128>}, {transform_indices = @transform_3, window_bounds = array<i64: 2000, 128>}, {pipeline_mode = #tpu.pipeline_mode<synchronous>, transform_indices = @transform_4, window_bounds = array<i64: 128, 128>}, {pipeline_mode = #tpu.pipeline_mode<synchronous>, transform_indices = @transform_5, window_bounds = array<i64: 128, 128>}, {pipeline_mode = #tpu.pipeline_mode<synchronous>, transform_indices = @transform_6, window_bounds = array<i64: 1, 128>}, {transform_indices = @transform_7, window_bounds = array<i64: 2000, 128>}]} {
    %get3A = arith.constant 0 : index
    %get3A_0 = arith.constant 0 : index
    %get3A_1 = arith.constant 0 : index
    %get3A_2 = vector.load %arg1[%get3A, %get3A_0, %get3A_1] : memref<2x2000x128xf32, #tpu.memory_space<vmem>>, vector<1x2000x128xf32>
    %get3A_3 = vector.shape_cast %get3A_2 : vector<1x2000x128xf32> to vector<2000x128xf32>
    %get3A_4 = arith.constant 1 : index
    %get3A_5 = arith.constant 0 : index
    %get3A_6 = arith.constant 0 : index
    %get3A_7 = vector.load %arg1[%get3A_4, %get3A_5, %get3A_6] : memref<2x2000x128xf32, #tpu.memory_space<vmem>>, vector<1x2000x128xf32>
    %get3A_8 = vector.shape_cast %get3A_7 : vector<1x2000x128xf32> to vector<2000x128xf32>
    %add3A = arith.addf %get3A_3, %get3A_8 : vector<2000x128xf32>
    %get3A_9 = arith.constant 0 : index
    %get3A_10 = arith.constant 0 : index
    %get3A_11 = arith.constant 0 : index
    %get3A_12 = vector.load %arg2[%get3A_9, %get3A_10, %get3A_11] : memref<2x2000x128xf32, #tpu.memory_space<vmem>>, vector<1x2000x128xf32>
    %get3A_13 = vector.shape_cast %get3A_12 : vector<1x2000x128xf32> to vector<2000x128xf32>
    %get3A_14 = arith.constant 1 : index
    %get3A_15 = arith.constant 0 : index
    %get3A_16 = arith.constant 0 : index
    %get3A_17 = vector.load %arg2[%get3A_14, %get3A_15, %get3A_16] : memref<2x2000x128xf32, #tpu.memory_space<vmem>>, vector<1x2000x128xf32>
    %get3A_18 = vector.shape_cast %get3A_17 : vector<1x2000x128xf32> to vector<2000x128xf32>
    %add3A_19 = arith.addf %get3A_13, %get3A_18 : vector<2000x128xf32>
    %add3A_20 = arith.addf %add3A, %add3A_19 : vector<2000x128xf32>
    %get3A_21 = arith.constant 0 : index
    %get3A_22 = arith.constant 0 : index
    %get3A_23 = arith.constant 0 : index
    %get3A_24 = vector.load %arg3[%get3A_21, %get3A_22, %get3A_23] : memref<2x2000x128xf32, #tpu.memory_space<vmem>>, vector<1x2000x128xf32>
    %get3A_25 = vector.shape_cast %get3A_24 : vector<1x2000x128xf32> to vector<2000x128xf32>
    %get3A_26 = arith.constant 1 : index
    %get3A_27 = arith.constant 0 : index
    %get3A_28 = arith.constant 0 : index
    %get3A_29 = vector.load %arg3[%get3A_26, %get3A_27, %get3A_28] : memref<2x2000x128xf32, #tpu.memory_space<vmem>>, vector<1x2000x128xf32>
    %get3A_30 = vector.shape_cast %get3A_29 : vector<1x2000x128xf32> to vector<2000x128xf32>
    %add3A_31 = arith.addf %get3A_25, %get3A_30 : vector<2000x128xf32>
    %add3A_32 = arith.addf %add3A_20, %add3A_31 : vector<2000x128xf32>
    %get3A_33 = arith.constant 0 : index
    %get3A_34 = arith.constant 0 : index
    %get3A_35 = vector.load %arg6[%get3A_33, %get3A_34] : memref<128x128xf32, #tpu.memory_space<vmem>>, vector<128x128xf32>
    %dot_general3A = arith.constant dense<0.000000e+00> : vector<2000x128xf32>
    %dot_general3A_36 = tpu.matmul %add3A_32, %get3A_35, %dot_general3A {dimension_numbers = #tpu.dot_dimension_numbers<[1], [0], [0], [1], [0, 0, 1, 1], [], []>, transpose_lhs_hint = false} : vector<2000x128xf32>, vector<128x128xf32>, vector<2000x128xf32> -> vector<2000x128xf32>
    %mul3A = arith.constant 0.0883883461 : f32
    %mul3A_37 = vector.broadcast %mul3A : f32 to vector<2000x128xf32>
    %mul3A_38 = arith.mulf %dot_general3A_36, %mul3A_37 : vector<2000x128xf32>
    %get3A_39 = arith.constant 0 : index
    %get3A_40 = arith.constant 0 : index
    %get3A_41 = vector.load %arg7[%get3A_39, %get3A_40] : memref<1x128xf32, #tpu.memory_space<vmem>>, vector<1x128xf32>
    %mul3A_42 = vector.broadcast %get3A_41 : vector<1x128xf32> to vector<2000x128xf32>
    %mul3A_43 = arith.mulf %add3A_32, %mul3A_42 : vector<2000x128xf32>
    %reduce_sum3A = arith.constant dense<0.000000e+00> : vector<2000xf32>
    %reduce_sum3A_44 = vector.multi_reduction <add>, %mul3A_43, %reduce_sum3A [1] : vector<2000x128xf32> to vector<2000xf32>
    %broadcast_in_dim3A = vector.shape_cast %reduce_sum3A_44 : vector<2000xf32> to vector<2000x1xf32>
    %mul3A_45 = arith.constant 0.0883883461 : f32
    %mul3A_46 = vector.broadcast %mul3A_45 : f32 to vector<2000x1xf32>
    %mul3A_47 = arith.mulf %broadcast_in_dim3A, %mul3A_46 : vector<2000x1xf32>
    %get3A_48 = arith.constant 0 : index
    %get3A_49 = arith.constant 0 : index
    %get3A_50 = vector.load %arg4[%get3A_48, %get3A_49] : memref<2000x128xf32, #tpu.memory_space<vmem>>, vector<2000x128xf32>
    %get3A_51 = arith.constant 0 : index
    %get3A_52 = arith.constant 0 : index
    %get3A_53 = vector.load %arg5[%get3A_51, %get3A_52] : memref<128x128xf32, #tpu.memory_space<vmem>>, vector<128x128xf32>
    %dot_general3A_54 = arith.constant dense<0.000000e+00> : vector<2000x128xf32>
    %dot_general3A_55 = tpu.matmul %get3A_50, %get3A_53, %dot_general3A_54 {dimension_numbers = #tpu.dot_dimension_numbers<[1], [0], [0], [1], [0, 0, 1, 1], [], []>, transpose_lhs_hint = false} : vector<2000x128xf32>, vector<128x128xf32>, vector<2000x128xf32> -> vector<2000x128xf32>
    %mul3A_56 = arith.constant 0.0883883461 : f32
    %mul3A_57 = vector.broadcast %mul3A_56 : f32 to vector<2000x128xf32>
    %mul3A_58 = arith.mulf %dot_general3A_55, %mul3A_57 : vector<2000x128xf32>
    %mul3A_59 = vector.broadcast %mul3A_47 : vector<2000x1xf32> to vector<2000x128xf32>
    %mul3A_60 = arith.mulf %mul3A_59, %mul3A_38 : vector<2000x128xf32>
    %add3A_61 = arith.addf %mul3A_58, %mul3A_60 : vector<2000x128xf32>
    %swap3A = arith.constant 0 : index
    %swap3A_62 = arith.constant 0 : index
    %swap3A_63 = vector.load %arg8[%swap3A, %swap3A_62] : memref<2000x128xf32, #tpu.memory_space<vmem>>, vector<2000x128xf32>
    tpu.vector_store %arg8[%swap3A, %swap3A_62], %add3A_61 {strides = array<i32>} : memref<2000x128xf32, #tpu.memory_space<vmem>>, vector<2000x128xf32>,
    return
  }
  func.func @transform_0(%arg0: i32) -> (i32, i32, i32) {
    %c0_i32 = arith.constant 0 : i32
    %c0_i32_0 = arith.constant 0 : i32
    %c0_i32_1 = arith.constant 0 : i32
    return %c0_i32, %arg0, %c0_i32_0 : i32, i32, i32
  }
  func.func @transform_1(%arg0: i32) -> (i32, i32, i32) {
    %c0_i32 = arith.constant 0 : i32
    %c0_i32_0 = arith.constant 0 : i32
    %c0_i32_1 = arith.constant 0 : i32
    return %c0_i32, %arg0, %c0_i32_0 : i32, i32, i32
  }
  func.func @transform_2(%arg0: i32) -> (i32, i32, i32) {
    %c0_i32 = arith.constant 0 : i32
    %c0_i32_0 = arith.constant 0 : i32
    %c0_i32_1 = arith.constant 0 : i32
    return %c0_i32, %arg0, %c0_i32_0 : i32, i32, i32
  }
  func.func @transform_3(%arg0: i32) -> (i32, i32) {
    %c0_i32 = arith.constant 0 : i32
    %c0_i32_0 = arith.constant 0 : i32
    return %arg0, %c0_i32 : i32, i32
  }
  func.func @transform_4(%arg0: i32) -> (i32, i32) {
    %c0_i32 = arith.constant 0 : i32
    %c0_i32_0 = arith.constant 0 : i32
    %c0_i32_1 = arith.constant 0 : i32
    return %c0_i32, %c0_i32_0 : i32, i32
  }
  func.func @transform_5(%arg0: i32) -> (i32, i32) {
    %c0_i32 = arith.constant 0 : i32
    %c0_i32_0 = arith.constant 0 : i32
    %c0_i32_1 = arith.constant 0 : i32
    return %c0_i32, %c0_i32_0 : i32, i32
  }
  func.func @transform_6(%arg0: i32) -> (i32, i32) {
    %c0_i32 = arith.constant 0 : i32
    %c0_i32_0 = arith.constant 0 : i32
    %c0_i32_1 = arith.constant 0 : i32
    return %c0_i32, %c0_i32_0 : i32, i32
  }
  func.func @transform_7(%arg0: i32) -> (i32, i32) {
    %c0_i32 = arith.constant 0 : i32
    %c0_i32_0 = arith.constant 0 : i32
    return %arg0, %c0_i32 : i32, i32
  }
}

</mosaic_0001>

<sc_bundles>
// kernel: kernel.10.cloned.1.call-start
scs
__scs_entry_jumppad:
0x0: {  	(pc) =	sbr.rel $0x88, $3  }
0x1: {  	(tag) =	ssettag $0x0;
	lr =	simm.s32 $0x1  }
0x2: {  	[smem:$0x3F96] =	sst lr;
	_ =	strace $0xD0000000  }
0x3: {  	_ = 	snop  }
0x4: {  	_ = 	snop  }
0x5: {  	_ = 	snop  }
0x6: {  	_ = 	snop  }
0x7: {  	_ = 	snop  }
__scs_overlays_trampoline_lowered:
0x8: {  	[smem:$0x3FA5] =	sst s0  }
0x9: {  	[smem:$0x3FA6] =	sst s1  }
0xa: {  	[smem:$0x3FA7] =	sst s2  }
0xb: {  	[smem:$0x3FA8] =	sst s3  }
0xc: {  	[smem:$0x3FA9] =	sst s4  }
0xd: {  	[smem:$0x3FAA] =	sst s5  }
0xe: {  	[smem:$0x3FAB] =	sst s6  }
0xf: {  	[smem:$0x3FAC] =	sst s7  }
0x10: {  	[smem:$0x3FAD] =	sst s8  }
0x11: {  	[smem:$0x3FAE] =	sst s9;
	s0 =	simm.s32 @!p0 $0x0  }
0x12: {  	s1 =	sld [smem:$0x3F94];
	s0 =	simm.s32 @p0 $0x1  }
0x13: {  	[smem:$0x3FAF] =	sst s0;
	s0 =	simm.s32 @!p1 $0x0  }
0x14: {  	s2 =	sld [smem:$0x3F93];
	s0 =	simm.s32 @p1 $0x1  }
0x15: {  	[smem:$0x3FB0] =	sst s0;
	s0 =	simm.s32 @!p2 $0x0  }
0x16: {  	s3 =	sld [smem:$0x3FDB];
	s0 =	simm.s32 @p2 $0x1  }
0x17: {  	s4 =	simm.s32 $0x1BF5;
	[smem:$0x3FB2] =	sst s0  }
0x18: {  	s0 =	sld [smem:$0x3F95];
	_ =	swait.ge [sflag:s4], $0x0  }
0x19: {  	s7 =	sld [smem:$0x3F96]  }
0x1a: {  	s8 =	sadd.s32 $0xFFFFE003, lr  }
0x1b: {  	s9 =	sadd.s32 $0xFFFFFEF7, lr;
	s5 =	simm.s32 $0xFFFFFFFF;
	p2 =	slt.u32 s8, $0xFFFFF086  }
0x1c: {  	p1 =	slt.u32 s9, $0xF7A;
	s5 =	simm.s32 @!p2 $0x0  }
0x1d: {  	s5 =	simm.s32 @p1 $0x1;
	p0 =	seq.s32 s7, s2  }
0x1e: {  	s7 =	smul.u32 @!p0 $0xF7A, s2;
	p2 =	seq.s32 @!p0 s5, $0x0  }
0x1f: {  	s9 =	smul.u32 $0xF7A, s1;
	s8 =	simm.s32 @!p0 $0x1BF5;
	p2 =	por !p2, p0  }
0x20: {  	[sflag:s8] =	ssyncset.s32 @!p0 $0xFFFFF086;
	s6 =	sadd.s32 @!p0 s3, s7;
	s7 =	simm.s32 @!p0 $0x108  }
0x21: {  	s3 =	sadd.s32 s3, s9;
	s6 =	sadd.s32 @!p0 $0x88, s6;
	s7 =	simm.s32 @p2 $0x1082  }
0x22: {  	[simem:s7], [sflag:s8] =	dma.local @!p0 [hbm:s6], $0xF7A  }
0x23: {  	s9 =	sor.u32 $0xD0000000, s2;
	s6 =	simm.s32 $0x108;
	_ =	swait.ge @!p0 [sflag:s8], $0x0  }
0x24: {  	s3 =	sadd.s32 $0x88, s3;
	s6 =	simm.s32 @!p1 $0x1082;
	[sflag:s4] =	ssyncset.s32 $0xFFFFF086  }
0x25: {  	[simem:s6], [sflag:s4] =	dma.local [hbm:s3], $0xF7A  }
0x26: {  	[smem:$0x3F96] =	sst s1;
	(tag) =	ssettag s2;
	_ =	strace s9  }
0x27: {  	s1 =	sld [smem:$0x3FA6]  }
0x28: {  	s2 =	sld [smem:$0x3FA7]  }
0x29: {  	s4 =	sld [smem:$0x3FA9]  }
0x2a: {  	p0 =	seq.s32 s5, $0x0;
	s5 =	sld [smem:$0x3FAA]  }
0x2b: {  	s6 =	sld [smem:$0x3FAB]  }
0x2c: {  	s7 =	sld [smem:$0x3FAC]  }
0x2d: {  	s3 =	simm.s32 $0x108;
	s8 =	sld [smem:$0x3FAD]  }
0x2e: {  	s3 =	simm.s32 @!p0 $0x1082;
	s9 =	sld [smem:$0x3FAE]  }
0x2f: {  	lr =	sadd.s32 s0, s3;
	s0 =	sld [smem:$0x3FA5]  }
0x30: {  	s3 =	sld [smem:$0x3FA8]  }
0x31: {  	[smem:$0x3FB1] =	sst s10  }
0x32: {  	s10 =	sld [smem:$0x3FAF];
	_ =	sdelay $0x3  }
0x33: {  	p0 =	seq.s32 s10, $0x1;
	s10 =	sld [smem:$0x3FB1];
	_ =	sdelay $0x3  }
0x34: {  	[smem:$0x3FB1] =	sst s10  }
0x35: {  	s10 =	sld [smem:$0x3FB0];
	_ =	sdelay $0x3  }
0x36: {  	p1 =	seq.s32 s10, $0x1;
	s10 =	sld [smem:$0x3FB1];
	_ =	sdelay $0x3  }
0x37: {  	[smem:$0x3FB1] =	sst s10  }
0x38: {  	s10 =	sld [smem:$0x3FB2]  }
0x39: {  	_ = 	snop;
	(pc) =	sbr.ind lr, $3  }
0x3a: {  	_ = 	snop  }
0x3b: {  	_ = 	snop  }
0x3c: {  	p2 =	seq.s32 s10, $0x1;
	s10 =	sld [smem:$0x3FB1]  }
0x3d: {  	_ =	shalt  }
0x3e: {  	_ =	shalt  }
0x3f: {  	_ =	shalt  }
0x40: {  	_ =	shalt  }
0x41: {  	_ =	shalt  }
0x42: {  	_ =	shalt  }
0x43: {  	_ =	shalt  }
0x44: {  	_ =	shalt  }
0x45: {  	_ =	shalt  }
0x46: {  	_ =	shalt  }
0x47: {  	_ =	shalt  }
0x48: {  	_ =	shalt  }
0x49: {  	_ =	shalt  }
0x4a: {  	_ =	shalt  }
0x4b: {  	_ =	shalt  }
0x4c: {  	_ =	shalt  }
0x4d: {  	_ =	shalt  }
0x4e: {  	_ =	shalt  }
0x4f: {  	_ =	shalt  }
0x50: {  	_ =	shalt  }
0x51: {  	_ =	shalt  }
0x52: {  	_ =	shalt  }
0x53: {  	_ =	shalt  }
0x54: {  	_ =	shalt  }
0x55: {  	_ =	shalt  }
0x56: {  	_ =	shalt  }
0x57: {  	_ =	shalt  }
0x58: {  	_ =	shalt  }
0x59: {  	_ =	shalt  }
0x5a: {  	_ =	shalt  }
0x5b: {  	_ =	shalt  }
0x5c: {  	_ =	shalt  }
0x5d: {  	_ =	shalt  }
0x5e: {  	_ =	shalt  }
0x5f: {  	_ =	shalt  }
0x60: {  	_ =	shalt  }
0x61: {  	_ =	shalt  }
0x62: {  	_ =	shalt  }
0x63: {  	_ =	shalt  }
0x64: {  	_ =	shalt  }
0x65: {  	_ =	shalt  }
0x66: {  	_ =	shalt  }
0x67: {  	_ =	shalt  }
0x68: {  	_ =	shalt  }
0x69: {  	_ =	shalt  }
0x6a: {  	_ =	shalt  }
0x6b: {  	_ =	shalt  }
0x6c: {  	_ =	shalt  }
0x6d: {  	_ =	shalt  }
0x6e: {  	_ =	shalt  }
0x6f: {  	_ =	shalt  }
0x70: {  	_ =	shalt  }
0x71: {  	_ =	shalt  }
0x72: {  	_ =	shalt  }
0x73: {  	_ =	shalt  }
0x74: {  	_ =	shalt  }
0x75: {  	_ =	shalt  }
0x76: {  	_ =	shalt  }
0x77: {  	_ =	shalt  }
0x78: {  	_ =	shalt  }
0x79: {  	_ =	shalt  }
0x7a: {  	_ =	shalt  }
0x7b: {  	_ =	shalt  }
0x7c: {  	_ =	shalt  }
0x7d: {  	_ =	shalt  }
0x7e: {  	_ =	shalt  }
0x7f: {  	_ =	shalt  }
0x80: {  	_ =	shalt  }
0x81: {  	_ =	shalt  }
0x82: {  	_ =	shalt  }
0x83: {  	_ =	shalt  }
0x84: {  	_ =	shalt  }
0x85: {  	_ =	shalt  }
0x86: {  	_ =	shalt  }
0x87: {  	_ =	shalt  }
.Lfunc_end0:
.L_simem_size_0:
called_computation_lowered:
.L_overlay_start_0:
0x88: {  	s2 =	sld [smem:$0x3FD9]  }
0x89: {  	s3 =	sld [smem:$0x3FFE];
	_ =	sdelay $0x1  }
0x8a: {  	s1 =	srdreg.scid  }
0x8b: {  	s0 =	sand.u32 $0x1, s1  }
0x8c: {  	s17 =	sshll.u32 s0, $0xA;
	s2 =	sadd.s32 s3, s2  }
0x8d: {  	s2 =	sadd.s32 s2, s17  }
0x8e: {  	[smem:$0x3FBD] =	sst s2  }
0x8f: {  	_ = 	snop  }
0x90: {  	s18 =	sld [smem:$0x3FC8]  }
0x91: {  	s4 =	sld [smem:$0x3FC7]  }
0x92: {  	s5 =	sld [smem:$0x3FD0];
	(tm) =	ssettm $0x1  }
0x93: {  	s19 =	sld [smem:$0x3FFB];
	_ =	sdelay $0x3  }
0x94: {  	_ =	strace s19  }
0x95: {  	s2 =	sld [smem:$0x3FFC];
	_ =	sdelay $0x3  }
0x96: {  	_ =	strace s2  }
0x97: {  	s2 =	sld [smem:$0x3FFD];
	_ =	sdelay $0x3  }
0x98: {  	_ =	strace s2  }
0x99: {  	_ =	strace $0x8FFFFFFF  }
0x9a: {  	s20 =	sld [smem:$0x3FDB];
	_ =	sdelay $0x1  }
0x9b: {  	s6 =	simm.s32 $_scs_section_size  }
0x9c: {  	s7 =	simm.s32 $_size__tile_overlayer_lowered;
	s8 =	simm.s32 $_tile_overlayer_lowered  }
0x9d: {  	s9 =	simm.s32 $0x1BFF;
	s21 =	sshll.u32 s8, $0x1;
	s6 =	sadd.s32 s6, s20  }
0x9e: {  	s22 =	simm.s32 $0x0;
	s7 =	sshll.u32 s7, $0x1;
	s8 =	sadd.s32 s21, s6  }
0x9f: {  	[timem:s22], [sflag:s9] =	dma.local [hbm:s8], s7  }
0xa0: {  	_ =	swait.ge [sflag:s9], s7  }
0xa1: {  	s7 =	ssub.s32 $0x0, s7;
	[sflag:s9] =	ssyncset.done $0x0  }
0xa2: {  	[sflag:s9] =	ssyncadd.s32 s7;
	_ =	sdelay $0x1  }
0xa3: {  	s23 =	simm.s32 $0x1B8B  }
0xa4: {  	_ =	swait.ge [sflag:s23], $0x1  }
0xa5: {  	[sflag:s23] =	ssyncset.done $0x0  }
0xa6: {  	[sflag:s23] =	ssyncadd.s32 $0xFFFFFFFF  }
0xa7: {  	s7 =	sld [smem:$0x0]  }
0xa8: {  	s8 =	sand.u32 $0xFFFFFFFE, s1  }
0xa9: {  	p0 =	sne.s32 s1, s8  }
0xaa: {  	s8 =	sshll.u32 @p0 s8, $0xE  }
0xab: {  	s8 =	sadd.s32 @p0 $0x11B8D, s8;
	s9 =	sshll.u32 @p0 s7, $0x11  }
0xac: {  	s8 =	sor.u32 @p0 s9, s8  }
0xad: {  	[sflag:s8] =	ssyncadd.remote.s32 @p0 $0x1;
	_ =	sdelay $0x1  }
0xae: {  	s8 =	simm.s32 @p0 $0x1B8D  }
0xaf: {  	_ =	swait.eq @p0 [sflag:s8], $0x1  }
0xb0: {  	[sflag:s8] =	ssyncadd.s32 @p0 $0xFFFFFFFF  }
0xb1: {  	s9 =	sshll.u32 @!p0 s1, $0xE  }
0xb2: {  	s9 =	sor.u32 @!p0 $0x4000, s9;
	s8 =	simm.s32 @!p0 $0x1B8D  }
0xb3: {  	s7 =	sshll.u32 @!p0 s7, $0x11;
	s9 =	sadd.s32 @!p0 $0x11B8D, s9;
	_ =	swait.eq @!p0 [sflag:s8], $0x1  }
0xb4: {  	s7 =	sor.u32 @!p0 s7, s9;
	[sflag:s8] =	ssyncadd.s32 @!p0 $0xFFFFFFFF  }
0xb5: {  	s25 =	simm.s32 $0x1B8E;
	s24 =	sld [smem:$0x3FFE];
	[sflag:s7] =	ssyncadd.remote.s32 @!p0 $0x1  }
0xb6: {  	s26 =	simm.s32 $execute0_lowered;
	[smem:$0x3FD2] =	sst s25  }
0xb7: {  	s8 =	sshll.u32 s26, $0x1;
	_ =	strace $0x8000004C;
	[dreg:$0x1] =	wrdreg $0xFFFFFFFF  }
0xb8: {  	s28 =	simm.s32 $_size_execute0_lowered;
	s6 =	sadd.s32 s6, s8;
	[dreg:$0x0] =	wrdreg $0x0  }
0xb9: {  	s8 =	sshll.u32 s28, $0x1;
	[dreg:$0x2] =	wrdreg s6  }
0xba: {  	[dreg:$0x3] =	wrdreg s8  }
0xbb: {  	[dreg:$0x4] =	wrdreg $0xC0  }
0xbc: {  	_ =	task [dreg:s22], $0x5FFFF  }
0xbd: {  	[dreg:$0x1] =	wrdreg $0xFFFFFFFF  }
0xbe: {  	[dreg:$0x0] =	wrdreg $0x60  }
0xbf: {  	[dreg:$0x2] =	wrdreg s5  }
0xc0: {  	[dreg:$0x3] =	wrdreg s24  }
0xc1: {  	[dreg:$0x4] =	wrdreg s18  }
0xc2: {  	[dreg:$0x5] =	wrdreg s4  }
0xc3: {  	[dreg:$0x6] =	wrdreg $0x0  }
0xc4: {  	[dreg:$0x7] =	wrdreg $0x9  }
0xc5: {  	_ =	task.clear_ibuf [dreg:s22], $0x8FFFF;
	_ =	strace $0x9000004C  }
0xc6: {  	s29 =	simm.s32 $0x9;
	_ =	strace $0x8000004E  }
0xc7: {  	_ =	swait.ge [sflag:s29], $0x1  }
0xc8: {  	[sflag:s29] =	ssyncadd.s32 $0xFFFFFFFF  }
0xc9: {  	_ =	strace $0x9000004E  }
0xca: {  	_ =	sfence  }
0xcb: {  	s30 =	sld [smem:$0x0];
	_ =	sdelay $0x2  }
0xcc: {  	s31 =	sshll.u32 s1, $0xD;
	s1 =	sshrl.u32 s1, $0x2  }
0xcd: {  	s4 =	sand.u32 $0x4000, s31;
	s1 =	sadd.s32 s1, s30  }
0xce: {  	s0 =	sor.u32 s4, s0;
	s1 =	sshll.u32 s1, $0x11  }
0xcf: {  	s0 =	sor.u32 s1, s0  }
0xd0: {  	s0 =	sadd.s32 $0x8F2B, s0  }
0xd1: {  	[sflag:s0] =	ssyncadd.remote.s32 $0x1  }
0xd2: {  	_ =	sfence.sel $0xFFFF  }
0xd3: {  	[dreg:$0x0] =	wrdreg $0xFFFFFFFF;
	(pc) =	sbr.abs _section_cstart, $3  }
0xd4: {  	[dreg:$0x1] =	wrdreg $0xFFFFFFFF  }
0xd5: {  	_ =	task.clear_ibuf [dreg:s22], $0x2FFFF;
	_ =	strace $0x9FFFFFFF  }
0xd6: {  	(tm) =	ssettm $0x7FFFFFFF  }
0xd7: {  	_ =	shalt  }
tec
execute0_lowered:
.L_overlay_start_1:
0x0: {  	(tag) =	ssettag $0x1  }
0x1: {  	s1 =	rddreg [dreg:$0x0]  }
0x2: {  	s0 =	rddreg [dreg:$0x1]  }
0x3: {  	s2 =	rddreg [dreg:$0x2]  }
0x4: {  	s4 =	rddreg [dreg:$0x3]  }
0x5: {  	s5 =	rddreg [dreg:$0x4]  }
0x6: {  	s6 =	simm.s32 $0x0;
	s14 =	stileid.u32;
	s8 =	srdreg.scid  }
0x7: {  	s29 =	simm.s32 $0x1;
	s30 =	simm.s32 $0x50;
	[smem:$0x7FF] =	sst s6  }
0x8: {  	s3 =	smul.u32 $0x2800, s14;
	s7 =	sadd.s32 $0x2BBA00, s0;
	s9 =	sand.u32 $0x1, s8  }
0x9: {  	s10 =	smul.u32 $0x50000, s14;
	s12 =	sadd.s32 $0x3B5A00, s0;
	s17 =	sadd.s32 $0x12C000, s5  }
0xa: {  	s23 =	smul.u32 $0x14000, s14;
	p0 =	seq.s32 s14, $0xF;
	_ =	strace $0x8000004D  }
0xb: {  	s8 =	ssub.s32 $0x2, s9;
	s11 =	sshll.u32 s9, $0x4;
	[dreg:$0x8] =	wrdreg s17  }
0xc: {  	s9 =	smul.u32 $0x138800, s9;
	s3 =	sadd.s32 s3, s0;
	s13 =	sshrl.u32 s8, $0x1  }
0xd: {  	s11 =	sor.u32 s14, s11;
	s10 =	sshrl.u32 s10, $0x2;
	s0 =	sadd.s32 $0x29C00, s0  }
0xe: {  	s13 =	ssub.s32 s8, s13;
	s8 =	smul.u32 $0x7D0, s11;
	s10 =	sadd.s32 s10, s5  }
0xf: {  	s3 =	sadd.s32 $0x4400, s3;
	[dreg:$0x9] =	wrdreg s0;
	s19 =	smul.u32 $0x7D00, s11  }
0x10: {  	s26 =	sadd.s32 s23, s9;
	s9 =	sshrl.u32 s9, $0x3;
	[dreg:$0x6] =	wrdreg s10  }
0x11: {  	s23 =	simm.s32 $0x0;
	[dreg:$0x7] =	wrdreg s3;
	s28 =	sshrl.u32 s26, $0x3  }
0x12: {  	s31 =	sadd.s32 s12, s9;
	s18 =	sshrl.u32 s8, $0x3;
	s21 =	sadd.s32 $0x50, s8  }
0x13: {  	s3 =	sadd.s32 s7, s19;
	s19 =	sadd.s32 s12, s28;
	s20 =	sadd.s32 s2, s18  }
0x14: {  	s0 =	sadd.s32 s4, s18;
	s22 =	sshrl.u32 s21, $0x3;
	[dreg:$0xc] =	wrdreg s3  }
0x15: {  	s25 =	sshll.u32 s21, $0x4;
	s21 =	smax.u32 s13, $0x1;
	[dreg:$0xa] =	wrdreg s20  }
0x16: {  	[dreg:$0xb] =	wrdreg s0;
	s24 =	sadd.s32 s2, s22;
	s0 =	sadd.s32 s4, s22  }
0x17: {  	s18 =	sadd.s32 s7, s25;
	s20 =	sadd.s32 $0x25800, s31;
	[dreg:$0xd] =	wrdreg s24  }
0x18: {  	s22 =	simm.s32 $0x13880;
	[dreg:$0xe] =	wrdreg s0;
	s0 =	simm.s32 $0x8  }
.LBB2_1:
0x19: {  	s3 =	rddreg [dreg:$0x8]  }
0x1a: {  	s9 =	rddreg [dreg:$0x9];
	s24 =	sshrl.u32 @p0 s3, $0x3;
	s3 =	simm.s32 @p0 $0x1FCA  }
0x1b: {  	[spmem:s24], [sflag:s3] =	dma.local @p0 [hbm:s9], $0x1900  }
0x1c: {  	s3 =	simm.s32 @p0 $0xA  }
0x1d: {  	_ =	swait.ge @p0 [sflag:s3], $0x1900  }
0x1e: {  	s9 =	stileid.u32;
	[sflag:s3] =	ssyncset.done @p0 $0x0  }
0x1f: {  	s9 =	sshll.u32 @!p0 s9, $0x6;
	[sflag:s3] =	ssyncadd.s32 @p0 $0xFFFFE700;
	s3 =	rddreg [dreg:$0x6]  }
0x20: {  	s25 =	sor.u32 @!p0 $0x1C0A, s9;
	s26 =	sshrl.u32 @!p0 s3, $0x3;
	s3 =	rddreg [dreg:$0x7]  }
0x21: {  	[spmem:s26], [sflag:s25] =	dma.local @!p0 [hbm:s3], $0x2800  }
0x22: {  	s3 =	simm.s32 @!p0 $0xA  }
0x23: {  	_ =	swait.ge @!p0 [sflag:s3], $0x2800  }
0x24: {  	[sflag:s3] =	ssyncset.done @!p0 $0x0  }
0x25: {  	[sflag:s3] =	ssyncadd.s32 @!p0 $0xFFFFD800  }
0x26: {  	[bflag:$0x0] =	sbarrier.arrive $0xFFFF  }
0x27: {  	s31 =	rddreg [dreg:$0xa]  }
0x28: {  	[tilespmem:s22], [sflag:$0x1] =	stream.linear.gather [hbm4b:s31+s6], $0x50, $0x38;
	[tilespmem:$0x1DB80] =	vst v63  }
0x29: {  	s10 =	simm.s32 $0x13900;
	s9 =	rddreg [dreg:$0xb]  }
0x2a: {  	[tilespmem:s10], [sflag:$0x1] =	stream.linear.gather [hbm4b:s9+s6], $0x50, $0x38;
	[tilespmem:$0x1DB80] =	vst v63  }
0x2b: {  	s12 =	simm.s32 $0x13B80;
	s11 =	rddreg [dreg:$0xc]  }
0x2c: {  	[tilespmem:s12], [sflag:$0x4] =	stream.linear.gather [hbm4b:s11+s6], $0x2800, $0x38;
	[tilespmem:$0x1DB80] =	vst v63  }
0x2d: {  	s14 =	simm.s32 $0x13980;
	s13 =	rddreg [dreg:$0xd]  }
0x2e: {  	[tilespmem:s14], [sflag:$0x2] =	stream.linear.gather [hbm4b:s13+s6], $0x50, $0x38;
	[tilespmem:$0x1DB80] =	vst v63  }
0x2f: {  	s16 =	simm.s32 $0x13A00;
	s15 =	rddreg [dreg:$0xe]  }
0x30: {  	[tilespmem:s16], [sflag:$0x2] =	stream.linear.gather [hbm4b:s15+s6], $0x50, $0x38;
	[tilespmem:$0x1DB80] =	vst v63  }
0x31: {  	s17 =	simm.s32 $0x16380  }
0x32: {  	[tilespmem:s17], [sflag:$0x5] =	stream.linear.gather [hbm4b:s18+s6], $0x2800, $0x38;
	[tilespmem:$0x1DB80] =	vst v63  }
0x33: {  	_ =	swait.ge [sflag:s29], $0x50  }
0x34: {  	[sflag:s29] =	ssyncset.done $0x0  }
0x35: {  	[sflag:s29] =	ssyncadd.s32 $0xFFFFFFB0  }
0x36: {  	_ =	swait.ge [sflag:s29], $0x50  }
0x37: {  	p1 =	por $0x0, $0x0;
	[sflag:s29] =	ssyncset.done $0x0  }
0x38: {  	s28 =	simm.s32 $0x0;
	s31 =	simm.s32 $0x18B80;
	[sflag:s29] =	ssyncadd.s32 $0xFFFFFFB0  }
0x39: {  	[tilespmem:s31], [sflag:$0x6] =	stream.indirect.gather [hbm4b:s1+s30], $0x80, s22, s30, $0xb8;
	[tilespmem:$0x1DB80] =	vst v63  }
.LBB2_2:
0x3a: {  	s31 =	sadd.s32 $0x1, s28  }
0x3b: {  	p2 =	seq.s32 s28, $0x0;
	s3 =	sand.u32 $0x1, s31  }
0x3c: {  	s9 =	sor.u32 @!p2 $0x8, s3  }
0x3d: {  	s12 =	smul.u32 $0xAB, s28;
	p3 =	seq.s32 @!p2 s28, $0x18;
	_ =	swait.ge @!p2 [sflag:s9], $0x2800  }
0x3e: {  	p3 =	por p2, !p3;
	[sflag:s9] =	ssyncset.done @!p2 $0x0  }
0x3f: {  	[sflag:s9] =	ssyncadd.s32 @!p2 $0xFFFFD800;
	s9 =	sadd.s32 @p3 $0xAB, s12  }
0x40: {  	s9 =	sshrl.u32 @p3 s9, $0x9  }
0x41: {  	s9 =	sand.u32 @p3 $0x7F, s9  }
0x42: {  	s9 =	smul.u32 @p3 $0x3, s9;
	_ =	sdelay $0x1  }
0x43: {  	s9 =	ssub.s32 @p3 s31, s9  }
0x44: {  	s9 =	sand.u32 @p3 $0xFF, s9  }
0x45: {  	s10 =	sadd.s32 @p3 $0x1, s9  }
0x46: {  	_ =	swait.ge @p3 [sflag:s10], $0x50  }
0x47: {  	[sflag:s10] =	ssyncset.done @p3 $0x0  }
0x48: {  	[sflag:s10] =	ssyncadd.s32 @p3 $0xFFFFFFB0  }
0x49: {  	s11 =	smul.u32 @p3 $0xA000, s3;
	_ =	swait.ge @p3 [sflag:s10], $0x50  }
0x4a: {  	[sflag:s10] =	ssyncset.done @p3 $0x0  }
0x4b: {  	s9 =	sshll.u32 @p3 s9, $0x8;
	[sflag:s10] =	ssyncadd.s32 @p3 $0xFFFFFFB0;
	s10 =	sshrl.u32 @p3 s11, $0x2  }
0x4c: {  	s3 =	sor.u32 @p3 $0x6, s3;
	s9 =	sadd.s32 @p3 $0x13880, s9;
	s10 =	sadd.s32 @p3 $0x18B80, s10  }
0x4d: {  	[tilespmem:s10], [sflag:s3] =	stream.indirect.gather @p3 [hbm4b:s1+s30], $0x80, s9, s30, $0xb8;
	[tilespmem:$0x1DB80] =	vst v63  }
0x4e: {  	s9 =	sand.u32 $0x1, s28  }
0x4f: {  	s16 =	sor.u32 $0x6, s9  }
0x50: {  	s10 =	simm.s32 $0x1;
	_ =	swait.ge [sflag:s16], $0x2800  }
0x51: {  	s10 =	simm.s32 @!p1 $0x0;
	[sflag:s16] =	ssyncset.done $0x0  }
0x52: {  	s3 =	sor.u32 $0x4, s9;
	s10 =	smul.u32 $0xA000, s10;
	[sflag:s16] =	ssyncadd.s32 $0xFFFFD800  }
0x53: {  	_ =	swait.ge [sflag:s3], $0x2800  }
0x54: {  	s17 =	sshrl.u32 s10, $0x2;
	[sflag:s3] =	ssyncset.done $0x0  }
0x55: {  	s10 =	sadd.s32 $0x13C00, s17;
	[sflag:s3] =	ssyncadd.s32 $0xFFFFD800  }
0x56: {  	s11 =	sadd.s32 $0x18C00, s17;
	v0 =	vld [tilespmem:s10+$0xFFFFFF80]  }
0x57: {  	v1 =	vld [tilespmem:s11+$0xFFFFFF80]  }
0x58: {  	v2 =	vld [tilespmem:s11+$0xFFFFFF90];
	_ =	sdelay $0x2  }
0x59: {  	v3 =	vshll.u32 v0, $0x10  }
0x5a: {  	v0 =	vand.u32 $0xFFFF0000, v0;
	v1 =	vmul.f32 v3, v1  }
0x5b: {  	v0 =	vmul.f32 v0, v2  }
0x5c: {  	[tilespmem:s11+$0xFFFFFF80] =	vst v1  }
0x5d: {  	[tilespmem:s11+$0xFFFFFF90] =	vst v0  }
0x5e: {  	v0 =	vld [tilespmem:s10+$0xFFFFFF90]  }
0x5f: {  	v1 =	vld [tilespmem:s11+$0xFFFFFFA0]  }
0x60: {  	v2 =	vld [tilespmem:s11+$0xFFFFFFB0];
	_ =	sdelay $0x2  }
0x61: {  	v3 =	vshll.u32 v0, $0x10  }
0x62: {  	v0 =	vand.u32 $0xFFFF0000, v0;
	v1 =	vmul.f32 v3, v1  }
0x63: {  	v0 =	vmul.f32 v0, v2  }
0x64: {  	[tilespmem:s11+$0xFFFFFFA0] =	vst v1  }
0x65: {  	[tilespmem:s11+$0xFFFFFFB0] =	vst v0  }
0x66: {  	v0 =	vld [tilespmem:s10+$0xFFFFFFA0]  }
0x67: {  	v1 =	vld [tilespmem:s11+$0xFFFFFFC0]  }
0x68: {  	v2 =	vld [tilespmem:s11+$0xFFFFFFD0];
	_ =	sdelay $0x2  }
0x69: {  	v3 =	vshll.u32 v0, $0x10  }
0x6a: {  	v0 =	vand.u32 $0xFFFF0000, v0;
	v1 =	vmul.f32 v3, v1  }
0x6b: {  	v0 =	vmul.f32 v0, v2  }
0x6c: {  	[tilespmem:s11+$0xFFFFFFC0] =	vst v1  }
0x6d: {  	[tilespmem:s11+$0xFFFFFFD0] =	vst v0  }
0x6e: {  	v0 =	vld [tilespmem:s10+$0xFFFFFFB0]  }
0x6f: {  	v2 =	vld [tilespmem:s11+$0xFFFFFFE0]  }
0x70: {  	v1 =	vld [tilespmem:s11+$0xFFFFFFF0];
	_ =	sdelay $0x2  }
0x71: {  	v3 =	vshll.u32 v0, $0x10  }
0x72: {  	v0 =	vand.u32 $0xFFFF0000, v0;
	v2 =	vmul.f32 v3, v2  }
0x73: {  	v0 =	vmul.f32 v0, v1  }
0x74: {  	[tilespmem:s11+$0xFFFFFFE0] =	vst v2  }
0x75: {  	[tilespmem:s11+$0xFFFFFFF0] =	vst v0  }
0x76: {  	v0 =	vld [tilespmem:s10+$0x0]  }
0x77: {  	v1 =	vld [tilespmem:s11+$0x0]  }
0x78: {  	v2 =	vld [tilespmem:s11+$0x10];
	_ =	sdelay $0x2  }
0x79: {  	v3 =	vshll.u32 v0, $0x10  }
0x7a: {  	v0 =	vand.u32 $0xFFFF0000, v0;
	v1 =	vmul.f32 v3, v1  }
0x7b: {  	v0 =	vmul.f32 v0, v2  }
0x7c: {  	[tilespmem:s11+$0x0] =	vst v1  }
0x7d: {  	[tilespmem:s11+$0x10] =	vst v0  }
0x7e: {  	v0 =	vld [tilespmem:s10+$0x10]  }
0x7f: {  	v1 =	vld [tilespmem:s11+$0x20]  }
0x80: {  	v2 =	vld [tilespmem:s11+$0x30];
	_ =	sdelay $0x2  }
0x81: {  	v3 =	vshll.u32 v0, $0x10  }
0x82: {  	v0 =	vand.u32 $0xFFFF0000, v0;
	v1 =	vmul.f32 v3, v1  }
0x83: {  	v2 =	vmul.f32 v0, v2  }
0x84: {  	[tilespmem:s11+$0x20] =	vst v1  }
0x85: {  	[tilespmem:s11+$0x30] =	vst v2  }
0x86: {  	v1 =	vld [tilespmem:s10+$0x20]  }
0x87: {  	v2 =	vld [tilespmem:s11+$0x40]  }
0x88: {  	v3 =	vld [tilespmem:s11+$0x50]  }
0x89: {  	s13 =	sshrl.u32 s12, $0x9;
	s12 =	sadd.s32 $0x156, s12  }
0x8a: {  	s13 =	sand.u32 $0x7F, s13;
	s12 =	sshrl.u32 s12, $0x9  }
0x8b: {  	s13 =	smul.u32 $0x3, s13;
	s12 =	sand.u32 $0x7F, s12;
	v4 =	vshll.u32 v1, $0x10  }
0x8c: {  	s12 =	smul.u32 $0x3, s12;
	v5 =	vand.u32 $0xFFFF0000, v1;
	v2 =	vmul.f32 v4, v2  }
0x8d: {  	s14 =	ssub.s32 s28, s13;
	s13 =	sadd.s32 $0x2, s28;
	v3 =	vmul.f32 v5, v3  }
0x8e: {  	s12 =	ssub.s32 s13, s12;
	v0 =	vld [tilespmem:s11+$0x60];
	[tilespmem:s11+$0x40] =	vst v2  }
0x8f: {  	s15 =	sand.u32 $0xFF, s14;
	s14 =	sand.u32 $0xFF, s12;
	v1 =	vld [tilespmem:s11+$0x70];
	[tilespmem:s11+$0x50] =	vst v3  }
0x90: {  	s12 =	smul.u32 $0x2800, s9;
	s17 =	simm.s32 $0x0;
	s16 =	smov.u32 s11;
	v2 =	vld [tilespmem:s10+$0x30]  }
.LBB2_3:
0x91: {  	s17 =	sadd.s32 $0x2, s17;
	s11 =	sadd.s32 $0x100, s11;
	s10 =	sadd.s32 $0x100, s10  }
0x92: {  	p2 =	slt.u32 s17, $0x4E;
	_ =	sdelay $0x2  }
0x93: {  	v3 =	vshll.u32 v2, $0x10;
	v2 =	vand.u32 $0xFFFF0000, v2  }
0x94: {  	v0 =	vmul.f32 v3, v0;
	v1 =	vmul.f32 v2, v1;
	_ =	sdelay $0x1  }
0x95: {  	[tilespmem:s16+$0x60] =	vst v0  }
0x96: {  	v2 =	vld [tilespmem:s11+$0xFFFFFF90];
	[tilespmem:s16+$0x70] =	vst v1;
	s16 =	smov.u32 s11  }
0x97: {  	v3 =	vld [tilespmem:s10+$0xFFFFFF80]  }
0x98: {  	v4 =	vld [tilespmem:s11+$0xFFFFFF80]  }
0x99: {  	v1 =	vld [tilespmem:s11+$0x70]  }
0x9a: {  	v0 =	vld [tilespmem:s11+$0x60];
	_ =	sdelay $0x1  }
0x9b: {  	v5 =	vshll.u32 v3, $0x10;
	v3 =	vand.u32 $0xFFFF0000, v3  }
0x9c: {  	v4 =	vmul.f32 v5, v4;
	v2 =	vmul.f32 v3, v2;
	_ =	sdelay $0x1  }
0x9d: {  	[tilespmem:s11+$0xFFFFFF80] =	vst v4  }
0x9e: {  	[tilespmem:s11+$0xFFFFFF90] =	vst v2;
	v2 =	vld [tilespmem:s11+$0xFFFFFFB0]  }
0x9f: {  	v3 =	vld [tilespmem:s10+$0xFFFFFF90]  }
0xa0: {  	v4 =	vld [tilespmem:s11+$0xFFFFFFA0];
	_ =	sdelay $0x3  }
0xa1: {  	v5 =	vshll.u32 v3, $0x10;
	v3 =	vand.u32 $0xFFFF0000, v3  }
0xa2: {  	v4 =	vmul.f32 v5, v4;
	v2 =	vmul.f32 v3, v2;
	_ =	sdelay $0x1  }
0xa3: {  	[tilespmem:s11+$0xFFFFFFA0] =	vst v4  }
0xa4: {  	[tilespmem:s11+$0xFFFFFFB0] =	vst v2;
	v2 =	vld [tilespmem:s11+$0xFFFFFFD0]  }
0xa5: {  	v3 =	vld [tilespmem:s10+$0xFFFFFFA0]  }
0xa6: {  	v4 =	vld [tilespmem:s11+$0xFFFFFFC0];
	_ =	sdelay $0x3  }
0xa7: {  	v5 =	vshll.u32 v3, $0x10;
	v3 =	vand.u32 $0xFFFF0000, v3  }
0xa8: {  	v4 =	vmul.f32 v5, v4;
	v2 =	vmul.f32 v3, v2;
	_ =	sdelay $0x1  }
0xa9: {  	[tilespmem:s11+$0xFFFFFFC0] =	vst v4;
	v3 =	vld [tilespmem:s11+$0xFFFFFFF0]  }
0xaa: {  	[tilespmem:s11+$0xFFFFFFD0] =	vst v2  }
0xab: {  	v2 =	vld [tilespmem:s10+$0xFFFFFFB0]  }
0xac: {  	v4 =	vld [tilespmem:s11+$0xFFFFFFE0];
	_ =	sdelay $0x3  }
0xad: {  	v5 =	vshll.u32 v2, $0x10;
	v2 =	vand.u32 $0xFFFF0000, v2  }
0xae: {  	v4 =	vmul.f32 v5, v4;
	v2 =	vmul.f32 v2, v3;
	_ =	sdelay $0x1  }
0xaf: {  	[tilespmem:s11+$0xFFFFFFE0] =	vst v4  }
0xb0: {  	[tilespmem:s11+$0xFFFFFFF0] =	vst v2;
	v2 =	vld [tilespmem:s11+$0x10]  }
0xb1: {  	v3 =	vld [tilespmem:s10+$0x0]  }
0xb2: {  	v4 =	vld [tilespmem:s11+$0x0];
	_ =	sdelay $0x3  }
0xb3: {  	v5 =	vshll.u32 v3, $0x10;
	v3 =	vand.u32 $0xFFFF0000, v3  }
0xb4: {  	v4 =	vmul.f32 v5, v4;
	v2 =	vmul.f32 v3, v2;
	_ =	sdelay $0x1  }
0xb5: {  	[tilespmem:s11+$0x0] =	vst v4  }
0xb6: {  	[tilespmem:s11+$0x10] =	vst v2;
	v2 =	vld [tilespmem:s11+$0x30]  }
0xb7: {  	v3 =	vld [tilespmem:s10+$0x10]  }
0xb8: {  	v4 =	vld [tilespmem:s11+$0x20];
	_ =	sdelay $0x3  }
0xb9: {  	v5 =	vshll.u32 v3, $0x10;
	v3 =	vand.u32 $0xFFFF0000, v3  }
0xba: {  	v4 =	vmul.f32 v5, v4;
	v2 =	vmul.f32 v3, v2;
	_ =	sdelay $0x1  }
0xbb: {  	[tilespmem:s11+$0x20] =	vst v4  }
0xbc: {  	[tilespmem:s11+$0x30] =	vst v2;
	v2 =	vld [tilespmem:s11+$0x50]  }
0xbd: {  	v3 =	vld [tilespmem:s10+$0x20]  }
0xbe: {  	v4 =	vld [tilespmem:s11+$0x40];
	_ =	sdelay $0x3  }
0xbf: {  	v5 =	vshll.u32 v3, $0x10;
	v3 =	vand.u32 $0xFFFF0000, v3  }
.Ltmp0:
0xc0: {  	v4 =	vmul.f32 v5, v4;
	v2 =	vmul.f32 v3, v2;
	(pc) =	sbr.rel @p2 .LBB2_3-.Ltmp0, $4  }
0xc1: {  	_ = 	snop  }
0xc2: {  	[tilespmem:s11+$0x40] =	vst v4  }
0xc3: {  	[tilespmem:s11+$0x50] =	vst v2  }
0xc4: {  	v2 =	vld [tilespmem:s10+$0x30]  }
0xc5: {  	_ =	sdelay $0x3  }
0xc6: {  	v3 =	vshll.u32 v2, $0x10  }
0xc7: {  	v63 =	vand.u32 $0xFFFF0000, v2;
	v0 =	vmul.f32 v3, v0  }
0xc8: {  	v1 =	vmul.f32 v63, v1  }
0xc9: {  	s10 =	sadd.s32 $0x18B80, s12;
	s11 =	sshll.u32 s15, $0x8;
	p2 =	sgt.u32 s28, $0x16;
	[tilespmem:s16+$0x60] =	vst v0  }
0xca: {  	s9 =	sor.u32 $0x8, s9;
	s11 =	sadd.s32 $0x13900, s11;
	s13 =	smul.u32 @!p2 $0x50, s13;
	[tilespmem:s16+$0x70] =	vst v1  }
0xcb: {  	[spmem:s5] =	stream.indirect.scatter.add.f32 [tilespmem:s10], [sflag:s9], $0x80, s11, s30, $0xb8;
	[tilespmem:$0x1DB80] =	vst v63  }
0xcc: {  	s9 =	sadd.s32 @!p2 s8, s13  }
0xcd: {  	s16 =	simm.s32 @!p2 $0x0;
	s11 =	sshll.u32 @!p2 s14, $0x8;
	s13 =	sshrl.u32 @!p2 s9, $0x3  }
0xce: {  	s10 =	sadd.s32 @!p2 $0x1, s14;
	s14 =	sadd.s32 @!p2 $0x13880, s11;
	s15 =	sadd.s32 @!p2 s2, s13  }
0xcf: {  	[tilespmem:s14], [sflag:s10] =	stream.linear.gather @!p2 [hbm4b:s15+s16], $0x50, $0x38;
	[tilespmem:$0x1DB80] =	vst v63  }
0xd0: {  	s11 =	sadd.s32 @!p2 $0x13900, s11;
	s9 =	sshll.u32 @!p2 s9, $0x4;
	s13 =	sadd.s32 @!p2 s4, s13  }
0xd1: {  	[tilespmem:s11], [sflag:s10] =	stream.linear.gather @!p2 [hbm4b:s13+s16], $0x50, $0x38;
	[tilespmem:$0x1DB80] =	vst v63  }
0xd2: {  	s9 =	sadd.s32 @!p2 s7, s9;
	s10 =	sadd.s32 @!p2 $0x13B80, s12  }
0xd3: {  	[tilespmem:s10], [sflag:s3] =	stream.linear.gather @!p2 [hbm4b:s9+s16], $0x2800, $0x38;
	[tilespmem:$0x1DB80] =	vst v63  }
0xd4: {  	p2 =	sne.s32 s31, $0x19  }
.Ltmp1:
0xd5: {  	_ = 	snop;
	(pc) =	sbr.rel @p2 .LBB2_2-.Ltmp1, $2  }
0xd6: {  	_ =	sdelay $0x2  }
0xd7: {  	p1 =	por !p1, !p1;
	s28 =	smov.u32 s31  }
0xd8: {  	_ =	swait.ge [sflag:s0], $0x2800  }
0xd9: {  	[sflag:s0] =	ssyncset.done $0x0  }
0xda: {  	[sflag:s0] =	ssyncadd.s32 $0xFFFFD800  }
0xdb: {  	s3 =	simm.s32 @p0 $0x1FCA;
	[bflag:$0x0] =	sbarrier.arrive $0xFFFF  }
0xdc: {  	[hbm:s20], [sflag:s3] =	dma.local @p0 [spmem:s24], $0x1900  }
0xdd: {  	s3 =	simm.s32 @p0 $0xA  }
0xde: {  	s23 =	sadd.s32 $0x1, s23;
	_ =	swait.ge @p0 [sflag:s3], $0x1900  }
0xdf: {  	p1 =	sne.s32 s23, s21;
	[sflag:s3] =	ssyncset.done @p0 $0x0  }
.Ltmp2:
0xe0: {  	[sflag:s3] =	ssyncadd.s32 @p0 $0xFFFFE700;
	s3 =	simm.s32 @!p0 $0xA;
	(pc) =	sbr.rel @p1 .LBB2_1-.Ltmp2, $4  }
0xe1: {  	[hbm:s19], [sflag:s25] =	dma.local @!p0 [spmem:s26], $0x2800  }
0xe2: {  	_ =	swait.ge @!p0 [sflag:s3], $0x2800  }
0xe3: {  	[sflag:s3] =	ssyncset.done @!p0 $0x0  }
0xe4: {  	[sflag:s3] =	ssyncadd.s32 @!p0 $0xFFFFD800  }
0xe5: {  	_ =	sfence.sel $0x180000  }
0xe6: {  	[bflag:$0x0] =	sbarrier.arrive $0xFFFF  }
0xe7: {  	_ =	strace $0x9000004D  }
0xe8: {  	s0 =	stileid.u32;
	[bflag:$0x2] =	sbarrier.arrive $0xFFFF  }
0xe9: {  	p0 =	sne.s32 s0, $0x0;
	s0 =	rddreg [dreg:$0x5]  }
0xea: {  	s0 =	sadd.s32 @!p0 $0x100000, s0  }
0xeb: {  	[sflag:s0] =	ssyncadd.tile.s32 @!p0 $0x1;
	_ =	shalt  }
.Lfunc_end2:
_tile_overlayer_lowered:
.L_overlay_start_2:
0xec: {  	(tag) =	ssettag $0x2  }
0xed: {  	s0 =	rddreg [dreg:$0x0];
	s2 =	stileid.u32  }
0xee: {  	s1 =	rddreg [dreg:$0x1];
	p0 =	sne.s32 s2, $0x0  }
0xef: {  	s3 =	rddreg [dreg:$0x2];
	[bflag:$0x3] =	sbarrier.arrive $0xFFFF;
	s2 =	simm.s32 @!p0 $0x1C0A  }
0xf0: {  	[timem:s3], [sflag:s2] =	dma.local @!p0 [hbm:s0], s1  }
0xf1: {  	s0 =	simm.s32 @!p0 $0xA  }
0xf2: {  	_ =	swait.ge @!p0 [sflag:s0], s1  }
0xf3: {  	s1 =	ssub.s32 @!p0 $0x0, s1;
	[sflag:s0] =	ssyncset.done @!p0 $0x0  }
0xf4: {  	[sflag:s0] =	ssyncadd.s32 @!p0 s1  }
0xf5: {  	[bflag:$0x3] =	sbarrier.arrive $0xFFFF  }
0xf6: {  	_ =	shalt  }

// kernel: kernel.13.cloned.1.call-start
scs
__scs_entry_jumppad:
0x0: {  	(pc) =	sbr.rel $0x88, $3  }
0x1: {  	(tag) =	ssettag $0x0;
	lr =	simm.s32 $0x1  }
0x2: {  	[smem:$0x3F96] =	sst lr;
	_ =	strace $0xD0000000  }
0x3: {  	_ = 	snop  }
0x4: {  	_ = 	snop  }
0x5: {  	_ = 	snop  }
0x6: {  	_ = 	snop  }
0x7: {  	_ = 	snop  }
__scs_overlays_trampoline_lowered:
0x8: {  	[smem:$0x3FA5] =	sst s0  }
0x9: {  	[smem:$0x3FA6] =	sst s1  }
0xa: {  	[smem:$0x3FA7] =	sst s2  }
0xb: {  	[smem:$0x3FA8] =	sst s3  }
0xc: {  	[smem:$0x3FA9] =	sst s4  }
0xd: {  	[smem:$0x3FAA] =	sst s5  }
0xe: {  	[smem:$0x3FAB] =	sst s6  }
0xf: {  	[smem:$0x3FAC] =	sst s7  }
0x10: {  	[smem:$0x3FAD] =	sst s8  }
0x11: {  	[smem:$0x3FAE] =	sst s9;
	s0 =	simm.s32 @!p0 $0x0  }
0x12: {  	s1 =	sld [smem:$0x3F94];
	s0 =	simm.s32 @p0 $0x1  }
0x13: {  	[smem:$0x3FAF] =	sst s0;
	s0 =	simm.s32 @!p1 $0x0  }
0x14: {  	s2 =	sld [smem:$0x3F93];
	s0 =	simm.s32 @p1 $0x1  }
0x15: {  	[smem:$0x3FB0] =	sst s0;
	s0 =	simm.s32 @!p2 $0x0  }
0x16: {  	s3 =	sld [smem:$0x3FDB];
	s0 =	simm.s32 @p2 $0x1  }
0x17: {  	s4 =	simm.s32 $0x1BF5;
	[smem:$0x3FB2] =	sst s0  }
0x18: {  	s0 =	sld [smem:$0x3F95];
	_ =	swait.ge [sflag:s4], $0x0  }
0x19: {  	s7 =	sld [smem:$0x3F96]  }
0x1a: {  	s8 =	sadd.s32 $0xFFFFE003, lr  }
0x1b: {  	s9 =	sadd.s32 $0xFFFFFEF7, lr;
	s5 =	simm.s32 $0xFFFFFFFF;
	p2 =	slt.u32 s8, $0xFFFFF086  }
0x1c: {  	p1 =	slt.u32 s9, $0xF7A;
	s5 =	simm.s32 @!p2 $0x0  }
0x1d: {  	s5 =	simm.s32 @p1 $0x1;
	p0 =	seq.s32 s7, s2  }
0x1e: {  	s7 =	smul.u32 @!p0 $0xF7A, s2;
	p2 =	seq.s32 @!p0 s5, $0x0  }
0x1f: {  	s9 =	smul.u32 $0xF7A, s1;
	s8 =	simm.s32 @!p0 $0x1BF5;
	p2 =	por !p2, p0  }
0x20: {  	[sflag:s8] =	ssyncset.s32 @!p0 $0xFFFFF086;
	s6 =	sadd.s32 @!p0 s3, s7;
	s7 =	simm.s32 @!p0 $0x108  }
0x21: {  	s3 =	sadd.s32 s3, s9;
	s6 =	sadd.s32 @!p0 $0x88, s6;
	s7 =	simm.s32 @p2 $0x1082  }
0x22: {  	[simem:s7], [sflag:s8] =	dma.local @!p0 [hbm:s6], $0xF7A  }
0x23: {  	s9 =	sor.u32 $0xD0000000, s2;
	s6 =	simm.s32 $0x108;
	_ =	swait.ge @!p0 [sflag:s8], $0x0  }
0x24: {  	s3 =	sadd.s32 $0x88, s3;
	s6 =	simm.s32 @!p1 $0x1082;
	[sflag:s4] =	ssyncset.s32 $0xFFFFF086  }
0x25: {  	[simem:s6], [sflag:s4] =	dma.local [hbm:s3], $0xF7A  }
0x26: {  	[smem:$0x3F96] =	sst s1;
	(tag) =	ssettag s2;
	_ =	strace s9  }
0x27: {  	s1 =	sld [smem:$0x3FA6]  }
0x28: {  	s2 =	sld [smem:$0x3FA7]  }
0x29: {  	s4 =	sld [smem:$0x3FA9]  }
0x2a: {  	p0 =	seq.s32 s5, $0x0;
	s5 =	sld [smem:$0x3FAA]  }
0x2b: {  	s6 =	sld [smem:$0x3FAB]  }
0x2c: {  	s7 =	sld [smem:$0x3FAC]  }
0x2d: {  	s3 =	simm.s32 $0x108;
	s8 =	sld [smem:$0x3FAD]  }
0x2e: {  	s3 =	simm.s32 @!p0 $0x1082;
	s9 =	sld [smem:$0x3FAE]  }
0x2f: {  	lr =	sadd.s32 s0, s3;
	s0 =	sld [smem:$0x3FA5]  }
0x30: {  	s3 =	sld [smem:$0x3FA8]  }
0x31: {  	[smem:$0x3FB1] =	sst s10  }
0x32: {  	s10 =	sld [smem:$0x3FAF];
	_ =	sdelay $0x3  }
0x33: {  	p0 =	seq.s32 s10, $0x1;
	s10 =	sld [smem:$0x3FB1];
	_ =	sdelay $0x3  }
0x34: {  	[smem:$0x3FB1] =	sst s10  }
0x35: {  	s10 =	sld [smem:$0x3FB0];
	_ =	sdelay $0x3  }
0x36: {  	p1 =	seq.s32 s10, $0x1;
	s10 =	sld [smem:$0x3FB1];
	_ =	sdelay $0x3  }
0x37: {  	[smem:$0x3FB1] =	sst s10  }
0x38: {  	s10 =	sld [smem:$0x3FB2]  }
0x39: {  	_ = 	snop;
	(pc) =	sbr.ind lr, $3  }
0x3a: {  	_ = 	snop  }
0x3b: {  	_ = 	snop  }
0x3c: {  	p2 =	seq.s32 s10, $0x1;
	s10 =	sld [smem:$0x3FB1]  }
0x3d: {  	_ =	shalt  }
0x3e: {  	_ =	shalt  }
0x3f: {  	_ =	shalt  }
0x40: {  	_ =	shalt  }
0x41: {  	_ =	shalt  }
0x42: {  	_ =	shalt  }
0x43: {  	_ =	shalt  }
0x44: {  	_ =	shalt  }
0x45: {  	_ =	shalt  }
0x46: {  	_ =	shalt  }
0x47: {  	_ =	shalt  }
0x48: {  	_ =	shalt  }
0x49: {  	_ =	shalt  }
0x4a: {  	_ =	shalt  }
0x4b: {  	_ =	shalt  }
0x4c: {  	_ =	shalt  }
0x4d: {  	_ =	shalt  }
0x4e: {  	_ =	shalt  }
0x4f: {  	_ =	shalt  }
0x50: {  	_ =	shalt  }
0x51: {  	_ =	shalt  }
0x52: {  	_ =	shalt  }
0x53: {  	_ =	shalt  }
0x54: {  	_ =	shalt  }
0x55: {  	_ =	shalt  }
0x56: {  	_ =	shalt  }
0x57: {  	_ =	shalt  }
0x58: {  	_ =	shalt  }
0x59: {  	_ =	shalt  }
0x5a: {  	_ =	shalt  }
0x5b: {  	_ =	shalt  }
0x5c: {  	_ =	shalt  }
0x5d: {  	_ =	shalt  }
0x5e: {  	_ =	shalt  }
0x5f: {  	_ =	shalt  }
0x60: {  	_ =	shalt  }
0x61: {  	_ =	shalt  }
0x62: {  	_ =	shalt  }
0x63: {  	_ =	shalt  }
0x64: {  	_ =	shalt  }
0x65: {  	_ =	shalt  }
0x66: {  	_ =	shalt  }
0x67: {  	_ =	shalt  }
0x68: {  	_ =	shalt  }
0x69: {  	_ =	shalt  }
0x6a: {  	_ =	shalt  }
0x6b: {  	_ =	shalt  }
0x6c: {  	_ =	shalt  }
0x6d: {  	_ =	shalt  }
0x6e: {  	_ =	shalt  }
0x6f: {  	_ =	shalt  }
0x70: {  	_ =	shalt  }
0x71: {  	_ =	shalt  }
0x72: {  	_ =	shalt  }
0x73: {  	_ =	shalt  }
0x74: {  	_ =	shalt  }
0x75: {  	_ =	shalt  }
0x76: {  	_ =	shalt  }
0x77: {  	_ =	shalt  }
0x78: {  	_ =	shalt  }
0x79: {  	_ =	shalt  }
0x7a: {  	_ =	shalt  }
0x7b: {  	_ =	shalt  }
0x7c: {  	_ =	shalt  }
0x7d: {  	_ =	shalt  }
0x7e: {  	_ =	shalt  }
0x7f: {  	_ =	shalt  }
0x80: {  	_ =	shalt  }
0x81: {  	_ =	shalt  }
0x82: {  	_ =	shalt  }
0x83: {  	_ =	shalt  }
0x84: {  	_ =	shalt  }
0x85: {  	_ =	shalt  }
0x86: {  	_ =	shalt  }
0x87: {  	_ =	shalt  }
.Lfunc_end0:
.L_simem_size_0:
called_computation.1_lowered:
.L_overlay_start_0:
0x88: {  	s2 =	sld [smem:$0x3FD9]  }
0x89: {  	s3 =	sld [smem:$0x3FFE];
	_ =	sdelay $0x1  }
0x8a: {  	s1 =	srdreg.scid  }
0x8b: {  	s0 =	sand.u32 $0x1, s1  }
0x8c: {  	s17 =	sshll.u32 s0, $0xA;
	s2 =	sadd.s32 s3, s2  }
0x8d: {  	s2 =	sadd.s32 s2, s17  }
0x8e: {  	[smem:$0x3FBD] =	sst s2  }
0x8f: {  	_ = 	snop  }
0x90: {  	s2 =	sld [smem:$0x3FC8]  }
0x91: {  	s18 =	sld [smem:$0x3FC7]  }
0x92: {  	s4 =	sld [smem:$0x3FD0];
	(tm) =	ssettm $0x1  }
0x93: {  	s5 =	sld [smem:$0x3FFB];
	_ =	sdelay $0x3  }
0x94: {  	_ =	strace s5  }
0x95: {  	s5 =	sld [smem:$0x3FFC];
	_ =	sdelay $0x3  }
0x96: {  	_ =	strace s5  }
0x97: {  	s5 =	sld [smem:$0x3FFD];
	_ =	sdelay $0x3  }
0x98: {  	_ =	strace s5  }
0x99: {  	_ =	strace $0x8FFFFFFF  }
0x9a: {  	s19 =	sld [smem:$0x3FDB];
	_ =	sdelay $0x1  }
0x9b: {  	s6 =	simm.s32 $_scs_section_size  }
0x9c: {  	s7 =	simm.s32 $_size__tile_overlayer_lowered;
	s8 =	simm.s32 $_tile_overlayer_lowered  }
0x9d: {  	s22 =	simm.s32 $0x1BFF;
	s21 =	sshll.u32 s8, $0x1;
	s5 =	sadd.s32 s6, s19  }
0x9e: {  	s9 =	simm.s32 $0x0;
	s20 =	sshll.u32 s7, $0x1;
	s7 =	sadd.s32 s21, s5  }
0x9f: {  	[timem:s9], [sflag:s22] =	dma.local [hbm:s7], s20  }
0xa0: {  	_ =	swait.ge [sflag:s22], s20  }
0xa1: {  	s6 =	ssub.s32 $0x0, s20;
	[sflag:s22] =	ssyncset.done $0x0  }
0xa2: {  	[sflag:s22] =	ssyncadd.s32 s6;
	_ =	sdelay $0x1  }
0xa3: {  	s23 =	simm.s32 $0x1B8B  }
0xa4: {  	_ =	swait.ge [sflag:s23], $0x1  }
0xa5: {  	[sflag:s23] =	ssyncset.done $0x0  }
0xa6: {  	s25 =	simm.s32 $0x1B8E;
	s24 =	sld [smem:$0x3FFE];
	[sflag:s23] =	ssyncadd.s32 $0xFFFFFFFF  }
0xa7: {  	s26 =	simm.s32 $execute0_lowered;
	[smem:$0x3FD2] =	sst s25  }
0xa8: {  	s7 =	sshll.u32 s26, $0x1;
	_ =	strace $0x80000046;
	[dreg:$0x1] =	wrdreg $0xFFFFFFFF  }
0xa9: {  	s28 =	simm.s32 $_size_execute0_lowered;
	s5 =	sadd.s32 s5, s7;
	[dreg:$0x0] =	wrdreg $0x0  }
0xaa: {  	s7 =	sshll.u32 s28, $0x1;
	[dreg:$0x2] =	wrdreg s5  }
0xab: {  	[dreg:$0x3] =	wrdreg s7  }
0xac: {  	[dreg:$0x4] =	wrdreg $0xC0  }
0xad: {  	_ =	task [dreg:s9], $0x5FFFF  }
0xae: {  	[dreg:$0x1] =	wrdreg $0xFFFFFFFF  }
0xaf: {  	[dreg:$0x0] =	wrdreg $0x60  }
0xb0: {  	[dreg:$0x2] =	wrdreg s4  }
0xb1: {  	[dreg:$0x3] =	wrdreg s24  }
0xb2: {  	[dreg:$0x4] =	wrdreg s2  }
0xb3: {  	[dreg:$0x5] =	wrdreg s18  }
0xb4: {  	[dreg:$0x6] =	wrdreg $0x0  }
0xb5: {  	[dreg:$0x7] =	wrdreg $0xA  }
0xb6: {  	_ =	task.clear_ibuf [dreg:s9], $0x8FFFF;
	_ =	strace $0x90000046  }
0xb7: {  	s29 =	simm.s32 $0xA;
	_ =	strace $0x80000048  }
0xb8: {  	_ =	swait.ge [sflag:s29], $0x1  }
0xb9: {  	[sflag:s29] =	ssyncadd.s32 $0xFFFFFFFF  }
0xba: {  	_ =	strace $0x90000048  }
0xbb: {  	_ =	sfence  }
0xbc: {  	s30 =	sld [smem:$0x0];
	_ =	sdelay $0x2  }
0xbd: {  	s31 =	sshll.u32 s1, $0xD;
	s1 =	sshrl.u32 s1, $0x2  }
0xbe: {  	s3 =	sand.u32 $0x4000, s31;
	s1 =	sadd.s32 s1, s30  }
0xbf: {  	s0 =	sor.u32 s3, s0;
	s1 =	sshll.u32 s1, $0x11  }
0xc0: {  	s0 =	sor.u32 s1, s0  }
0xc1: {  	s0 =	sadd.s32 $0x8F2B, s0  }
0xc2: {  	[sflag:s0] =	ssyncadd.remote.s32 $0x1  }
0xc3: {  	_ =	sfence.sel $0xFFFF  }
0xc4: {  	[dreg:$0x0] =	wrdreg $0xFFFFFFFF;
	(pc) =	sbr.abs _section_cstart, $3  }
0xc5: {  	[dreg:$0x1] =	wrdreg $0xFFFFFFFF  }
0xc6: {  	_ =	task.clear_ibuf [dreg:s9], $0x2FFFF;
	_ =	strace $0x9FFFFFFF  }
0xc7: {  	(tm) =	ssettm $0x7FFFFFFF  }
tec
execute0_lowered:
.L_overlay_start_1:
0x0: {  	(tag) =	ssettag $0x1  }
0x1: {  	s1 =	rddreg [dreg:$0x0]  }
0x2: {  	s0 =	rddreg [dreg:$0x1]  }
0x3: {  	s2 =	rddreg [dreg:$0x2]  }
0x4: {  	s3 =	rddreg [dreg:$0x3]  }
0x5: {  	s4 =	rddreg [dreg:$0x4];
	s6 =	simm.s32 $0x0  }
0x6: {  	s5 =	srdreg.scid;
	s15 =	stileid.u32;
	s30 =	simm.s32 $0x1  }
0x7: {  	s31 =	simm.s32 $0x50;
	[smem:$0x7FF] =	sst s6;
	s8 =	smul.u32 $0x2800, s15  }
0x8: {  	s5 =	sand.u32 $0x1, s5;
	s7 =	sadd.s32 $0x450600, s0;
	s11 =	smul.u32 $0x50000, s15  }
0x9: {  	s14 =	sadd.s32 $0x2B600, s0;
	s17 =	sadd.s32 $0x12C000, s4;
	s25 =	smul.u32 $0x14000, s15  }
0xa: {  	p0 =	seq.s32 s15, $0xF;
	_ =	strace $0x80000047;
	s9 =	sshll.u32 s5, $0x4  }
0xb: {  	s10 =	ssub.s32 $0x2, s5;
	[dreg:$0x8] =	wrdreg s17;
	s5 =	smul.u32 $0x138800, s5  }
0xc: {  	s9 =	sor.u32 s15, s9;
	s12 =	sadd.s32 s8, s0;
	s13 =	sshrl.u32 s10, $0x1  }
0xd: {  	s11 =	sshrl.u32 s11, $0x2;
	s0 =	sadd.s32 $0x29C00, s0;
	s8 =	smul.u32 $0x1130, s9  }
0xe: {  	s10 =	ssub.s32 s10, s13;
	s11 =	sadd.s32 s11, s4;
	s19 =	smul.u32 $0x11300, s9  }
0xf: {  	s16 =	sadd.s32 $0x4400, s12;
	[dreg:$0x9] =	wrdreg s0;
	s21 =	smul.u32 $0x89800, s9  }
0x10: {  	s28 =	sadd.s32 s25, s5;
	s5 =	sshrl.u32 s5, $0x3;
	[dreg:$0x6] =	wrdreg s11  }
0x11: {  	s25 =	simm.s32 $0x0;
	[dreg:$0x7] =	wrdreg s16;
	s29 =	sshrl.u32 s28, $0x3  }
0x12: {  	s5 =	sadd.s32 s14, s5;
	s11 =	sadd.s32 $0xFA00, s8;
	s23 =	sshrl.u32 s8, $0x3  }
0x13: {  	s24 =	sadd.s32 s7, s19;
	s0 =	sshrl.u32 s21, $0x3;
	s18 =	sshrl.u32 s11, $0x3  }
0x14: {  	s21 =	sadd.s32 $0x25800, s5;
	[dreg:$0xc] =	wrdreg s24;
	s20 =	sadd.s32 s2, s18  }
0x15: {  	s9 =	sadd.s32 $0x1F4A, s23;
	s22 =	sadd.s32 s3, s18;
	[dreg:$0xa] =	wrdreg s20  }
0x16: {  	s0 =	sadd.s32 s7, s0;
	s26 =	sadd.s32 s2, s9;
	[dreg:$0xb] =	wrdreg s22  }
0x17: {  	s23 =	simm.s32 $0x13880;
	s9 =	sadd.s32 s3, s9;
	[dreg:$0xd] =	wrdreg s26  }
0x18: {  	s24 =	simm.s32 $0x8;
	s0 =	sadd.s32 $0x500, s0;
	[dreg:$0xe] =	wrdreg s9  }
0x19: {  	[dreg:$0xf] =	wrdreg s0;
	s20 =	sadd.s32 s14, s29;
	s22 =	smax.u32 s10, $0x1  }
.LBB2_1:
0x1a: {  	s0 =	rddreg [dreg:$0x8]  }
0x1b: {  	s5 =	rddreg [dreg:$0x9];
	s26 =	sshrl.u32 @p0 s0, $0x3;
	s0 =	simm.s32 @p0 $0x1FCA  }
0x1c: {  	[spmem:s26], [sflag:s0] =	dma.local @p0 [hbm:s5], $0x1900  }
0x1d: {  	s0 =	simm.s32 @p0 $0xA  }
0x1e: {  	_ =	swait.ge @p0 [sflag:s0], $0x1900  }
0x1f: {  	s5 =	stileid.u32;
	[sflag:s0] =	ssyncset.done @p0 $0x0  }
0x20: {  	s5 =	sshll.u32 @!p0 s5, $0x6;
	[sflag:s0] =	ssyncadd.s32 @p0 $0xFFFFE700;
	s0 =	rddreg [dreg:$0x6]  }
0x21: {  	s28 =	sor.u32 @!p0 $0x1C0A, s5;
	s29 =	sshrl.u32 @!p0 s0, $0x3;
	s0 =	rddreg [dreg:$0x7]  }
0x22: {  	[spmem:s29], [sflag:s28] =	dma.local @!p0 [hbm:s0], $0x2800  }
0x23: {  	s0 =	simm.s32 @!p0 $0xA  }
0x24: {  	_ =	swait.ge @!p0 [sflag:s0], $0x2800  }
0x25: {  	[sflag:s0] =	ssyncset.done @!p0 $0x0  }
0x26: {  	[sflag:s0] =	ssyncadd.s32 @!p0 $0xFFFFD800  }
0x27: {  	[bflag:$0x0] =	sbarrier.arrive $0xFFFF  }
0x28: {  	s19 =	rddreg [dreg:$0xa]  }
0x29: {  	[tilespmem:s23], [sflag:$0x1] =	stream.linear.gather [hbm4b:s19+s6], $0x50, $0x38;
	[tilespmem:$0x1DB80] =	vst v63  }
0x2a: {  	s9 =	simm.s32 $0x13900;
	s5 =	rddreg [dreg:$0xb]  }
0x2b: {  	[tilespmem:s9], [sflag:$0x1] =	stream.linear.gather [hbm4b:s5+s6], $0x50, $0x38;
	[tilespmem:$0x1DB80] =	vst v63  }
0x2c: {  	s12 =	simm.s32 $0x13B80;
	s10 =	rddreg [dreg:$0xc]  }
0x2d: {  	[tilespmem:s12], [sflag:$0x4] =	stream.linear.gather [hbm4b:s10+s6], $0x2800, $0x38;
	[tilespmem:$0x1DB80] =	vst v63  }
0x2e: {  	s14 =	simm.s32 $0x13980;
	s13 =	rddreg [dreg:$0xd]  }
0x2f: {  	[tilespmem:s14], [sflag:$0x2] =	stream.linear.gather [hbm4b:s13+s6], $0x50, $0x38;
	[tilespmem:$0x1DB80] =	vst v63  }
0x30: {  	s16 =	simm.s32 $0x13A00;
	s15 =	rddreg [dreg:$0xe]  }
0x31: {  	[tilespmem:s16], [sflag:$0x2] =	stream.linear.gather [hbm4b:s15+s6], $0x50, $0x38;
	[tilespmem:$0x1DB80] =	vst v63  }
0x32: {  	s18 =	simm.s32 $0x16380;
	s17 =	rddreg [dreg:$0xf]  }
0x33: {  	[tilespmem:s18], [sflag:$0x5] =	stream.linear.gather [hbm4b:s17+s6], $0x2800, $0x38;
	[tilespmem:$0x1DB80] =	vst v63  }
0x34: {  	_ =	swait.ge [sflag:s30], $0x50  }
0x35: {  	[sflag:s30] =	ssyncset.done $0x0  }
0x36: {  	[sflag:s30] =	ssyncadd.s32 $0xFFFFFFB0  }
0x37: {  	_ =	swait.ge [sflag:s30], $0x50  }
0x38: {  	p1 =	por $0x0, $0x0;
	[sflag:s30] =	ssyncset.done $0x0  }
0x39: {  	s0 =	simm.s32 $0x0;
	s19 =	simm.s32 $0x18B80;
	[sflag:s30] =	ssyncadd.s32 $0xFFFFFFB0  }
0x3a: {  	[tilespmem:s19], [sflag:$0x6] =	stream.indirect.gather [hbm4b:s1+s31], $0x80, s23, s31, $0xb8;
	[tilespmem:$0x1DB80] =	vst v63  }
.LBB2_2:
0x3b: {  	s5 =	sadd.s32 $0x1, s0  }
0x3c: {  	p2 =	seq.s32 s0, $0x0;
	s9 =	sand.u32 $0x1, s5  }
0x3d: {  	s10 =	sor.u32 @!p2 $0x8, s9  }
0x3e: {  	s14 =	smul.u32 $0xAB, s0;
	p3 =	seq.s32 @!p2 s0, $0x36;
	_ =	swait.ge @!p2 [sflag:s10], $0x2800  }
0x3f: {  	p3 =	por p2, !p3;
	[sflag:s10] =	ssyncset.done @!p2 $0x0  }
0x40: {  	[sflag:s10] =	ssyncadd.s32 @!p2 $0xFFFFD800;
	s10 =	sadd.s32 @p3 $0xAB, s14  }
0x41: {  	s10 =	sshrl.u32 @p3 s10, $0x9  }
0x42: {  	s10 =	sand.u32 @p3 $0x7F, s10  }
0x43: {  	s10 =	smul.u32 @p3 $0x3, s10;
	_ =	sdelay $0x1  }
0x44: {  	s10 =	ssub.s32 @p3 s5, s10  }
0x45: {  	s10 =	sand.u32 @p3 $0xFF, s10  }
0x46: {  	s12 =	sadd.s32 @p3 $0x1, s10  }
0x47: {  	_ =	swait.ge @p3 [sflag:s12], $0x50  }
0x48: {  	[sflag:s12] =	ssyncset.done @p3 $0x0  }
0x49: {  	[sflag:s12] =	ssyncadd.s32 @p3 $0xFFFFFFB0  }
0x4a: {  	s13 =	smul.u32 @p3 $0xA000, s9;
	_ =	swait.ge @p3 [sflag:s12], $0x50  }
0x4b: {  	[sflag:s12] =	ssyncset.done @p3 $0x0  }
0x4c: {  	s10 =	sshll.u32 @p3 s10, $0x8;
	[sflag:s12] =	ssyncadd.s32 @p3 $0xFFFFFFB0;
	s12 =	sshrl.u32 @p3 s13, $0x2  }
0x4d: {  	s9 =	sor.u32 @p3 $0x6, s9;
	s10 =	sadd.s32 @p3 $0x13880, s10;
	s12 =	sadd.s32 @p3 $0x18B80, s12  }
0x4e: {  	[tilespmem:s12], [sflag:s9] =	stream.indirect.gather @p3 [hbm4b:s1+s31], $0x80, s10, s31, $0xb8;
	[tilespmem:$0x1DB80] =	vst v63  }
0x4f: {  	s10 =	sand.u32 $0x1, s0  }
0x50: {  	s18 =	sor.u32 $0x6, s10  }
0x51: {  	s12 =	simm.s32 $0x1;
	_ =	swait.ge [sflag:s18], $0x2800  }
0x52: {  	s12 =	simm.s32 @!p1 $0x0;
	[sflag:s18] =	ssyncset.done $0x0  }
0x53: {  	s9 =	sor.u32 $0x4, s10;
	s12 =	smul.u32 $0xA000, s12;
	[sflag:s18] =	ssyncadd.s32 $0xFFFFD800  }
0x54: {  	_ =	swait.ge [sflag:s9], $0x2800  }
0x55: {  	s19 =	sshrl.u32 s12, $0x2;
	[sflag:s9] =	ssyncset.done $0x0  }
0x56: {  	s12 =	sadd.s32 $0x13C00, s19;
	[sflag:s9] =	ssyncadd.s32 $0xFFFFD800  }
0x57: {  	s13 =	sadd.s32 $0x18C00, s19;
	v0 =	vld [tilespmem:s12+$0xFFFFFF80]  }
0x58: {  	v1 =	vld [tilespmem:s13+$0xFFFFFF80]  }
0x59: {  	v2 =	vld [tilespmem:s13+$0xFFFFFF90];
	_ =	sdelay $0x2  }
0x5a: {  	v3 =	vshll.u32 v0, $0x10  }
0x5b: {  	v0 =	vand.u32 $0xFFFF0000, v0;
	v1 =	vmul.f32 v3, v1  }
0x5c: {  	v0 =	vmul.f32 v0, v2  }
0x5d: {  	[tilespmem:s13+$0xFFFFFF80] =	vst v1  }
0x5e: {  	[tilespmem:s13+$0xFFFFFF90] =	vst v0  }
0x5f: {  	v0 =	vld [tilespmem:s12+$0xFFFFFF90]  }
0x60: {  	v1 =	vld [tilespmem:s13+$0xFFFFFFA0]  }
0x61: {  	v2 =	vld [tilespmem:s13+$0xFFFFFFB0];
	_ =	sdelay $0x2  }
0x62: {  	v3 =	vshll.u32 v0, $0x10  }
0x63: {  	v0 =	vand.u32 $0xFFFF0000, v0;
	v1 =	vmul.f32 v3, v1  }
0x64: {  	v0 =	vmul.f32 v0, v2  }
0x65: {  	[tilespmem:s13+$0xFFFFFFA0] =	vst v1  }
0x66: {  	[tilespmem:s13+$0xFFFFFFB0] =	vst v0  }
0x67: {  	v0 =	vld [tilespmem:s12+$0xFFFFFFA0]  }
0x68: {  	v1 =	vld [tilespmem:s13+$0xFFFFFFC0]  }
0x69: {  	v2 =	vld [tilespmem:s13+$0xFFFFFFD0];
	_ =	sdelay $0x2  }
0x6a: {  	v3 =	vshll.u32 v0, $0x10  }
0x6b: {  	v0 =	vand.u32 $0xFFFF0000, v0;
	v1 =	vmul.f32 v3, v1  }
0x6c: {  	v0 =	vmul.f32 v0, v2  }
0x6d: {  	[tilespmem:s13+$0xFFFFFFC0] =	vst v1  }
0x6e: {  	[tilespmem:s13+$0xFFFFFFD0] =	vst v0  }
0x6f: {  	v0 =	vld [tilespmem:s12+$0xFFFFFFB0]  }
0x70: {  	v2 =	vld [tilespmem:s13+$0xFFFFFFE0]  }
0x71: {  	v1 =	vld [tilespmem:s13+$0xFFFFFFF0];
	_ =	sdelay $0x2  }
0x72: {  	v3 =	vshll.u32 v0, $0x10  }
0x73: {  	v0 =	vand.u32 $0xFFFF0000, v0;
	v2 =	vmul.f32 v3, v2  }
0x74: {  	v0 =	vmul.f32 v0, v1  }
0x75: {  	[tilespmem:s13+$0xFFFFFFE0] =	vst v2  }
0x76: {  	[tilespmem:s13+$0xFFFFFFF0] =	vst v0  }
0x77: {  	v0 =	vld [tilespmem:s12+$0x0]  }
0x78: {  	v1 =	vld [tilespmem:s13+$0x0]  }
0x79: {  	v2 =	vld [tilespmem:s13+$0x10];
	_ =	sdelay $0x2  }
0x7a: {  	v3 =	vshll.u32 v0, $0x10  }
0x7b: {  	v0 =	vand.u32 $0xFFFF0000, v0;
	v1 =	vmul.f32 v3, v1  }
0x7c: {  	v0 =	vmul.f32 v0, v2  }
0x7d: {  	[tilespmem:s13+$0x0] =	vst v1  }
0x7e: {  	[tilespmem:s13+$0x10] =	vst v0  }
0x7f: {  	v0 =	vld [tilespmem:s12+$0x10]  }
0x80: {  	v1 =	vld [tilespmem:s13+$0x20]  }
0x81: {  	v2 =	vld [tilespmem:s13+$0x30];
	_ =	sdelay $0x2  }
0x82: {  	v3 =	vshll.u32 v0, $0x10  }
0x83: {  	v0 =	vand.u32 $0xFFFF0000, v0;
	v1 =	vmul.f32 v3, v1  }
0x84: {  	v2 =	vmul.f32 v0, v2  }
0x85: {  	[tilespmem:s13+$0x20] =	vst v1  }
0x86: {  	[tilespmem:s13+$0x30] =	vst v2  }
0x87: {  	v1 =	vld [tilespmem:s12+$0x20]  }
0x88: {  	v2 =	vld [tilespmem:s13+$0x40]  }
0x89: {  	v3 =	vld [tilespmem:s13+$0x50]  }
0x8a: {  	s15 =	sshrl.u32 s14, $0x9;
	s14 =	sadd.s32 $0x156, s14  }
0x8b: {  	s15 =	sand.u32 $0x7F, s15;
	s14 =	sshrl.u32 s14, $0x9  }
0x8c: {  	s15 =	smul.u32 $0x3, s15;
	s14 =	sand.u32 $0x7F, s14;
	v4 =	vshll.u32 v1, $0x10  }
0x8d: {  	s14 =	smul.u32 $0x3, s14;
	v5 =	vand.u32 $0xFFFF0000, v1;
	v2 =	vmul.f32 v4, v2  }
0x8e: {  	s16 =	ssub.s32 s0, s15;
	s15 =	sadd.s32 $0x2, s0;
	v3 =	vmul.f32 v5, v3  }
0x8f: {  	s14 =	ssub.s32 s15, s14;
	v0 =	vld [tilespmem:s13+$0x60];
	[tilespmem:s13+$0x40] =	vst v2  }
0x90: {  	s17 =	sand.u32 $0xFF, s16;
	s16 =	sand.u32 $0xFF, s14;
	v1 =	vld [tilespmem:s13+$0x70];
	[tilespmem:s13+$0x50] =	vst v3  }
0x91: {  	s14 =	smul.u32 $0x2800, s10;
	s19 =	simm.s32 $0x0;
	s18 =	smov.u32 s13;
	v2 =	vld [tilespmem:s12+$0x30]  }
.LBB2_3:
0x92: {  	s19 =	sadd.s32 $0x2, s19;
	s13 =	sadd.s32 $0x100, s13;
	s12 =	sadd.s32 $0x100, s12  }
0x93: {  	p2 =	slt.u32 s19, $0x4E;
	_ =	sdelay $0x2  }
0x94: {  	v3 =	vshll.u32 v2, $0x10;
	v2 =	vand.u32 $0xFFFF0000, v2  }
0x95: {  	v0 =	vmul.f32 v3, v0;
	v1 =	vmul.f32 v2, v1;
	_ =	sdelay $0x1  }
0x96: {  	[tilespmem:s18+$0x60] =	vst v0  }
0x97: {  	v2 =	vld [tilespmem:s13+$0xFFFFFF90];
	[tilespmem:s18+$0x70] =	vst v1;
	s18 =	smov.u32 s13  }
0x98: {  	v3 =	vld [tilespmem:s12+$0xFFFFFF80]  }
0x99: {  	v4 =	vld [tilespmem:s13+$0xFFFFFF80]  }
0x9a: {  	v1 =	vld [tilespmem:s13+$0x70]  }
0x9b: {  	v0 =	vld [tilespmem:s13+$0x60];
	_ =	sdelay $0x1  }
0x9c: {  	v5 =	vshll.u32 v3, $0x10;
	v3 =	vand.u32 $0xFFFF0000, v3  }
0x9d: {  	v4 =	vmul.f32 v5, v4;
	v2 =	vmul.f32 v3, v2;
	_ =	sdelay $0x1  }
0x9e: {  	[tilespmem:s13+$0xFFFFFF80] =	vst v4  }
0x9f: {  	[tilespmem:s13+$0xFFFFFF90] =	vst v2;
	v2 =	vld [tilespmem:s13+$0xFFFFFFB0]  }
0xa0: {  	v3 =	vld [tilespmem:s12+$0xFFFFFF90]  }
0xa1: {  	v4 =	vld [tilespmem:s13+$0xFFFFFFA0];
	_ =	sdelay $0x3  }
0xa2: {  	v5 =	vshll.u32 v3, $0x10;
	v3 =	vand.u32 $0xFFFF0000, v3  }
0xa3: {  	v4 =	vmul.f32 v5, v4;
	v2 =	vmul.f32 v3, v2;
	_ =	sdelay $0x1  }
0xa4: {  	[tilespmem:s13+$0xFFFFFFA0] =	vst v4  }
0xa5: {  	[tilespmem:s13+$0xFFFFFFB0] =	vst v2;
	v2 =	vld [tilespmem:s13+$0xFFFFFFD0]  }
0xa6: {  	v3 =	vld [tilespmem:s12+$0xFFFFFFA0]  }
0xa7: {  	v4 =	vld [tilespmem:s13+$0xFFFFFFC0];
	_ =	sdelay $0x3  }
0xa8: {  	v5 =	vshll.u32 v3, $0x10;
	v3 =	vand.u32 $0xFFFF0000, v3  }
0xa9: {  	v4 =	vmul.f32 v5, v4;
	v2 =	vmul.f32 v3, v2;
	_ =	sdelay $0x1  }
0xaa: {  	[tilespmem:s13+$0xFFFFFFC0] =	vst v4;
	v3 =	vld [tilespmem:s13+$0xFFFFFFF0]  }
0xab: {  	[tilespmem:s13+$0xFFFFFFD0] =	vst v2  }
0xac: {  	v2 =	vld [tilespmem:s12+$0xFFFFFFB0]  }
0xad: {  	v4 =	vld [tilespmem:s13+$0xFFFFFFE0];
	_ =	sdelay $0x3  }
0xae: {  	v5 =	vshll.u32 v2, $0x10;
	v2 =	vand.u32 $0xFFFF0000, v2  }
0xaf: {  	v4 =	vmul.f32 v5, v4;
	v2 =	vmul.f32 v2, v3;
	_ =	sdelay $0x1  }
0xb0: {  	[tilespmem:s13+$0xFFFFFFE0] =	vst v4  }
0xb1: {  	[tilespmem:s13+$0xFFFFFFF0] =	vst v2;
	v2 =	vld [tilespmem:s13+$0x10]  }
0xb2: {  	v3 =	vld [tilespmem:s12+$0x0]  }
0xb3: {  	v4 =	vld [tilespmem:s13+$0x0];
	_ =	sdelay $0x3  }
0xb4: {  	v5 =	vshll.u32 v3, $0x10;
	v3 =	vand.u32 $0xFFFF0000, v3  }
0xb5: {  	v4 =	vmul.f32 v5, v4;
	v2 =	vmul.f32 v3, v2;
	_ =	sdelay $0x1  }
0xb6: {  	[tilespmem:s13+$0x0] =	vst v4  }
0xb7: {  	[tilespmem:s13+$0x10] =	vst v2;
	v2 =	vld [tilespmem:s13+$0x30]  }
0xb8: {  	v3 =	vld [tilespmem:s12+$0x10]  }
0xb9: {  	v4 =	vld [tilespmem:s13+$0x20];
	_ =	sdelay $0x3  }
0xba: {  	v5 =	vshll.u32 v3, $0x10;
	v3 =	vand.u32 $0xFFFF0000, v3  }
0xbb: {  	v4 =	vmul.f32 v5, v4;
	v2 =	vmul.f32 v3, v2;
	_ =	sdelay $0x1  }
0xbc: {  	[tilespmem:s13+$0x20] =	vst v4  }
0xbd: {  	[tilespmem:s13+$0x30] =	vst v2;
	v2 =	vld [tilespmem:s13+$0x50]  }
0xbe: {  	v3 =	vld [tilespmem:s12+$0x20]  }
0xbf: {  	v4 =	vld [tilespmem:s13+$0x40];
	_ =	sdelay $0x3  }
0xc0: {  	v5 =	vshll.u32 v3, $0x10;
	v3 =	vand.u32 $0xFFFF0000, v3  }
.Ltmp0:
0xc1: {  	v4 =	vmul.f32 v5, v4;
	v2 =	vmul.f32 v3, v2;
	(pc) =	sbr.rel @p2 .LBB2_3-.Ltmp0, $4  }
0xc2: {  	_ = 	snop  }
0xc3: {  	[tilespmem:s13+$0x40] =	vst v4  }
0xc4: {  	[tilespmem:s13+$0x50] =	vst v2  }
0xc5: {  	v2 =	vld [tilespmem:s12+$0x30]  }
0xc6: {  	_ =	sdelay $0x3  }
0xc7: {  	v3 =	vshll.u32 v2, $0x10  }
0xc8: {  	s13 =	sshll.u32 s17, $0x8;
	p2 =	sgt.u32 s0, $0x34;
	v63 =	vand.u32 $0xFFFF0000, v2;
	v0 =	vmul.f32 v3, v0  }
0xc9: {  	s19 =	sadd.s32 $0x13900, s13;
	s13 =	smul.u32 @!p2 $0x50, s15;
	v1 =	vmul.f32 v63, v1  }
0xca: {  	[tilespmem:s18+$0x60] =	vst v0  }
0xcb: {  	s12 =	sadd.s32 $0x18B80, s14;
	s10 =	sor.u32 $0x8, s10;
	s0 =	sadd.s32 @!p2 s11, s13;
	[tilespmem:s18+$0x70] =	vst v1  }
0xcc: {  	[spmem:s4] =	stream.indirect.scatter.add.f32 [tilespmem:s12], [sflag:s10], $0x80, s19, s31, $0xb8;
	[tilespmem:$0x1DB80] =	vst v63  }
0xcd: {  	s17 =	simm.s32 @!p2 $0x0;
	s0 =	sshrl.u32 @!p2 s0, $0x3;
	s12 =	sshll.u32 @!p2 s16, $0x8  }
0xce: {  	s10 =	sadd.s32 @!p2 $0x1, s16;
	s16 =	sadd.s32 @!p2 s2, s0;
	s15 =	sadd.s32 @!p2 $0x13880, s12  }
0xcf: {  	[tilespmem:s15], [sflag:s10] =	stream.linear.gather @!p2 [hbm4b:s16+s17], $0x50, $0x38;
	[tilespmem:$0x1DB80] =	vst v63  }
0xd0: {  	s0 =	sadd.s32 @!p2 s3, s0;
	s12 =	sadd.s32 @!p2 $0x13900, s12  }
0xd1: {  	[tilespmem:s12], [sflag:s10] =	stream.linear.gather @!p2 [hbm4b:s0+s17], $0x50, $0x38;
	[tilespmem:$0x1DB80] =	vst v63  }
0xd2: {  	s0 =	sadd.s32 @!p2 s8, s13  }
0xd3: {  	s0 =	sshll.u32 @!p2 s0, $0x4  }
0xd4: {  	s10 =	sadd.s32 @!p2 $0x13B80, s14;
	s0 =	sadd.s32 @!p2 s7, s0  }
0xd5: {  	[tilespmem:s10], [sflag:s9] =	stream.linear.gather @!p2 [hbm4b:s0+s17], $0x2800, $0x38;
	[tilespmem:$0x1DB80] =	vst v63  }
0xd6: {  	p2 =	sne.s32 s5, $0x37  }
.Ltmp1:
0xd7: {  	_ = 	snop;
	(pc) =	sbr.rel @p2 .LBB2_2-.Ltmp1, $2  }
0xd8: {  	_ =	sdelay $0x2  }
0xd9: {  	p1 =	por !p1, !p1;
	s0 =	smov.u32 s5  }
0xda: {  	_ =	swait.ge [sflag:s24], $0x2800  }
0xdb: {  	[sflag:s24] =	ssyncset.done $0x0  }
0xdc: {  	[sflag:s24] =	ssyncadd.s32 $0xFFFFD800  }
0xdd: {  	s0 =	simm.s32 @p0 $0x1FCA;
	[bflag:$0x0] =	sbarrier.arrive $0xFFFF  }
0xde: {  	[hbm:s21], [sflag:s0] =	dma.local @p0 [spmem:s26], $0x1900  }
0xdf: {  	s0 =	simm.s32 @p0 $0xA  }
0xe0: {  	s25 =	sadd.s32 $0x1, s25;
	_ =	swait.ge @p0 [sflag:s0], $0x1900  }
0xe1: {  	p1 =	sne.s32 s25, s22;
	[sflag:s0] =	ssyncset.done @p0 $0x0  }
.Ltmp2:
0xe2: {  	[sflag:s0] =	ssyncadd.s32 @p0 $0xFFFFE700;
	s0 =	simm.s32 @!p0 $0xA;
	(pc) =	sbr.rel @p1 .LBB2_1-.Ltmp2, $4  }
0xe3: {  	[hbm:s20], [sflag:s28] =	dma.local @!p0 [spmem:s29], $0x2800  }
0xe4: {  	_ =	swait.ge @!p0 [sflag:s0], $0x2800  }
0xe5: {  	[sflag:s0] =	ssyncset.done @!p0 $0x0  }
0xe6: {  	[sflag:s0] =	ssyncadd.s32 @!p0 $0xFFFFD800  }
0xe7: {  	_ =	sfence.sel $0x180000  }
0xe8: {  	[bflag:$0x0] =	sbarrier.arrive $0xFFFF  }
0xe9: {  	_ =	strace $0x90000047  }
0xea: {  	s0 =	stileid.u32;
	[bflag:$0x2] =	sbarrier.arrive $0xFFFF  }
0xeb: {  	p0 =	sne.s32 s0, $0x0;
	s0 =	rddreg [dreg:$0x5]  }
0xec: {  	s0 =	sadd.s32 @!p0 $0x100000, s0  }
0xed: {  	[sflag:s0] =	ssyncadd.tile.s32 @!p0 $0x1;
	_ =	shalt  }
.Lfunc_end2:
_tile_overlayer_lowered:
.L_overlay_start_2:
0xee: {  	(tag) =	ssettag $0x2  }
0xef: {  	s0 =	rddreg [dreg:$0x0];
	s2 =	stileid.u32  }
0xf0: {  	s1 =	rddreg [dreg:$0x1];
	p0 =	sne.s32 s2, $0x0  }
0xf1: {  	s3 =	rddreg [dreg:$0x2];
	[bflag:$0x3] =	sbarrier.arrive $0xFFFF;
	s2 =	simm.s32 @!p0 $0x1C0A  }
0xf2: {  	[timem:s3], [sflag:s2] =	dma.local @!p0 [hbm:s0], s1  }
0xf3: {  	s0 =	simm.s32 @!p0 $0xA  }
0xf4: {  	_ =	swait.ge @!p0 [sflag:s0], s1  }
0xf5: {  	s1 =	ssub.s32 @!p0 $0x0, s1;
	[sflag:s0] =	ssyncset.done @!p0 $0x0  }
0xf6: {  	[sflag:s0] =	ssyncadd.s32 @!p0 s1  }
0xf7: {  	[bflag:$0x3] =	sbarrier.arrive $0xFFFF  }
0xf8: {  	_ =	shalt  }

// kernel: kernel.16.cloned.1.call-start
scs
__scs_entry_jumppad:
0x0: {  	(pc) =	sbr.rel $0x88, $3  }
0x1: {  	(tag) =	ssettag $0x0;
	lr =	simm.s32 $0x1  }
0x2: {  	[smem:$0x3F96] =	sst lr;
	_ =	strace $0xD0000000  }
0x3: {  	_ = 	snop  }
0x4: {  	_ = 	snop  }
0x5: {  	_ = 	snop  }
0x6: {  	_ = 	snop  }
0x7: {  	_ = 	snop  }
__scs_overlays_trampoline_lowered:
0x8: {  	[smem:$0x3FA5] =	sst s0  }
0x9: {  	[smem:$0x3FA6] =	sst s1  }
0xa: {  	[smem:$0x3FA7] =	sst s2  }
0xb: {  	[smem:$0x3FA8] =	sst s3  }
0xc: {  	[smem:$0x3FA9] =	sst s4  }
0xd: {  	[smem:$0x3FAA] =	sst s5  }
0xe: {  	[smem:$0x3FAB] =	sst s6  }
0xf: {  	[smem:$0x3FAC] =	sst s7  }
0x10: {  	[smem:$0x3FAD] =	sst s8  }
0x11: {  	[smem:$0x3FAE] =	sst s9;
	s0 =	simm.s32 @!p0 $0x0  }
0x12: {  	s1 =	sld [smem:$0x3F94];
	s0 =	simm.s32 @p0 $0x1  }
0x13: {  	[smem:$0x3FAF] =	sst s0;
	s0 =	simm.s32 @!p1 $0x0  }
0x14: {  	s2 =	sld [smem:$0x3F93];
	s0 =	simm.s32 @p1 $0x1  }
0x15: {  	[smem:$0x3FB0] =	sst s0;
	s0 =	simm.s32 @!p2 $0x0  }
0x16: {  	s3 =	sld [smem:$0x3FDB];
	s0 =	simm.s32 @p2 $0x1  }
0x17: {  	s4 =	simm.s32 $0x1BF5;
	[smem:$0x3FB2] =	sst s0  }
0x18: {  	s0 =	sld [smem:$0x3F95];
	_ =	swait.ge [sflag:s4], $0x0  }
0x19: {  	s7 =	sld [smem:$0x3F96]  }
0x1a: {  	s8 =	sadd.s32 $0xFFFFE003, lr  }
0x1b: {  	s9 =	sadd.s32 $0xFFFFFEF7, lr;
	s5 =	simm.s32 $0xFFFFFFFF;
	p2 =	slt.u32 s8, $0xFFFFF086  }
0x1c: {  	p1 =	slt.u32 s9, $0xF7A;
	s5 =	simm.s32 @!p2 $0x0  }
0x1d: {  	s5 =	simm.s32 @p1 $0x1;
	p0 =	seq.s32 s7, s2  }
0x1e: {  	s7 =	smul.u32 @!p0 $0xF7A, s2;
	p2 =	seq.s32 @!p0 s5, $0x0  }
0x1f: {  	s9 =	smul.u32 $0xF7A, s1;
	s8 =	simm.s32 @!p0 $0x1BF5;
	p2 =	por !p2, p0  }
0x20: {  	[sflag:s8] =	ssyncset.s32 @!p0 $0xFFFFF086;
	s6 =	sadd.s32 @!p0 s3, s7;
	s7 =	simm.s32 @!p0 $0x108  }
0x21: {  	s3 =	sadd.s32 s3, s9;
	s6 =	sadd.s32 @!p0 $0x88, s6;
	s7 =	simm.s32 @p2 $0x1082  }
0x22: {  	[simem:s7], [sflag:s8] =	dma.local @!p0 [hbm:s6], $0xF7A  }
0x23: {  	s9 =	sor.u32 $0xD0000000, s2;
	s6 =	simm.s32 $0x108;
	_ =	swait.ge @!p0 [sflag:s8], $0x0  }
0x24: {  	s3 =	sadd.s32 $0x88, s3;
	s6 =	simm.s32 @!p1 $0x1082;
	[sflag:s4] =	ssyncset.s32 $0xFFFFF086  }
0x25: {  	[simem:s6], [sflag:s4] =	dma.local [hbm:s3], $0xF7A  }
0x26: {  	[smem:$0x3F96] =	sst s1;
	(tag) =	ssettag s2;
	_ =	strace s9  }
0x27: {  	s1 =	sld [smem:$0x3FA6]  }
0x28: {  	s2 =	sld [smem:$0x3FA7]  }
0x29: {  	s4 =	sld [smem:$0x3FA9]  }
0x2a: {  	p0 =	seq.s32 s5, $0x0;
	s5 =	sld [smem:$0x3FAA]  }
0x2b: {  	s6 =	sld [smem:$0x3FAB]  }
0x2c: {  	s7 =	sld [smem:$0x3FAC]  }
0x2d: {  	s3 =	simm.s32 $0x108;
	s8 =	sld [smem:$0x3FAD]  }
0x2e: {  	s3 =	simm.s32 @!p0 $0x1082;
	s9 =	sld [smem:$0x3FAE]  }
0x2f: {  	lr =	sadd.s32 s0, s3;
	s0 =	sld [smem:$0x3FA5]  }
0x30: {  	s3 =	sld [smem:$0x3FA8]  }
0x31: {  	[smem:$0x3FB1] =	sst s10  }
0x32: {  	s10 =	sld [smem:$0x3FAF];
	_ =	sdelay $0x3  }
0x33: {  	p0 =	seq.s32 s10, $0x1;
	s10 =	sld [smem:$0x3FB1];
	_ =	sdelay $0x3  }
0x34: {  	[smem:$0x3FB1] =	sst s10  }
0x35: {  	s10 =	sld [smem:$0x3FB0];
	_ =	sdelay $0x3  }
0x36: {  	p1 =	seq.s32 s10, $0x1;
	s10 =	sld [smem:$0x3FB1];
	_ =	sdelay $0x3  }
0x37: {  	[smem:$0x3FB1] =	sst s10  }
0x38: {  	s10 =	sld [smem:$0x3FB2]  }
0x39: {  	_ = 	snop;
	(pc) =	sbr.ind lr, $3  }
0x3a: {  	_ = 	snop  }
0x3b: {  	_ = 	snop  }
0x3c: {  	p2 =	seq.s32 s10, $0x1;
	s10 =	sld [smem:$0x3FB1]  }
0x3d: {  	_ =	shalt  }
0x3e: {  	_ =	shalt  }
0x3f: {  	_ =	shalt  }
0x40: {  	_ =	shalt  }
0x41: {  	_ =	shalt  }
0x42: {  	_ =	shalt  }
0x43: {  	_ =	shalt  }
0x44: {  	_ =	shalt  }
0x45: {  	_ =	shalt  }
0x46: {  	_ =	shalt  }
0x47: {  	_ =	shalt  }
0x48: {  	_ =	shalt  }
0x49: {  	_ =	shalt  }
0x4a: {  	_ =	shalt  }
0x4b: {  	_ =	shalt  }
0x4c: {  	_ =	shalt  }
0x4d: {  	_ =	shalt  }
0x4e: {  	_ =	shalt  }
0x4f: {  	_ =	shalt  }
0x50: {  	_ =	shalt  }
0x51: {  	_ =	shalt  }
0x52: {  	_ =	shalt  }
0x53: {  	_ =	shalt  }
0x54: {  	_ =	shalt  }
0x55: {  	_ =	shalt  }
0x56: {  	_ =	shalt  }
0x57: {  	_ =	shalt  }
0x58: {  	_ =	shalt  }
0x59: {  	_ =	shalt  }
0x5a: {  	_ =	shalt  }
0x5b: {  	_ =	shalt  }
0x5c: {  	_ =	shalt  }
0x5d: {  	_ =	shalt  }
0x5e: {  	_ =	shalt  }
0x5f: {  	_ =	shalt  }
0x60: {  	_ =	shalt  }
0x61: {  	_ =	shalt  }
0x62: {  	_ =	shalt  }
0x63: {  	_ =	shalt  }
0x64: {  	_ =	shalt  }
0x65: {  	_ =	shalt  }
0x66: {  	_ =	shalt  }
0x67: {  	_ =	shalt  }
0x68: {  	_ =	shalt  }
0x69: {  	_ =	shalt  }
0x6a: {  	_ =	shalt  }
0x6b: {  	_ =	shalt  }
0x6c: {  	_ =	shalt  }
0x6d: {  	_ =	shalt  }
0x6e: {  	_ =	shalt  }
0x6f: {  	_ =	shalt  }
0x70: {  	_ =	shalt  }
0x71: {  	_ =	shalt  }
0x72: {  	_ =	shalt  }
0x73: {  	_ =	shalt  }
0x74: {  	_ =	shalt  }
0x75: {  	_ =	shalt  }
0x76: {  	_ =	shalt  }
0x77: {  	_ =	shalt  }
0x78: {  	_ =	shalt  }
0x79: {  	_ =	shalt  }
0x7a: {  	_ =	shalt  }
0x7b: {  	_ =	shalt  }
0x7c: {  	_ =	shalt  }
0x7d: {  	_ =	shalt  }
0x7e: {  	_ =	shalt  }
0x7f: {  	_ =	shalt  }
0x80: {  	_ =	shalt  }
0x81: {  	_ =	shalt  }
0x82: {  	_ =	shalt  }
0x83: {  	_ =	shalt  }
0x84: {  	_ =	shalt  }
0x85: {  	_ =	shalt  }
0x86: {  	_ =	shalt  }
0x87: {  	_ =	shalt  }
.Lfunc_end0:
.L_simem_size_0:
called_computation.2_lowered:
.L_overlay_start_0:
0x88: {  	s2 =	sld [smem:$0x3FD9]  }
0x89: {  	s3 =	sld [smem:$0x3FFE];
	_ =	sdelay $0x1  }
0x8a: {  	s1 =	srdreg.scid  }
0x8b: {  	s0 =	sand.u32 $0x1, s1  }
0x8c: {  	s17 =	sshll.u32 s0, $0xA;
	s2 =	sadd.s32 s3, s2  }
0x8d: {  	s2 =	sadd.s32 s2, s17  }
0x8e: {  	[smem:$0x3FBD] =	sst s2  }
0x8f: {  	_ = 	snop  }
0x90: {  	s18 =	sld [smem:$0x3FC8]  }
0x91: {  	s4 =	sld [smem:$0x3FC7]  }
0x92: {  	s5 =	sld [smem:$0x3FD0];
	(tm) =	ssettm $0x1  }
0x93: {  	s19 =	sld [smem:$0x3FFB];
	_ =	sdelay $0x3  }
0x94: {  	_ =	strace s19  }
0x95: {  	s2 =	sld [smem:$0x3FFC];
	_ =	sdelay $0x3  }
0x96: {  	_ =	strace s2  }
0x97: {  	s2 =	sld [smem:$0x3FFD];
	_ =	sdelay $0x3  }
0x98: {  	_ =	strace s2  }
0x99: {  	_ =	strace $0x8FFFFFFF  }
0x9a: {  	s20 =	sld [smem:$0x3FDB];
	_ =	sdelay $0x1  }
0x9b: {  	s6 =	simm.s32 $_scs_section_size  }
0x9c: {  	s7 =	simm.s32 $_size__tile_overlayer_lowered;
	s8 =	simm.s32 $_tile_overlayer_lowered  }
0x9d: {  	s9 =	simm.s32 $0x1BFF;
	s21 =	sshll.u32 s8, $0x1;
	s6 =	sadd.s32 s6, s20  }
0x9e: {  	s22 =	simm.s32 $0x0;
	s7 =	sshll.u32 s7, $0x1;
	s8 =	sadd.s32 s21, s6  }
0x9f: {  	[timem:s22], [sflag:s9] =	dma.local [hbm:s8], s7  }
0xa0: {  	_ =	swait.ge [sflag:s9], s7  }
0xa1: {  	s7 =	ssub.s32 $0x0, s7;
	[sflag:s9] =	ssyncset.done $0x0  }
0xa2: {  	[sflag:s9] =	ssyncadd.s32 s7;
	_ =	sdelay $0x1  }
0xa3: {  	s23 =	simm.s32 $0x1B8B  }
0xa4: {  	_ =	swait.ge [sflag:s23], $0x1  }
0xa5: {  	[sflag:s23] =	ssyncset.done $0x0  }
0xa6: {  	[sflag:s23] =	ssyncadd.s32 $0xFFFFFFFF  }
0xa7: {  	s7 =	sld [smem:$0x0]  }
0xa8: {  	s8 =	sand.u32 $0xFFFFFFFE, s1  }
0xa9: {  	p0 =	sne.s32 s1, s8  }
0xaa: {  	s8 =	sshll.u32 @p0 s8, $0xE  }
0xab: {  	s8 =	sadd.s32 @p0 $0x11B8D, s8;
	s9 =	sshll.u32 @p0 s7, $0x11  }
0xac: {  	s8 =	sor.u32 @p0 s9, s8  }
0xad: {  	[sflag:s8] =	ssyncadd.remote.s32 @p0 $0x1;
	_ =	sdelay $0x1  }
0xae: {  	s8 =	simm.s32 @p0 $0x1B8D  }
0xaf: {  	_ =	swait.eq @p0 [sflag:s8], $0x1  }
0xb0: {  	[sflag:s8] =	ssyncadd.s32 @p0 $0xFFFFFFFF  }
0xb1: {  	s9 =	sshll.u32 @!p0 s1, $0xE  }
0xb2: {  	s9 =	sor.u32 @!p0 $0x4000, s9;
	s8 =	simm.s32 @!p0 $0x1B8D  }
0xb3: {  	s7 =	sshll.u32 @!p0 s7, $0x11;
	s9 =	sadd.s32 @!p0 $0x11B8D, s9;
	_ =	swait.eq @!p0 [sflag:s8], $0x1  }
0xb4: {  	s7 =	sor.u32 @!p0 s7, s9;
	[sflag:s8] =	ssyncadd.s32 @!p0 $0xFFFFFFFF  }
0xb5: {  	s25 =	simm.s32 $0x1B8E;
	s24 =	sld [smem:$0x3FFE];
	[sflag:s7] =	ssyncadd.remote.s32 @!p0 $0x1  }
0xb6: {  	s26 =	simm.s32 $execute0_lowered;
	[smem:$0x3FD2] =	sst s25  }
0xb7: {  	s8 =	sshll.u32 s26, $0x1;
	_ =	strace $0x80000049;
	[dreg:$0x1] =	wrdreg $0xFFFFFFFF  }
0xb8: {  	s28 =	simm.s32 $_size_execute0_lowered;
	s6 =	sadd.s32 s6, s8;
	[dreg:$0x0] =	wrdreg $0x0  }
0xb9: {  	s8 =	sshll.u32 s28, $0x1;
	[dreg:$0x2] =	wrdreg s6  }
0xba: {  	[dreg:$0x3] =	wrdreg s8  }
0xbb: {  	[dreg:$0x4] =	wrdreg $0xC0  }
0xbc: {  	_ =	task [dreg:s22], $0x5FFFF  }
0xbd: {  	[dreg:$0x1] =	wrdreg $0xFFFFFFFF  }
0xbe: {  	[dreg:$0x0] =	wrdreg $0x60  }
0xbf: {  	[dreg:$0x2] =	wrdreg s5  }
0xc0: {  	[dreg:$0x3] =	wrdreg s24  }
0xc1: {  	[dreg:$0x4] =	wrdreg s18  }
0xc2: {  	[dreg:$0x5] =	wrdreg s4  }
0xc3: {  	[dreg:$0x6] =	wrdreg $0x0  }
0xc4: {  	[dreg:$0x7] =	wrdreg $0xB  }
0xc5: {  	_ =	task.clear_ibuf [dreg:s22], $0x8FFFF;
	_ =	strace $0x90000049  }
0xc6: {  	s29 =	simm.s32 $0xB;
	_ =	strace $0x8000004B  }
0xc7: {  	_ =	swait.ge [sflag:s29], $0x1  }
0xc8: {  	[sflag:s29] =	ssyncadd.s32 $0xFFFFFFFF  }
0xc9: {  	_ =	strace $0x9000004B  }
0xca: {  	_ =	sfence  }
0xcb: {  	s30 =	sld [smem:$0x0];
	_ =	sdelay $0x2  }
0xcc: {  	s31 =	sshll.u32 s1, $0xD;
	s1 =	sshrl.u32 s1, $0x2  }
0xcd: {  	s4 =	sand.u32 $0x4000, s31;
	s1 =	sadd.s32 s1, s30  }
0xce: {  	s0 =	sor.u32 s4, s0;
	s1 =	sshll.u32 s1, $0x11  }
0xcf: {  	s0 =	sor.u32 s1, s0  }
0xd0: {  	s0 =	sadd.s32 $0x8F2B, s0  }
0xd1: {  	[sflag:s0] =	ssyncadd.remote.s32 $0x1  }
0xd2: {  	_ =	sfence.sel $0xFFFF  }
0xd3: {  	[dreg:$0x0] =	wrdreg $0xFFFFFFFF;
	(pc) =	sbr.abs _section_cstart, $3  }
0xd4: {  	[dreg:$0x1] =	wrdreg $0xFFFFFFFF  }
0xd5: {  	_ =	task.clear_ibuf [dreg:s22], $0x2FFFF;
	_ =	strace $0x9FFFFFFF  }
0xd6: {  	(tm) =	ssettm $0x7FFFFFFF  }
0xd7: {  	_ =	shalt  }
tec
execute0_lowered:
.L_overlay_start_1:
0x0: {  	(tag) =	ssettag $0x1  }
0x1: {  	s1 =	rddreg [dreg:$0x0]  }
0x2: {  	s0 =	rddreg [dreg:$0x1]  }
0x3: {  	s2 =	rddreg [dreg:$0x2]  }
0x4: {  	s3 =	rddreg [dreg:$0x3]  }
0x5: {  	s4 =	rddreg [dreg:$0x4];
	s6 =	simm.s32 $0x0  }
0x6: {  	s5 =	srdreg.scid;
	s15 =	stileid.u32;
	s30 =	simm.s32 $0x1  }
0x7: {  	s31 =	simm.s32 $0x50;
	[smem:$0x7FF] =	sst s6;
	s8 =	smul.u32 $0x2800, s15  }
0x8: {  	s5 =	sand.u32 $0x1, s5;
	s7 =	sadd.s32 $0x676600, s0;
	s11 =	smul.u32 $0x50000, s15  }
0x9: {  	s14 =	sadd.s32 $0x79800, s0;
	s17 =	sadd.s32 $0x12C000, s4;
	s25 =	smul.u32 $0x14000, s15  }
0xa: {  	p0 =	seq.s32 s15, $0xF;
	_ =	strace $0x8000004A;
	s9 =	sshll.u32 s5, $0x4  }
0xb: {  	s10 =	ssub.s32 $0x2, s5;
	[dreg:$0x8] =	wrdreg s17;
	s5 =	smul.u32 $0x138800, s5  }
0xc: {  	s9 =	sor.u32 s15, s9;
	s12 =	sadd.s32 s8, s0;
	s13 =	sshrl.u32 s10, $0x1  }
0xd: {  	s11 =	sshrl.u32 s11, $0x2;
	s0 =	sadd.s32 $0x29C00, s0;
	s8 =	smul.u32 $0xE10, s9  }
0xe: {  	s10 =	ssub.s32 s10, s13;
	s11 =	sadd.s32 s11, s4;
	s19 =	smul.u32 $0xE100, s9  }
0xf: {  	s16 =	sadd.s32 $0x4400, s12;
	[dreg:$0x9] =	wrdreg s0;
	s21 =	smul.u32 $0x70800, s9  }
0x10: {  	s28 =	sadd.s32 s25, s5;
	s5 =	sshrl.u32 s5, $0x3;
	[dreg:$0x6] =	wrdreg s11  }
0x11: {  	s25 =	simm.s32 $0x0;
	[dreg:$0x7] =	wrdreg s16;
	s29 =	sshrl.u32 s28, $0x3  }
0x12: {  	s5 =	sadd.s32 s14, s5;
	s11 =	sadd.s32 $0x32000, s8;
	s23 =	sshrl.u32 s8, $0x3  }
0x13: {  	s24 =	sadd.s32 s7, s19;
	s0 =	sshrl.u32 s21, $0x3;
	s18 =	sshrl.u32 s11, $0x3  }
0x14: {  	s21 =	sadd.s32 $0x25800, s5;
	[dreg:$0xc] =	wrdreg s24;
	s20 =	sadd.s32 s2, s18  }
0x15: {  	s9 =	sadd.s32 $0x640A, s23;
	s22 =	sadd.s32 s3, s18;
	[dreg:$0xa] =	wrdreg s20  }
0x16: {  	s0 =	sadd.s32 s7, s0;
	s26 =	sadd.s32 s2, s9;
	[dreg:$0xb] =	wrdreg s22  }
0x17: {  	s23 =	simm.s32 $0x13880;
	s9 =	sadd.s32 s3, s9;
	[dreg:$0xd] =	wrdreg s26  }
0x18: {  	s24 =	simm.s32 $0x8;
	s0 =	sadd.s32 $0x500, s0;
	[dreg:$0xe] =	wrdreg s9  }
0x19: {  	[dreg:$0xf] =	wrdreg s0;
	s20 =	sadd.s32 s14, s29;
	s22 =	smax.u32 s10, $0x1  }
.LBB2_1:
0x1a: {  	s0 =	rddreg [dreg:$0x8]  }
0x1b: {  	s5 =	rddreg [dreg:$0x9];
	s26 =	sshrl.u32 @p0 s0, $0x3;
	s0 =	simm.s32 @p0 $0x1FCA  }
0x1c: {  	[spmem:s26], [sflag:s0] =	dma.local @p0 [hbm:s5], $0x1900  }
0x1d: {  	s0 =	simm.s32 @p0 $0xA  }
0x1e: {  	_ =	swait.ge @p0 [sflag:s0], $0x1900  }
0x1f: {  	s5 =	stileid.u32;
	[sflag:s0] =	ssyncset.done @p0 $0x0  }
0x20: {  	s5 =	sshll.u32 @!p0 s5, $0x6;
	[sflag:s0] =	ssyncadd.s32 @p0 $0xFFFFE700;
	s0 =	rddreg [dreg:$0x6]  }
0x21: {  	s28 =	sor.u32 @!p0 $0x1C0A, s5;
	s29 =	sshrl.u32 @!p0 s0, $0x3;
	s0 =	rddreg [dreg:$0x7]  }
0x22: {  	[spmem:s29], [sflag:s28] =	dma.local @!p0 [hbm:s0], $0x2800  }
0x23: {  	s0 =	simm.s32 @!p0 $0xA  }
0x24: {  	_ =	swait.ge @!p0 [sflag:s0], $0x2800  }
0x25: {  	[sflag:s0] =	ssyncset.done @!p0 $0x0  }
0x26: {  	[sflag:s0] =	ssyncadd.s32 @!p0 $0xFFFFD800  }
0x27: {  	[bflag:$0x0] =	sbarrier.arrive $0xFFFF  }
0x28: {  	s19 =	rddreg [dreg:$0xa]  }
0x29: {  	[tilespmem:s23], [sflag:$0x1] =	stream.linear.gather [hbm4b:s19+s6], $0x50, $0x38;
	[tilespmem:$0x1DB80] =	vst v63  }
0x2a: {  	s9 =	simm.s32 $0x13900;
	s5 =	rddreg [dreg:$0xb]  }
0x2b: {  	[tilespmem:s9], [sflag:$0x1] =	stream.linear.gather [hbm4b:s5+s6], $0x50, $0x38;
	[tilespmem:$0x1DB80] =	vst v63  }
0x2c: {  	s12 =	simm.s32 $0x13B80;
	s10 =	rddreg [dreg:$0xc]  }
0x2d: {  	[tilespmem:s12], [sflag:$0x4] =	stream.linear.gather [hbm4b:s10+s6], $0x2800, $0x38;
	[tilespmem:$0x1DB80] =	vst v63  }
0x2e: {  	s14 =	simm.s32 $0x13980;
	s13 =	rddreg [dreg:$0xd]  }
0x2f: {  	[tilespmem:s14], [sflag:$0x2] =	stream.linear.gather [hbm4b:s13+s6], $0x50, $0x38;
	[tilespmem:$0x1DB80] =	vst v63  }
0x30: {  	s16 =	simm.s32 $0x13A00;
	s15 =	rddreg [dreg:$0xe]  }
0x31: {  	[tilespmem:s16], [sflag:$0x2] =	stream.linear.gather [hbm4b:s15+s6], $0x50, $0x38;
	[tilespmem:$0x1DB80] =	vst v63  }
0x32: {  	s18 =	simm.s32 $0x16380;
	s17 =	rddreg [dreg:$0xf]  }
0x33: {  	[tilespmem:s18], [sflag:$0x5] =	stream.linear.gather [hbm4b:s17+s6], $0x2800, $0x38;
	[tilespmem:$0x1DB80] =	vst v63  }
0x34: {  	_ =	swait.ge [sflag:s30], $0x50  }
0x35: {  	[sflag:s30] =	ssyncset.done $0x0  }
0x36: {  	[sflag:s30] =	ssyncadd.s32 $0xFFFFFFB0  }
0x37: {  	_ =	swait.ge [sflag:s30], $0x50  }
0x38: {  	p1 =	por $0x0, $0x0;
	[sflag:s30] =	ssyncset.done $0x0  }
0x39: {  	s0 =	simm.s32 $0x0;
	s19 =	simm.s32 $0x18B80;
	[sflag:s30] =	ssyncadd.s32 $0xFFFFFFB0  }
0x3a: {  	[tilespmem:s19], [sflag:$0x6] =	stream.indirect.gather [hbm4b:s1+s31], $0x80, s23, s31, $0xb8;
	[tilespmem:$0x1DB80] =	vst v63  }
.LBB2_2:
0x3b: {  	s5 =	sadd.s32 $0x1, s0  }
0x3c: {  	p2 =	seq.s32 s0, $0x0;
	s9 =	sand.u32 $0x1, s5  }
0x3d: {  	s10 =	sor.u32 @!p2 $0x8, s9  }
0x3e: {  	s14 =	smul.u32 $0xAB, s0;
	p3 =	seq.s32 @!p2 s0, $0x2C;
	_ =	swait.ge @!p2 [sflag:s10], $0x2800  }
0x3f: {  	p3 =	por p2, !p3;
	[sflag:s10] =	ssyncset.done @!p2 $0x0  }
0x40: {  	[sflag:s10] =	ssyncadd.s32 @!p2 $0xFFFFD800;
	s10 =	sadd.s32 @p3 $0xAB, s14  }
0x41: {  	s10 =	sshrl.u32 @p3 s10, $0x9  }
0x42: {  	s10 =	sand.u32 @p3 $0x7F, s10  }
0x43: {  	s10 =	smul.u32 @p3 $0x3, s10;
	_ =	sdelay $0x1  }
0x44: {  	s10 =	ssub.s32 @p3 s5, s10  }
0x45: {  	s10 =	sand.u32 @p3 $0xFF, s10  }
0x46: {  	s12 =	sadd.s32 @p3 $0x1, s10  }
0x47: {  	_ =	swait.ge @p3 [sflag:s12], $0x50  }
0x48: {  	[sflag:s12] =	ssyncset.done @p3 $0x0  }
0x49: {  	[sflag:s12] =	ssyncadd.s32 @p3 $0xFFFFFFB0  }
0x4a: {  	s13 =	smul.u32 @p3 $0xA000, s9;
	_ =	swait.ge @p3 [sflag:s12], $0x50  }
0x4b: {  	[sflag:s12] =	ssyncset.done @p3 $0x0  }
0x4c: {  	s10 =	sshll.u32 @p3 s10, $0x8;
	[sflag:s12] =	ssyncadd.s32 @p3 $0xFFFFFFB0;
	s12 =	sshrl.u32 @p3 s13, $0x2  }
0x4d: {  	s9 =	sor.u32 @p3 $0x6, s9;
	s10 =	sadd.s32 @p3 $0x13880, s10;
	s12 =	sadd.s32 @p3 $0x18B80, s12  }
0x4e: {  	[tilespmem:s12], [sflag:s9] =	stream.indirect.gather @p3 [hbm4b:s1+s31], $0x80, s10, s31, $0xb8;
	[tilespmem:$0x1DB80] =	vst v63  }
0x4f: {  	s10 =	sand.u32 $0x1, s0  }
0x50: {  	s18 =	sor.u32 $0x6, s10  }
0x51: {  	s12 =	simm.s32 $0x1;
	_ =	swait.ge [sflag:s18], $0x2800  }
0x52: {  	s12 =	simm.s32 @!p1 $0x0;
	[sflag:s18] =	ssyncset.done $0x0  }
0x53: {  	s9 =	sor.u32 $0x4, s10;
	s12 =	smul.u32 $0xA000, s12;
	[sflag:s18] =	ssyncadd.s32 $0xFFFFD800  }
0x54: {  	_ =	swait.ge [sflag:s9], $0x2800  }
0x55: {  	s19 =	sshrl.u32 s12, $0x2;
	[sflag:s9] =	ssyncset.done $0x0  }
0x56: {  	s12 =	sadd.s32 $0x13C00, s19;
	[sflag:s9] =	ssyncadd.s32 $0xFFFFD800  }
0x57: {  	s13 =	sadd.s32 $0x18C00, s19;
	v0 =	vld [tilespmem:s12+$0xFFFFFF80]  }
0x58: {  	v1 =	vld [tilespmem:s13+$0xFFFFFF80]  }
0x59: {  	v2 =	vld [tilespmem:s13+$0xFFFFFF90];
	_ =	sdelay $0x2  }
0x5a: {  	v3 =	vshll.u32 v0, $0x10  }
0x5b: {  	v0 =	vand.u32 $0xFFFF0000, v0;
	v1 =	vmul.f32 v3, v1  }
0x5c: {  	v0 =	vmul.f32 v0, v2  }
0x5d: {  	[tilespmem:s13+$0xFFFFFF80] =	vst v1  }
0x5e: {  	[tilespmem:s13+$0xFFFFFF90] =	vst v0  }
0x5f: {  	v0 =	vld [tilespmem:s12+$0xFFFFFF90]  }
0x60: {  	v1 =	vld [tilespmem:s13+$0xFFFFFFA0]  }
0x61: {  	v2 =	vld [tilespmem:s13+$0xFFFFFFB0];
	_ =	sdelay $0x2  }
0x62: {  	v3 =	vshll.u32 v0, $0x10  }
0x63: {  	v0 =	vand.u32 $0xFFFF0000, v0;
	v1 =	vmul.f32 v3, v1  }
0x64: {  	v0 =	vmul.f32 v0, v2  }
0x65: {  	[tilespmem:s13+$0xFFFFFFA0] =	vst v1  }
0x66: {  	[tilespmem:s13+$0xFFFFFFB0] =	vst v0  }
0x67: {  	v0 =	vld [tilespmem:s12+$0xFFFFFFA0]  }
0x68: {  	v1 =	vld [tilespmem:s13+$0xFFFFFFC0]  }
0x69: {  	v2 =	vld [tilespmem:s13+$0xFFFFFFD0];
	_ =	sdelay $0x2  }
0x6a: {  	v3 =	vshll.u32 v0, $0x10  }
0x6b: {  	v0 =	vand.u32 $0xFFFF0000, v0;
	v1 =	vmul.f32 v3, v1  }
0x6c: {  	v0 =	vmul.f32 v0, v2  }
0x6d: {  	[tilespmem:s13+$0xFFFFFFC0] =	vst v1  }
0x6e: {  	[tilespmem:s13+$0xFFFFFFD0] =	vst v0  }
0x6f: {  	v0 =	vld [tilespmem:s12+$0xFFFFFFB0]  }
0x70: {  	v2 =	vld [tilespmem:s13+$0xFFFFFFE0]  }
0x71: {  	v1 =	vld [tilespmem:s13+$0xFFFFFFF0];
	_ =	sdelay $0x2  }
0x72: {  	v3 =	vshll.u32 v0, $0x10  }
0x73: {  	v0 =	vand.u32 $0xFFFF0000, v0;
	v2 =	vmul.f32 v3, v2  }
0x74: {  	v0 =	vmul.f32 v0, v1  }
0x75: {  	[tilespmem:s13+$0xFFFFFFE0] =	vst v2  }
0x76: {  	[tilespmem:s13+$0xFFFFFFF0] =	vst v0  }
0x77: {  	v0 =	vld [tilespmem:s12+$0x0]  }
0x78: {  	v1 =	vld [tilespmem:s13+$0x0]  }
0x79: {  	v2 =	vld [tilespmem:s13+$0x10];
	_ =	sdelay $0x2  }
0x7a: {  	v3 =	vshll.u32 v0, $0x10  }
0x7b: {  	v0 =	vand.u32 $0xFFFF0000, v0;
	v1 =	vmul.f32 v3, v1  }
0x7c: {  	v0 =	vmul.f32 v0, v2  }
0x7d: {  	[tilespmem:s13+$0x0] =	vst v1  }
0x7e: {  	[tilespmem:s13+$0x10] =	vst v0  }
0x7f: {  	v0 =	vld [tilespmem:s12+$0x10]  }
0x80: {  	v1 =	vld [tilespmem:s13+$0x20]  }
0x81: {  	v2 =	vld [tilespmem:s13+$0x30];
	_ =	sdelay $0x2  }
0x82: {  	v3 =	vshll.u32 v0, $0x10  }
0x83: {  	v0 =	vand.u32 $0xFFFF0000, v0;
	v1 =	vmul.f32 v3, v1  }
0x84: {  	v2 =	vmul.f32 v0, v2  }
0x85: {  	[tilespmem:s13+$0x20] =	vst v1  }
0x86: {  	[tilespmem:s13+$0x30] =	vst v2  }
0x87: {  	v1 =	vld [tilespmem:s12+$0x20]  }
0x88: {  	v2 =	vld [tilespmem:s13+$0x40]  }
0x89: {  	v3 =	vld [tilespmem:s13+$0x50]  }
0x8a: {  	s15 =	sshrl.u32 s14, $0x9;
	s14 =	sadd.s32 $0x156, s14  }
0x8b: {  	s15 =	sand.u32 $0x7F, s15;
	s14 =	sshrl.u32 s14, $0x9  }
0x8c: {  	s15 =	smul.u32 $0x3, s15;
	s14 =	sand.u32 $0x7F, s14;
	v4 =	vshll.u32 v1, $0x10  }
0x8d: {  	s14 =	smul.u32 $0x3, s14;
	v5 =	vand.u32 $0xFFFF0000, v1;
	v2 =	vmul.f32 v4, v2  }
0x8e: {  	s16 =	ssub.s32 s0, s15;
	s15 =	sadd.s32 $0x2, s0;
	v3 =	vmul.f32 v5, v3  }
0x8f: {  	s14 =	ssub.s32 s15, s14;
	v0 =	vld [tilespmem:s13+$0x60];
	[tilespmem:s13+$0x40] =	vst v2  }
0x90: {  	s17 =	sand.u32 $0xFF, s16;
	s16 =	sand.u32 $0xFF, s14;
	v1 =	vld [tilespmem:s13+$0x70];
	[tilespmem:s13+$0x50] =	vst v3  }
0x91: {  	s14 =	smul.u32 $0x2800, s10;
	s19 =	simm.s32 $0x0;
	s18 =	smov.u32 s13;
	v2 =	vld [tilespmem:s12+$0x30]  }
.LBB2_3:
0x92: {  	s19 =	sadd.s32 $0x2, s19;
	s13 =	sadd.s32 $0x100, s13;
	s12 =	sadd.s32 $0x100, s12  }
0x93: {  	p2 =	slt.u32 s19, $0x4E;
	_ =	sdelay $0x2  }
0x94: {  	v3 =	vshll.u32 v2, $0x10;
	v2 =	vand.u32 $0xFFFF0000, v2  }
0x95: {  	v0 =	vmul.f32 v3, v0;
	v1 =	vmul.f32 v2, v1;
	_ =	sdelay $0x1  }
0x96: {  	[tilespmem:s18+$0x60] =	vst v0  }
0x97: {  	v2 =	vld [tilespmem:s13+$0xFFFFFF90];
	[tilespmem:s18+$0x70] =	vst v1;
	s18 =	smov.u32 s13  }
0x98: {  	v3 =	vld [tilespmem:s12+$0xFFFFFF80]  }
0x99: {  	v4 =	vld [tilespmem:s13+$0xFFFFFF80]  }
0x9a: {  	v1 =	vld [tilespmem:s13+$0x70]  }
0x9b: {  	v0 =	vld [tilespmem:s13+$0x60];
	_ =	sdelay $0x1  }
0x9c: {  	v5 =	vshll.u32 v3, $0x10;
	v3 =	vand.u32 $0xFFFF0000, v3  }
0x9d: {  	v4 =	vmul.f32 v5, v4;
	v2 =	vmul.f32 v3, v2;
	_ =	sdelay $0x1  }
0x9e: {  	[tilespmem:s13+$0xFFFFFF80] =	vst v4  }
0x9f: {  	[tilespmem:s13+$0xFFFFFF90] =	vst v2;
	v2 =	vld [tilespmem:s13+$0xFFFFFFB0]  }
0xa0: {  	v3 =	vld [tilespmem:s12+$0xFFFFFF90]  }
0xa1: {  	v4 =	vld [tilespmem:s13+$0xFFFFFFA0];
	_ =	sdelay $0x3  }
0xa2: {  	v5 =	vshll.u32 v3, $0x10;
	v3 =	vand.u32 $0xFFFF0000, v3  }
0xa3: {  	v4 =	vmul.f32 v5, v4;
	v2 =	vmul.f32 v3, v2;
	_ =	sdelay $0x1  }
0xa4: {  	[tilespmem:s13+$0xFFFFFFA0] =	vst v4  }
0xa5: {  	[tilespmem:s13+$0xFFFFFFB0] =	vst v2;
	v2 =	vld [tilespmem:s13+$0xFFFFFFD0]  }
0xa6: {  	v3 =	vld [tilespmem:s12+$0xFFFFFFA0]  }
0xa7: {  	v4 =	vld [tilespmem:s13+$0xFFFFFFC0];
	_ =	sdelay $0x3  }
0xa8: {  	v5 =	vshll.u32 v3, $0x10;
	v3 =	vand.u32 $0xFFFF0000, v3  }
0xa9: {  	v4 =	vmul.f32 v5, v4;
	v2 =	vmul.f32 v3, v2;
	_ =	sdelay $0x1  }
0xaa: {  	[tilespmem:s13+$0xFFFFFFC0] =	vst v4;
	v3 =	vld [tilespmem:s13+$0xFFFFFFF0]  }
0xab: {  	[tilespmem:s13+$0xFFFFFFD0] =	vst v2  }
0xac: {  	v2 =	vld [tilespmem:s12+$0xFFFFFFB0]  }
0xad: {  	v4 =	vld [tilespmem:s13+$0xFFFFFFE0];
	_ =	sdelay $0x3  }
0xae: {  	v5 =	vshll.u32 v2, $0x10;
	v2 =	vand.u32 $0xFFFF0000, v2  }
0xaf: {  	v4 =	vmul.f32 v5, v4;
	v2 =	vmul.f32 v2, v3;
	_ =	sdelay $0x1  }
0xb0: {  	[tilespmem:s13+$0xFFFFFFE0] =	vst v4  }
0xb1: {  	[tilespmem:s13+$0xFFFFFFF0] =	vst v2;
	v2 =	vld [tilespmem:s13+$0x10]  }
0xb2: {  	v3 =	vld [tilespmem:s12+$0x0]  }
0xb3: {  	v4 =	vld [tilespmem:s13+$0x0];
	_ =	sdelay $0x3  }
0xb4: {  	v5 =	vshll.u32 v3, $0x10;
	v3 =	vand.u32 $0xFFFF0000, v3  }
0xb5: {  	v4 =	vmul.f32 v5, v4;
	v2 =	vmul.f32 v3, v2;
	_ =	sdelay $0x1  }
0xb6: {  	[tilespmem:s13+$0x0] =	vst v4  }
0xb7: {  	[tilespmem:s13+$0x10] =	vst v2;
	v2 =	vld [tilespmem:s13+$0x30]  }
0xb8: {  	v3 =	vld [tilespmem:s12+$0x10]  }
0xb9: {  	v4 =	vld [tilespmem:s13+$0x20];
	_ =	sdelay $0x3  }
0xba: {  	v5 =	vshll.u32 v3, $0x10;
	v3 =	vand.u32 $0xFFFF0000, v3  }
0xbb: {  	v4 =	vmul.f32 v5, v4;
	v2 =	vmul.f32 v3, v2;
	_ =	sdelay $0x1  }
0xbc: {  	[tilespmem:s13+$0x20] =	vst v4  }
0xbd: {  	[tilespmem:s13+$0x30] =	vst v2;
	v2 =	vld [tilespmem:s13+$0x50]  }
0xbe: {  	v3 =	vld [tilespmem:s12+$0x20]  }
0xbf: {  	v4 =	vld [tilespmem:s13+$0x40];
	_ =	sdelay $0x3  }
0xc0: {  	v5 =	vshll.u32 v3, $0x10;
	v3 =	vand.u32 $0xFFFF0000, v3  }
.Ltmp0:
0xc1: {  	v4 =	vmul.f32 v5, v4;
	v2 =	vmul.f32 v3, v2;
	(pc) =	sbr.rel @p2 .LBB2_3-.Ltmp0, $4  }
0xc2: {  	_ = 	snop  }
0xc3: {  	[tilespmem:s13+$0x40] =	vst v4  }
0xc4: {  	[tilespmem:s13+$0x50] =	vst v2  }
0xc5: {  	v2 =	vld [tilespmem:s12+$0x30]  }
0xc6: {  	_ =	sdelay $0x3  }
0xc7: {  	v3 =	vshll.u32 v2, $0x10  }
0xc8: {  	s13 =	sshll.u32 s17, $0x8;
	p2 =	sgt.u32 s0, $0x2A;
	v63 =	vand.u32 $0xFFFF0000, v2;
	v0 =	vmul.f32 v3, v0  }
0xc9: {  	s19 =	sadd.s32 $0x13900, s13;
	s13 =	smul.u32 @!p2 $0x50, s15;
	v1 =	vmul.f32 v63, v1  }
0xca: {  	[tilespmem:s18+$0x60] =	vst v0  }
0xcb: {  	s12 =	sadd.s32 $0x18B80, s14;
	s10 =	sor.u32 $0x8, s10;
	s0 =	sadd.s32 @!p2 s11, s13;
	[tilespmem:s18+$0x70] =	vst v1  }
0xcc: {  	[spmem:s4] =	stream.indirect.scatter.add.f32 [tilespmem:s12], [sflag:s10], $0x80, s19, s31, $0xb8;
	[tilespmem:$0x1DB80] =	vst v63  }
0xcd: {  	s17 =	simm.s32 @!p2 $0x0;
	s0 =	sshrl.u32 @!p2 s0, $0x3;
	s12 =	sshll.u32 @!p2 s16, $0x8  }
0xce: {  	s10 =	sadd.s32 @!p2 $0x1, s16;
	s16 =	sadd.s32 @!p2 s2, s0;
	s15 =	sadd.s32 @!p2 $0x13880, s12  }
0xcf: {  	[tilespmem:s15], [sflag:s10] =	stream.linear.gather @!p2 [hbm4b:s16+s17], $0x50, $0x38;
	[tilespmem:$0x1DB80] =	vst v63  }
0xd0: {  	s0 =	sadd.s32 @!p2 s3, s0;
	s12 =	sadd.s32 @!p2 $0x13900, s12  }
0xd1: {  	[tilespmem:s12], [sflag:s10] =	stream.linear.gather @!p2 [hbm4b:s0+s17], $0x50, $0x38;
	[tilespmem:$0x1DB80] =	vst v63  }
0xd2: {  	s0 =	sadd.s32 @!p2 s8, s13  }
0xd3: {  	s0 =	sshll.u32 @!p2 s0, $0x4  }
0xd4: {  	s10 =	sadd.s32 @!p2 $0x13B80, s14;
	s0 =	sadd.s32 @!p2 s7, s0  }
0xd5: {  	[tilespmem:s10], [sflag:s9] =	stream.linear.gather @!p2 [hbm4b:s0+s17], $0x2800, $0x38;
	[tilespmem:$0x1DB80] =	vst v63  }
0xd6: {  	p2 =	sne.s32 s5, $0x2D  }
.Ltmp1:
0xd7: {  	_ = 	snop;
	(pc) =	sbr.rel @p2 .LBB2_2-.Ltmp1, $2  }
0xd8: {  	_ =	sdelay $0x2  }
0xd9: {  	p1 =	por !p1, !p1;
	s0 =	smov.u32 s5  }
0xda: {  	_ =	swait.ge [sflag:s24], $0x2800  }
0xdb: {  	[sflag:s24] =	ssyncset.done $0x0  }
0xdc: {  	[sflag:s24] =	ssyncadd.s32 $0xFFFFD800  }
0xdd: {  	s0 =	simm.s32 @p0 $0x1FCA;
	[bflag:$0x0] =	sbarrier.arrive $0xFFFF  }
0xde: {  	[hbm:s21], [sflag:s0] =	dma.local @p0 [spmem:s26], $0x1900  }
0xdf: {  	s0 =	simm.s32 @p0 $0xA  }
0xe0: {  	s25 =	sadd.s32 $0x1, s25;
	_ =	swait.ge @p0 [sflag:s0], $0x1900  }
0xe1: {  	p1 =	sne.s32 s25, s22;
	[sflag:s0] =	ssyncset.done @p0 $0x0  }
.Ltmp2:
0xe2: {  	[sflag:s0] =	ssyncadd.s32 @p0 $0xFFFFE700;
	s0 =	simm.s32 @!p0 $0xA;
	(pc) =	sbr.rel @p1 .LBB2_1-.Ltmp2, $4  }
0xe3: {  	[hbm:s20], [sflag:s28] =	dma.local @!p0 [spmem:s29], $0x2800  }
0xe4: {  	_ =	swait.ge @!p0 [sflag:s0], $0x2800  }
0xe5: {  	[sflag:s0] =	ssyncset.done @!p0 $0x0  }
0xe6: {  	[sflag:s0] =	ssyncadd.s32 @!p0 $0xFFFFD800  }
0xe7: {  	_ =	sfence.sel $0x180000  }
0xe8: {  	[bflag:$0x0] =	sbarrier.arrive $0xFFFF  }
0xe9: {  	_ =	strace $0x9000004A  }
0xea: {  	s0 =	stileid.u32;
	[bflag:$0x2] =	sbarrier.arrive $0xFFFF  }
0xeb: {  	p0 =	sne.s32 s0, $0x0;
	s0 =	rddreg [dreg:$0x5]  }
0xec: {  	s0 =	sadd.s32 @!p0 $0x100000, s0  }
0xed: {  	[sflag:s0] =	ssyncadd.tile.s32 @!p0 $0x1;
	_ =	shalt  }
.Lfunc_end2:
_tile_overlayer_lowered:
.L_overlay_start_2:
0xee: {  	(tag) =	ssettag $0x2  }
0xef: {  	s0 =	rddreg [dreg:$0x0];
	s2 =	stileid.u32  }
0xf0: {  	s1 =	rddreg [dreg:$0x1];
	p0 =	sne.s32 s2, $0x0  }
0xf1: {  	s3 =	rddreg [dreg:$0x2];
	[bflag:$0x3] =	sbarrier.arrive $0xFFFF;
	s2 =	simm.s32 @!p0 $0x1C0A  }
0xf2: {  	[timem:s3], [sflag:s2] =	dma.local @!p0 [hbm:s0], s1  }
0xf3: {  	s0 =	simm.s32 @!p0 $0xA  }
0xf4: {  	_ =	swait.ge @!p0 [sflag:s0], s1  }
0xf5: {  	s1 =	ssub.s32 @!p0 $0x0, s1;
	[sflag:s0] =	ssyncset.done @!p0 $0x0  }
0xf6: {  	[sflag:s0] =	ssyncadd.s32 @!p0 s1  }
0xf7: {  	[bflag:$0x3] =	sbarrier.arrive $0xFFFF  }
0xf8: {  	_ =	shalt  }

</sc_bundles>
